<compile_context>
chip_gen: v7x
topology: tpu7x:2x2x1
jax: 0.10.2.dev20260603
libtpu: 0.0.44.dev20260713+nightly
codegen_flags: <defaults>
</compile_context>

<pallas_src>
import functools

import jax
import jax.numpy as jnp
from jax import lax
from jax.experimental import pallas as pl
from jax.experimental.pallas import tpu as pltpu
from jax.experimental.pallas import tpu_sc as plsc

_BATCH = 16384
_HIST = 50
_EMBED = 32
_NC = 2
_NS = 16
_NW = _NC * _NS
_RPW = _BATCH // _NW
_XB = 256
_NBLK = _RPW // _XB
_NB = 8
_K = 6


def _gather_body(x_hbm, w_hbm, out_hbm, idx_v, rows_v, *sems):
    gsem = sems[:_NB]
    ssem = sems[_NB:]
    wid = lax.axis_index("s") * _NC + lax.axis_index("c")
    row0 = wid * _RPW

    for blk in range(_NBLK):
        base = row0 + blk * _XB

        def gather(g, b):
            pltpu.async_copy(w_hbm.at[idx_v.at[g]], rows_v.at[b], gsem[b])

        def wait_gather(b):
            pltpu.make_async_copy(w_hbm.at[idx_v.at[0]], rows_v.at[b],
                                  gsem[b]).wait()

        def store(g, b):
            pltpu.async_copy(rows_v.at[b], out_hbm.at[base + g], ssem[b])

        def wait_store(b):
            pltpu.make_async_copy(rows_v.at[b], out_hbm.at[0],
                                  ssem[b]).wait()

        def body(g, b, bk, with_ssem_wait):
            if with_ssem_wait:
                wait_store(bk)
            gather(g + _K, bk)
            wait_gather(b)
            store(g, b)

        pltpu.sync_copy(x_hbm.at[pl.ds(base, _XB)], idx_v)
        for g in range(_K):
            gather(g, g)
        for g in range(_NB - _K):
            body(g, g % _NB, (g + _K) % _NB, False)
        for g in range(_NB - _K, _NB):
            body(g, g % _NB, (g + _K) % _NB, True)

        def outer(i, carry):
            for b in range(_NB):
                g = i * _NB + b
                body(g, b, (b + _K) % _NB, True)
            return carry

        lax.fori_loop(1, (_XB - _K) // _NB, outer, 0)

        for g in range(_XB - _NB, _XB - _K):
            body(g, g % _NB, (g + _K) % _NB, True)
        for g in range(_XB - _K, _XB):
            wait_gather(g % _NB)
            store(g, g % _NB)
        for g in range(_XB - _NB, _XB):
            wait_store(g % _NB)


@jax.jit
def _embed(x, w_wide):
    k = functools.partial(
        pl.kernel,
        mesh=plsc.VectorSubcoreMesh(core_axis_name="c", subcore_axis_name="s"),
        out_type=jax.ShapeDtypeStruct((_BATCH, _HIST, 128), jnp.float32),
        scratch_types=[
            pltpu.VMEM((_XB, _HIST), jnp.int32),
            pltpu.VMEM((_NB, _HIST, 128), jnp.float32),
        ] + [pltpu.SemaphoreType.DMA] * (2 * _NB),
    )(_gather_body)
    return k(x, w_wide)


def kernel(x, W):
    w_wide = jnp.pad(W, ((0, 0), (0, 128 - _EMBED)))
    return _embed(x, w_wide)[:, :, :_EMBED]

# --- scband reference (transcript-rebuilt; emitter-appended) ---
"""Pipeline reference for scband-embedding-1460288880752 (READ-ONLY COPY).

The authoritative reference and input builder live on the scoring server;
editing this copy changes nothing except your own understanding.
"""

import jax, jax.numpy as jnp
import numpy as np

VOCAB = 1000000
EMBED_DIM = 32
BATCH = 16384
HIST = 50

def setup_inputs(seed: int = 0) -> dict:
    key = jax.random.key(seed)
    k_idx, k_w = jax.random.split(key)
    x = jax.random.randint(k_idx, (BATCH, HIST), 0, VOCAB, dtype=jnp.int32)
    W = jax.random.normal(k_w, (VOCAB, EMBED_DIM), dtype=jnp.float32) * 0.05
    return {"x": x, "W": W}

def reference(x, W):
    # tf.nn.embedding_lookup(W, x) -> gather rows of W by x
    return jnp.take(W, x, axis=0)

if __name__ == "__main__":
    import jax
    _d = setup_inputs()
    print(jax.jit(kernel)(*tuple(_d.values())))

</pallas_src>

<mosaic_0001>
#map = affine_map<(d0, d1) -> (0, 0)>
#map1 = affine_map<(d0, d1) -> (0, 0, 0)>
module attributes {stable_mosaic.version = 14 : i64} {
  func.func @_gather_body(%arg0: i32, %arg1: i32, %arg2: memref<16384x50xi32, #tpu.memory_space<hbm>>, %arg3: memref<1000000x128xf32, #tpu.memory_space<hbm>>, %arg4: memref<16384x50x128xf32, #tpu.memory_space<hbm>>, %arg5: memref<256x50xi32, #tpu.memory_space<vmem>>, %arg6: memref<8x50x128xf32, #tpu.memory_space<vmem>>, %arg7: memref<!tpu.dma_semaphore, #tpu.memory_space<semaphore_mem>>, %arg8: memref<!tpu.dma_semaphore, #tpu.memory_space<semaphore_mem>>, %arg9: memref<!tpu.dma_semaphore, #tpu.memory_space<semaphore_mem>>, %arg10: memref<!tpu.dma_semaphore, #tpu.memory_space<semaphore_mem>>, %arg11: memref<!tpu.dma_semaphore, #tpu.memory_space<semaphore_mem>>, %arg12: memref<!tpu.dma_semaphore, #tpu.memory_space<semaphore_mem>>, %arg13: memref<!tpu.dma_semaphore, #tpu.memory_space<semaphore_mem>>, %arg14: memref<!tpu.dma_semaphore, #tpu.memory_space<semaphore_mem>>, %arg15: memref<!tpu.dma_semaphore, #tpu.memory_space<semaphore_mem>>, %arg16: memref<!tpu.dma_semaphore, #tpu.memory_space<semaphore_mem>>, %arg17: memref<!tpu.dma_semaphore, #tpu.memory_space<semaphore_mem>>, %arg18: memref<!tpu.dma_semaphore, #tpu.memory_space<semaphore_mem>>, %arg19: memref<!tpu.dma_semaphore, #tpu.memory_space<semaphore_mem>>, %arg20: memref<!tpu.dma_semaphore, #tpu.memory_space<semaphore_mem>>, %arg21: memref<!tpu.dma_semaphore, #tpu.memory_space<semaphore_mem>>, %arg22: memref<!tpu.dma_semaphore, #tpu.memory_space<semaphore_mem>>) attributes {dimension_semantics = [#tpu.dimension_semantics<core_parallel>, #tpu.dimension_semantics<subcore_parallel>], iteration_bounds = array<i64: 2, 16>, scalar_prefetch = 0 : i64, scratch_operands = 18 : i64, tpu.core_type = #tpu.core_type<sc_vector_subcore>, window_params = [{transform_indices = #map}, {transform_indices = #map}, {transform_indices = #map1}]} {
    %mul3A = arith.constant 2 : i32
    %mul3A_0 = arith.muli %arg1, %mul3A : i32
    %add3A = arith.addi %mul3A_0, %arg0 : i32
    %mul3A_1 = arith.constant 512 : i32
    %mul3A_2 = arith.muli %add3A, %mul3A_1 : i32
    %add3A_3 = arith.constant 0 : i32
    %add3A_4 = arith.addi %mul3A_2, %add3A_3 : i32
    "tpu.region"() ({
      %run_scoped3A = tpu.sem_alloc : memref<!tpu.dma_semaphore, #tpu.memory_space<semaphore_mem>>
      %dma_start3A_1968 = arith.constant 0 : i32
      %dma_start3A_1969 = tpu.memref_slice %arg2[%add3A_4, %dma_start3A_1968] : memref<16384x50xi32, #tpu.memory_space<hbm>> -> memref<256x50xi32, #tpu.memory_space<hbm>>
      %dma_start3A_1970 = arith.constant 0 : i32
      %dma_start3A_1971 = tpu.memref_slice %arg2[%add3A_4, %dma_start3A_1970] : memref<16384x50xi32, #tpu.memory_space<hbm>> -> memref<256x50xi32, #tpu.memory_space<hbm>>
      tpu.enqueue_dma source(%dma_start3A_1971 : memref<256x50xi32, #tpu.memory_space<hbm>>) target(%arg5 : memref<256x50xi32, #tpu.memory_space<vmem>>) target_semaphore(%run_scoped3A : memref<!tpu.dma_semaphore, #tpu.memory_space<semaphore_mem>>)
      %dma_wait3A_1972 = arith.constant 0 : i32
      %dma_wait3A_1973 = tpu.memref_slice %arg2[%add3A_4, %dma_wait3A_1972] : memref<16384x50xi32, #tpu.memory_space<hbm>> -> memref<256x50xi32, #tpu.memory_space<hbm>>
      %dma_wait3A_1974 = arith.constant 0 : i32
      %dma_wait3A_1975 = tpu.memref_slice %arg2[%add3A_4, %dma_wait3A_1974] : memref<16384x50xi32, #tpu.memory_space<hbm>> -> memref<256x50xi32, #tpu.memory_space<hbm>>
      tpu.wait_dma2 semaphore(%run_scoped3A : memref<!tpu.dma_semaphore, #tpu.memory_space<semaphore_mem>>) src(%dma_wait3A_1975 : memref<256x50xi32, #tpu.memory_space<hbm>>) dst(%arg5 : memref<256x50xi32, #tpu.memory_space<vmem>>)
      tpu.yield
    }) : () -> ()
    %dma_start3A = arith.constant 0 : i32
    %dma_start3A_5 = arith.constant 0 : i32
    %dma_start3A_6 = arith.constant 0 : i32
    %dma_start3A_7 = arith.constant 0 : i32
    %dma_start3A_8 = tpu.memref_slice %arg6[%dma_start3A_5, %dma_start3A_6, %dma_start3A_7] : memref<8x50x128xf32, #tpu.memory_space<vmem>> -> memref<1x50x128xf32, #tpu.memory_space<vmem>>
    %dma_start3A_9 = tpu.memref_squeeze %dma_start3A_8 : memref<1x50x128xf32, #tpu.memory_space<vmem>> -> memref<50x128xf32, #tpu.memory_space<vmem>>
    %dma_start3A_10 = arith.constant 0 : i32
    %dma_start3A_11 = tpu.memref_slice %arg5[%dma_start3A, %dma_start3A_10] : memref<256x50xi32, #tpu.memory_space<vmem>> -> memref<1x50xi32, #tpu.memory_space<vmem>>
    %dma_start3A_12 = tpu.memref_squeeze %dma_start3A_11 : memref<1x50xi32, #tpu.memory_space<vmem>> -> memref<50xi32, #tpu.memory_space<vmem>>
    %dma_start3A_13 = arith.constant 0 : i32
    %dma_start3A_14 = arith.constant 0 : i32
    %dma_start3A_15 = tpu.memref_slice %arg3[%dma_start3A_13, %dma_start3A_14] : memref<1000000x128xf32, #tpu.memory_space<hbm>> -> memref<1000000x128xf32, #tpu.memory_space<hbm>>
    tpu.enqueue_indirect_dma source(%dma_start3A_15 : memref<1000000x128xf32, #tpu.memory_space<hbm>>) target(%dma_start3A_9 : memref<50x128xf32, #tpu.memory_space<vmem>>) offsets(%dma_start3A_12 : memref<50xi32, #tpu.memory_space<vmem>>) semaphore(%arg7 : memref<!tpu.dma_semaphore, #tpu.memory_space<semaphore_mem>>)
    %dma_start3A_16 = arith.constant 1 : i32
    %dma_start3A_17 = arith.constant 1 : i32
    %dma_start3A_18 = arith.constant 0 : i32
    %dma_start3A_19 = arith.constant 0 : i32
    %dma_start3A_20 = tpu.memref_slice %arg6[%dma_start3A_17, %dma_start3A_18, %dma_start3A_19] : memref<8x50x128xf32, #tpu.memory_space<vmem>> -> memref<1x50x128xf32, #tpu.memory_space<vmem>>
    %dma_start3A_21 = tpu.memref_squeeze %dma_start3A_20 : memref<1x50x128xf32, #tpu.memory_space<vmem>> -> memref<50x128xf32, #tpu.memory_space<vmem>>
    %dma_start3A_22 = arith.constant 0 : i32
    %dma_start3A_23 = tpu.memref_slice %arg5[%dma_start3A_16, %dma_start3A_22] : memref<256x50xi32, #tpu.memory_space<vmem>> -> memref<1x50xi32, #tpu.memory_space<vmem>>
    %dma_start3A_24 = tpu.memref_squeeze %dma_start3A_23 : memref<1x50xi32, #tpu.memory_space<vmem>> -> memref<50xi32, #tpu.memory_space<vmem>>
    %dma_start3A_25 = arith.constant 0 : i32
    %dma_start3A_26 = arith.constant 0 : i32
    %dma_start3A_27 = tpu.memref_slice %arg3[%dma_start3A_25, %dma_start3A_26] : memref<1000000x128xf32, #tpu.memory_space<hbm>> -> memref<1000000x128xf32, #tpu.memory_space<hbm>>
    tpu.enqueue_indirect_dma source(%dma_start3A_27 : memref<1000000x128xf32, #tpu.memory_space<hbm>>) target(%dma_start3A_21 : memref<50x128xf32, #tpu.memory_space<vmem>>) offsets(%dma_start3A_24 : memref<50xi32, #tpu.memory_space<vmem>>) semaphore(%arg8 : memref<!tpu.dma_semaphore, #tpu.memory_space<semaphore_mem>>)
    %dma_start3A_28 = arith.constant 2 : i32
    %dma_start3A_29 = arith.constant 2 : i32
    %dma_start3A_30 = arith.constant 0 : i32
    %dma_start3A_31 = arith.constant 0 : i32
    %dma_start3A_32 = tpu.memref_slice %arg6[%dma_start3A_29, %dma_start3A_30, %dma_start3A_31] : memref<8x50x128xf32, #tpu.memory_space<vmem>> -> memref<1x50x128xf32, #tpu.memory_space<vmem>>
    %dma_start3A_33 = tpu.memref_squeeze %dma_start3A_32 : memref<1x50x128xf32, #tpu.memory_space<vmem>> -> memref<50x128xf32, #tpu.memory_space<vmem>>
    %dma_start3A_34 = arith.constant 0 : i32
    %dma_start3A_35 = tpu.memref_slice %arg5[%dma_start3A_28, %dma_start3A_34] : memref<256x50xi32, #tpu.memory_space<vmem>> -> memref<1x50xi32, #tpu.memory_space<vmem>>
    %dma_start3A_36 = tpu.memref_squeeze %dma_start3A_35 : memref<1x50xi32, #tpu.memory_space<vmem>> -> memref<50xi32, #tpu.memory_space<vmem>>
    %dma_start3A_37 = arith.constant 0 : i32
    %dma_start3A_38 = arith.constant 0 : i32
    %dma_start3A_39 = tpu.memref_slice %arg3[%dma_start3A_37, %dma_start3A_38] : memref<1000000x128xf32, #tpu.memory_space<hbm>> -> memref<1000000x128xf32, #tpu.memory_space<hbm>>
    tpu.enqueue_indirect_dma source(%dma_start3A_39 : memref<1000000x128xf32, #tpu.memory_space<hbm>>) target(%dma_start3A_33 : memref<50x128xf32, #tpu.memory_space<vmem>>) offsets(%dma_start3A_36 : memref<50xi32, #tpu.memory_space<vmem>>) semaphore(%arg9 : memref<!tpu.dma_semaphore, #tpu.memory_space<semaphore_mem>>)
    %dma_start3A_40 = arith.constant 3 : i32
    %dma_start3A_41 = arith.constant 3 : i32
    %dma_start3A_42 = arith.constant 0 : i32
    %dma_start3A_43 = arith.constant 0 : i32
    %dma_start3A_44 = tpu.memref_slice %arg6[%dma_start3A_41, %dma_start3A_42, %dma_start3A_43] : memref<8x50x128xf32, #tpu.memory_space<vmem>> -> memref<1x50x128xf32, #tpu.memory_space<vmem>>
    %dma_start3A_45 = tpu.memref_squeeze %dma_start3A_44 : memref<1x50x128xf32, #tpu.memory_space<vmem>> -> memref<50x128xf32, #tpu.memory_space<vmem>>
    %dma_start3A_46 = arith.constant 0 : i32
    %dma_start3A_47 = tpu.memref_slice %arg5[%dma_start3A_40, %dma_start3A_46] : memref<256x50xi32, #tpu.memory_space<vmem>> -> memref<1x50xi32, #tpu.memory_space<vmem>>
    %dma_start3A_48 = tpu.memref_squeeze %dma_start3A_47 : memref<1x50xi32, #tpu.memory_space<vmem>> -> memref<50xi32, #tpu.memory_space<vmem>>
    %dma_start3A_49 = arith.constant 0 : i32
    %dma_start3A_50 = arith.constant 0 : i32
    %dma_start3A_51 = tpu.memref_slice %arg3[%dma_start3A_49, %dma_start3A_50] : memref<1000000x128xf32, #tpu.memory_space<hbm>> -> memref<1000000x128xf32, #tpu.memory_space<hbm>>
    tpu.enqueue_indirect_dma source(%dma_start3A_51 : memref<1000000x128xf32, #tpu.memory_space<hbm>>) target(%dma_start3A_45 : memref<50x128xf32, #tpu.memory_space<vmem>>) offsets(%dma_start3A_48 : memref<50xi32, #tpu.memory_space<vmem>>) semaphore(%arg10 : memref<!tpu.dma_semaphore, #tpu.memory_space<semaphore_mem>>)
    %dma_start3A_52 = arith.constant 4 : i32
    %dma_start3A_53 = arith.constant 4 : i32
    %dma_start3A_54 = arith.constant 0 : i32
    %dma_start3A_55 = arith.constant 0 : i32
    %dma_start3A_56 = tpu.memref_slice %arg6[%dma_start3A_53, %dma_start3A_54, %dma_start3A_55] : memref<8x50x128xf32, #tpu.memory_space<vmem>> -> memref<1x50x128xf32, #tpu.memory_space<vmem>>
    %dma_start3A_57 = tpu.memref_squeeze %dma_start3A_56 : memref<1x50x128xf32, #tpu.memory_space<vmem>> -> memref<50x128xf32, #tpu.memory_space<vmem>>
    %dma_start3A_58 = arith.constant 0 : i32
    %dma_start3A_59 = tpu.memref_slice %arg5[%dma_start3A_52, %dma_start3A_58] : memref<256x50xi32, #tpu.memory_space<vmem>> -> memref<1x50xi32, #tpu.memory_space<vmem>>
    %dma_start3A_60 = tpu.memref_squeeze %dma_start3A_59 : memref<1x50xi32, #tpu.memory_space<vmem>> -> memref<50xi32, #tpu.memory_space<vmem>>
    %dma_start3A_61 = arith.constant 0 : i32
    %dma_start3A_62 = arith.constant 0 : i32
    %dma_start3A_63 = tpu.memref_slice %arg3[%dma_start3A_61, %dma_start3A_62] : memref<1000000x128xf32, #tpu.memory_space<hbm>> -> memref<1000000x128xf32, #tpu.memory_space<hbm>>
    tpu.enqueue_indirect_dma source(%dma_start3A_63 : memref<1000000x128xf32, #tpu.memory_space<hbm>>) target(%dma_start3A_57 : memref<50x128xf32, #tpu.memory_space<vmem>>) offsets(%dma_start3A_60 : memref<50xi32, #tpu.memory_space<vmem>>) semaphore(%arg11 : memref<!tpu.dma_semaphore, #tpu.memory_space<semaphore_mem>>)
    %dma_start3A_64 = arith.constant 5 : i32
    %dma_start3A_65 = arith.constant 5 : i32
    %dma_start3A_66 = arith.constant 0 : i32
    %dma_start3A_67 = arith.constant 0 : i32
    %dma_start3A_68 = tpu.memref_slice %arg6[%dma_start3A_65, %dma_start3A_66, %dma_start3A_67] : memref<8x50x128xf32, #tpu.memory_space<vmem>> -> memref<1x50x128xf32, #tpu.memory_space<vmem>>
    %dma_start3A_69 = tpu.memref_squeeze %dma_start3A_68 : memref<1x50x128xf32, #tpu.memory_space<vmem>> -> memref<50x128xf32, #tpu.memory_space<vmem>>
    %dma_start3A_70 = arith.constant 0 : i32
    %dma_start3A_71 = tpu.memref_slice %arg5[%dma_start3A_64, %dma_start3A_70] : memref<256x50xi32, #tpu.memory_space<vmem>> -> memref<1x50xi32, #tpu.memory_space<vmem>>
    %dma_start3A_72 = tpu.memref_squeeze %dma_start3A_71 : memref<1x50xi32, #tpu.memory_space<vmem>> -> memref<50xi32, #tpu.memory_space<vmem>>
    %dma_start3A_73 = arith.constant 0 : i32
    %dma_start3A_74 = arith.constant 0 : i32
    %dma_start3A_75 = tpu.memref_slice %arg3[%dma_start3A_73, %dma_start3A_74] : memref<1000000x128xf32, #tpu.memory_space<hbm>> -> memref<1000000x128xf32, #tpu.memory_space<hbm>>
    tpu.enqueue_indirect_dma source(%dma_start3A_75 : memref<1000000x128xf32, #tpu.memory_space<hbm>>) target(%dma_start3A_69 : memref<50x128xf32, #tpu.memory_space<vmem>>) offsets(%dma_start3A_72 : memref<50xi32, #tpu.memory_space<vmem>>) semaphore(%arg12 : memref<!tpu.dma_semaphore, #tpu.memory_space<semaphore_mem>>)
    %dma_start3A_76 = arith.constant 6 : i32
    %dma_start3A_77 = arith.constant 6 : i32
    %dma_start3A_78 = arith.constant 0 : i32
    %dma_start3A_79 = arith.constant 0 : i32
    %dma_start3A_80 = tpu.memref_slice %arg6[%dma_start3A_77, %dma_start3A_78, %dma_start3A_79] : memref<8x50x128xf32, #tpu.memory_space<vmem>> -> memref<1x50x128xf32, #tpu.memory_space<vmem>>
    %dma_start3A_81 = tpu.memref_squeeze %dma_start3A_80 : memref<1x50x128xf32, #tpu.memory_space<vmem>> -> memref<50x128xf32, #tpu.memory_space<vmem>>
    %dma_start3A_82 = arith.constant 0 : i32
    %dma_start3A_83 = tpu.memref_slice %arg5[%dma_start3A_76, %dma_start3A_82] : memref<256x50xi32, #tpu.memory_space<vmem>> -> memref<1x50xi32, #tpu.memory_space<vmem>>
    %dma_start3A_84 = tpu.memref_squeeze %dma_start3A_83 : memref<1x50xi32, #tpu.memory_space<vmem>> -> memref<50xi32, #tpu.memory_space<vmem>>
    %dma_start3A_85 = arith.constant 0 : i32
    %dma_start3A_86 = arith.constant 0 : i32
    %dma_start3A_87 = tpu.memref_slice %arg3[%dma_start3A_85, %dma_start3A_86] : memref<1000000x128xf32, #tpu.memory_space<hbm>> -> memref<1000000x128xf32, #tpu.memory_space<hbm>>
    tpu.enqueue_indirect_dma source(%dma_start3A_87 : memref<1000000x128xf32, #tpu.memory_space<hbm>>) target(%dma_start3A_81 : memref<50x128xf32, #tpu.memory_space<vmem>>) offsets(%dma_start3A_84 : memref<50xi32, #tpu.memory_space<vmem>>) semaphore(%arg13 : memref<!tpu.dma_semaphore, #tpu.memory_space<semaphore_mem>>)
    %dma_wait3A = arith.constant 0 : i32
    %dma_wait3A_88 = arith.constant 0 : i32
    %dma_wait3A_89 = arith.constant 0 : i32
    %dma_wait3A_90 = arith.constant 0 : i32
    %dma_wait3A_91 = tpu.memref_slice %arg6[%dma_wait3A_88, %dma_wait3A_89, %dma_wait3A_90] : memref<8x50x128xf32, #tpu.memory_space<vmem>> -> memref<1x50x128xf32, #tpu.memory_space<vmem>>
    %dma_wait3A_92 = tpu.memref_squeeze %dma_wait3A_91 : memref<1x50x128xf32, #tpu.memory_space<vmem>> -> memref<50x128xf32, #tpu.memory_space<vmem>>
    %dma_wait3A_93 = arith.constant 0 : i32
    %dma_wait3A_94 = tpu.memref_slice %arg5[%dma_wait3A, %dma_wait3A_93] : memref<256x50xi32, #tpu.memory_space<vmem>> -> memref<1x50xi32, #tpu.memory_space<vmem>>
    %dma_wait3A_95 = tpu.memref_squeeze %dma_wait3A_94 : memref<1x50xi32, #tpu.memory_space<vmem>> -> memref<50xi32, #tpu.memory_space<vmem>>
    %dma_wait3A_96 = arith.constant 0 : i32
    %dma_wait3A_97 = arith.constant 0 : i32
    %dma_wait3A_98 = tpu.memref_slice %arg3[%dma_wait3A_96, %dma_wait3A_97] : memref<1000000x128xf32, #tpu.memory_space<hbm>> -> memref<1000000x128xf32, #tpu.memory_space<hbm>>
    tpu.wait_indirect_dma semaphore(%arg7 : memref<!tpu.dma_semaphore, #tpu.memory_space<semaphore_mem>>) src(%dma_wait3A_98 : memref<1000000x128xf32, #tpu.memory_space<hbm>>) dst(%dma_wait3A_92 : memref<50x128xf32, #tpu.memory_space<vmem>>)
    %add3A_99 = arith.constant 0 : i32
    %add3A_100 = arith.addi %add3A_4, %add3A_99 : i32
    %dma_start3A_101 = arith.constant 0 : i32
    %dma_start3A_102 = arith.constant 0 : i32
    %dma_start3A_103 = arith.constant 0 : i32
    %dma_start3A_104 = tpu.memref_slice %arg6[%dma_start3A_101, %dma_start3A_102, %dma_start3A_103] : memref<8x50x128xf32, #tpu.memory_space<vmem>> -> memref<1x50x128xf32, #tpu.memory_space<vmem>>
    %dma_start3A_105 = tpu.memref_squeeze %dma_start3A_104 : memref<1x50x128xf32, #tpu.memory_space<vmem>> -> memref<50x128xf32, #tpu.memory_space<vmem>>
    %dma_start3A_106 = arith.constant 0 : i32
    %dma_start3A_107 = arith.constant 0 : i32
    %dma_start3A_108 = tpu.memref_slice %arg4[%add3A_100, %dma_start3A_106, %dma_start3A_107] : memref<16384x50x128xf32, #tpu.memory_space<hbm>> -> memref<1x50x128xf32, #tpu.memory_space<hbm>>
    %dma_start3A_109 = tpu.memref_squeeze %dma_start3A_108 : memref<1x50x128xf32, #tpu.memory_space<hbm>> -> memref<50x128xf32, #tpu.memory_space<hbm>>
    %dma_start3A_110 = arith.constant 0 : i32
    %dma_start3A_111 = arith.constant 0 : i32
    %dma_start3A_112 = tpu.memref_slice %arg4[%add3A_100, %dma_start3A_110, %dma_start3A_111] : memref<16384x50x128xf32, #tpu.memory_space<hbm>> -> memref<1x50x128xf32, #tpu.memory_space<hbm>>
    %dma_start3A_113 = tpu.memref_squeeze %dma_start3A_112 : memref<1x50x128xf32, #tpu.memory_space<hbm>> -> memref<50x128xf32, #tpu.memory_space<hbm>>
    %dma_start3A_114 = arith.constant 0 : i32
    %dma_start3A_115 = arith.constant 0 : i32
    %dma_start3A_116 = tpu.memref_slice %arg6[%dma_start3A_101, %dma_start3A_114, %dma_start3A_115] : memref<8x50x128xf32, #tpu.memory_space<vmem>> -> memref<1x50x128xf32, #tpu.memory_space<vmem>>
    %dma_start3A_117 = tpu.memref_squeeze %dma_start3A_116 : memref<1x50x128xf32, #tpu.memory_space<vmem>> -> memref<50x128xf32, #tpu.memory_space<vmem>>
    tpu.enqueue_dma source(%dma_start3A_117 : memref<50x128xf32, #tpu.memory_space<vmem>>) target(%dma_start3A_113 : memref<50x128xf32, #tpu.memory_space<hbm>>) target_semaphore(%arg15 : memref<!tpu.dma_semaphore, #tpu.memory_space<semaphore_mem>>)
    %dma_start3A_118 = arith.constant 7 : i32
    %dma_start3A_119 = arith.constant 7 : i32
    %dma_start3A_120 = arith.constant 0 : i32
    %dma_start3A_121 = arith.constant 0 : i32
    %dma_start3A_122 = tpu.memref_slice %arg6[%dma_start3A_119, %dma_start3A_120, %dma_start3A_121] : memref<8x50x128xf32, #tpu.memory_space<vmem>> -> memref<1x50x128xf32, #tpu.memory_space<vmem>>
    %dma_start3A_123 = tpu.memref_squeeze %dma_start3A_122 : memref<1x50x128xf32, #tpu.memory_space<vmem>> -> memref<50x128xf32, #tpu.memory_space<vmem>>
    %dma_start3A_124 = arith.constant 0 : i32
    %dma_start3A_125 = tpu.memref_slice %arg5[%dma_start3A_118, %dma_start3A_124] : memref<256x50xi32, #tpu.memory_space<vmem>> -> memref<1x50xi32, #tpu.memory_space<vmem>>
    %dma_start3A_126 = tpu.memref_squeeze %dma_start3A_125 : memref<1x50xi32, #tpu.memory_space<vmem>> -> memref<50xi32, #tpu.memory_space<vmem>>
    %dma_start3A_127 = arith.constant 0 : i32
    %dma_start3A_128 = arith.constant 0 : i32
    %dma_start3A_129 = tpu.memref_slice %arg3[%dma_start3A_127, %dma_start3A_128] : memref<1000000x128xf32, #tpu.memory_space<hbm>> -> memref<1000000x128xf32, #tpu.memory_space<hbm>>
    tpu.enqueue_indirect_dma source(%dma_start3A_129 : memref<1000000x128xf32, #tpu.memory_space<hbm>>) target(%dma_start3A_123 : memref<50x128xf32, #tpu.memory_space<vmem>>) offsets(%dma_start3A_126 : memref<50xi32, #tpu.memory_space<vmem>>) semaphore(%arg14 : memref<!tpu.dma_semaphore, #tpu.memory_space<semaphore_mem>>)
    %dma_wait3A_130 = arith.constant 0 : i32
    %dma_wait3A_131 = arith.constant 1 : i32
    %dma_wait3A_132 = arith.constant 0 : i32
    %dma_wait3A_133 = arith.constant 0 : i32
    %dma_wait3A_134 = tpu.memref_slice %arg6[%dma_wait3A_131, %dma_wait3A_132, %dma_wait3A_133] : memref<8x50x128xf32, #tpu.memory_space<vmem>> -> memref<1x50x128xf32, #tpu.memory_space<vmem>>
    %dma_wait3A_135 = tpu.memref_squeeze %dma_wait3A_134 : memref<1x50x128xf32, #tpu.memory_space<vmem>> -> memref<50x128xf32, #tpu.memory_space<vmem>>
    %dma_wait3A_136 = arith.constant 0 : i32
    %dma_wait3A_137 = tpu.memref_slice %arg5[%dma_wait3A_130, %dma_wait3A_136] : memref<256x50xi32, #tpu.memory_space<vmem>> -> memref<1x50xi32, #tpu.memory_space<vmem>>
    %dma_wait3A_138 = tpu.memref_squeeze %dma_wait3A_137 : memref<1x50xi32, #tpu.memory_space<vmem>> -> memref<50xi32, #tpu.memory_space<vmem>>
    %dma_wait3A_139 = arith.constant 0 : i32
    %dma_wait3A_140 = arith.constant 0 : i32
    %dma_wait3A_141 = tpu.memref_slice %arg3[%dma_wait3A_139, %dma_wait3A_140] : memref<1000000x128xf32, #tpu.memory_space<hbm>> -> memref<1000000x128xf32, #tpu.memory_space<hbm>>
    tpu.wait_indirect_dma semaphore(%arg8 : memref<!tpu.dma_semaphore, #tpu.memory_space<semaphore_mem>>) src(%dma_wait3A_141 : memref<1000000x128xf32, #tpu.memory_space<hbm>>) dst(%dma_wait3A_135 : memref<50x128xf32, #tpu.memory_space<vmem>>)
    %add3A_142 = arith.constant 1 : i32
    %add3A_143 = arith.addi %add3A_4, %add3A_142 : i32
    %dma_start3A_144 = arith.constant 1 : i32
    %dma_start3A_145 = arith.constant 0 : i32
    %dma_start3A_146 = arith.constant 0 : i32
    %dma_start3A_147 = tpu.memref_slice %arg6[%dma_start3A_144, %dma_start3A_145, %dma_start3A_146] : memref<8x50x128xf32, #tpu.memory_space<vmem>> -> memref<1x50x128xf32, #tpu.memory_space<vmem>>
    %dma_start3A_148 = tpu.memref_squeeze %dma_start3A_147 : memref<1x50x128xf32, #tpu.memory_space<vmem>> -> memref<50x128xf32, #tpu.memory_space<vmem>>
    %dma_start3A_149 = arith.constant 0 : i32
    %dma_start3A_150 = arith.constant 0 : i32
    %dma_start3A_151 = tpu.memref_slice %arg4[%add3A_143, %dma_start3A_149, %dma_start3A_150] : memref<16384x50x128xf32, #tpu.memory_space<hbm>> -> memref<1x50x128xf32, #tpu.memory_space<hbm>>
    %dma_start3A_152 = tpu.memref_squeeze %dma_start3A_151 : memref<1x50x128xf32, #tpu.memory_space<hbm>> -> memref<50x128xf32, #tpu.memory_space<hbm>>
    %dma_start3A_153 = arith.constant 0 : i32
    %dma_start3A_154 = arith.constant 0 : i32
    %dma_start3A_155 = tpu.memref_slice %arg4[%add3A_143, %dma_start3A_153, %dma_start3A_154] : memref<16384x50x128xf32, #tpu.memory_space<hbm>> -> memref<1x50x128xf32, #tpu.memory_space<hbm>>
    %dma_start3A_156 = tpu.memref_squeeze %dma_start3A_155 : memref<1x50x128xf32, #tpu.memory_space<hbm>> -> memref<50x128xf32, #tpu.memory_space<hbm>>
    %dma_start3A_157 = arith.constant 0 : i32
    %dma_start3A_158 = arith.constant 0 : i32
    %dma_start3A_159 = tpu.memref_slice %arg6[%dma_start3A_144, %dma_start3A_157, %dma_start3A_158] : memref<8x50x128xf32, #tpu.memory_space<vmem>> -> memref<1x50x128xf32, #tpu.memory_space<vmem>>
    %dma_start3A_160 = tpu.memref_squeeze %dma_start3A_159 : memref<1x50x128xf32, #tpu.memory_space<vmem>> -> memref<50x128xf32, #tpu.memory_space<vmem>>
    tpu.enqueue_dma source(%dma_start3A_160 : memref<50x128xf32, #tpu.memory_space<vmem>>) target(%dma_start3A_156 : memref<50x128xf32, #tpu.memory_space<hbm>>) target_semaphore(%arg16 : memref<!tpu.dma_semaphore, #tpu.memory_space<semaphore_mem>>)
    %dma_wait3A_161 = arith.constant 0 : i32
    %dma_wait3A_162 = arith.constant 0 : i32
    %dma_wait3A_163 = arith.constant 0 : i32
    %dma_wait3A_164 = arith.constant 0 : i32
    %dma_wait3A_165 = tpu.memref_slice %arg6[%dma_wait3A_161, %dma_wait3A_163, %dma_wait3A_164] : memref<8x50x128xf32, #tpu.memory_space<vmem>> -> memref<1x50x128xf32, #tpu.memory_space<vmem>>
    %dma_wait3A_166 = tpu.memref_squeeze %dma_wait3A_165 : memref<1x50x128xf32, #tpu.memory_space<vmem>> -> memref<50x128xf32, #tpu.memory_space<vmem>>
    %dma_wait3A_167 = arith.constant 0 : i32
    %dma_wait3A_168 = arith.constant 0 : i32
    %dma_wait3A_169 = tpu.memref_slice %arg4[%dma_wait3A_162, %dma_wait3A_167, %dma_wait3A_168] : memref<16384x50x128xf32, #tpu.memory_space<hbm>> -> memref<1x50x128xf32, #tpu.memory_space<hbm>>
    %dma_wait3A_170 = tpu.memref_squeeze %dma_wait3A_169 : memref<1x50x128xf32, #tpu.memory_space<hbm>> -> memref<50x128xf32, #tpu.memory_space<hbm>>
    %dma_wait3A_171 = arith.constant 0 : i32
    %dma_wait3A_172 = arith.constant 0 : i32
    %dma_wait3A_173 = tpu.memref_slice %arg4[%dma_wait3A_162, %dma_wait3A_171, %dma_wait3A_172] : memref<16384x50x128xf32, #tpu.memory_space<hbm>> -> memref<1x50x128xf32, #tpu.memory_space<hbm>>
    %dma_wait3A_174 = tpu.memref_squeeze %dma_wait3A_173 : memref<1x50x128xf32, #tpu.memory_space<hbm>> -> memref<50x128xf32, #tpu.memory_space<hbm>>
    %dma_wait3A_175 = arith.constant 0 : i32
    %dma_wait3A_176 = arith.constant 0 : i32
    %dma_wait3A_177 = tpu.memref_slice %arg6[%dma_wait3A_161, %dma_wait3A_175, %dma_wait3A_176] : memref<8x50x128xf32, #tpu.memory_space<vmem>> -> memref<1x50x128xf32, #tpu.memory_space<vmem>>
    %dma_wait3A_178 = tpu.memref_squeeze %dma_wait3A_177 : memref<1x50x128xf32, #tpu.memory_space<vmem>> -> memref<50x128xf32, #tpu.memory_space<vmem>>
    tpu.wait_dma2 semaphore(%arg15 : memref<!tpu.dma_semaphore, #tpu.memory_space<semaphore_mem>>) src(%dma_wait3A_178 : memref<50x128xf32, #tpu.memory_space<vmem>>) dst(%dma_wait3A_174 : memref<50x128xf32, #tpu.memory_space<hbm>>)
    %dma_start3A_179 = arith.constant 8 : i32
    %dma_start3A_180 = arith.constant 0 : i32
    %dma_start3A_181 = arith.constant 0 : i32
    %dma_start3A_182 = arith.constant 0 : i32
    %dma_start3A_183 = tpu.memref_slice %arg6[%dma_start3A_180, %dma_start3A_181, %dma_start3A_182] : memref<8x50x128xf32, #tpu.memory_space<vmem>> -> memref<1x50x128xf32, #tpu.memory_space<vmem>>
    %dma_start3A_184 = tpu.memref_squeeze %dma_start3A_183 : memref<1x50x128xf32, #tpu.memory_space<vmem>> -> memref<50x128xf32, #tpu.memory_space<vmem>>
    %dma_start3A_185 = arith.constant 0 : i32
    %dma_start3A_186 = tpu.memref_slice %arg5[%dma_start3A_179, %dma_start3A_185] : memref<256x50xi32, #tpu.memory_space<vmem>> -> memref<1x50xi32, #tpu.memory_space<vmem>>
    %dma_start3A_187 = tpu.memref_squeeze %dma_start3A_186 : memref<1x50xi32, #tpu.memory_space<vmem>> -> memref<50xi32, #tpu.memory_space<vmem>>
    %dma_start3A_188 = arith.constant 0 : i32
    %dma_start3A_189 = arith.constant 0 : i32
    %dma_start3A_190 = tpu.memref_slice %arg3[%dma_start3A_188, %dma_start3A_189] : memref<1000000x128xf32, #tpu.memory_space<hbm>> -> memref<1000000x128xf32, #tpu.memory_space<hbm>>
    tpu.enqueue_indirect_dma source(%dma_start3A_190 : memref<1000000x128xf32, #tpu.memory_space<hbm>>) target(%dma_start3A_184 : memref<50x128xf32, #tpu.memory_space<vmem>>) offsets(%dma_start3A_187 : memref<50xi32, #tpu.memory_space<vmem>>) semaphore(%arg7 : memref<!tpu.dma_semaphore, #tpu.memory_space<semaphore_mem>>)
    %dma_wait3A_191 = arith.constant 0 : i32
    %dma_wait3A_192 = arith.constant 2 : i32
    %dma_wait3A_193 = arith.constant 0 : i32
    %dma_wait3A_194 = arith.constant 0 : i32
    %dma_wait3A_195 = tpu.memref_slice %arg6[%dma_wait3A_192, %dma_wait3A_193, %dma_wait3A_194] : memref<8x50x128xf32, #tpu.memory_space<vmem>> -> memref<1x50x128xf32, #tpu.memory_space<vmem>>
    %dma_wait3A_196 = tpu.memref_squeeze %dma_wait3A_195 : memref<1x50x128xf32, #tpu.memory_space<vmem>> -> memref<50x128xf32, #tpu.memory_space<vmem>>
    %dma_wait3A_197 = arith.constant 0 : i32
    %dma_wait3A_198 = tpu.memref_slice %arg5[%dma_wait3A_191, %dma_wait3A_197] : memref<256x50xi32, #tpu.memory_space<vmem>> -> memref<1x50xi32, #tpu.memory_space<vmem>>
    %dma_wait3A_199 = tpu.memref_squeeze %dma_wait3A_198 : memref<1x50xi32, #tpu.memory_space<vmem>> -> memref<50xi32, #tpu.memory_space<vmem>>
    %dma_wait3A_200 = arith.constant 0 : i32
    %dma_wait3A_201 = arith.constant 0 : i32
    %dma_wait3A_202 = tpu.memref_slice %arg3[%dma_wait3A_200, %dma_wait3A_201] : memref<1000000x128xf32, #tpu.memory_space<hbm>> -> memref<1000000x128xf32, #tpu.memory_space<hbm>>
    tpu.wait_indirect_dma semaphore(%arg9 : memref<!tpu.dma_semaphore, #tpu.memory_space<semaphore_mem>>) src(%dma_wait3A_202 : memref<1000000x128xf32, #tpu.memory_space<hbm>>) dst(%dma_wait3A_196 : memref<50x128xf32, #tpu.memory_space<vmem>>)
    %add3A_203 = arith.constant 2 : i32
    %add3A_204 = arith.addi %add3A_4, %add3A_203 : i32
    %dma_start3A_205 = arith.constant 2 : i32
    %dma_start3A_206 = arith.constant 0 : i32
    %dma_start3A_207 = arith.constant 0 : i32
    %dma_start3A_208 = tpu.memref_slice %arg6[%dma_start3A_205, %dma_start3A_206, %dma_start3A_207] : memref<8x50x128xf32, #tpu.memory_space<vmem>> -> memref<1x50x128xf32, #tpu.memory_space<vmem>>
    %dma_start3A_209 = tpu.memref_squeeze %dma_start3A_208 : memref<1x50x128xf32, #tpu.memory_space<vmem>> -> memref<50x128xf32, #tpu.memory_space<vmem>>
    %dma_start3A_210 = arith.constant 0 : i32
    %dma_start3A_211 = arith.constant 0 : i32
    %dma_start3A_212 = tpu.memref_slice %arg4[%add3A_204, %dma_start3A_210, %dma_start3A_211] : memref<16384x50x128xf32, #tpu.memory_space<hbm>> -> memref<1x50x128xf32, #tpu.memory_space<hbm>>
    %dma_start3A_213 = tpu.memref_squeeze %dma_start3A_212 : memref<1x50x128xf32, #tpu.memory_space<hbm>> -> memref<50x128xf32, #tpu.memory_space<hbm>>
    %dma_start3A_214 = arith.constant 0 : i32
    %dma_start3A_215 = arith.constant 0 : i32
    %dma_start3A_216 = tpu.memref_slice %arg4[%add3A_204, %dma_start3A_214, %dma_start3A_215] : memref<16384x50x128xf32, #tpu.memory_space<hbm>> -> memref<1x50x128xf32, #tpu.memory_space<hbm>>
    %dma_start3A_217 = tpu.memref_squeeze %dma_start3A_216 : memref<1x50x128xf32, #tpu.memory_space<hbm>> -> memref<50x128xf32, #tpu.memory_space<hbm>>
    %dma_start3A_218 = arith.constant 0 : i32
    %dma_start3A_219 = arith.constant 0 : i32
    %dma_start3A_220 = tpu.memref_slice %arg6[%dma_start3A_205, %dma_start3A_218, %dma_start3A_219] : memref<8x50x128xf32, #tpu.memory_space<vmem>> -> memref<1x50x128xf32, #tpu.memory_space<vmem>>
    %dma_start3A_221 = tpu.memref_squeeze %dma_start3A_220 : memref<1x50x128xf32, #tpu.memory_space<vmem>> -> memref<50x128xf32, #tpu.memory_space<vmem>>
    tpu.enqueue_dma source(%dma_start3A_221 : memref<50x128xf32, #tpu.memory_space<vmem>>) target(%dma_start3A_217 : memref<50x128xf32, #tpu.memory_space<hbm>>) target_semaphore(%arg17 : memref<!tpu.dma_semaphore, #tpu.memory_space<semaphore_mem>>)
    %dma_wait3A_222 = arith.constant 1 : i32
    %dma_wait3A_223 = arith.constant 0 : i32
    %dma_wait3A_224 = arith.constant 0 : i32
    %dma_wait3A_225 = arith.constant 0 : i32
    %dma_wait3A_226 = tpu.memref_slice %arg6[%dma_wait3A_222, %dma_wait3A_224, %dma_wait3A_225] : memref<8x50x128xf32, #tpu.memory_space<vmem>> -> memref<1x50x128xf32, #tpu.memory_space<vmem>>
    %dma_wait3A_227 = tpu.memref_squeeze %dma_wait3A_226 : memref<1x50x128xf32, #tpu.memory_space<vmem>> -> memref<50x128xf32, #tpu.memory_space<vmem>>
    %dma_wait3A_228 = arith.constant 0 : i32
    %dma_wait3A_229 = arith.constant 0 : i32
    %dma_wait3A_230 = tpu.memref_slice %arg4[%dma_wait3A_223, %dma_wait3A_228, %dma_wait3A_229] : memref<16384x50x128xf32, #tpu.memory_space<hbm>> -> memref<1x50x128xf32, #tpu.memory_space<hbm>>
    %dma_wait3A_231 = tpu.memref_squeeze %dma_wait3A_230 : memref<1x50x128xf32, #tpu.memory_space<hbm>> -> memref<50x128xf32, #tpu.memory_space<hbm>>
    %dma_wait3A_232 = arith.constant 0 : i32
    %dma_wait3A_233 = arith.constant 0 : i32
    %dma_wait3A_234 = tpu.memref_slice %arg4[%dma_wait3A_223, %dma_wait3A_232, %dma_wait3A_233] : memref<16384x50x128xf32, #tpu.memory_space<hbm>> -> memref<1x50x128xf32, #tpu.memory_space<hbm>>
    %dma_wait3A_235 = tpu.memref_squeeze %dma_wait3A_234 : memref<1x50x128xf32, #tpu.memory_space<hbm>> -> memref<50x128xf32, #tpu.memory_space<hbm>>
    %dma_wait3A_236 = arith.constant 0 : i32
    %dma_wait3A_237 = arith.constant 0 : i32
    %dma_wait3A_238 = tpu.memref_slice %arg6[%dma_wait3A_222, %dma_wait3A_236, %dma_wait3A_237] : memref<8x50x128xf32, #tpu.memory_space<vmem>> -> memref<1x50x128xf32, #tpu.memory_space<vmem>>
    %dma_wait3A_239 = tpu.memref_squeeze %dma_wait3A_238 : memref<1x50x128xf32, #tpu.memory_space<vmem>> -> memref<50x128xf32, #tpu.memory_space<vmem>>
    tpu.wait_dma2 semaphore(%arg16 : memref<!tpu.dma_semaphore, #tpu.memory_space<semaphore_mem>>) src(%dma_wait3A_239 : memref<50x128xf32, #tpu.memory_space<vmem>>) dst(%dma_wait3A_235 : memref<50x128xf32, #tpu.memory_space<hbm>>)
    %dma_start3A_240 = arith.constant 9 : i32
    %dma_start3A_241 = arith.constant 1 : i32
    %dma_start3A_242 = arith.constant 0 : i32
    %dma_start3A_243 = arith.constant 0 : i32
    %dma_start3A_244 = tpu.memref_slice %arg6[%dma_start3A_241, %dma_start3A_242, %dma_start3A_243] : memref<8x50x128xf32, #tpu.memory_space<vmem>> -> memref<1x50x128xf32, #tpu.memory_space<vmem>>
    %dma_start3A_245 = tpu.memref_squeeze %dma_start3A_244 : memref<1x50x128xf32, #tpu.memory_space<vmem>> -> memref<50x128xf32, #tpu.memory_space<vmem>>
    %dma_start3A_246 = arith.constant 0 : i32
    %dma_start3A_247 = tpu.memref_slice %arg5[%dma_start3A_240, %dma_start3A_246] : memref<256x50xi32, #tpu.memory_space<vmem>> -> memref<1x50xi32, #tpu.memory_space<vmem>>
    %dma_start3A_248 = tpu.memref_squeeze %dma_start3A_247 : memref<1x50xi32, #tpu.memory_space<vmem>> -> memref<50xi32, #tpu.memory_space<vmem>>
    %dma_start3A_249 = arith.constant 0 : i32
    %dma_start3A_250 = arith.constant 0 : i32
    %dma_start3A_251 = tpu.memref_slice %arg3[%dma_start3A_249, %dma_start3A_250] : memref<1000000x128xf32, #tpu.memory_space<hbm>> -> memref<1000000x128xf32, #tpu.memory_space<hbm>>
    tpu.enqueue_indirect_dma source(%dma_start3A_251 : memref<1000000x128xf32, #tpu.memory_space<hbm>>) target(%dma_start3A_245 : memref<50x128xf32, #tpu.memory_space<vmem>>) offsets(%dma_start3A_248 : memref<50xi32, #tpu.memory_space<vmem>>) semaphore(%arg8 : memref<!tpu.dma_semaphore, #tpu.memory_space<semaphore_mem>>)
    %dma_wait3A_252 = arith.constant 0 : i32
    %dma_wait3A_253 = arith.constant 3 : i32
    %dma_wait3A_254 = arith.constant 0 : i32
    %dma_wait3A_255 = arith.constant 0 : i32
    %dma_wait3A_256 = tpu.memref_slice %arg6[%dma_wait3A_253, %dma_wait3A_254, %dma_wait3A_255] : memref<8x50x128xf32, #tpu.memory_space<vmem>> -> memref<1x50x128xf32, #tpu.memory_space<vmem>>
    %dma_wait3A_257 = tpu.memref_squeeze %dma_wait3A_256 : memref<1x50x128xf32, #tpu.memory_space<vmem>> -> memref<50x128xf32, #tpu.memory_space<vmem>>
    %dma_wait3A_258 = arith.constant 0 : i32
    %dma_wait3A_259 = tpu.memref_slice %arg5[%dma_wait3A_252, %dma_wait3A_258] : memref<256x50xi32, #tpu.memory_space<vmem>> -> memref<1x50xi32, #tpu.memory_space<vmem>>
    %dma_wait3A_260 = tpu.memref_squeeze %dma_wait3A_259 : memref<1x50xi32, #tpu.memory_space<vmem>> -> memref<50xi32, #tpu.memory_space<vmem>>
    %dma_wait3A_261 = arith.constant 0 : i32
    %dma_wait3A_262 = arith.constant 0 : i32
    %dma_wait3A_263 = tpu.memref_slice %arg3[%dma_wait3A_261, %dma_wait3A_262] : memref<1000000x128xf32, #tpu.memory_space<hbm>> -> memref<1000000x128xf32, #tpu.memory_space<hbm>>
    tpu.wait_indirect_dma semaphore(%arg10 : memref<!tpu.dma_semaphore, #tpu.memory_space<semaphore_mem>>) src(%dma_wait3A_263 : memref<1000000x128xf32, #tpu.memory_space<hbm>>) dst(%dma_wait3A_257 : memref<50x128xf32, #tpu.memory_space<vmem>>)
    %add3A_264 = arith.constant 3 : i32
    %add3A_265 = arith.addi %add3A_4, %add3A_264 : i32
    %dma_start3A_266 = arith.constant 3 : i32
    %dma_start3A_267 = arith.constant 0 : i32
    %dma_start3A_268 = arith.constant 0 : i32
    %dma_start3A_269 = tpu.memref_slice %arg6[%dma_start3A_266, %dma_start3A_267, %dma_start3A_268] : memref<8x50x128xf32, #tpu.memory_space<vmem>> -> memref<1x50x128xf32, #tpu.memory_space<vmem>>
    %dma_start3A_270 = tpu.memref_squeeze %dma_start3A_269 : memref<1x50x128xf32, #tpu.memory_space<vmem>> -> memref<50x128xf32, #tpu.memory_space<vmem>>
    %dma_start3A_271 = arith.constant 0 : i32
    %dma_start3A_272 = arith.constant 0 : i32
    %dma_start3A_273 = tpu.memref_slice %arg4[%add3A_265, %dma_start3A_271, %dma_start3A_272] : memref<16384x50x128xf32, #tpu.memory_space<hbm>> -> memref<1x50x128xf32, #tpu.memory_space<hbm>>
    %dma_start3A_274 = tpu.memref_squeeze %dma_start3A_273 : memref<1x50x128xf32, #tpu.memory_space<hbm>> -> memref<50x128xf32, #tpu.memory_space<hbm>>
    %dma_start3A_275 = arith.constant 0 : i32
    %dma_start3A_276 = arith.constant 0 : i32
    %dma_start3A_277 = tpu.memref_slice %arg4[%add3A_265, %dma_start3A_275, %dma_start3A_276] : memref<16384x50x128xf32, #tpu.memory_space<hbm>> -> memref<1x50x128xf32, #tpu.memory_space<hbm>>
    %dma_start3A_278 = tpu.memref_squeeze %dma_start3A_277 : memref<1x50x128xf32, #tpu.memory_space<hbm>> -> memref<50x128xf32, #tpu.memory_space<hbm>>
    %dma_start3A_279 = arith.constant 0 : i32
    %dma_start3A_280 = arith.constant 0 : i32
    %dma_start3A_281 = tpu.memref_slice %arg6[%dma_start3A_266, %dma_start3A_279, %dma_start3A_280] : memref<8x50x128xf32, #tpu.memory_space<vmem>> -> memref<1x50x128xf32, #tpu.memory_space<vmem>>
    %dma_start3A_282 = tpu.memref_squeeze %dma_start3A_281 : memref<1x50x128xf32, #tpu.memory_space<vmem>> -> memref<50x128xf32, #tpu.memory_space<vmem>>
    tpu.enqueue_dma source(%dma_start3A_282 : memref<50x128xf32, #tpu.memory_space<vmem>>) target(%dma_start3A_278 : memref<50x128xf32, #tpu.memory_space<hbm>>) target_semaphore(%arg18 : memref<!tpu.dma_semaphore, #tpu.memory_space<semaphore_mem>>)
    %dma_wait3A_283 = arith.constant 2 : i32
    %dma_wait3A_284 = arith.constant 0 : i32
    %dma_wait3A_285 = arith.constant 0 : i32
    %dma_wait3A_286 = arith.constant 0 : i32
    %dma_wait3A_287 = tpu.memref_slice %arg6[%dma_wait3A_283, %dma_wait3A_285, %dma_wait3A_286] : memref<8x50x128xf32, #tpu.memory_space<vmem>> -> memref<1x50x128xf32, #tpu.memory_space<vmem>>
    %dma_wait3A_288 = tpu.memref_squeeze %dma_wait3A_287 : memref<1x50x128xf32, #tpu.memory_space<vmem>> -> memref<50x128xf32, #tpu.memory_space<vmem>>
    %dma_wait3A_289 = arith.constant 0 : i32
    %dma_wait3A_290 = arith.constant 0 : i32
    %dma_wait3A_291 = tpu.memref_slice %arg4[%dma_wait3A_284, %dma_wait3A_289, %dma_wait3A_290] : memref<16384x50x128xf32, #tpu.memory_space<hbm>> -> memref<1x50x128xf32, #tpu.memory_space<hbm>>
    %dma_wait3A_292 = tpu.memref_squeeze %dma_wait3A_291 : memref<1x50x128xf32, #tpu.memory_space<hbm>> -> memref<50x128xf32, #tpu.memory_space<hbm>>
    %dma_wait3A_293 = arith.constant 0 : i32
    %dma_wait3A_294 = arith.constant 0 : i32
    %dma_wait3A_295 = tpu.memref_slice %arg4[%dma_wait3A_284, %dma_wait3A_293, %dma_wait3A_294] : memref<16384x50x128xf32, #tpu.memory_space<hbm>> -> memref<1x50x128xf32, #tpu.memory_space<hbm>>
    %dma_wait3A_296 = tpu.memref_squeeze %dma_wait3A_295 : memref<1x50x128xf32, #tpu.memory_space<hbm>> -> memref<50x128xf32, #tpu.memory_space<hbm>>
    %dma_wait3A_297 = arith.constant 0 : i32
    %dma_wait3A_298 = arith.constant 0 : i32
    %dma_wait3A_299 = tpu.memref_slice %arg6[%dma_wait3A_283, %dma_wait3A_297, %dma_wait3A_298] : memref<8x50x128xf32, #tpu.memory_space<vmem>> -> memref<1x50x128xf32, #tpu.memory_space<vmem>>
    %dma_wait3A_300 = tpu.memref_squeeze %dma_wait3A_299 : memref<1x50x128xf32, #tpu.memory_space<vmem>> -> memref<50x128xf32, #tpu.memory_space<vmem>>
    tpu.wait_dma2 semaphore(%arg17 : memref<!tpu.dma_semaphore, #tpu.memory_space<semaphore_mem>>) src(%dma_wait3A_300 : memref<50x128xf32, #tpu.memory_space<vmem>>) dst(%dma_wait3A_296 : memref<50x128xf32, #tpu.memory_space<hbm>>)
    %dma_start3A_301 = arith.constant 10 : i32
    %dma_start3A_302 = arith.constant 2 : i32
    %dma_start3A_303 = arith.constant 0 : i32
    %dma_start3A_304 = arith.constant 0 : i32
    %dma_start3A_305 = tpu.memref_slice %arg6[%dma_start3A_302, %dma_start3A_303, %dma_start3A_304] : memref<8x50x128xf32, #tpu.memory_space<vmem>> -> memref<1x50x128xf32, #tpu.memory_space<vmem>>
    %dma_start3A_306 = tpu.memref_squeeze %dma_start3A_305 : memref<1x50x128xf32, #tpu.memory_space<vmem>> -> memref<50x128xf32, #tpu.memory_space<vmem>>
    %dma_start3A_307 = arith.constant 0 : i32
    %dma_start3A_308 = tpu.memref_slice %arg5[%dma_start3A_301, %dma_start3A_307] : memref<256x50xi32, #tpu.memory_space<vmem>> -> memref<1x50xi32, #tpu.memory_space<vmem>>
    %dma_start3A_309 = tpu.memref_squeeze %dma_start3A_308 : memref<1x50xi32, #tpu.memory_space<vmem>> -> memref<50xi32, #tpu.memory_space<vmem>>
    %dma_start3A_310 = arith.constant 0 : i32
    %dma_start3A_311 = arith.constant 0 : i32
    %dma_start3A_312 = tpu.memref_slice %arg3[%dma_start3A_310, %dma_start3A_311] : memref<1000000x128xf32, #tpu.memory_space<hbm>> -> memref<1000000x128xf32, #tpu.memory_space<hbm>>
    tpu.enqueue_indirect_dma source(%dma_start3A_312 : memref<1000000x128xf32, #tpu.memory_space<hbm>>) target(%dma_start3A_306 : memref<50x128xf32, #tpu.memory_space<vmem>>) offsets(%dma_start3A_309 : memref<50xi32, #tpu.memory_space<vmem>>) semaphore(%arg9 : memref<!tpu.dma_semaphore, #tpu.memory_space<semaphore_mem>>)
    %dma_wait3A_313 = arith.constant 0 : i32
    %dma_wait3A_314 = arith.constant 4 : i32
    %dma_wait3A_315 = arith.constant 0 : i32
    %dma_wait3A_316 = arith.constant 0 : i32
    %dma_wait3A_317 = tpu.memref_slice %arg6[%dma_wait3A_314, %dma_wait3A_315, %dma_wait3A_316] : memref<8x50x128xf32, #tpu.memory_space<vmem>> -> memref<1x50x128xf32, #tpu.memory_space<vmem>>
    %dma_wait3A_318 = tpu.memref_squeeze %dma_wait3A_317 : memref<1x50x128xf32, #tpu.memory_space<vmem>> -> memref<50x128xf32, #tpu.memory_space<vmem>>
    %dma_wait3A_319 = arith.constant 0 : i32
    %dma_wait3A_320 = tpu.memref_slice %arg5[%dma_wait3A_313, %dma_wait3A_319] : memref<256x50xi32, #tpu.memory_space<vmem>> -> memref<1x50xi32, #tpu.memory_space<vmem>>
    %dma_wait3A_321 = tpu.memref_squeeze %dma_wait3A_320 : memref<1x50xi32, #tpu.memory_space<vmem>> -> memref<50xi32, #tpu.memory_space<vmem>>
    %dma_wait3A_322 = arith.constant 0 : i32
    %dma_wait3A_323 = arith.constant 0 : i32
    %dma_wait3A_324 = tpu.memref_slice %arg3[%dma_wait3A_322, %dma_wait3A_323] : memref<1000000x128xf32, #tpu.memory_space<hbm>> -> memref<1000000x128xf32, #tpu.memory_space<hbm>>
    tpu.wait_indirect_dma semaphore(%arg11 : memref<!tpu.dma_semaphore, #tpu.memory_space<semaphore_mem>>) src(%dma_wait3A_324 : memref<1000000x128xf32, #tpu.memory_space<hbm>>) dst(%dma_wait3A_318 : memref<50x128xf32, #tpu.memory_space<vmem>>)
    %add3A_325 = arith.constant 4 : i32
    %add3A_326 = arith.addi %add3A_4, %add3A_325 : i32
    %dma_start3A_327 = arith.constant 4 : i32
    %dma_start3A_328 = arith.constant 0 : i32
    %dma_start3A_329 = arith.constant 0 : i32
    %dma_start3A_330 = tpu.memref_slice %arg6[%dma_start3A_327, %dma_start3A_328, %dma_start3A_329] : memref<8x50x128xf32, #tpu.memory_space<vmem>> -> memref<1x50x128xf32, #tpu.memory_space<vmem>>
    %dma_start3A_331 = tpu.memref_squeeze %dma_start3A_330 : memref<1x50x128xf32, #tpu.memory_space<vmem>> -> memref<50x128xf32, #tpu.memory_space<vmem>>
    %dma_start3A_332 = arith.constant 0 : i32
    %dma_start3A_333 = arith.constant 0 : i32
    %dma_start3A_334 = tpu.memref_slice %arg4[%add3A_326, %dma_start3A_332, %dma_start3A_333] : memref<16384x50x128xf32, #tpu.memory_space<hbm>> -> memref<1x50x128xf32, #tpu.memory_space<hbm>>
    %dma_start3A_335 = tpu.memref_squeeze %dma_start3A_334 : memref<1x50x128xf32, #tpu.memory_space<hbm>> -> memref<50x128xf32, #tpu.memory_space<hbm>>
    %dma_start3A_336 = arith.constant 0 : i32
    %dma_start3A_337 = arith.constant 0 : i32
    %dma_start3A_338 = tpu.memref_slice %arg4[%add3A_326, %dma_start3A_336, %dma_start3A_337] : memref<16384x50x128xf32, #tpu.memory_space<hbm>> -> memref<1x50x128xf32, #tpu.memory_space<hbm>>
    %dma_start3A_339 = tpu.memref_squeeze %dma_start3A_338 : memref<1x50x128xf32, #tpu.memory_space<hbm>> -> memref<50x128xf32, #tpu.memory_space<hbm>>
    %dma_start3A_340 = arith.constant 0 : i32
    %dma_start3A_341 = arith.constant 0 : i32
    %dma_start3A_342 = tpu.memref_slice %arg6[%dma_start3A_327, %dma_start3A_340, %dma_start3A_341] : memref<8x50x128xf32, #tpu.memory_space<vmem>> -> memref<1x50x128xf32, #tpu.memory_space<vmem>>
    %dma_start3A_343 = tpu.memref_squeeze %dma_start3A_342 : memref<1x50x128xf32, #tpu.memory_space<vmem>> -> memref<50x128xf32, #tpu.memory_space<vmem>>
    tpu.enqueue_dma source(%dma_start3A_343 : memref<50x128xf32, #tpu.memory_space<vmem>>) target(%dma_start3A_339 : memref<50x128xf32, #tpu.memory_space<hbm>>) target_semaphore(%arg19 : memref<!tpu.dma_semaphore, #tpu.memory_space<semaphore_mem>>)
    %dma_wait3A_344 = arith.constant 3 : i32
    %dma_wait3A_345 = arith.constant 0 : i32
    %dma_wait3A_346 = arith.constant 0 : i32
    %dma_wait3A_347 = arith.constant 0 : i32
    %dma_wait3A_348 = tpu.memref_slice %arg6[%dma_wait3A_344, %dma_wait3A_346, %dma_wait3A_347] : memref<8x50x128xf32, #tpu.memory_space<vmem>> -> memref<1x50x128xf32, #tpu.memory_space<vmem>>
    %dma_wait3A_349 = tpu.memref_squeeze %dma_wait3A_348 : memref<1x50x128xf32, #tpu.memory_space<vmem>> -> memref<50x128xf32, #tpu.memory_space<vmem>>
    %dma_wait3A_350 = arith.constant 0 : i32
    %dma_wait3A_351 = arith.constant 0 : i32
    %dma_wait3A_352 = tpu.memref_slice %arg4[%dma_wait3A_345, %dma_wait3A_350, %dma_wait3A_351] : memref<16384x50x128xf32, #tpu.memory_space<hbm>> -> memref<1x50x128xf32, #tpu.memory_space<hbm>>
    %dma_wait3A_353 = tpu.memref_squeeze %dma_wait3A_352 : memref<1x50x128xf32, #tpu.memory_space<hbm>> -> memref<50x128xf32, #tpu.memory_space<hbm>>
    %dma_wait3A_354 = arith.constant 0 : i32
    %dma_wait3A_355 = arith.constant 0 : i32
    %dma_wait3A_356 = tpu.memref_slice %arg4[%dma_wait3A_345, %dma_wait3A_354, %dma_wait3A_355] : memref<16384x50x128xf32, #tpu.memory_space<hbm>> -> memref<1x50x128xf32, #tpu.memory_space<hbm>>
    %dma_wait3A_357 = tpu.memref_squeeze %dma_wait3A_356 : memref<1x50x128xf32, #tpu.memory_space<hbm>> -> memref<50x128xf32, #tpu.memory_space<hbm>>
    %dma_wait3A_358 = arith.constant 0 : i32
    %dma_wait3A_359 = arith.constant 0 : i32
    %dma_wait3A_360 = tpu.memref_slice %arg6[%dma_wait3A_344, %dma_wait3A_358, %dma_wait3A_359] : memref<8x50x128xf32, #tpu.memory_space<vmem>> -> memref<1x50x128xf32, #tpu.memory_space<vmem>>
    %dma_wait3A_361 = tpu.memref_squeeze %dma_wait3A_360 : memref<1x50x128xf32, #tpu.memory_space<vmem>> -> memref<50x128xf32, #tpu.memory_space<vmem>>
    tpu.wait_dma2 semaphore(%arg18 : memref<!tpu.dma_semaphore, #tpu.memory_space<semaphore_mem>>) src(%dma_wait3A_361 : memref<50x128xf32, #tpu.memory_space<vmem>>) dst(%dma_wait3A_357 : memref<50x128xf32, #tpu.memory_space<hbm>>)
    %dma_start3A_362 = arith.constant 11 : i32
    %dma_start3A_363 = arith.constant 3 : i32
    %dma_start3A_364 = arith.constant 0 : i32
    %dma_start3A_365 = arith.constant 0 : i32
    %dma_start3A_366 = tpu.memref_slice %arg6[%dma_start3A_363, %dma_start3A_364, %dma_start3A_365] : memref<8x50x128xf32, #tpu.memory_space<vmem>> -> memref<1x50x128xf32, #tpu.memory_space<vmem>>
    %dma_start3A_367 = tpu.memref_squeeze %dma_start3A_366 : memref<1x50x128xf32, #tpu.memory_space<vmem>> -> memref<50x128xf32, #tpu.memory_space<vmem>>
    %dma_start3A_368 = arith.constant 0 : i32
    %dma_start3A_369 = tpu.memref_slice %arg5[%dma_start3A_362, %dma_start3A_368] : memref<256x50xi32, #tpu.memory_space<vmem>> -> memref<1x50xi32, #tpu.memory_space<vmem>>
    %dma_start3A_370 = tpu.memref_squeeze %dma_start3A_369 : memref<1x50xi32, #tpu.memory_space<vmem>> -> memref<50xi32, #tpu.memory_space<vmem>>
    %dma_start3A_371 = arith.constant 0 : i32
    %dma_start3A_372 = arith.constant 0 : i32
    %dma_start3A_373 = tpu.memref_slice %arg3[%dma_start3A_371, %dma_start3A_372] : memref<1000000x128xf32, #tpu.memory_space<hbm>> -> memref<1000000x128xf32, #tpu.memory_space<hbm>>
    tpu.enqueue_indirect_dma source(%dma_start3A_373 : memref<1000000x128xf32, #tpu.memory_space<hbm>>) target(%dma_start3A_367 : memref<50x128xf32, #tpu.memory_space<vmem>>) offsets(%dma_start3A_370 : memref<50xi32, #tpu.memory_space<vmem>>) semaphore(%arg10 : memref<!tpu.dma_semaphore, #tpu.memory_space<semaphore_mem>>)
    %dma_wait3A_374 = arith.constant 0 : i32
    %dma_wait3A_375 = arith.constant 5 : i32
    %dma_wait3A_376 = arith.constant 0 : i32
    %dma_wait3A_377 = arith.constant 0 : i32
    %dma_wait3A_378 = tpu.memref_slice %arg6[%dma_wait3A_375, %dma_wait3A_376, %dma_wait3A_377] : memref<8x50x128xf32, #tpu.memory_space<vmem>> -> memref<1x50x128xf32, #tpu.memory_space<vmem>>
    %dma_wait3A_379 = tpu.memref_squeeze %dma_wait3A_378 : memref<1x50x128xf32, #tpu.memory_space<vmem>> -> memref<50x128xf32, #tpu.memory_space<vmem>>
    %dma_wait3A_380 = arith.constant 0 : i32
    %dma_wait3A_381 = tpu.memref_slice %arg5[%dma_wait3A_374, %dma_wait3A_380] : memref<256x50xi32, #tpu.memory_space<vmem>> -> memref<1x50xi32, #tpu.memory_space<vmem>>
    %dma_wait3A_382 = tpu.memref_squeeze %dma_wait3A_381 : memref<1x50xi32, #tpu.memory_space<vmem>> -> memref<50xi32, #tpu.memory_space<vmem>>
    %dma_wait3A_383 = arith.constant 0 : i32
    %dma_wait3A_384 = arith.constant 0 : i32
    %dma_wait3A_385 = tpu.memref_slice %arg3[%dma_wait3A_383, %dma_wait3A_384] : memref<1000000x128xf32, #tpu.memory_space<hbm>> -> memref<1000000x128xf32, #tpu.memory_space<hbm>>
    tpu.wait_indirect_dma semaphore(%arg12 : memref<!tpu.dma_semaphore, #tpu.memory_space<semaphore_mem>>) src(%dma_wait3A_385 : memref<1000000x128xf32, #tpu.memory_space<hbm>>) dst(%dma_wait3A_379 : memref<50x128xf32, #tpu.memory_space<vmem>>)
    %add3A_386 = arith.constant 5 : i32
    %add3A_387 = arith.addi %add3A_4, %add3A_386 : i32
    %dma_start3A_388 = arith.constant 5 : i32
    %dma_start3A_389 = arith.constant 0 : i32
    %dma_start3A_390 = arith.constant 0 : i32
    %dma_start3A_391 = tpu.memref_slice %arg6[%dma_start3A_388, %dma_start3A_389, %dma_start3A_390] : memref<8x50x128xf32, #tpu.memory_space<vmem>> -> memref<1x50x128xf32, #tpu.memory_space<vmem>>
    %dma_start3A_392 = tpu.memref_squeeze %dma_start3A_391 : memref<1x50x128xf32, #tpu.memory_space<vmem>> -> memref<50x128xf32, #tpu.memory_space<vmem>>
    %dma_start3A_393 = arith.constant 0 : i32
    %dma_start3A_394 = arith.constant 0 : i32
    %dma_start3A_395 = tpu.memref_slice %arg4[%add3A_387, %dma_start3A_393, %dma_start3A_394] : memref<16384x50x128xf32, #tpu.memory_space<hbm>> -> memref<1x50x128xf32, #tpu.memory_space<hbm>>
    %dma_start3A_396 = tpu.memref_squeeze %dma_start3A_395 : memref<1x50x128xf32, #tpu.memory_space<hbm>> -> memref<50x128xf32, #tpu.memory_space<hbm>>
    %dma_start3A_397 = arith.constant 0 : i32
    %dma_start3A_398 = arith.constant 0 : i32
    %dma_start3A_399 = tpu.memref_slice %arg4[%add3A_387, %dma_start3A_397, %dma_start3A_398] : memref<16384x50x128xf32, #tpu.memory_space<hbm>> -> memref<1x50x128xf32, #tpu.memory_space<hbm>>
    %dma_start3A_400 = tpu.memref_squeeze %dma_start3A_399 : memref<1x50x128xf32, #tpu.memory_space<hbm>> -> memref<50x128xf32, #tpu.memory_space<hbm>>
    %dma_start3A_401 = arith.constant 0 : i32
    %dma_start3A_402 = arith.constant 0 : i32
    %dma_start3A_403 = tpu.memref_slice %arg6[%dma_start3A_388, %dma_start3A_401, %dma_start3A_402] : memref<8x50x128xf32, #tpu.memory_space<vmem>> -> memref<1x50x128xf32, #tpu.memory_space<vmem>>
    %dma_start3A_404 = tpu.memref_squeeze %dma_start3A_403 : memref<1x50x128xf32, #tpu.memory_space<vmem>> -> memref<50x128xf32, #tpu.memory_space<vmem>>
    tpu.enqueue_dma source(%dma_start3A_404 : memref<50x128xf32, #tpu.memory_space<vmem>>) target(%dma_start3A_400 : memref<50x128xf32, #tpu.memory_space<hbm>>) target_semaphore(%arg20 : memref<!tpu.dma_semaphore, #tpu.memory_space<semaphore_mem>>)
    %dma_wait3A_405 = arith.constant 4 : i32
    %dma_wait3A_406 = arith.constant 0 : i32
    %dma_wait3A_407 = arith.constant 0 : i32
    %dma_wait3A_408 = arith.constant 0 : i32
    %dma_wait3A_409 = tpu.memref_slice %arg6[%dma_wait3A_405, %dma_wait3A_407, %dma_wait3A_408] : memref<8x50x128xf32, #tpu.memory_space<vmem>> -> memref<1x50x128xf32, #tpu.memory_space<vmem>>
    %dma_wait3A_410 = tpu.memref_squeeze %dma_wait3A_409 : memref<1x50x128xf32, #tpu.memory_space<vmem>> -> memref<50x128xf32, #tpu.memory_space<vmem>>
    %dma_wait3A_411 = arith.constant 0 : i32
    %dma_wait3A_412 = arith.constant 0 : i32
    %dma_wait3A_413 = tpu.memref_slice %arg4[%dma_wait3A_406, %dma_wait3A_411, %dma_wait3A_412] : memref<16384x50x128xf32, #tpu.memory_space<hbm>> -> memref<1x50x128xf32, #tpu.memory_space<hbm>>
    %dma_wait3A_414 = tpu.memref_squeeze %dma_wait3A_413 : memref<1x50x128xf32, #tpu.memory_space<hbm>> -> memref<50x128xf32, #tpu.memory_space<hbm>>
    %dma_wait3A_415 = arith.constant 0 : i32
    %dma_wait3A_416 = arith.constant 0 : i32
    %dma_wait3A_417 = tpu.memref_slice %arg4[%dma_wait3A_406, %dma_wait3A_415, %dma_wait3A_416] : memref<16384x50x128xf32, #tpu.memory_space<hbm>> -> memref<1x50x128xf32, #tpu.memory_space<hbm>>
    %dma_wait3A_418 = tpu.memref_squeeze %dma_wait3A_417 : memref<1x50x128xf32, #tpu.memory_space<hbm>> -> memref<50x128xf32, #tpu.memory_space<hbm>>
    %dma_wait3A_419 = arith.constant 0 : i32
    %dma_wait3A_420 = arith.constant 0 : i32
    %dma_wait3A_421 = tpu.memref_slice %arg6[%dma_wait3A_405, %dma_wait3A_419, %dma_wait3A_420] : memref<8x50x128xf32, #tpu.memory_space<vmem>> -> memref<1x50x128xf32, #tpu.memory_space<vmem>>
    %dma_wait3A_422 = tpu.memref_squeeze %dma_wait3A_421 : memref<1x50x128xf32, #tpu.memory_space<vmem>> -> memref<50x128xf32, #tpu.memory_space<vmem>>
    tpu.wait_dma2 semaphore(%arg19 : memref<!tpu.dma_semaphore, #tpu.memory_space<semaphore_mem>>) src(%dma_wait3A_422 : memref<50x128xf32, #tpu.memory_space<vmem>>) dst(%dma_wait3A_418 : memref<50x128xf32, #tpu.memory_space<hbm>>)
    %dma_start3A_423 = arith.constant 12 : i32
    %dma_start3A_424 = arith.constant 4 : i32
    %dma_start3A_425 = arith.constant 0 : i32
    %dma_start3A_426 = arith.constant 0 : i32
    %dma_start3A_427 = tpu.memref_slice %arg6[%dma_start3A_424, %dma_start3A_425, %dma_start3A_426] : memref<8x50x128xf32, #tpu.memory_space<vmem>> -> memref<1x50x128xf32, #tpu.memory_space<vmem>>
    %dma_start3A_428 = tpu.memref_squeeze %dma_start3A_427 : memref<1x50x128xf32, #tpu.memory_space<vmem>> -> memref<50x128xf32, #tpu.memory_space<vmem>>
    %dma_start3A_429 = arith.constant 0 : i32
    %dma_start3A_430 = tpu.memref_slice %arg5[%dma_start3A_423, %dma_start3A_429] : memref<256x50xi32, #tpu.memory_space<vmem>> -> memref<1x50xi32, #tpu.memory_space<vmem>>
    %dma_start3A_431 = tpu.memref_squeeze %dma_start3A_430 : memref<1x50xi32, #tpu.memory_space<vmem>> -> memref<50xi32, #tpu.memory_space<vmem>>
    %dma_start3A_432 = arith.constant 0 : i32
    %dma_start3A_433 = arith.constant 0 : i32
    %dma_start3A_434 = tpu.memref_slice %arg3[%dma_start3A_432, %dma_start3A_433] : memref<1000000x128xf32, #tpu.memory_space<hbm>> -> memref<1000000x128xf32, #tpu.memory_space<hbm>>
    tpu.enqueue_indirect_dma source(%dma_start3A_434 : memref<1000000x128xf32, #tpu.memory_space<hbm>>) target(%dma_start3A_428 : memref<50x128xf32, #tpu.memory_space<vmem>>) offsets(%dma_start3A_431 : memref<50xi32, #tpu.memory_space<vmem>>) semaphore(%arg11 : memref<!tpu.dma_semaphore, #tpu.memory_space<semaphore_mem>>)
    %dma_wait3A_435 = arith.constant 0 : i32
    %dma_wait3A_436 = arith.constant 6 : i32
    %dma_wait3A_437 = arith.constant 0 : i32
    %dma_wait3A_438 = arith.constant 0 : i32
    %dma_wait3A_439 = tpu.memref_slice %arg6[%dma_wait3A_436, %dma_wait3A_437, %dma_wait3A_438] : memref<8x50x128xf32, #tpu.memory_space<vmem>> -> memref<1x50x128xf32, #tpu.memory_space<vmem>>
    %dma_wait3A_440 = tpu.memref_squeeze %dma_wait3A_439 : memref<1x50x128xf32, #tpu.memory_space<vmem>> -> memref<50x128xf32, #tpu.memory_space<vmem>>
    %dma_wait3A_441 = arith.constant 0 : i32
    %dma_wait3A_442 = tpu.memref_slice %arg5[%dma_wait3A_435, %dma_wait3A_441] : memref<256x50xi32, #tpu.memory_space<vmem>> -> memref<1x50xi32, #tpu.memory_space<vmem>>
    %dma_wait3A_443 = tpu.memref_squeeze %dma_wait3A_442 : memref<1x50xi32, #tpu.memory_space<vmem>> -> memref<50xi32, #tpu.memory_space<vmem>>
    %dma_wait3A_444 = arith.constant 0 : i32
    %dma_wait3A_445 = arith.constant 0 : i32
    %dma_wait3A_446 = tpu.memref_slice %arg3[%dma_wait3A_444, %dma_wait3A_445] : memref<1000000x128xf32, #tpu.memory_space<hbm>> -> memref<1000000x128xf32, #tpu.memory_space<hbm>>
    tpu.wait_indirect_dma semaphore(%arg13 : memref<!tpu.dma_semaphore, #tpu.memory_space<semaphore_mem>>) src(%dma_wait3A_446 : memref<1000000x128xf32, #tpu.memory_space<hbm>>) dst(%dma_wait3A_440 : memref<50x128xf32, #tpu.memory_space<vmem>>)
    %add3A_447 = arith.constant 6 : i32
    %add3A_448 = arith.addi %add3A_4, %add3A_447 : i32
    %dma_start3A_449 = arith.constant 6 : i32
    %dma_start3A_450 = arith.constant 0 : i32
    %dma_start3A_451 = arith.constant 0 : i32
    %dma_start3A_452 = tpu.memref_slice %arg6[%dma_start3A_449, %dma_start3A_450, %dma_start3A_451] : memref<8x50x128xf32, #tpu.memory_space<vmem>> -> memref<1x50x128xf32, #tpu.memory_space<vmem>>
    %dma_start3A_453 = tpu.memref_squeeze %dma_start3A_452 : memref<1x50x128xf32, #tpu.memory_space<vmem>> -> memref<50x128xf32, #tpu.memory_space<vmem>>
    %dma_start3A_454 = arith.constant 0 : i32
    %dma_start3A_455 = arith.constant 0 : i32
    %dma_start3A_456 = tpu.memref_slice %arg4[%add3A_448, %dma_start3A_454, %dma_start3A_455] : memref<16384x50x128xf32, #tpu.memory_space<hbm>> -> memref<1x50x128xf32, #tpu.memory_space<hbm>>
    %dma_start3A_457 = tpu.memref_squeeze %dma_start3A_456 : memref<1x50x128xf32, #tpu.memory_space<hbm>> -> memref<50x128xf32, #tpu.memory_space<hbm>>
    %dma_start3A_458 = arith.constant 0 : i32
    %dma_start3A_459 = arith.constant 0 : i32
    %dma_start3A_460 = tpu.memref_slice %arg4[%add3A_448, %dma_start3A_458, %dma_start3A_459] : memref<16384x50x128xf32, #tpu.memory_space<hbm>> -> memref<1x50x128xf32, #tpu.memory_space<hbm>>
    %dma_start3A_461 = tpu.memref_squeeze %dma_start3A_460 : memref<1x50x128xf32, #tpu.memory_space<hbm>> -> memref<50x128xf32, #tpu.memory_space<hbm>>
    %dma_start3A_462 = arith.constant 0 : i32
    %dma_start3A_463 = arith.constant 0 : i32
    %dma_start3A_464 = tpu.memref_slice %arg6[%dma_start3A_449, %dma_start3A_462, %dma_start3A_463] : memref<8x50x128xf32, #tpu.memory_space<vmem>> -> memref<1x50x128xf32, #tpu.memory_space<vmem>>
    %dma_start3A_465 = tpu.memref_squeeze %dma_start3A_464 : memref<1x50x128xf32, #tpu.memory_space<vmem>> -> memref<50x128xf32, #tpu.memory_space<vmem>>
    tpu.enqueue_dma source(%dma_start3A_465 : memref<50x128xf32, #tpu.memory_space<vmem>>) target(%dma_start3A_461 : memref<50x128xf32, #tpu.memory_space<hbm>>) target_semaphore(%arg21 : memref<!tpu.dma_semaphore, #tpu.memory_space<semaphore_mem>>)
    %dma_wait3A_466 = arith.constant 5 : i32
    %dma_wait3A_467 = arith.constant 0 : i32
    %dma_wait3A_468 = arith.constant 0 : i32
    %dma_wait3A_469 = arith.constant 0 : i32
    %dma_wait3A_470 = tpu.memref_slice %arg6[%dma_wait3A_466, %dma_wait3A_468, %dma_wait3A_469] : memref<8x50x128xf32, #tpu.memory_space<vmem>> -> memref<1x50x128xf32, #tpu.memory_space<vmem>>
    %dma_wait3A_471 = tpu.memref_squeeze %dma_wait3A_470 : memref<1x50x128xf32, #tpu.memory_space<vmem>> -> memref<50x128xf32, #tpu.memory_space<vmem>>
    %dma_wait3A_472 = arith.constant 0 : i32
    %dma_wait3A_473 = arith.constant 0 : i32
    %dma_wait3A_474 = tpu.memref_slice %arg4[%dma_wait3A_467, %dma_wait3A_472, %dma_wait3A_473] : memref<16384x50x128xf32, #tpu.memory_space<hbm>> -> memref<1x50x128xf32, #tpu.memory_space<hbm>>
    %dma_wait3A_475 = tpu.memref_squeeze %dma_wait3A_474 : memref<1x50x128xf32, #tpu.memory_space<hbm>> -> memref<50x128xf32, #tpu.memory_space<hbm>>
    %dma_wait3A_476 = arith.constant 0 : i32
    %dma_wait3A_477 = arith.constant 0 : i32
    %dma_wait3A_478 = tpu.memref_slice %arg4[%dma_wait3A_467, %dma_wait3A_476, %dma_wait3A_477] : memref<16384x50x128xf32, #tpu.memory_space<hbm>> -> memref<1x50x128xf32, #tpu.memory_space<hbm>>
    %dma_wait3A_479 = tpu.memref_squeeze %dma_wait3A_478 : memref<1x50x128xf32, #tpu.memory_space<hbm>> -> memref<50x128xf32, #tpu.memory_space<hbm>>
    %dma_wait3A_480 = arith.constant 0 : i32
    %dma_wait3A_481 = arith.constant 0 : i32
    %dma_wait3A_482 = tpu.memref_slice %arg6[%dma_wait3A_466, %dma_wait3A_480, %dma_wait3A_481] : memref<8x50x128xf32, #tpu.memory_space<vmem>> -> memref<1x50x128xf32, #tpu.memory_space<vmem>>
    %dma_wait3A_483 = tpu.memref_squeeze %dma_wait3A_482 : memref<1x50x128xf32, #tpu.memory_space<vmem>> -> memref<50x128xf32, #tpu.memory_space<vmem>>
    tpu.wait_dma2 semaphore(%arg20 : memref<!tpu.dma_semaphore, #tpu.memory_space<semaphore_mem>>) src(%dma_wait3A_483 : memref<50x128xf32, #tpu.memory_space<vmem>>) dst(%dma_wait3A_479 : memref<50x128xf32, #tpu.memory_space<hbm>>)
    %dma_start3A_484 = arith.constant 13 : i32
    %dma_start3A_485 = arith.constant 5 : i32
    %dma_start3A_486 = arith.constant 0 : i32
    %dma_start3A_487 = arith.constant 0 : i32
    %dma_start3A_488 = tpu.memref_slice %arg6[%dma_start3A_485, %dma_start3A_486, %dma_start3A_487] : memref<8x50x128xf32, #tpu.memory_space<vmem>> -> memref<1x50x128xf32, #tpu.memory_space<vmem>>
    %dma_start3A_489 = tpu.memref_squeeze %dma_start3A_488 : memref<1x50x128xf32, #tpu.memory_space<vmem>> -> memref<50x128xf32, #tpu.memory_space<vmem>>
    %dma_start3A_490 = arith.constant 0 : i32
    %dma_start3A_491 = tpu.memref_slice %arg5[%dma_start3A_484, %dma_start3A_490] : memref<256x50xi32, #tpu.memory_space<vmem>> -> memref<1x50xi32, #tpu.memory_space<vmem>>
    %dma_start3A_492 = tpu.memref_squeeze %dma_start3A_491 : memref<1x50xi32, #tpu.memory_space<vmem>> -> memref<50xi32, #tpu.memory_space<vmem>>
    %dma_start3A_493 = arith.constant 0 : i32
    %dma_start3A_494 = arith.constant 0 : i32
    %dma_start3A_495 = tpu.memref_slice %arg3[%dma_start3A_493, %dma_start3A_494] : memref<1000000x128xf32, #tpu.memory_space<hbm>> -> memref<1000000x128xf32, #tpu.memory_space<hbm>>
    tpu.enqueue_indirect_dma source(%dma_start3A_495 : memref<1000000x128xf32, #tpu.memory_space<hbm>>) target(%dma_start3A_489 : memref<50x128xf32, #tpu.memory_space<vmem>>) offsets(%dma_start3A_492 : memref<50xi32, #tpu.memory_space<vmem>>) semaphore(%arg12 : memref<!tpu.dma_semaphore, #tpu.memory_space<semaphore_mem>>)
    %dma_wait3A_496 = arith.constant 0 : i32
    %dma_wait3A_497 = arith.constant 7 : i32
    %dma_wait3A_498 = arith.constant 0 : i32
    %dma_wait3A_499 = arith.constant 0 : i32
    %dma_wait3A_500 = tpu.memref_slice %arg6[%dma_wait3A_497, %dma_wait3A_498, %dma_wait3A_499] : memref<8x50x128xf32, #tpu.memory_space<vmem>> -> memref<1x50x128xf32, #tpu.memory_space<vmem>>
    %dma_wait3A_501 = tpu.memref_squeeze %dma_wait3A_500 : memref<1x50x128xf32, #tpu.memory_space<vmem>> -> memref<50x128xf32, #tpu.memory_space<vmem>>
    %dma_wait3A_502 = arith.constant 0 : i32
    %dma_wait3A_503 = tpu.memref_slice %arg5[%dma_wait3A_496, %dma_wait3A_502] : memref<256x50xi32, #tpu.memory_space<vmem>> -> memref<1x50xi32, #tpu.memory_space<vmem>>
    %dma_wait3A_504 = tpu.memref_squeeze %dma_wait3A_503 : memref<1x50xi32, #tpu.memory_space<vmem>> -> memref<50xi32, #tpu.memory_space<vmem>>
    %dma_wait3A_505 = arith.constant 0 : i32
    %dma_wait3A_506 = arith.constant 0 : i32
    %dma_wait3A_507 = tpu.memref_slice %arg3[%dma_wait3A_505, %dma_wait3A_506] : memref<1000000x128xf32, #tpu.memory_space<hbm>> -> memref<1000000x128xf32, #tpu.memory_space<hbm>>
    tpu.wait_indirect_dma semaphore(%arg14 : memref<!tpu.dma_semaphore, #tpu.memory_space<semaphore_mem>>) src(%dma_wait3A_507 : memref<1000000x128xf32, #tpu.memory_space<hbm>>) dst(%dma_wait3A_501 : memref<50x128xf32, #tpu.memory_space<vmem>>)
    %add3A_508 = arith.constant 7 : i32
    %add3A_509 = arith.addi %add3A_4, %add3A_508 : i32
    %dma_start3A_510 = arith.constant 7 : i32
    %dma_start3A_511 = arith.constant 0 : i32
    %dma_start3A_512 = arith.constant 0 : i32
    %dma_start3A_513 = tpu.memref_slice %arg6[%dma_start3A_510, %dma_start3A_511, %dma_start3A_512] : memref<8x50x128xf32, #tpu.memory_space<vmem>> -> memref<1x50x128xf32, #tpu.memory_space<vmem>>
    %dma_start3A_514 = tpu.memref_squeeze %dma_start3A_513 : memref<1x50x128xf32, #tpu.memory_space<vmem>> -> memref<50x128xf32, #tpu.memory_space<vmem>>
    %dma_start3A_515 = arith.constant 0 : i32
    %dma_start3A_516 = arith.constant 0 : i32
    %dma_start3A_517 = tpu.memref_slice %arg4[%add3A_509, %dma_start3A_515, %dma_start3A_516] : memref<16384x50x128xf32, #tpu.memory_space<hbm>> -> memref<1x50x128xf32, #tpu.memory_space<hbm>>
    %dma_start3A_518 = tpu.memref_squeeze %dma_start3A_517 : memref<1x50x128xf32, #tpu.memory_space<hbm>> -> memref<50x128xf32, #tpu.memory_space<hbm>>
    %dma_start3A_519 = arith.constant 0 : i32
    %dma_start3A_520 = arith.constant 0 : i32
    %dma_start3A_521 = tpu.memref_slice %arg4[%add3A_509, %dma_start3A_519, %dma_start3A_520] : memref<16384x50x128xf32, #tpu.memory_space<hbm>> -> memref<1x50x128xf32, #tpu.memory_space<hbm>>
    %dma_start3A_522 = tpu.memref_squeeze %dma_start3A_521 : memref<1x50x128xf32, #tpu.memory_space<hbm>> -> memref<50x128xf32, #tpu.memory_space<hbm>>
    %dma_start3A_523 = arith.constant 0 : i32
    %dma_start3A_524 = arith.constant 0 : i32
    %dma_start3A_525 = tpu.memref_slice %arg6[%dma_start3A_510, %dma_start3A_523, %dma_start3A_524] : memref<8x50x128xf32, #tpu.memory_space<vmem>> -> memref<1x50x128xf32, #tpu.memory_space<vmem>>
    %dma_start3A_526 = tpu.memref_squeeze %dma_start3A_525 : memref<1x50x128xf32, #tpu.memory_space<vmem>> -> memref<50x128xf32, #tpu.memory_space<vmem>>
    tpu.enqueue_dma source(%dma_start3A_526 : memref<50x128xf32, #tpu.memory_space<vmem>>) target(%dma_start3A_522 : memref<50x128xf32, #tpu.memory_space<hbm>>) target_semaphore(%arg22 : memref<!tpu.dma_semaphore, #tpu.memory_space<semaphore_mem>>)
    %scan3A = arith.constant 0 : i32
    %scan3A_527 = arith.constant 1 : i32
    %scan3A_528 = arith.constant 30 : i32
    %scan3A_529 = arith.addi %scan3A_527, %scan3A_528 : i32
    %scan3A_530 = arith.constant 1 : i32
    scf.for %scan3A_1968 = %scan3A_527 to %scan3A_529 step %scan3A_530  : i32 {
      %mul3A_1969 = arith.constant 8 : i32
      %mul3A_1970 = arith.muli %scan3A_1968, %mul3A_1969 : i32
      %add3A_1971 = arith.constant 0 : i32
      %add3A_1972 = arith.addi %mul3A_1970, %add3A_1971 : i32
      %dma_wait3A_1973 = arith.constant 6 : i32
      %dma_wait3A_1974 = arith.constant 0 : i32
      %dma_wait3A_1975 = arith.constant 0 : i32
      %dma_wait3A_1976 = arith.constant 0 : i32
      %dma_wait3A_1977 = tpu.memref_slice %arg6[%dma_wait3A_1973, %dma_wait3A_1975, %dma_wait3A_1976] : memref<8x50x128xf32, #tpu.memory_space<vmem>> -> memref<1x50x128xf32, #tpu.memory_space<vmem>>
      %dma_wait3A_1978 = tpu.memref_squeeze %dma_wait3A_1977 : memref<1x50x128xf32, #tpu.memory_space<vmem>> -> memref<50x128xf32, #tpu.memory_space<vmem>>
      %dma_wait3A_1979 = arith.constant 0 : i32
      %dma_wait3A_1980 = arith.constant 0 : i32
      %dma_wait3A_1981 = tpu.memref_slice %arg4[%dma_wait3A_1974, %dma_wait3A_1979, %dma_wait3A_1980] : memref<16384x50x128xf32, #tpu.memory_space<hbm>> -> memref<1x50x128xf32, #tpu.memory_space<hbm>>
      %dma_wait3A_1982 = tpu.memref_squeeze %dma_wait3A_1981 : memref<1x50x128xf32, #tpu.memory_space<hbm>> -> memref<50x128xf32, #tpu.memory_space<hbm>>
      %dma_wait3A_1983 = arith.constant 0 : i32
      %dma_wait3A_1984 = arith.constant 0 : i32
      %dma_wait3A_1985 = tpu.memref_slice %arg4[%dma_wait3A_1974, %dma_wait3A_1983, %dma_wait3A_1984] : memref<16384x50x128xf32, #tpu.memory_space<hbm>> -> memref<1x50x128xf32, #tpu.memory_space<hbm>>
      %dma_wait3A_1986 = tpu.memref_squeeze %dma_wait3A_1985 : memref<1x50x128xf32, #tpu.memory_space<hbm>> -> memref<50x128xf32, #tpu.memory_space<hbm>>
      %dma_wait3A_1987 = arith.constant 0 : i32
      %dma_wait3A_1988 = arith.constant 0 : i32
      %dma_wait3A_1989 = tpu.memref_slice %arg6[%dma_wait3A_1973, %dma_wait3A_1987, %dma_wait3A_1988] : memref<8x50x128xf32, #tpu.memory_space<vmem>> -> memref<1x50x128xf32, #tpu.memory_space<vmem>>
      %dma_wait3A_1990 = tpu.memref_squeeze %dma_wait3A_1989 : memref<1x50x128xf32, #tpu.memory_space<vmem>> -> memref<50x128xf32, #tpu.memory_space<vmem>>
      tpu.wait_dma2 semaphore(%arg21 : memref<!tpu.dma_semaphore, #tpu.memory_space<semaphore_mem>>) src(%dma_wait3A_1990 : memref<50x128xf32, #tpu.memory_space<vmem>>) dst(%dma_wait3A_1986 : memref<50x128xf32, #tpu.memory_space<hbm>>)
      %add3A_1991 = arith.constant 6 : i32
      %add3A_1992 = arith.addi %add3A_1972, %add3A_1991 : i32
      %dma_start3A_1993 = arith.constant 6 : i32
      %dma_start3A_1994 = arith.constant 0 : i32
      %dma_start3A_1995 = arith.constant 0 : i32
      %dma_start3A_1996 = tpu.memref_slice %arg6[%dma_start3A_1993, %dma_start3A_1994, %dma_start3A_1995] : memref<8x50x128xf32, #tpu.memory_space<vmem>> -> memref<1x50x128xf32, #tpu.memory_space<vmem>>
      %dma_start3A_1997 = tpu.memref_squeeze %dma_start3A_1996 : memref<1x50x128xf32, #tpu.memory_space<vmem>> -> memref<50x128xf32, #tpu.memory_space<vmem>>
      %dma_start3A_1998 = arith.constant 0 : i32
      %dma_start3A_1999 = tpu.memref_slice %arg5[%add3A_1992, %dma_start3A_1998] : memref<256x50xi32, #tpu.memory_space<vmem>> -> memref<1x50xi32, #tpu.memory_space<vmem>>
      %dma_start3A_2000 = tpu.memref_squeeze %dma_start3A_1999 : memref<1x50xi32, #tpu.memory_space<vmem>> -> memref<50xi32, #tpu.memory_space<vmem>>
      %dma_start3A_2001 = arith.constant 0 : i32
      %dma_start3A_2002 = arith.constant 0 : i32
      %dma_start3A_2003 = tpu.memref_slice %arg3[%dma_start3A_2001, %dma_start3A_2002] : memref<1000000x128xf32, #tpu.memory_space<hbm>> -> memref<1000000x128xf32, #tpu.memory_space<hbm>>
      tpu.enqueue_indirect_dma source(%dma_start3A_2003 : memref<1000000x128xf32, #tpu.memory_space<hbm>>) target(%dma_start3A_1997 : memref<50x128xf32, #tpu.memory_space<vmem>>) offsets(%dma_start3A_2000 : memref<50xi32, #tpu.memory_space<vmem>>) semaphore(%arg13 : memref<!tpu.dma_semaphore, #tpu.memory_space<semaphore_mem>>)
      %dma_wait3A_2004 = arith.constant 0 : i32
      %dma_wait3A_2005 = arith.constant 0 : i32
      %dma_wait3A_2006 = arith.constant 0 : i32
      %dma_wait3A_2007 = arith.constant 0 : i32
      %dma_wait3A_2008 = tpu.memref_slice %arg6[%dma_wait3A_2005, %dma_wait3A_2006, %dma_wait3A_2007] : memref<8x50x128xf32, #tpu.memory_space<vmem>> -> memref<1x50x128xf32, #tpu.memory_space<vmem>>
      %dma_wait3A_2009 = tpu.memref_squeeze %dma_wait3A_2008 : memref<1x50x128xf32, #tpu.memory_space<vmem>> -> memref<50x128xf32, #tpu.memory_space<vmem>>
      %dma_wait3A_2010 = arith.constant 0 : i32
      %dma_wait3A_2011 = tpu.memref_slice %arg5[%dma_wait3A_2004, %dma_wait3A_2010] : memref<256x50xi32, #tpu.memory_space<vmem>> -> memref<1x50xi32, #tpu.memory_space<vmem>>
      %dma_wait3A_2012 = tpu.memref_squeeze %dma_wait3A_2011 : memref<1x50xi32, #tpu.memory_space<vmem>> -> memref<50xi32, #tpu.memory_space<vmem>>
      %dma_wait3A_2013 = arith.constant 0 : i32
      %dma_wait3A_2014 = arith.constant 0 : i32
      %dma_wait3A_2015 = tpu.memref_slice %arg3[%dma_wait3A_2013, %dma_wait3A_2014] : memref<1000000x128xf32, #tpu.memory_space<hbm>> -> memref<1000000x128xf32, #tpu.memory_space<hbm>>
      tpu.wait_indirect_dma semaphore(%arg7 : memref<!tpu.dma_semaphore, #tpu.memory_space<semaphore_mem>>) src(%dma_wait3A_2015 : memref<1000000x128xf32, #tpu.memory_space<hbm>>) dst(%dma_wait3A_2009 : memref<50x128xf32, #tpu.memory_space<vmem>>)
      %add3A_2016 = arith.addi %add3A_4, %add3A_1972 : i32
      %dma_start3A_2017 = arith.constant 0 : i32
      %dma_start3A_2018 = arith.constant 0 : i32
      %dma_start3A_2019 = arith.constant 0 : i32
      %dma_start3A_2020 = tpu.memref_slice %arg6[%dma_start3A_2017, %dma_start3A_2018, %dma_start3A_2019] : memref<8x50x128xf32, #tpu.memory_space<vmem>> -> memref<1x50x128xf32, #tpu.memory_space<vmem>>
      %dma_start3A_2021 = tpu.memref_squeeze %dma_start3A_2020 : memref<1x50x128xf32, #tpu.memory_space<vmem>> -> memref<50x128xf32, #tpu.memory_space<vmem>>
      %dma_start3A_2022 = arith.constant 0 : i32
      %dma_start3A_2023 = arith.constant 0 : i32
      %dma_start3A_2024 = tpu.memref_slice %arg4[%add3A_2016, %dma_start3A_2022, %dma_start3A_2023] : memref<16384x50x128xf32, #tpu.memory_space<hbm>> -> memref<1x50x128xf32, #tpu.memory_space<hbm>>
      %dma_start3A_2025 = tpu.memref_squeeze %dma_start3A_2024 : memref<1x50x128xf32, #tpu.memory_space<hbm>> -> memref<50x128xf32, #tpu.memory_space<hbm>>
      %dma_start3A_2026 = arith.constant 0 : i32
      %dma_start3A_2027 = arith.constant 0 : i32
      %dma_start3A_2028 = tpu.memref_slice %arg4[%add3A_2016, %dma_start3A_2026, %dma_start3A_2027] : memref<16384x50x128xf32, #tpu.memory_space<hbm>> -> memref<1x50x128xf32, #tpu.memory_space<hbm>>
      %dma_start3A_2029 = tpu.memref_squeeze %dma_start3A_2028 : memref<1x50x128xf32, #tpu.memory_space<hbm>> -> memref<50x128xf32, #tpu.memory_space<hbm>>
      %dma_start3A_2030 = arith.constant 0 : i32
      %dma_start3A_2031 = arith.constant 0 : i32
      %dma_start3A_2032 = tpu.memref_slice %arg6[%dma_start3A_2017, %dma_start3A_2030, %dma_start3A_2031] : memref<8x50x128xf32, #tpu.memory_space<vmem>> -> memref<1x50x128xf32, #tpu.memory_space<vmem>>
      %dma_start3A_2033 = tpu.memref_squeeze %dma_start3A_2032 : memref<1x50x128xf32, #tpu.memory_space<vmem>> -> memref<50x128xf32, #tpu.memory_space<vmem>>
      tpu.enqueue_dma source(%dma_start3A_2033 : memref<50x128xf32, #tpu.memory_space<vmem>>) target(%dma_start3A_2029 : memref<50x128xf32, #tpu.memory_space<hbm>>) target_semaphore(%arg15 : memref<!tpu.dma_semaphore, #tpu.memory_space<semaphore_mem>>)
      %mul3A_2034 = arith.constant 8 : i32
      %mul3A_2035 = arith.muli %scan3A_1968, %mul3A_2034 : i32
      %add3A_2036 = arith.constant 1 : i32
      %add3A_2037 = arith.addi %mul3A_2035, %add3A_2036 : i32
      %dma_wait3A_2038 = arith.constant 7 : i32
      %dma_wait3A_2039 = arith.constant 0 : i32
      %dma_wait3A_2040 = arith.constant 0 : i32
      %dma_wait3A_2041 = arith.constant 0 : i32
      %dma_wait3A_2042 = tpu.memref_slice %arg6[%dma_wait3A_2038, %dma_wait3A_2040, %dma_wait3A_2041] : memref<8x50x128xf32, #tpu.memory_space<vmem>> -> memref<1x50x128xf32, #tpu.memory_space<vmem>>
      %dma_wait3A_2043 = tpu.memref_squeeze %dma_wait3A_2042 : memref<1x50x128xf32, #tpu.memory_space<vmem>> -> memref<50x128xf32, #tpu.memory_space<vmem>>
      %dma_wait3A_2044 = arith.constant 0 : i32
      %dma_wait3A_2045 = arith.constant 0 : i32
      %dma_wait3A_2046 = tpu.memref_slice %arg4[%dma_wait3A_2039, %dma_wait3A_2044, %dma_wait3A_2045] : memref<16384x50x128xf32, #tpu.memory_space<hbm>> -> memref<1x50x128xf32, #tpu.memory_space<hbm>>
      %dma_wait3A_2047 = tpu.memref_squeeze %dma_wait3A_2046 : memref<1x50x128xf32, #tpu.memory_space<hbm>> -> memref<50x128xf32, #tpu.memory_space<hbm>>
      %dma_wait3A_2048 = arith.constant 0 : i32
      %dma_wait3A_2049 = arith.constant 0 : i32
      %dma_wait3A_2050 = tpu.memref_slice %arg4[%dma_wait3A_2039, %dma_wait3A_2048, %dma_wait3A_2049] : memref<16384x50x128xf32, #tpu.memory_space<hbm>> -> memref<1x50x128xf32, #tpu.memory_space<hbm>>
      %dma_wait3A_2051 = tpu.memref_squeeze %dma_wait3A_2050 : memref<1x50x128xf32, #tpu.memory_space<hbm>> -> memref<50x128xf32, #tpu.memory_space<hbm>>
      %dma_wait3A_2052 = arith.constant 0 : i32
      %dma_wait3A_2053 = arith.constant 0 : i32
      %dma_wait3A_2054 = tpu.memref_slice %arg6[%dma_wait3A_2038, %dma_wait3A_2052, %dma_wait3A_2053] : memref<8x50x128xf32, #tpu.memory_space<vmem>> -> memref<1x50x128xf32, #tpu.memory_space<vmem>>
      %dma_wait3A_2055 = tpu.memref_squeeze %dma_wait3A_2054 : memref<1x50x128xf32, #tpu.memory_space<vmem>> -> memref<50x128xf32, #tpu.memory_space<vmem>>
      tpu.wait_dma2 semaphore(%arg22 : memref<!tpu.dma_semaphore, #tpu.memory_space<semaphore_mem>>) src(%dma_wait3A_2055 : memref<50x128xf32, #tpu.memory_space<vmem>>) dst(%dma_wait3A_2051 : memref<50x128xf32, #tpu.memory_space<hbm>>)
      %add3A_2056 = arith.constant 6 : i32
      %add3A_2057 = arith.addi %add3A_2037, %add3A_2056 : i32
      %dma_start3A_2058 = arith.constant 7 : i32
      %dma_start3A_2059 = arith.constant 0 : i32
      %dma_start3A_2060 = arith.constant 0 : i32
      %dma_start3A_2061 = tpu.memref_slice %arg6[%dma_start3A_2058, %dma_start3A_2059, %dma_start3A_2060] : memref<8x50x128xf32, #tpu.memory_space<vmem>> -> memref<1x50x128xf32, #tpu.memory_space<vmem>>
      %dma_start3A_2062 = tpu.memref_squeeze %dma_start3A_2061 : memref<1x50x128xf32, #tpu.memory_space<vmem>> -> memref<50x128xf32, #tpu.memory_space<vmem>>
      %dma_start3A_2063 = arith.constant 0 : i32
      %dma_start3A_2064 = tpu.memref_slice %arg5[%add3A_2057, %dma_start3A_2063] : memref<256x50xi32, #tpu.memory_space<vmem>> -> memref<1x50xi32, #tpu.memory_space<vmem>>
      %dma_start3A_2065 = tpu.memref_squeeze %dma_start3A_2064 : memref<1x50xi32, #tpu.memory_space<vmem>> -> memref<50xi32, #tpu.memory_space<vmem>>
      %dma_start3A_2066 = arith.constant 0 : i32
      %dma_start3A_2067 = arith.constant 0 : i32
      %dma_start3A_2068 = tpu.memref_slice %arg3[%dma_start3A_2066, %dma_start3A_2067] : memref<1000000x128xf32, #tpu.memory_space<hbm>> -> memref<1000000x128xf32, #tpu.memory_space<hbm>>
      tpu.enqueue_indirect_dma source(%dma_start3A_2068 : memref<1000000x128xf32, #tpu.memory_space<hbm>>) target(%dma_start3A_2062 : memref<50x128xf32, #tpu.memory_space<vmem>>) offsets(%dma_start3A_2065 : memref<50xi32, #tpu.memory_space<vmem>>) semaphore(%arg14 : memref<!tpu.dma_semaphore, #tpu.memory_space<semaphore_mem>>)
      %dma_wait3A_2069 = arith.constant 0 : i32
      %dma_wait3A_2070 = arith.constant 1 : i32
      %dma_wait3A_2071 = arith.constant 0 : i32
      %dma_wait3A_2072 = arith.constant 0 : i32
      %dma_wait3A_2073 = tpu.memref_slice %arg6[%dma_wait3A_2070, %dma_wait3A_2071, %dma_wait3A_2072] : memref<8x50x128xf32, #tpu.memory_space<vmem>> -> memref<1x50x128xf32, #tpu.memory_space<vmem>>
      %dma_wait3A_2074 = tpu.memref_squeeze %dma_wait3A_2073 : memref<1x50x128xf32, #tpu.memory_space<vmem>> -> memref<50x128xf32, #tpu.memory_space<vmem>>
      %dma_wait3A_2075 = arith.constant 0 : i32
      %dma_wait3A_2076 = tpu.memref_slice %arg5[%dma_wait3A_2069, %dma_wait3A_2075] : memref<256x50xi32, #tpu.memory_space<vmem>> -> memref<1x50xi32, #tpu.memory_space<vmem>>
      %dma_wait3A_2077 = tpu.memref_squeeze %dma_wait3A_2076 : memref<1x50xi32, #tpu.memory_space<vmem>> -> memref<50xi32, #tpu.memory_space<vmem>>
      %dma_wait3A_2078 = arith.constant 0 : i32
      %dma_wait3A_2079 = arith.constant 0 : i32
      %dma_wait3A_2080 = tpu.memref_slice %arg3[%dma_wait3A_2078, %dma_wait3A_2079] : memref<1000000x128xf32, #tpu.memory_space<hbm>> -> memref<1000000x128xf32, #tpu.memory_space<hbm>>
      tpu.wait_indirect_dma semaphore(%arg8 : memref<!tpu.dma_semaphore, #tpu.memory_space<semaphore_mem>>) src(%dma_wait3A_2080 : memref<1000000x128xf32, #tpu.memory_space<hbm>>) dst(%dma_wait3A_2074 : memref<50x128xf32, #tpu.memory_space<vmem>>)
      %add3A_2081 = arith.addi %add3A_4, %add3A_2037 : i32
      %dma_start3A_2082 = arith.constant 1 : i32
      %dma_start3A_2083 = arith.constant 0 : i32
      %dma_start3A_2084 = arith.constant 0 : i32
      %dma_start3A_2085 = tpu.memref_slice %arg6[%dma_start3A_2082, %dma_start3A_2083, %dma_start3A_2084] : memref<8x50x128xf32, #tpu.memory_space<vmem>> -> memref<1x50x128xf32, #tpu.memory_space<vmem>>
      %dma_start3A_2086 = tpu.memref_squeeze %dma_start3A_2085 : memref<1x50x128xf32, #tpu.memory_space<vmem>> -> memref<50x128xf32, #tpu.memory_space<vmem>>
      %dma_start3A_2087 = arith.constant 0 : i32
      %dma_start3A_2088 = arith.constant 0 : i32
      %dma_start3A_2089 = tpu.memref_slice %arg4[%add3A_2081, %dma_start3A_2087, %dma_start3A_2088] : memref<16384x50x128xf32, #tpu.memory_space<hbm>> -> memref<1x50x128xf32, #tpu.memory_space<hbm>>
      %dma_start3A_2090 = tpu.memref_squeeze %dma_start3A_2089 : memref<1x50x128xf32, #tpu.memory_space<hbm>> -> memref<50x128xf32, #tpu.memory_space<hbm>>
      %dma_start3A_2091 = arith.constant 0 : i32
      %dma_start3A_2092 = arith.constant 0 : i32
      %dma_start3A_2093 = tpu.memref_slice %arg4[%add3A_2081, %dma_start3A_2091, %dma_start3A_2092] : memref<16384x50x128xf32, #tpu.memory_space<hbm>> -> memref<1x50x128xf32, #tpu.memory_space<hbm>>
      %dma_start3A_2094 = tpu.memref_squeeze %dma_start3A_2093 : memref<1x50x128xf32, #tpu.memory_space<hbm>> -> memref<50x128xf32, #tpu.memory_space<hbm>>
      %dma_start3A_2095 = arith.constant 0 : i32
      %dma_start3A_2096 = arith.constant 0 : i32
      %dma_start3A_2097 = tpu.memref_slice %arg6[%dma_start3A_2082, %dma_start3A_2095, %dma_start3A_2096] : memref<8x50x128xf32, #tpu.memory_space<vmem>> -> memref<1x50x128xf32, #tpu.memory_space<vmem>>
      %dma_start3A_2098 = tpu.memref_squeeze %dma_start3A_2097 : memref<1x50x128xf32, #tpu.memory_space<vmem>> -> memref<50x128xf32, #tpu.memory_space<vmem>>
      tpu.enqueue_dma source(%dma_start3A_2098 : memref<50x128xf32, #tpu.memory_space<vmem>>) target(%dma_start3A_2094 : memref<50x128xf32, #tpu.memory_space<hbm>>) target_semaphore(%arg16 : memref<!tpu.dma_semaphore, #tpu.memory_space<semaphore_mem>>)
      %mul3A_2099 = arith.constant 8 : i32
      %mul3A_2100 = arith.muli %scan3A_1968, %mul3A_2099 : i32
      %add3A_2101 = arith.constant 2 : i32
      %add3A_2102 = arith.addi %mul3A_2100, %add3A_2101 : i32
      %dma_wait3A_2103 = arith.constant 0 : i32
      %dma_wait3A_2104 = arith.constant 0 : i32
      %dma_wait3A_2105 = arith.constant 0 : i32
      %dma_wait3A_2106 = arith.constant 0 : i32
      %dma_wait3A_2107 = tpu.memref_slice %arg6[%dma_wait3A_2103, %dma_wait3A_2105, %dma_wait3A_2106] : memref<8x50x128xf32, #tpu.memory_space<vmem>> -> memref<1x50x128xf32, #tpu.memory_space<vmem>>
      %dma_wait3A_2108 = tpu.memref_squeeze %dma_wait3A_2107 : memref<1x50x128xf32, #tpu.memory_space<vmem>> -> memref<50x128xf32, #tpu.memory_space<vmem>>
      %dma_wait3A_2109 = arith.constant 0 : i32
      %dma_wait3A_2110 = arith.constant 0 : i32
      %dma_wait3A_2111 = tpu.memref_slice %arg4[%dma_wait3A_2104, %dma_wait3A_2109, %dma_wait3A_2110] : memref<16384x50x128xf32, #tpu.memory_space<hbm>> -> memref<1x50x128xf32, #tpu.memory_space<hbm>>
      %dma_wait3A_2112 = tpu.memref_squeeze %dma_wait3A_2111 : memref<1x50x128xf32, #tpu.memory_space<hbm>> -> memref<50x128xf32, #tpu.memory_space<hbm>>
      %dma_wait3A_2113 = arith.constant 0 : i32
      %dma_wait3A_2114 = arith.constant 0 : i32
      %dma_wait3A_2115 = tpu.memref_slice %arg4[%dma_wait3A_2104, %dma_wait3A_2113, %dma_wait3A_2114] : memref<16384x50x128xf32, #tpu.memory_space<hbm>> -> memref<1x50x128xf32, #tpu.memory_space<hbm>>
      %dma_wait3A_2116 = tpu.memref_squeeze %dma_wait3A_2115 : memref<1x50x128xf32, #tpu.memory_space<hbm>> -> memref<50x128xf32, #tpu.memory_space<hbm>>
      %dma_wait3A_2117 = arith.constant 0 : i32
      %dma_wait3A_2118 = arith.constant 0 : i32
      %dma_wait3A_2119 = tpu.memref_slice %arg6[%dma_wait3A_2103, %dma_wait3A_2117, %dma_wait3A_2118] : memref<8x50x128xf32, #tpu.memory_space<vmem>> -> memref<1x50x128xf32, #tpu.memory_space<vmem>>
      %dma_wait3A_2120 = tpu.memref_squeeze %dma_wait3A_2119 : memref<1x50x128xf32, #tpu.memory_space<vmem>> -> memref<50x128xf32, #tpu.memory_space<vmem>>
      tpu.wait_dma2 semaphore(%arg15 : memref<!tpu.dma_semaphore, #tpu.memory_space<semaphore_mem>>) src(%dma_wait3A_2120 : memref<50x128xf32, #tpu.memory_space<vmem>>) dst(%dma_wait3A_2116 : memref<50x128xf32, #tpu.memory_space<hbm>>)
      %add3A_2121 = arith.constant 6 : i32
      %add3A_2122 = arith.addi %add3A_2102, %add3A_2121 : i32
      %dma_start3A_2123 = arith.constant 0 : i32
      %dma_start3A_2124 = arith.constant 0 : i32
      %dma_start3A_2125 = arith.constant 0 : i32
      %dma_start3A_2126 = tpu.memref_slice %arg6[%dma_start3A_2123, %dma_start3A_2124, %dma_start3A_2125] : memref<8x50x128xf32, #tpu.memory_space<vmem>> -> memref<1x50x128xf32, #tpu.memory_space<vmem>>
      %dma_start3A_2127 = tpu.memref_squeeze %dma_start3A_2126 : memref<1x50x128xf32, #tpu.memory_space<vmem>> -> memref<50x128xf32, #tpu.memory_space<vmem>>
      %dma_start3A_2128 = arith.constant 0 : i32
      %dma_start3A_2129 = tpu.memref_slice %arg5[%add3A_2122, %dma_start3A_2128] : memref<256x50xi32, #tpu.memory_space<vmem>> -> memref<1x50xi32, #tpu.memory_space<vmem>>
      %dma_start3A_2130 = tpu.memref_squeeze %dma_start3A_2129 : memref<1x50xi32, #tpu.memory_space<vmem>> -> memref<50xi32, #tpu.memory_space<vmem>>
      %dma_start3A_2131 = arith.constant 0 : i32
      %dma_start3A_2132 = arith.constant 0 : i32
      %dma_start3A_2133 = tpu.memref_slice %arg3[%dma_start3A_2131, %dma_start3A_2132] : memref<1000000x128xf32, #tpu.memory_space<hbm>> -> memref<1000000x128xf32, #tpu.memory_space<hbm>>
      tpu.enqueue_indirect_dma source(%dma_start3A_2133 : memref<1000000x128xf32, #tpu.memory_space<hbm>>) target(%dma_start3A_2127 : memref<50x128xf32, #tpu.memory_space<vmem>>) offsets(%dma_start3A_2130 : memref<50xi32, #tpu.memory_space<vmem>>) semaphore(%arg7 : memref<!tpu.dma_semaphore, #tpu.memory_space<semaphore_mem>>)
      %dma_wait3A_2134 = arith.constant 0 : i32
      %dma_wait3A_2135 = arith.constant 2 : i32
      %dma_wait3A_2136 = arith.constant 0 : i32
      %dma_wait3A_2137 = arith.constant 0 : i32
      %dma_wait3A_2138 = tpu.memref_slice %arg6[%dma_wait3A_2135, %dma_wait3A_2136, %dma_wait3A_2137] : memref<8x50x128xf32, #tpu.memory_space<vmem>> -> memref<1x50x128xf32, #tpu.memory_space<vmem>>
      %dma_wait3A_2139 = tpu.memref_squeeze %dma_wait3A_2138 : memref<1x50x128xf32, #tpu.memory_space<vmem>> -> memref<50x128xf32, #tpu.memory_space<vmem>>
      %dma_wait3A_2140 = arith.constant 0 : i32
      %dma_wait3A_2141 = tpu.memref_slice %arg5[%dma_wait3A_2134, %dma_wait3A_2140] : memref<256x50xi32, #tpu.memory_space<vmem>> -> memref<1x50xi32, #tpu.memory_space<vmem>>
      %dma_wait3A_2142 = tpu.memref_squeeze %dma_wait3A_2141 : memref<1x50xi32, #tpu.memory_space<vmem>> -> memref<50xi32, #tpu.memory_space<vmem>>
      %dma_wait3A_2143 = arith.constant 0 : i32
      %dma_wait3A_2144 = arith.constant 0 : i32
      %dma_wait3A_2145 = tpu.memref_slice %arg3[%dma_wait3A_2143, %dma_wait3A_2144] : memref<1000000x128xf32, #tpu.memory_space<hbm>> -> memref<1000000x128xf32, #tpu.memory_space<hbm>>
      tpu.wait_indirect_dma semaphore(%arg9 : memref<!tpu.dma_semaphore, #tpu.memory_space<semaphore_mem>>) src(%dma_wait3A_2145 : memref<1000000x128xf32, #tpu.memory_space<hbm>>) dst(%dma_wait3A_2139 : memref<50x128xf32, #tpu.memory_space<vmem>>)
      %add3A_2146 = arith.addi %add3A_4, %add3A_2102 : i32
      %dma_start3A_2147 = arith.constant 2 : i32
      %dma_start3A_2148 = arith.constant 0 : i32
      %dma_start3A_2149 = arith.constant 0 : i32
      %dma_start3A_2150 = tpu.memref_slice %arg6[%dma_start3A_2147, %dma_start3A_2148, %dma_start3A_2149] : memref<8x50x128xf32, #tpu.memory_space<vmem>> -> memref<1x50x128xf32, #tpu.memory_space<vmem>>
      %dma_start3A_2151 = tpu.memref_squeeze %dma_start3A_2150 : memref<1x50x128xf32, #tpu.memory_space<vmem>> -> memref<50x128xf32, #tpu.memory_space<vmem>>
      %dma_start3A_2152 = arith.constant 0 : i32
      %dma_start3A_2153 = arith.constant 0 : i32
      %dma_start3A_2154 = tpu.memref_slice %arg4[%add3A_2146, %dma_start3A_2152, %dma_start3A_2153] : memref<16384x50x128xf32, #tpu.memory_space<hbm>> -> memref<1x50x128xf32, #tpu.memory_space<hbm>>
      %dma_start3A_2155 = tpu.memref_squeeze %dma_start3A_2154 : memref<1x50x128xf32, #tpu.memory_space<hbm>> -> memref<50x128xf32, #tpu.memory_space<hbm>>
      %dma_start3A_2156 = arith.constant 0 : i32
      %dma_start3A_2157 = arith.constant 0 : i32
      %dma_start3A_2158 = tpu.memref_slice %arg4[%add3A_2146, %dma_start3A_2156, %dma_start3A_2157] : memref<16384x50x128xf32, #tpu.memory_space<hbm>> -> memref<1x50x128xf32, #tpu.memory_space<hbm>>
      %dma_start3A_2159 = tpu.memref_squeeze %dma_start3A_2158 : memref<1x50x128xf32, #tpu.memory_space<hbm>> -> memref<50x128xf32, #tpu.memory_space<hbm>>
      %dma_start3A_2160 = arith.constant 0 : i32
      %dma_start3A_2161 = arith.constant 0 : i32
      %dma_start3A_2162 = tpu.memref_slice %arg6[%dma_start3A_2147, %dma_start3A_2160, %dma_start3A_2161] : memref<8x50x128xf32, #tpu.memory_space<vmem>> -> memref<1x50x128xf32, #tpu.memory_space<vmem>>
      %dma_start3A_2163 = tpu.memref_squeeze %dma_start3A_2162 : memref<1x50x128xf32, #tpu.memory_space<vmem>> -> memref<50x128xf32, #tpu.memory_space<vmem>>
      tpu.enqueue_dma source(%dma_start3A_2163 : memref<50x128xf32, #tpu.memory_space<vmem>>) target(%dma_start3A_2159 : memref<50x128xf32, #tpu.memory_space<hbm>>) target_semaphore(%arg17 : memref<!tpu.dma_semaphore, #tpu.memory_space<semaphore_mem>>)
      %mul3A_2164 = arith.constant 8 : i32
      %mul3A_2165 = arith.muli %scan3A_1968, %mul3A_2164 : i32
      %add3A_2166 = arith.constant 3 : i32
      %add3A_2167 = arith.addi %mul3A_2165, %add3A_2166 : i32
      %dma_wait3A_2168 = arith.constant 1 : i32
      %dma_wait3A_2169 = arith.constant 0 : i32
      %dma_wait3A_2170 = arith.constant 0 : i32
      %dma_wait3A_2171 = arith.constant 0 : i32
      %dma_wait3A_2172 = tpu.memref_slice %arg6[%dma_wait3A_2168, %dma_wait3A_2170, %dma_wait3A_2171] : memref<8x50x128xf32, #tpu.memory_space<vmem>> -> memref<1x50x128xf32, #tpu.memory_space<vmem>>
      %dma_wait3A_2173 = tpu.memref_squeeze %dma_wait3A_2172 : memref<1x50x128xf32, #tpu.memory_space<vmem>> -> memref<50x128xf32, #tpu.memory_space<vmem>>
      %dma_wait3A_2174 = arith.constant 0 : i32
      %dma_wait3A_2175 = arith.constant 0 : i32
      %dma_wait3A_2176 = tpu.memref_slice %arg4[%dma_wait3A_2169, %dma_wait3A_2174, %dma_wait3A_2175] : memref<16384x50x128xf32, #tpu.memory_space<hbm>> -> memref<1x50x128xf32, #tpu.memory_space<hbm>>
      %dma_wait3A_2177 = tpu.memref_squeeze %dma_wait3A_2176 : memref<1x50x128xf32, #tpu.memory_space<hbm>> -> memref<50x128xf32, #tpu.memory_space<hbm>>
      %dma_wait3A_2178 = arith.constant 0 : i32
      %dma_wait3A_2179 = arith.constant 0 : i32
      %dma_wait3A_2180 = tpu.memref_slice %arg4[%dma_wait3A_2169, %dma_wait3A_2178, %dma_wait3A_2179] : memref<16384x50x128xf32, #tpu.memory_space<hbm>> -> memref<1x50x128xf32, #tpu.memory_space<hbm>>
      %dma_wait3A_2181 = tpu.memref_squeeze %dma_wait3A_2180 : memref<1x50x128xf32, #tpu.memory_space<hbm>> -> memref<50x128xf32, #tpu.memory_space<hbm>>
      %dma_wait3A_2182 = arith.constant 0 : i32
      %dma_wait3A_2183 = arith.constant 0 : i32
      %dma_wait3A_2184 = tpu.memref_slice %arg6[%dma_wait3A_2168, %dma_wait3A_2182, %dma_wait3A_2183] : memref<8x50x128xf32, #tpu.memory_space<vmem>> -> memref<1x50x128xf32, #tpu.memory_space<vmem>>
      %dma_wait3A_2185 = tpu.memref_squeeze %dma_wait3A_2184 : memref<1x50x128xf32, #tpu.memory_space<vmem>> -> memref<50x128xf32, #tpu.memory_space<vmem>>
      tpu.wait_dma2 semaphore(%arg16 : memref<!tpu.dma_semaphore, #tpu.memory_space<semaphore_mem>>) src(%dma_wait3A_2185 : memref<50x128xf32, #tpu.memory_space<vmem>>) dst(%dma_wait3A_2181 : memref<50x128xf32, #tpu.memory_space<hbm>>)
      %add3A_2186 = arith.constant 6 : i32
      %add3A_2187 = arith.addi %add3A_2167, %add3A_2186 : i32
      %dma_start3A_2188 = arith.constant 1 : i32
      %dma_start3A_2189 = arith.constant 0 : i32
      %dma_start3A_2190 = arith.constant 0 : i32
      %dma_start3A_2191 = tpu.memref_slice %arg6[%dma_start3A_2188, %dma_start3A_2189, %dma_start3A_2190] : memref<8x50x128xf32, #tpu.memory_space<vmem>> -> memref<1x50x128xf32, #tpu.memory_space<vmem>>
      %dma_start3A_2192 = tpu.memref_squeeze %dma_start3A_2191 : memref<1x50x128xf32, #tpu.memory_space<vmem>> -> memref<50x128xf32, #tpu.memory_space<vmem>>
      %dma_start3A_2193 = arith.constant 0 : i32
      %dma_start3A_2194 = tpu.memref_slice %arg5[%add3A_2187, %dma_start3A_2193] : memref<256x50xi32, #tpu.memory_space<vmem>> -> memref<1x50xi32, #tpu.memory_space<vmem>>
      %dma_start3A_2195 = tpu.memref_squeeze %dma_start3A_2194 : memref<1x50xi32, #tpu.memory_space<vmem>> -> memref<50xi32, #tpu.memory_space<vmem>>
      %dma_start3A_2196 = arith.constant 0 : i32
      %dma_start3A_2197 = arith.constant 0 : i32
      %dma_start3A_2198 = tpu.memref_slice %arg3[%dma_start3A_2196, %dma_start3A_2197] : memref<1000000x128xf32, #tpu.memory_space<hbm>> -> memref<1000000x128xf32, #tpu.memory_space<hbm>>
      tpu.enqueue_indirect_dma source(%dma_start3A_2198 : memref<1000000x128xf32, #tpu.memory_space<hbm>>) target(%dma_start3A_2192 : memref<50x128xf32, #tpu.memory_space<vmem>>) offsets(%dma_start3A_2195 : memref<50xi32, #tpu.memory_space<vmem>>) semaphore(%arg8 : memref<!tpu.dma_semaphore, #tpu.memory_space<semaphore_mem>>)
      %dma_wait3A_2199 = arith.constant 0 : i32
      %dma_wait3A_2200 = arith.constant 3 : i32
      %dma_wait3A_2201 = arith.constant 0 : i32
      %dma_wait3A_2202 = arith.constant 0 : i32
      %dma_wait3A_2203 = tpu.memref_slice %arg6[%dma_wait3A_2200, %dma_wait3A_2201, %dma_wait3A_2202] : memref<8x50x128xf32, #tpu.memory_space<vmem>> -> memref<1x50x128xf32, #tpu.memory_space<vmem>>
      %dma_wait3A_2204 = tpu.memref_squeeze %dma_wait3A_2203 : memref<1x50x128xf32, #tpu.memory_space<vmem>> -> memref<50x128xf32, #tpu.memory_space<vmem>>
      %dma_wait3A_2205 = arith.constant 0 : i32
      %dma_wait3A_2206 = tpu.memref_slice %arg5[%dma_wait3A_2199, %dma_wait3A_2205] : memref<256x50xi32, #tpu.memory_space<vmem>> -> memref<1x50xi32, #tpu.memory_space<vmem>>
      %dma_wait3A_2207 = tpu.memref_squeeze %dma_wait3A_2206 : memref<1x50xi32, #tpu.memory_space<vmem>> -> memref<50xi32, #tpu.memory_space<vmem>>
      %dma_wait3A_2208 = arith.constant 0 : i32
      %dma_wait3A_2209 = arith.constant 0 : i32
      %dma_wait3A_2210 = tpu.memref_slice %arg3[%dma_wait3A_2208, %dma_wait3A_2209] : memref<1000000x128xf32, #tpu.memory_space<hbm>> -> memref<1000000x128xf32, #tpu.memory_space<hbm>>
      tpu.wait_indirect_dma semaphore(%arg10 : memref<!tpu.dma_semaphore, #tpu.memory_space<semaphore_mem>>) src(%dma_wait3A_2210 : memref<1000000x128xf32, #tpu.memory_space<hbm>>) dst(%dma_wait3A_2204 : memref<50x128xf32, #tpu.memory_space<vmem>>)
      %add3A_2211 = arith.addi %add3A_4, %add3A_2167 : i32
      %dma_start3A_2212 = arith.constant 3 : i32
      %dma_start3A_2213 = arith.constant 0 : i32
      %dma_start3A_2214 = arith.constant 0 : i32
      %dma_start3A_2215 = tpu.memref_slice %arg6[%dma_start3A_2212, %dma_start3A_2213, %dma_start3A_2214] : memref<8x50x128xf32, #tpu.memory_space<vmem>> -> memref<1x50x128xf32, #tpu.memory_space<vmem>>
      %dma_start3A_2216 = tpu.memref_squeeze %dma_start3A_2215 : memref<1x50x128xf32, #tpu.memory_space<vmem>> -> memref<50x128xf32, #tpu.memory_space<vmem>>
      %dma_start3A_2217 = arith.constant 0 : i32
      %dma_start3A_2218 = arith.constant 0 : i32
      %dma_start3A_2219 = tpu.memref_slice %arg4[%add3A_2211, %dma_start3A_2217, %dma_start3A_2218] : memref<16384x50x128xf32, #tpu.memory_space<hbm>> -> memref<1x50x128xf32, #tpu.memory_space<hbm>>
      %dma_start3A_2220 = tpu.memref_squeeze %dma_start3A_2219 : memref<1x50x128xf32, #tpu.memory_space<hbm>> -> memref<50x128xf32, #tpu.memory_space<hbm>>
      %dma_start3A_2221 = arith.constant 0 : i32
      %dma_start3A_2222 = arith.constant 0 : i32
      %dma_start3A_2223 = tpu.memref_slice %arg4[%add3A_2211, %dma_start3A_2221, %dma_start3A_2222] : memref<16384x50x128xf32, #tpu.memory_space<hbm>> -> memref<1x50x128xf32, #tpu.memory_space<hbm>>
      %dma_start3A_2224 = tpu.memref_squeeze %dma_start3A_2223 : memref<1x50x128xf32, #tpu.memory_space<hbm>> -> memref<50x128xf32, #tpu.memory_space<hbm>>
      %dma_start3A_2225 = arith.constant 0 : i32
      %dma_start3A_2226 = arith.constant 0 : i32
      %dma_start3A_2227 = tpu.memref_slice %arg6[%dma_start3A_2212, %dma_start3A_2225, %dma_start3A_2226] : memref<8x50x128xf32, #tpu.memory_space<vmem>> -> memref<1x50x128xf32, #tpu.memory_space<vmem>>
      %dma_start3A_2228 = tpu.memref_squeeze %dma_start3A_2227 : memref<1x50x128xf32, #tpu.memory_space<vmem>> -> memref<50x128xf32, #tpu.memory_space<vmem>>
      tpu.enqueue_dma source(%dma_start3A_2228 : memref<50x128xf32, #tpu.memory_space<vmem>>) target(%dma_start3A_2224 : memref<50x128xf32, #tpu.memory_space<hbm>>) target_semaphore(%arg18 : memref<!tpu.dma_semaphore, #tpu.memory_space<semaphore_mem>>)
      %mul3A_2229 = arith.constant 8 : i32
      %mul3A_2230 = arith.muli %scan3A_1968, %mul3A_2229 : i32
      %add3A_2231 = arith.constant 4 : i32
      %add3A_2232 = arith.addi %mul3A_2230, %add3A_2231 : i32
      %dma_wait3A_2233 = arith.constant 2 : i32
      %dma_wait3A_2234 = arith.constant 0 : i32
      %dma_wait3A_2235 = arith.constant 0 : i32
      %dma_wait3A_2236 = arith.constant 0 : i32
      %dma_wait3A_2237 = tpu.memref_slice %arg6[%dma_wait3A_2233, %dma_wait3A_2235, %dma_wait3A_2236] : memref<8x50x128xf32, #tpu.memory_space<vmem>> -> memref<1x50x128xf32, #tpu.memory_space<vmem>>
      %dma_wait3A_2238 = tpu.memref_squeeze %dma_wait3A_2237 : memref<1x50x128xf32, #tpu.memory_space<vmem>> -> memref<50x128xf32, #tpu.memory_space<vmem>>
      %dma_wait3A_2239 = arith.constant 0 : i32
      %dma_wait3A_2240 = arith.constant 0 : i32
      %dma_wait3A_2241 = tpu.memref_slice %arg4[%dma_wait3A_2234, %dma_wait3A_2239, %dma_wait3A_2240] : memref<16384x50x128xf32, #tpu.memory_space<hbm>> -> memref<1x50x128xf32, #tpu.memory_space<hbm>>
      %dma_wait3A_2242 = tpu.memref_squeeze %dma_wait3A_2241 : memref<1x50x128xf32, #tpu.memory_space<hbm>> -> memref<50x128xf32, #tpu.memory_space<hbm>>
      %dma_wait3A_2243 = arith.constant 0 : i32
      %dma_wait3A_2244 = arith.constant 0 : i32
      %dma_wait3A_2245 = tpu.memref_slice %arg4[%dma_wait3A_2234, %dma_wait3A_2243, %dma_wait3A_2244] : memref<16384x50x128xf32, #tpu.memory_space<hbm>> -> memref<1x50x128xf32, #tpu.memory_space<hbm>>
      %dma_wait3A_2246 = tpu.memref_squeeze %dma_wait3A_2245 : memref<1x50x128xf32, #tpu.memory_space<hbm>> -> memref<50x128xf32, #tpu.memory_space<hbm>>
      %dma_wait3A_2247 = arith.constant 0 : i32
      %dma_wait3A_2248 = arith.constant 0 : i32
      %dma_wait3A_2249 = tpu.memref_slice %arg6[%dma_wait3A_2233, %dma_wait3A_2247, %dma_wait3A_2248] : memref<8x50x128xf32, #tpu.memory_space<vmem>> -> memref<1x50x128xf32, #tpu.memory_space<vmem>>
      %dma_wait3A_2250 = tpu.memref_squeeze %dma_wait3A_2249 : memref<1x50x128xf32, #tpu.memory_space<vmem>> -> memref<50x128xf32, #tpu.memory_space<vmem>>
      tpu.wait_dma2 semaphore(%arg17 : memref<!tpu.dma_semaphore, #tpu.memory_space<semaphore_mem>>) src(%dma_wait3A_2250 : memref<50x128xf32, #tpu.memory_space<vmem>>) dst(%dma_wait3A_2246 : memref<50x128xf32, #tpu.memory_space<hbm>>)
      %add3A_2251 = arith.constant 6 : i32
      %add3A_2252 = arith.addi %add3A_2232, %add3A_2251 : i32
      %dma_start3A_2253 = arith.constant 2 : i32
      %dma_start3A_2254 = arith.constant 0 : i32
      %dma_start3A_2255 = arith.constant 0 : i32
      %dma_start3A_2256 = tpu.memref_slice %arg6[%dma_start3A_2253, %dma_start3A_2254, %dma_start3A_2255] : memref<8x50x128xf32, #tpu.memory_space<vmem>> -> memref<1x50x128xf32, #tpu.memory_space<vmem>>
      %dma_start3A_2257 = tpu.memref_squeeze %dma_start3A_2256 : memref<1x50x128xf32, #tpu.memory_space<vmem>> -> memref<50x128xf32, #tpu.memory_space<vmem>>
      %dma_start3A_2258 = arith.constant 0 : i32
      %dma_start3A_2259 = tpu.memref_slice %arg5[%add3A_2252, %dma_start3A_2258] : memref<256x50xi32, #tpu.memory_space<vmem>> -> memref<1x50xi32, #tpu.memory_space<vmem>>
      %dma_start3A_2260 = tpu.memref_squeeze %dma_start3A_2259 : memref<1x50xi32, #tpu.memory_space<vmem>> -> memref<50xi32, #tpu.memory_space<vmem>>
      %dma_start3A_2261 = arith.constant 0 : i32
      %dma_start3A_2262 = arith.constant 0 : i32
      %dma_start3A_2263 = tpu.memref_slice %arg3[%dma_start3A_2261, %dma_start3A_2262] : memref<1000000x128xf32, #tpu.memory_space<hbm>> -> memref<1000000x128xf32, #tpu.memory_space<hbm>>
      tpu.enqueue_indirect_dma source(%dma_start3A_2263 : memref<1000000x128xf32, #tpu.memory_space<hbm>>) target(%dma_start3A_2257 : memref<50x128xf32, #tpu.memory_space<vmem>>) offsets(%dma_start3A_2260 : memref<50xi32, #tpu.memory_space<vmem>>) semaphore(%arg9 : memref<!tpu.dma_semaphore, #tpu.memory_space<semaphore_mem>>)
      %dma_wait3A_2264 = arith.constant 0 : i32
      %dma_wait3A_2265 = arith.constant 4 : i32
      %dma_wait3A_2266 = arith.constant 0 : i32
      %dma_wait3A_2267 = arith.constant 0 : i32
      %dma_wait3A_2268 = tpu.memref_slice %arg6[%dma_wait3A_2265, %dma_wait3A_2266, %dma_wait3A_2267] : memref<8x50x128xf32, #tpu.memory_space<vmem>> -> memref<1x50x128xf32, #tpu.memory_space<vmem>>
      %dma_wait3A_2269 = tpu.memref_squeeze %dma_wait3A_2268 : memref<1x50x128xf32, #tpu.memory_space<vmem>> -> memref<50x128xf32, #tpu.memory_space<vmem>>
      %dma_wait3A_2270 = arith.constant 0 : i32
      %dma_wait3A_2271 = tpu.memref_slice %arg5[%dma_wait3A_2264, %dma_wait3A_2270] : memref<256x50xi32, #tpu.memory_space<vmem>> -> memref<1x50xi32, #tpu.memory_space<vmem>>
      %dma_wait3A_2272 = tpu.memref_squeeze %dma_wait3A_2271 : memref<1x50xi32, #tpu.memory_space<vmem>> -> memref<50xi32, #tpu.memory_space<vmem>>
      %dma_wait3A_2273 = arith.constant 0 : i32
      %dma_wait3A_2274 = arith.constant 0 : i32
      %dma_wait3A_2275 = tpu.memref_slice %arg3[%dma_wait3A_2273, %dma_wait3A_2274] : memref<1000000x128xf32, #tpu.memory_space<hbm>> -> memref<1000000x128xf32, #tpu.memory_space<hbm>>
      tpu.wait_indirect_dma semaphore(%arg11 : memref<!tpu.dma_semaphore, #tpu.memory_space<semaphore_mem>>) src(%dma_wait3A_2275 : memref<1000000x128xf32, #tpu.memory_space<hbm>>) dst(%dma_wait3A_2269 : memref<50x128xf32, #tpu.memory_space<vmem>>)
      %add3A_2276 = arith.addi %add3A_4, %add3A_2232 : i32
      %dma_start3A_2277 = arith.constant 4 : i32
      %dma_start3A_2278 = arith.constant 0 : i32
      %dma_start3A_2279 = arith.constant 0 : i32
      %dma_start3A_2280 = tpu.memref_slice %arg6[%dma_start3A_2277, %dma_start3A_2278, %dma_start3A_2279] : memref<8x50x128xf32, #tpu.memory_space<vmem>> -> memref<1x50x128xf32, #tpu.memory_space<vmem>>
      %dma_start3A_2281 = tpu.memref_squeeze %dma_start3A_2280 : memref<1x50x128xf32, #tpu.memory_space<vmem>> -> memref<50x128xf32, #tpu.memory_space<vmem>>
      %dma_start3A_2282 = arith.constant 0 : i32
      %dma_start3A_2283 = arith.constant 0 : i32
      %dma_start3A_2284 = tpu.memref_slice %arg4[%add3A_2276, %dma_start3A_2282, %dma_start3A_2283] : memref<16384x50x128xf32, #tpu.memory_space<hbm>> -> memref<1x50x128xf32, #tpu.memory_space<hbm>>
      %dma_start3A_2285 = tpu.memref_squeeze %dma_start3A_2284 : memref<1x50x128xf32, #tpu.memory_space<hbm>> -> memref<50x128xf32, #tpu.memory_space<hbm>>
      %dma_start3A_2286 = arith.constant 0 : i32
      %dma_start3A_2287 = arith.constant 0 : i32
      %dma_start3A_2288 = tpu.memref_slice %arg4[%add3A_2276, %dma_start3A_2286, %dma_start3A_2287] : memref<16384x50x128xf32, #tpu.memory_space<hbm>> -> memref<1x50x128xf32, #tpu.memory_space<hbm>>
      %dma_start3A_2289 = tpu.memref_squeeze %dma_start3A_2288 : memref<1x50x128xf32, #tpu.memory_space<hbm>> -> memref<50x128xf32, #tpu.memory_space<hbm>>
      %dma_start3A_2290 = arith.constant 0 : i32
      %dma_start3A_2291 = arith.constant 0 : i32
      %dma_start3A_2292 = tpu.memref_slice %arg6[%dma_start3A_2277, %dma_start3A_2290, %dma_start3A_2291] : memref<8x50x128xf32, #tpu.memory_space<vmem>> -> memref<1x50x128xf32, #tpu.memory_space<vmem>>
      %dma_start3A_2293 = tpu.memref_squeeze %dma_start3A_2292 : memref<1x50x128xf32, #tpu.memory_space<vmem>> -> memref<50x128xf32, #tpu.memory_space<vmem>>
      tpu.enqueue_dma source(%dma_start3A_2293 : memref<50x128xf32, #tpu.memory_space<vmem>>) target(%dma_start3A_2289 : memref<50x128xf32, #tpu.memory_space<hbm>>) target_semaphore(%arg19 : memref<!tpu.dma_semaphore, #tpu.memory_space<semaphore_mem>>)
      %mul3A_2294 = arith.constant 8 : i32
      %mul3A_2295 = arith.muli %scan3A_1968, %mul3A_2294 : i32
      %add3A_2296 = arith.constant 5 : i32
      %add3A_2297 = arith.addi %mul3A_2295, %add3A_2296 : i32
      %dma_wait3A_2298 = arith.constant 3 : i32
      %dma_wait3A_2299 = arith.constant 0 : i32
      %dma_wait3A_2300 = arith.constant 0 : i32
      %dma_wait3A_2301 = arith.constant 0 : i32
      %dma_wait3A_2302 = tpu.memref_slice %arg6[%dma_wait3A_2298, %dma_wait3A_2300, %dma_wait3A_2301] : memref<8x50x128xf32, #tpu.memory_space<vmem>> -> memref<1x50x128xf32, #tpu.memory_space<vmem>>
      %dma_wait3A_2303 = tpu.memref_squeeze %dma_wait3A_2302 : memref<1x50x128xf32, #tpu.memory_space<vmem>> -> memref<50x128xf32, #tpu.memory_space<vmem>>
      %dma_wait3A_2304 = arith.constant 0 : i32
      %dma_wait3A_2305 = arith.constant 0 : i32
      %dma_wait3A_2306 = tpu.memref_slice %arg4[%dma_wait3A_2299, %dma_wait3A_2304, %dma_wait3A_2305] : memref<16384x50x128xf32, #tpu.memory_space<hbm>> -> memref<1x50x128xf32, #tpu.memory_space<hbm>>
      %dma_wait3A_2307 = tpu.memref_squeeze %dma_wait3A_2306 : memref<1x50x128xf32, #tpu.memory_space<hbm>> -> memref<50x128xf32, #tpu.memory_space<hbm>>
      %dma_wait3A_2308 = arith.constant 0 : i32
      %dma_wait3A_2309 = arith.constant 0 : i32
      %dma_wait3A_2310 = tpu.memref_slice %arg4[%dma_wait3A_2299, %dma_wait3A_2308, %dma_wait3A_2309] : memref<16384x50x128xf32, #tpu.memory_space<hbm>> -> memref<1x50x128xf32, #tpu.memory_space<hbm>>
      %dma_wait3A_2311 = tpu.memref_squeeze %dma_wait3A_2310 : memref<1x50x128xf32, #tpu.memory_space<hbm>> -> memref<50x128xf32, #tpu.memory_space<hbm>>
      %dma_wait3A_2312 = arith.constant 0 : i32
      %dma_wait3A_2313 = arith.constant 0 : i32
      %dma_wait3A_2314 = tpu.memref_slice %arg6[%dma_wait3A_2298, %dma_wait3A_2312, %dma_wait3A_2313] : memref<8x50x128xf32, #tpu.memory_space<vmem>> -> memref<1x50x128xf32, #tpu.memory_space<vmem>>
      %dma_wait3A_2315 = tpu.memref_squeeze %dma_wait3A_2314 : memref<1x50x128xf32, #tpu.memory_space<vmem>> -> memref<50x128xf32, #tpu.memory_space<vmem>>
      tpu.wait_dma2 semaphore(%arg18 : memref<!tpu.dma_semaphore, #tpu.memory_space<semaphore_mem>>) src(%dma_wait3A_2315 : memref<50x128xf32, #tpu.memory_space<vmem>>) dst(%dma_wait3A_2311 : memref<50x128xf32, #tpu.memory_space<hbm>>)
      %add3A_2316 = arith.constant 6 : i32
      %add3A_2317 = arith.addi %add3A_2297, %add3A_2316 : i32
      %dma_start3A_2318 = arith.constant 3 : i32
      %dma_start3A_2319 = arith.constant 0 : i32
      %dma_start3A_2320 = arith.constant 0 : i32
      %dma_start3A_2321 = tpu.memref_slice %arg6[%dma_start3A_2318, %dma_start3A_2319, %dma_start3A_2320] : memref<8x50x128xf32, #tpu.memory_space<vmem>> -> memref<1x50x128xf32, #tpu.memory_space<vmem>>
      %dma_start3A_2322 = tpu.memref_squeeze %dma_start3A_2321 : memref<1x50x128xf32, #tpu.memory_space<vmem>> -> memref<50x128xf32, #tpu.memory_space<vmem>>
      %dma_start3A_2323 = arith.constant 0 : i32
      %dma_start3A_2324 = tpu.memref_slice %arg5[%add3A_2317, %dma_start3A_2323] : memref<256x50xi32, #tpu.memory_space<vmem>> -> memref<1x50xi32, #tpu.memory_space<vmem>>
      %dma_start3A_2325 = tpu.memref_squeeze %dma_start3A_2324 : memref<1x50xi32, #tpu.memory_space<vmem>> -> memref<50xi32, #tpu.memory_space<vmem>>
      %dma_start3A_2326 = arith.constant 0 : i32
      %dma_start3A_2327 = arith.constant 0 : i32
      %dma_start3A_2328 = tpu.memref_slice %arg3[%dma_start3A_2326, %dma_start3A_2327] : memref<1000000x128xf32, #tpu.memory_space<hbm>> -> memref<1000000x128xf32, #tpu.memory_space<hbm>>
      tpu.enqueue_indirect_dma source(%dma_start3A_2328 : memref<1000000x128xf32, #tpu.memory_space<hbm>>) target(%dma_start3A_2322 : memref<50x128xf32, #tpu.memory_space<vmem>>) offsets(%dma_start3A_2325 : memref<50xi32, #tpu.memory_space<vmem>>) semaphore(%arg10 : memref<!tpu.dma_semaphore, #tpu.memory_space<semaphore_mem>>)
      %dma_wait3A_2329 = arith.constant 0 : i32
      %dma_wait3A_2330 = arith.constant 5 : i32
      %dma_wait3A_2331 = arith.constant 0 : i32
      %dma_wait3A_2332 = arith.constant 0 : i32
      %dma_wait3A_2333 = tpu.memref_slice %arg6[%dma_wait3A_2330, %dma_wait3A_2331, %dma_wait3A_2332] : memref<8x50x128xf32, #tpu.memory_space<vmem>> -> memref<1x50x128xf32, #tpu.memory_space<vmem>>
      %dma_wait3A_2334 = tpu.memref_squeeze %dma_wait3A_2333 : memref<1x50x128xf32, #tpu.memory_space<vmem>> -> memref<50x128xf32, #tpu.memory_space<vmem>>
      %dma_wait3A_2335 = arith.constant 0 : i32
      %dma_wait3A_2336 = tpu.memref_slice %arg5[%dma_wait3A_2329, %dma_wait3A_2335] : memref<256x50xi32, #tpu.memory_space<vmem>> -> memref<1x50xi32, #tpu.memory_space<vmem>>
      %dma_wait3A_2337 = tpu.memref_squeeze %dma_wait3A_2336 : memref<1x50xi32, #tpu.memory_space<vmem>> -> memref<50xi32, #tpu.memory_space<vmem>>
      %dma_wait3A_2338 = arith.constant 0 : i32
      %dma_wait3A_2339 = arith.constant 0 : i32
      %dma_wait3A_2340 = tpu.memref_slice %arg3[%dma_wait3A_2338, %dma_wait3A_2339] : memref<1000000x128xf32, #tpu.memory_space<hbm>> -> memref<1000000x128xf32, #tpu.memory_space<hbm>>
      tpu.wait_indirect_dma semaphore(%arg12 : memref<!tpu.dma_semaphore, #tpu.memory_space<semaphore_mem>>) src(%dma_wait3A_2340 : memref<1000000x128xf32, #tpu.memory_space<hbm>>) dst(%dma_wait3A_2334 : memref<50x128xf32, #tpu.memory_space<vmem>>)
      %add3A_2341 = arith.addi %add3A_4, %add3A_2297 : i32
      %dma_start3A_2342 = arith.constant 5 : i32
      %dma_start3A_2343 = arith.constant 0 : i32
      %dma_start3A_2344 = arith.constant 0 : i32
      %dma_start3A_2345 = tpu.memref_slice %arg6[%dma_start3A_2342, %dma_start3A_2343, %dma_start3A_2344] : memref<8x50x128xf32, #tpu.memory_space<vmem>> -> memref<1x50x128xf32, #tpu.memory_space<vmem>>
      %dma_start3A_2346 = tpu.memref_squeeze %dma_start3A_2345 : memref<1x50x128xf32, #tpu.memory_space<vmem>> -> memref<50x128xf32, #tpu.memory_space<vmem>>
      %dma_start3A_2347 = arith.constant 0 : i32
      %dma_start3A_2348 = arith.constant 0 : i32
      %dma_start3A_2349 = tpu.memref_slice %arg4[%add3A_2341, %dma_start3A_2347, %dma_start3A_2348] : memref<16384x50x128xf32, #tpu.memory_space<hbm>> -> memref<1x50x128xf32, #tpu.memory_space<hbm>>
      %dma_start3A_2350 = tpu.memref_squeeze %dma_start3A_2349 : memref<1x50x128xf32, #tpu.memory_space<hbm>> -> memref<50x128xf32, #tpu.memory_space<hbm>>
      %dma_start3A_2351 = arith.constant 0 : i32
      %dma_start3A_2352 = arith.constant 0 : i32
      %dma_start3A_2353 = tpu.memref_slice %arg4[%add3A_2341, %dma_start3A_2351, %dma_start3A_2352] : memref<16384x50x128xf32, #tpu.memory_space<hbm>> -> memref<1x50x128xf32, #tpu.memory_space<hbm>>
      %dma_start3A_2354 = tpu.memref_squeeze %dma_start3A_2353 : memref<1x50x128xf32, #tpu.memory_space<hbm>> -> memref<50x128xf32, #tpu.memory_space<hbm>>
      %dma_start3A_2355 = arith.constant 0 : i32
      %dma_start3A_2356 = arith.constant 0 : i32
      %dma_start3A_2357 = tpu.memref_slice %arg6[%dma_start3A_2342, %dma_start3A_2355, %dma_start3A_2356] : memref<8x50x128xf32, #tpu.memory_space<vmem>> -> memref<1x50x128xf32, #tpu.memory_space<vmem>>
      %dma_start3A_2358 = tpu.memref_squeeze %dma_start3A_2357 : memref<1x50x128xf32, #tpu.memory_space<vmem>> -> memref<50x128xf32, #tpu.memory_space<vmem>>
      tpu.enqueue_dma source(%dma_start3A_2358 : memref<50x128xf32, #tpu.memory_space<vmem>>) target(%dma_start3A_2354 : memref<50x128xf32, #tpu.memory_space<hbm>>) target_semaphore(%arg20 : memref<!tpu.dma_semaphore, #tpu.memory_space<semaphore_mem>>)
      %mul3A_2359 = arith.constant 8 : i32
      %mul3A_2360 = arith.muli %scan3A_1968, %mul3A_2359 : i32
      %add3A_2361 = arith.constant 6 : i32
      %add3A_2362 = arith.addi %mul3A_2360, %add3A_2361 : i32
      %dma_wait3A_2363 = arith.constant 4 : i32
      %dma_wait3A_2364 = arith.constant 0 : i32
      %dma_wait3A_2365 = arith.constant 0 : i32
      %dma_wait3A_2366 = arith.constant 0 : i32
      %dma_wait3A_2367 = tpu.memref_slice %arg6[%dma_wait3A_2363, %dma_wait3A_2365, %dma_wait3A_2366] : memref<8x50x128xf32, #tpu.memory_space<vmem>> -> memref<1x50x128xf32, #tpu.memory_space<vmem>>
      %dma_wait3A_2368 = tpu.memref_squeeze %dma_wait3A_2367 : memref<1x50x128xf32, #tpu.memory_space<vmem>> -> memref<50x128xf32, #tpu.memory_space<vmem>>
      %dma_wait3A_2369 = arith.constant 0 : i32
      %dma_wait3A_2370 = arith.constant 0 : i32
      %dma_wait3A_2371 = tpu.memref_slice %arg4[%dma_wait3A_2364, %dma_wait3A_2369, %dma_wait3A_2370] : memref<16384x50x128xf32, #tpu.memory_space<hbm>> -> memref<1x50x128xf32, #tpu.memory_space<hbm>>
      %dma_wait3A_2372 = tpu.memref_squeeze %dma_wait3A_2371 : memref<1x50x128xf32, #tpu.memory_space<hbm>> -> memref<50x128xf32, #tpu.memory_space<hbm>>
      %dma_wait3A_2373 = arith.constant 0 : i32
      %dma_wait3A_2374 = arith.constant 0 : i32
      %dma_wait3A_2375 = tpu.memref_slice %arg4[%dma_wait3A_2364, %dma_wait3A_2373, %dma_wait3A_2374] : memref<16384x50x128xf32, #tpu.memory_space<hbm>> -> memref<1x50x128xf32, #tpu.memory_space<hbm>>
      %dma_wait3A_2376 = tpu.memref_squeeze %dma_wait3A_2375 : memref<1x50x128xf32, #tpu.memory_space<hbm>> -> memref<50x128xf32, #tpu.memory_space<hbm>>
      %dma_wait3A_2377 = arith.constant 0 : i32
      %dma_wait3A_2378 = arith.constant 0 : i32
      %dma_wait3A_2379 = tpu.memref_slice %arg6[%dma_wait3A_2363, %dma_wait3A_2377, %dma_wait3A_2378] : memref<8x50x128xf32, #tpu.memory_space<vmem>> -> memref<1x50x128xf32, #tpu.memory_space<vmem>>
      %dma_wait3A_2380 = tpu.memref_squeeze %dma_wait3A_2379 : memref<1x50x128xf32, #tpu.memory_space<vmem>> -> memref<50x128xf32, #tpu.memory_space<vmem>>
      tpu.wait_dma2 semaphore(%arg19 : memref<!tpu.dma_semaphore, #tpu.memory_space<semaphore_mem>>) src(%dma_wait3A_2380 : memref<50x128xf32, #tpu.memory_space<vmem>>) dst(%dma_wait3A_2376 : memref<50x128xf32, #tpu.memory_space<hbm>>)
      %add3A_2381 = arith.constant 6 : i32
      %add3A_2382 = arith.addi %add3A_2362, %add3A_2381 : i32
      %dma_start3A_2383 = arith.constant 4 : i32
      %dma_start3A_2384 = arith.constant 0 : i32
      %dma_start3A_2385 = arith.constant 0 : i32
      %dma_start3A_2386 = tpu.memref_slice %arg6[%dma_start3A_2383, %dma_start3A_2384, %dma_start3A_2385] : memref<8x50x128xf32, #tpu.memory_space<vmem>> -> memref<1x50x128xf32, #tpu.memory_space<vmem>>
      %dma_start3A_2387 = tpu.memref_squeeze %dma_start3A_2386 : memref<1x50x128xf32, #tpu.memory_space<vmem>> -> memref<50x128xf32, #tpu.memory_space<vmem>>
      %dma_start3A_2388 = arith.constant 0 : i32
      %dma_start3A_2389 = tpu.memref_slice %arg5[%add3A_2382, %dma_start3A_2388] : memref<256x50xi32, #tpu.memory_space<vmem>> -> memref<1x50xi32, #tpu.memory_space<vmem>>
      %dma_start3A_2390 = tpu.memref_squeeze %dma_start3A_2389 : memref<1x50xi32, #tpu.memory_space<vmem>> -> memref<50xi32, #tpu.memory_space<vmem>>
      %dma_start3A_2391 = arith.constant 0 : i32
      %dma_start3A_2392 = arith.constant 0 : i32
      %dma_start3A_2393 = tpu.memref_slice %arg3[%dma_start3A_2391, %dma_start3A_2392] : memref<1000000x128xf32, #tpu.memory_space<hbm>> -> memref<1000000x128xf32, #tpu.memory_space<hbm>>
      tpu.enqueue_indirect_dma source(%dma_start3A_2393 : memref<1000000x128xf32, #tpu.memory_space<hbm>>) target(%dma_start3A_2387 : memref<50x128xf32, #tpu.memory_space<vmem>>) offsets(%dma_start3A_2390 : memref<50xi32, #tpu.memory_space<vmem>>) semaphore(%arg11 : memref<!tpu.dma_semaphore, #tpu.memory_space<semaphore_mem>>)
      %dma_wait3A_2394 = arith.constant 0 : i32
      %dma_wait3A_2395 = arith.constant 6 : i32
      %dma_wait3A_2396 = arith.constant 0 : i32
      %dma_wait3A_2397 = arith.constant 0 : i32
      %dma_wait3A_2398 = tpu.memref_slice %arg6[%dma_wait3A_2395, %dma_wait3A_2396, %dma_wait3A_2397] : memref<8x50x128xf32, #tpu.memory_space<vmem>> -> memref<1x50x128xf32, #tpu.memory_space<vmem>>
      %dma_wait3A_2399 = tpu.memref_squeeze %dma_wait3A_2398 : memref<1x50x128xf32, #tpu.memory_space<vmem>> -> memref<50x128xf32, #tpu.memory_space<vmem>>
      %dma_wait3A_2400 = arith.constant 0 : i32
      %dma_wait3A_2401 = tpu.memref_slice %arg5[%dma_wait3A_2394, %dma_wait3A_2400] : memref<256x50xi32, #tpu.memory_space<vmem>> -> memref<1x50xi32, #tpu.memory_space<vmem>>
      %dma_wait3A_2402 = tpu.memref_squeeze %dma_wait3A_2401 : memref<1x50xi32, #tpu.memory_space<vmem>> -> memref<50xi32, #tpu.memory_space<vmem>>
      %dma_wait3A_2403 = arith.constant 0 : i32
      %dma_wait3A_2404 = arith.constant 0 : i32
      %dma_wait3A_2405 = tpu.memref_slice %arg3[%dma_wait3A_2403, %dma_wait3A_2404] : memref<1000000x128xf32, #tpu.memory_space<hbm>> -> memref<1000000x128xf32, #tpu.memory_space<hbm>>
      tpu.wait_indirect_dma semaphore(%arg13 : memref<!tpu.dma_semaphore, #tpu.memory_space<semaphore_mem>>) src(%dma_wait3A_2405 : memref<1000000x128xf32, #tpu.memory_space<hbm>>) dst(%dma_wait3A_2399 : memref<50x128xf32, #tpu.memory_space<vmem>>)
      %add3A_2406 = arith.addi %add3A_4, %add3A_2362 : i32
      %dma_start3A_2407 = arith.constant 6 : i32
      %dma_start3A_2408 = arith.constant 0 : i32
      %dma_start3A_2409 = arith.constant 0 : i32
      %dma_start3A_2410 = tpu.memref_slice %arg6[%dma_start3A_2407, %dma_start3A_2408, %dma_start3A_2409] : memref<8x50x128xf32, #tpu.memory_space<vmem>> -> memref<1x50x128xf32, #tpu.memory_space<vmem>>
      %dma_start3A_2411 = tpu.memref_squeeze %dma_start3A_2410 : memref<1x50x128xf32, #tpu.memory_space<vmem>> -> memref<50x128xf32, #tpu.memory_space<vmem>>
      %dma_start3A_2412 = arith.constant 0 : i32
      %dma_start3A_2413 = arith.constant 0 : i32
      %dma_start3A_2414 = tpu.memref_slice %arg4[%add3A_2406, %dma_start3A_2412, %dma_start3A_2413] : memref<16384x50x128xf32, #tpu.memory_space<hbm>> -> memref<1x50x128xf32, #tpu.memory_space<hbm>>
      %dma_start3A_2415 = tpu.memref_squeeze %dma_start3A_2414 : memref<1x50x128xf32, #tpu.memory_space<hbm>> -> memref<50x128xf32, #tpu.memory_space<hbm>>
      %dma_start3A_2416 = arith.constant 0 : i32
      %dma_start3A_2417 = arith.constant 0 : i32
      %dma_start3A_2418 = tpu.memref_slice %arg4[%add3A_2406, %dma_start3A_2416, %dma_start3A_2417] : memref<16384x50x128xf32, #tpu.memory_space<hbm>> -> memref<1x50x128xf32, #tpu.memory_space<hbm>>
      %dma_start3A_2419 = tpu.memref_squeeze %dma_start3A_2418 : memref<1x50x128xf32, #tpu.memory_space<hbm>> -> memref<50x128xf32, #tpu.memory_space<hbm>>
      %dma_start3A_2420 = arith.constant 0 : i32
      %dma_start3A_2421 = arith.constant 0 : i32
      %dma_start3A_2422 = tpu.memref_slice %arg6[%dma_start3A_2407, %dma_start3A_2420, %dma_start3A_2421] : memref<8x50x128xf32, #tpu.memory_space<vmem>> -> memref<1x50x128xf32, #tpu.memory_space<vmem>>
      %dma_start3A_2423 = tpu.memref_squeeze %dma_start3A_2422 : memref<1x50x128xf32, #tpu.memory_space<vmem>> -> memref<50x128xf32, #tpu.memory_space<vmem>>
      tpu.enqueue_dma source(%dma_start3A_2423 : memref<50x128xf32, #tpu.memory_space<vmem>>) target(%dma_start3A_2419 : memref<50x128xf32, #tpu.memory_space<hbm>>) target_semaphore(%arg21 : memref<!tpu.dma_semaphore, #tpu.memory_space<semaphore_mem>>)
      %mul3A_2424 = arith.constant 8 : i32
      %mul3A_2425 = arith.muli %scan3A_1968, %mul3A_2424 : i32
      %add3A_2426 = arith.constant 7 : i32
      %add3A_2427 = arith.addi %mul3A_2425, %add3A_2426 : i32
      %dma_wait3A_2428 = arith.constant 5 : i32
      %dma_wait3A_2429 = arith.constant 0 : i32
      %dma_wait3A_2430 = arith.constant 0 : i32
      %dma_wait3A_2431 = arith.constant 0 : i32
      %dma_wait3A_2432 = tpu.memref_slice %arg6[%dma_wait3A_2428, %dma_wait3A_2430, %dma_wait3A_2431] : memref<8x50x128xf32, #tpu.memory_space<vmem>> -> memref<1x50x128xf32, #tpu.memory_space<vmem>>
      %dma_wait3A_2433 = tpu.memref_squeeze %dma_wait3A_2432 : memref<1x50x128xf32, #tpu.memory_space<vmem>> -> memref<50x128xf32, #tpu.memory_space<vmem>>
      %dma_wait3A_2434 = arith.constant 0 : i32
      %dma_wait3A_2435 = arith.constant 0 : i32
      %dma_wait3A_2436 = tpu.memref_slice %arg4[%dma_wait3A_2429, %dma_wait3A_2434, %dma_wait3A_2435] : memref<16384x50x128xf32, #tpu.memory_space<hbm>> -> memref<1x50x128xf32, #tpu.memory_space<hbm>>
      %dma_wait3A_2437 = tpu.memref_squeeze %dma_wait3A_2436 : memref<1x50x128xf32, #tpu.memory_space<hbm>> -> memref<50x128xf32, #tpu.memory_space<hbm>>
      %dma_wait3A_2438 = arith.constant 0 : i32
      %dma_wait3A_2439 = arith.constant 0 : i32
      %dma_wait3A_2440 = tpu.memref_slice %arg4[%dma_wait3A_2429, %dma_wait3A_2438, %dma_wait3A_2439] : memref<16384x50x128xf32, #tpu.memory_space<hbm>> -> memref<1x50x128xf32, #tpu.memory_space<hbm>>
      %dma_wait3A_2441 = tpu.memref_squeeze %dma_wait3A_2440 : memref<1x50x128xf32, #tpu.memory_space<hbm>> -> memref<50x128xf32, #tpu.memory_space<hbm>>
      %dma_wait3A_2442 = arith.constant 0 : i32
      %dma_wait3A_2443 = arith.constant 0 : i32
      %dma_wait3A_2444 = tpu.memref_slice %arg6[%dma_wait3A_2428, %dma_wait3A_2442, %dma_wait3A_2443] : memref<8x50x128xf32, #tpu.memory_space<vmem>> -> memref<1x50x128xf32, #tpu.memory_space<vmem>>
      %dma_wait3A_2445 = tpu.memref_squeeze %dma_wait3A_2444 : memref<1x50x128xf32, #tpu.memory_space<vmem>> -> memref<50x128xf32, #tpu.memory_space<vmem>>
      tpu.wait_dma2 semaphore(%arg20 : memref<!tpu.dma_semaphore, #tpu.memory_space<semaphore_mem>>) src(%dma_wait3A_2445 : memref<50x128xf32, #tpu.memory_space<vmem>>) dst(%dma_wait3A_2441 : memref<50x128xf32, #tpu.memory_space<hbm>>)
      %add3A_2446 = arith.constant 6 : i32
      %add3A_2447 = arith.addi %add3A_2427, %add3A_2446 : i32
      %dma_start3A_2448 = arith.constant 5 : i32
      %dma_start3A_2449 = arith.constant 0 : i32
      %dma_start3A_2450 = arith.constant 0 : i32
      %dma_start3A_2451 = tpu.memref_slice %arg6[%dma_start3A_2448, %dma_start3A_2449, %dma_start3A_2450] : memref<8x50x128xf32, #tpu.memory_space<vmem>> -> memref<1x50x128xf32, #tpu.memory_space<vmem>>
      %dma_start3A_2452 = tpu.memref_squeeze %dma_start3A_2451 : memref<1x50x128xf32, #tpu.memory_space<vmem>> -> memref<50x128xf32, #tpu.memory_space<vmem>>
      %dma_start3A_2453 = arith.constant 0 : i32
      %dma_start3A_2454 = tpu.memref_slice %arg5[%add3A_2447, %dma_start3A_2453] : memref<256x50xi32, #tpu.memory_space<vmem>> -> memref<1x50xi32, #tpu.memory_space<vmem>>
      %dma_start3A_2455 = tpu.memref_squeeze %dma_start3A_2454 : memref<1x50xi32, #tpu.memory_space<vmem>> -> memref<50xi32, #tpu.memory_space<vmem>>
      %dma_start3A_2456 = arith.constant 0 : i32
      %dma_start3A_2457 = arith.constant 0 : i32
      %dma_start3A_2458 = tpu.memref_slice %arg3[%dma_start3A_2456, %dma_start3A_2457] : memref<1000000x128xf32, #tpu.memory_space<hbm>> -> memref<1000000x128xf32, #tpu.memory_space<hbm>>
      tpu.enqueue_indirect_dma source(%dma_start3A_2458 : memref<1000000x128xf32, #tpu.memory_space<hbm>>) target(%dma_start3A_2452 : memref<50x128xf32, #tpu.memory_space<vmem>>) offsets(%dma_start3A_2455 : memref<50xi32, #tpu.memory_space<vmem>>) semaphore(%arg12 : memref<!tpu.dma_semaphore, #tpu.memory_space<semaphore_mem>>)
      %dma_wait3A_2459 = arith.constant 0 : i32
      %dma_wait3A_2460 = arith.constant 7 : i32
      %dma_wait3A_2461 = arith.constant 0 : i32
      %dma_wait3A_2462 = arith.constant 0 : i32
      %dma_wait3A_2463 = tpu.memref_slice %arg6[%dma_wait3A_2460, %dma_wait3A_2461, %dma_wait3A_2462] : memref<8x50x128xf32, #tpu.memory_space<vmem>> -> memref<1x50x128xf32, #tpu.memory_space<vmem>>
      %dma_wait3A_2464 = tpu.memref_squeeze %dma_wait3A_2463 : memref<1x50x128xf32, #tpu.memory_space<vmem>> -> memref<50x128xf32, #tpu.memory_space<vmem>>
      %dma_wait3A_2465 = arith.constant 0 : i32
      %dma_wait3A_2466 = tpu.memref_slice %arg5[%dma_wait3A_2459, %dma_wait3A_2465] : memref<256x50xi32, #tpu.memory_space<vmem>> -> memref<1x50xi32, #tpu.memory_space<vmem>>
      %dma_wait3A_2467 = tpu.memref_squeeze %dma_wait3A_2466 : memref<1x50xi32, #tpu.memory_space<vmem>> -> memref<50xi32, #tpu.memory_space<vmem>>
      %dma_wait3A_2468 = arith.constant 0 : i32
      %dma_wait3A_2469 = arith.constant 0 : i32
      %dma_wait3A_2470 = tpu.memref_slice %arg3[%dma_wait3A_2468, %dma_wait3A_2469] : memref<1000000x128xf32, #tpu.memory_space<hbm>> -> memref<1000000x128xf32, #tpu.memory_space<hbm>>
      tpu.wait_indirect_dma semaphore(%arg14 : memref<!tpu.dma_semaphore, #tpu.memory_space<semaphore_mem>>) src(%dma_wait3A_2470 : memref<1000000x128xf32, #tpu.memory_space<hbm>>) dst(%dma_wait3A_2464 : memref<50x128xf32, #tpu.memory_space<vmem>>)
      %add3A_2471 = arith.addi %add3A_4, %add3A_2427 : i32
      %dma_start3A_2472 = arith.constant 7 : i32
      %dma_start3A_2473 = arith.constant 0 : i32
      %dma_start3A_2474 = arith.constant 0 : i32
      %dma_start3A_2475 = tpu.memref_slice %arg6[%dma_start3A_2472, %dma_start3A_2473, %dma_start3A_2474] : memref<8x50x128xf32, #tpu.memory_space<vmem>> -> memref<1x50x128xf32, #tpu.memory_space<vmem>>
      %dma_start3A_2476 = tpu.memref_squeeze %dma_start3A_2475 : memref<1x50x128xf32, #tpu.memory_space<vmem>> -> memref<50x128xf32, #tpu.memory_space<vmem>>
      %dma_start3A_2477 = arith.constant 0 : i32
      %dma_start3A_2478 = arith.constant 0 : i32
      %dma_start3A_2479 = tpu.memref_slice %arg4[%add3A_2471, %dma_start3A_2477, %dma_start3A_2478] : memref<16384x50x128xf32, #tpu.memory_space<hbm>> -> memref<1x50x128xf32, #tpu.memory_space<hbm>>
      %dma_start3A_2480 = tpu.memref_squeeze %dma_start3A_2479 : memref<1x50x128xf32, #tpu.memory_space<hbm>> -> memref<50x128xf32, #tpu.memory_space<hbm>>
      %dma_start3A_2481 = arith.constant 0 : i32
      %dma_start3A_2482 = arith.constant 0 : i32
      %dma_start3A_2483 = tpu.memref_slice %arg4[%add3A_2471, %dma_start3A_2481, %dma_start3A_2482] : memref<16384x50x128xf32, #tpu.memory_space<hbm>> -> memref<1x50x128xf32, #tpu.memory_space<hbm>>
      %dma_start3A_2484 = tpu.memref_squeeze %dma_start3A_2483 : memref<1x50x128xf32, #tpu.memory_space<hbm>> -> memref<50x128xf32, #tpu.memory_space<hbm>>
      %dma_start3A_2485 = arith.constant 0 : i32
      %dma_start3A_2486 = arith.constant 0 : i32
      %dma_start3A_2487 = tpu.memref_slice %arg6[%dma_start3A_2472, %dma_start3A_2485, %dma_start3A_2486] : memref<8x50x128xf32, #tpu.memory_space<vmem>> -> memref<1x50x128xf32, #tpu.memory_space<vmem>>
      %dma_start3A_2488 = tpu.memref_squeeze %dma_start3A_2487 : memref<1x50x128xf32, #tpu.memory_space<vmem>> -> memref<50x128xf32, #tpu.memory_space<vmem>>
      tpu.enqueue_dma source(%dma_start3A_2488 : memref<50x128xf32, #tpu.memory_space<vmem>>) target(%dma_start3A_2484 : memref<50x128xf32, #tpu.memory_space<hbm>>) target_semaphore(%arg22 : memref<!tpu.dma_semaphore, #tpu.memory_space<semaphore_mem>>)
    }
    %scan3A_531 = arith.constant 30 : i32
    %dma_wait3A_532 = arith.constant 6 : i32
    %dma_wait3A_533 = arith.constant 0 : i32
    %dma_wait3A_534 = arith.constant 0 : i32
    %dma_wait3A_535 = arith.constant 0 : i32
    %dma_wait3A_536 = tpu.memref_slice %arg6[%dma_wait3A_532, %dma_wait3A_534, %dma_wait3A_535] : memref<8x50x128xf32, #tpu.memory_space<vmem>> -> memref<1x50x128xf32, #tpu.memory_space<vmem>>
    %dma_wait3A_537 = tpu.memref_squeeze %dma_wait3A_536 : memref<1x50x128xf32, #tpu.memory_space<vmem>> -> memref<50x128xf32, #tpu.memory_space<vmem>>
    %dma_wait3A_538 = arith.constant 0 : i32
    %dma_wait3A_539 = arith.constant 0 : i32
    %dma_wait3A_540 = tpu.memref_slice %arg4[%dma_wait3A_533, %dma_wait3A_538, %dma_wait3A_539] : memref<16384x50x128xf32, #tpu.memory_space<hbm>> -> memref<1x50x128xf32, #tpu.memory_space<hbm>>
    %dma_wait3A_541 = tpu.memref_squeeze %dma_wait3A_540 : memref<1x50x128xf32, #tpu.memory_space<hbm>> -> memref<50x128xf32, #tpu.memory_space<hbm>>
    %dma_wait3A_542 = arith.constant 0 : i32
    %dma_wait3A_543 = arith.constant 0 : i32
    %dma_wait3A_544 = tpu.memref_slice %arg4[%dma_wait3A_533, %dma_wait3A_542, %dma_wait3A_543] : memref<16384x50x128xf32, #tpu.memory_space<hbm>> -> memref<1x50x128xf32, #tpu.memory_space<hbm>>
    %dma_wait3A_545 = tpu.memref_squeeze %dma_wait3A_544 : memref<1x50x128xf32, #tpu.memory_space<hbm>> -> memref<50x128xf32, #tpu.memory_space<hbm>>
    %dma_wait3A_546 = arith.constant 0 : i32
    %dma_wait3A_547 = arith.constant 0 : i32
    %dma_wait3A_548 = tpu.memref_slice %arg6[%dma_wait3A_532, %dma_wait3A_546, %dma_wait3A_547] : memref<8x50x128xf32, #tpu.memory_space<vmem>> -> memref<1x50x128xf32, #tpu.memory_space<vmem>>
    %dma_wait3A_549 = tpu.memref_squeeze %dma_wait3A_548 : memref<1x50x128xf32, #tpu.memory_space<vmem>> -> memref<50x128xf32, #tpu.memory_space<vmem>>
    tpu.wait_dma2 semaphore(%arg21 : memref<!tpu.dma_semaphore, #tpu.memory_space<semaphore_mem>>) src(%dma_wait3A_549 : memref<50x128xf32, #tpu.memory_space<vmem>>) dst(%dma_wait3A_545 : memref<50x128xf32, #tpu.memory_space<hbm>>)
    %dma_start3A_550 = arith.constant 254 : i32
    %dma_start3A_551 = arith.constant 6 : i32
    %dma_start3A_552 = arith.constant 0 : i32
    %dma_start3A_553 = arith.constant 0 : i32
    %dma_start3A_554 = tpu.memref_slice %arg6[%dma_start3A_551, %dma_start3A_552, %dma_start3A_553] : memref<8x50x128xf32, #tpu.memory_space<vmem>> -> memref<1x50x128xf32, #tpu.memory_space<vmem>>
    %dma_start3A_555 = tpu.memref_squeeze %dma_start3A_554 : memref<1x50x128xf32, #tpu.memory_space<vmem>> -> memref<50x128xf32, #tpu.memory_space<vmem>>
    %dma_start3A_556 = arith.constant 0 : i32
    %dma_start3A_557 = tpu.memref_slice %arg5[%dma_start3A_550, %dma_start3A_556] : memref<256x50xi32, #tpu.memory_space<vmem>> -> memref<1x50xi32, #tpu.memory_space<vmem>>
    %dma_start3A_558 = tpu.memref_squeeze %dma_start3A_557 : memref<1x50xi32, #tpu.memory_space<vmem>> -> memref<50xi32, #tpu.memory_space<vmem>>
    %dma_start3A_559 = arith.constant 0 : i32
    %dma_start3A_560 = arith.constant 0 : i32
    %dma_start3A_561 = tpu.memref_slice %arg3[%dma_start3A_559, %dma_start3A_560] : memref<1000000x128xf32, #tpu.memory_space<hbm>> -> memref<1000000x128xf32, #tpu.memory_space<hbm>>
    tpu.enqueue_indirect_dma source(%dma_start3A_561 : memref<1000000x128xf32, #tpu.memory_space<hbm>>) target(%dma_start3A_555 : memref<50x128xf32, #tpu.memory_space<vmem>>) offsets(%dma_start3A_558 : memref<50xi32, #tpu.memory_space<vmem>>) semaphore(%arg13 : memref<!tpu.dma_semaphore, #tpu.memory_space<semaphore_mem>>)
    %dma_wait3A_562 = arith.constant 0 : i32
    %dma_wait3A_563 = arith.constant 0 : i32
    %dma_wait3A_564 = arith.constant 0 : i32
    %dma_wait3A_565 = arith.constant 0 : i32
    %dma_wait3A_566 = tpu.memref_slice %arg6[%dma_wait3A_563, %dma_wait3A_564, %dma_wait3A_565] : memref<8x50x128xf32, #tpu.memory_space<vmem>> -> memref<1x50x128xf32, #tpu.memory_space<vmem>>
    %dma_wait3A_567 = tpu.memref_squeeze %dma_wait3A_566 : memref<1x50x128xf32, #tpu.memory_space<vmem>> -> memref<50x128xf32, #tpu.memory_space<vmem>>
    %dma_wait3A_568 = arith.constant 0 : i32
    %dma_wait3A_569 = tpu.memref_slice %arg5[%dma_wait3A_562, %dma_wait3A_568] : memref<256x50xi32, #tpu.memory_space<vmem>> -> memref<1x50xi32, #tpu.memory_space<vmem>>
    %dma_wait3A_570 = tpu.memref_squeeze %dma_wait3A_569 : memref<1x50xi32, #tpu.memory_space<vmem>> -> memref<50xi32, #tpu.memory_space<vmem>>
    %dma_wait3A_571 = arith.constant 0 : i32
    %dma_wait3A_572 = arith.constant 0 : i32
    %dma_wait3A_573 = tpu.memref_slice %arg3[%dma_wait3A_571, %dma_wait3A_572] : memref<1000000x128xf32, #tpu.memory_space<hbm>> -> memref<1000000x128xf32, #tpu.memory_space<hbm>>
    tpu.wait_indirect_dma semaphore(%arg7 : memref<!tpu.dma_semaphore, #tpu.memory_space<semaphore_mem>>) src(%dma_wait3A_573 : memref<1000000x128xf32, #tpu.memory_space<hbm>>) dst(%dma_wait3A_567 : memref<50x128xf32, #tpu.memory_space<vmem>>)
    %add3A_574 = arith.constant 248 : i32
    %add3A_575 = arith.addi %add3A_4, %add3A_574 : i32
    %dma_start3A_576 = arith.constant 0 : i32
    %dma_start3A_577 = arith.constant 0 : i32
    %dma_start3A_578 = arith.constant 0 : i32
    %dma_start3A_579 = tpu.memref_slice %arg6[%dma_start3A_576, %dma_start3A_577, %dma_start3A_578] : memref<8x50x128xf32, #tpu.memory_space<vmem>> -> memref<1x50x128xf32, #tpu.memory_space<vmem>>
    %dma_start3A_580 = tpu.memref_squeeze %dma_start3A_579 : memref<1x50x128xf32, #tpu.memory_space<vmem>> -> memref<50x128xf32, #tpu.memory_space<vmem>>
    %dma_start3A_581 = arith.constant 0 : i32
    %dma_start3A_582 = arith.constant 0 : i32
    %dma_start3A_583 = tpu.memref_slice %arg4[%add3A_575, %dma_start3A_581, %dma_start3A_582] : memref<16384x50x128xf32, #tpu.memory_space<hbm>> -> memref<1x50x128xf32, #tpu.memory_space<hbm>>
    %dma_start3A_584 = tpu.memref_squeeze %dma_start3A_583 : memref<1x50x128xf32, #tpu.memory_space<hbm>> -> memref<50x128xf32, #tpu.memory_space<hbm>>
    %dma_start3A_585 = arith.constant 0 : i32
    %dma_start3A_586 = arith.constant 0 : i32
    %dma_start3A_587 = tpu.memref_slice %arg4[%add3A_575, %dma_start3A_585, %dma_start3A_586] : memref<16384x50x128xf32, #tpu.memory_space<hbm>> -> memref<1x50x128xf32, #tpu.memory_space<hbm>>
    %dma_start3A_588 = tpu.memref_squeeze %dma_start3A_587 : memref<1x50x128xf32, #tpu.memory_space<hbm>> -> memref<50x128xf32, #tpu.memory_space<hbm>>
    %dma_start3A_589 = arith.constant 0 : i32
    %dma_start3A_590 = arith.constant 0 : i32
    %dma_start3A_591 = tpu.memref_slice %arg6[%dma_start3A_576, %dma_start3A_589, %dma_start3A_590] : memref<8x50x128xf32, #tpu.memory_space<vmem>> -> memref<1x50x128xf32, #tpu.memory_space<vmem>>
    %dma_start3A_592 = tpu.memref_squeeze %dma_start3A_591 : memref<1x50x128xf32, #tpu.memory_space<vmem>> -> memref<50x128xf32, #tpu.memory_space<vmem>>
    tpu.enqueue_dma source(%dma_start3A_592 : memref<50x128xf32, #tpu.memory_space<vmem>>) target(%dma_start3A_588 : memref<50x128xf32, #tpu.memory_space<hbm>>) target_semaphore(%arg15 : memref<!tpu.dma_semaphore, #tpu.memory_space<semaphore_mem>>)
    %dma_wait3A_593 = arith.constant 7 : i32
    %dma_wait3A_594 = arith.constant 0 : i32
    %dma_wait3A_595 = arith.constant 0 : i32
    %dma_wait3A_596 = arith.constant 0 : i32
    %dma_wait3A_597 = tpu.memref_slice %arg6[%dma_wait3A_593, %dma_wait3A_595, %dma_wait3A_596] : memref<8x50x128xf32, #tpu.memory_space<vmem>> -> memref<1x50x128xf32, #tpu.memory_space<vmem>>
    %dma_wait3A_598 = tpu.memref_squeeze %dma_wait3A_597 : memref<1x50x128xf32, #tpu.memory_space<vmem>> -> memref<50x128xf32, #tpu.memory_space<vmem>>
    %dma_wait3A_599 = arith.constant 0 : i32
    %dma_wait3A_600 = arith.constant 0 : i32
    %dma_wait3A_601 = tpu.memref_slice %arg4[%dma_wait3A_594, %dma_wait3A_599, %dma_wait3A_600] : memref<16384x50x128xf32, #tpu.memory_space<hbm>> -> memref<1x50x128xf32, #tpu.memory_space<hbm>>
    %dma_wait3A_602 = tpu.memref_squeeze %dma_wait3A_601 : memref<1x50x128xf32, #tpu.memory_space<hbm>> -> memref<50x128xf32, #tpu.memory_space<hbm>>
    %dma_wait3A_603 = arith.constant 0 : i32
    %dma_wait3A_604 = arith.constant 0 : i32
    %dma_wait3A_605 = tpu.memref_slice %arg4[%dma_wait3A_594, %dma_wait3A_603, %dma_wait3A_604] : memref<16384x50x128xf32, #tpu.memory_space<hbm>> -> memref<1x50x128xf32, #tpu.memory_space<hbm>>
    %dma_wait3A_606 = tpu.memref_squeeze %dma_wait3A_605 : memref<1x50x128xf32, #tpu.memory_space<hbm>> -> memref<50x128xf32, #tpu.memory_space<hbm>>
    %dma_wait3A_607 = arith.constant 0 : i32
    %dma_wait3A_608 = arith.constant 0 : i32
    %dma_wait3A_609 = tpu.memref_slice %arg6[%dma_wait3A_593, %dma_wait3A_607, %dma_wait3A_608] : memref<8x50x128xf32, #tpu.memory_space<vmem>> -> memref<1x50x128xf32, #tpu.memory_space<vmem>>
    %dma_wait3A_610 = tpu.memref_squeeze %dma_wait3A_609 : memref<1x50x128xf32, #tpu.memory_space<vmem>> -> memref<50x128xf32, #tpu.memory_space<vmem>>
    tpu.wait_dma2 semaphore(%arg22 : memref<!tpu.dma_semaphore, #tpu.memory_space<semaphore_mem>>) src(%dma_wait3A_610 : memref<50x128xf32, #tpu.memory_space<vmem>>) dst(%dma_wait3A_606 : memref<50x128xf32, #tpu.memory_space<hbm>>)
    %dma_start3A_611 = arith.constant 255 : i32
    %dma_start3A_612 = arith.constant 7 : i32
    %dma_start3A_613 = arith.constant 0 : i32
    %dma_start3A_614 = arith.constant 0 : i32
    %dma_start3A_615 = tpu.memref_slice %arg6[%dma_start3A_612, %dma_start3A_613, %dma_start3A_614] : memref<8x50x128xf32, #tpu.memory_space<vmem>> -> memref<1x50x128xf32, #tpu.memory_space<vmem>>
    %dma_start3A_616 = tpu.memref_squeeze %dma_start3A_615 : memref<1x50x128xf32, #tpu.memory_space<vmem>> -> memref<50x128xf32, #tpu.memory_space<vmem>>
    %dma_start3A_617 = arith.constant 0 : i32
    %dma_start3A_618 = tpu.memref_slice %arg5[%dma_start3A_611, %dma_start3A_617] : memref<256x50xi32, #tpu.memory_space<vmem>> -> memref<1x50xi32, #tpu.memory_space<vmem>>
    %dma_start3A_619 = tpu.memref_squeeze %dma_start3A_618 : memref<1x50xi32, #tpu.memory_space<vmem>> -> memref<50xi32, #tpu.memory_space<vmem>>
    %dma_start3A_620 = arith.constant 0 : i32
    %dma_start3A_621 = arith.constant 0 : i32
    %dma_start3A_622 = tpu.memref_slice %arg3[%dma_start3A_620, %dma_start3A_621] : memref<1000000x128xf32, #tpu.memory_space<hbm>> -> memref<1000000x128xf32, #tpu.memory_space<hbm>>
    tpu.enqueue_indirect_dma source(%dma_start3A_622 : memref<1000000x128xf32, #tpu.memory_space<hbm>>) target(%dma_start3A_616 : memref<50x128xf32, #tpu.memory_space<vmem>>) offsets(%dma_start3A_619 : memref<50xi32, #tpu.memory_space<vmem>>) semaphore(%arg14 : memref<!tpu.dma_semaphore, #tpu.memory_space<semaphore_mem>>)
    %dma_wait3A_623 = arith.constant 0 : i32
    %dma_wait3A_624 = arith.constant 1 : i32
    %dma_wait3A_625 = arith.constant 0 : i32
    %dma_wait3A_626 = arith.constant 0 : i32
    %dma_wait3A_627 = tpu.memref_slice %arg6[%dma_wait3A_624, %dma_wait3A_625, %dma_wait3A_626] : memref<8x50x128xf32, #tpu.memory_space<vmem>> -> memref<1x50x128xf32, #tpu.memory_space<vmem>>
    %dma_wait3A_628 = tpu.memref_squeeze %dma_wait3A_627 : memref<1x50x128xf32, #tpu.memory_space<vmem>> -> memref<50x128xf32, #tpu.memory_space<vmem>>
    %dma_wait3A_629 = arith.constant 0 : i32
    %dma_wait3A_630 = tpu.memref_slice %arg5[%dma_wait3A_623, %dma_wait3A_629] : memref<256x50xi32, #tpu.memory_space<vmem>> -> memref<1x50xi32, #tpu.memory_space<vmem>>
    %dma_wait3A_631 = tpu.memref_squeeze %dma_wait3A_630 : memref<1x50xi32, #tpu.memory_space<vmem>> -> memref<50xi32, #tpu.memory_space<vmem>>
    %dma_wait3A_632 = arith.constant 0 : i32
    %dma_wait3A_633 = arith.constant 0 : i32
    %dma_wait3A_634 = tpu.memref_slice %arg3[%dma_wait3A_632, %dma_wait3A_633] : memref<1000000x128xf32, #tpu.memory_space<hbm>> -> memref<1000000x128xf32, #tpu.memory_space<hbm>>
    tpu.wait_indirect_dma semaphore(%arg8 : memref<!tpu.dma_semaphore, #tpu.memory_space<semaphore_mem>>) src(%dma_wait3A_634 : memref<1000000x128xf32, #tpu.memory_space<hbm>>) dst(%dma_wait3A_628 : memref<50x128xf32, #tpu.memory_space<vmem>>)
    %add3A_635 = arith.constant 249 : i32
    %add3A_636 = arith.addi %add3A_4, %add3A_635 : i32
    %dma_start3A_637 = arith.constant 1 : i32
    %dma_start3A_638 = arith.constant 0 : i32
    %dma_start3A_639 = arith.constant 0 : i32
    %dma_start3A_640 = tpu.memref_slice %arg6[%dma_start3A_637, %dma_start3A_638, %dma_start3A_639] : memref<8x50x128xf32, #tpu.memory_space<vmem>> -> memref<1x50x128xf32, #tpu.memory_space<vmem>>
    %dma_start3A_641 = tpu.memref_squeeze %dma_start3A_640 : memref<1x50x128xf32, #tpu.memory_space<vmem>> -> memref<50x128xf32, #tpu.memory_space<vmem>>
    %dma_start3A_642 = arith.constant 0 : i32
    %dma_start3A_643 = arith.constant 0 : i32
    %dma_start3A_644 = tpu.memref_slice %arg4[%add3A_636, %dma_start3A_642, %dma_start3A_643] : memref<16384x50x128xf32, #tpu.memory_space<hbm>> -> memref<1x50x128xf32, #tpu.memory_space<hbm>>
    %dma_start3A_645 = tpu.memref_squeeze %dma_start3A_644 : memref<1x50x128xf32, #tpu.memory_space<hbm>> -> memref<50x128xf32, #tpu.memory_space<hbm>>
    %dma_start3A_646 = arith.constant 0 : i32
    %dma_start3A_647 = arith.constant 0 : i32
    %dma_start3A_648 = tpu.memref_slice %arg4[%add3A_636, %dma_start3A_646, %dma_start3A_647] : memref<16384x50x128xf32, #tpu.memory_space<hbm>> -> memref<1x50x128xf32, #tpu.memory_space<hbm>>
    %dma_start3A_649 = tpu.memref_squeeze %dma_start3A_648 : memref<1x50x128xf32, #tpu.memory_space<hbm>> -> memref<50x128xf32, #tpu.memory_space<hbm>>
    %dma_start3A_650 = arith.constant 0 : i32
    %dma_start3A_651 = arith.constant 0 : i32
    %dma_start3A_652 = tpu.memref_slice %arg6[%dma_start3A_637, %dma_start3A_650, %dma_start3A_651] : memref<8x50x128xf32, #tpu.memory_space<vmem>> -> memref<1x50x128xf32, #tpu.memory_space<vmem>>
    %dma_start3A_653 = tpu.memref_squeeze %dma_start3A_652 : memref<1x50x128xf32, #tpu.memory_space<vmem>> -> memref<50x128xf32, #tpu.memory_space<vmem>>
    tpu.enqueue_dma source(%dma_start3A_653 : memref<50x128xf32, #tpu.memory_space<vmem>>) target(%dma_start3A_649 : memref<50x128xf32, #tpu.memory_space<hbm>>) target_semaphore(%arg16 : memref<!tpu.dma_semaphore, #tpu.memory_space<semaphore_mem>>)
    %dma_wait3A_654 = arith.constant 0 : i32
    %dma_wait3A_655 = arith.constant 2 : i32
    %dma_wait3A_656 = arith.constant 0 : i32
    %dma_wait3A_657 = arith.constant 0 : i32
    %dma_wait3A_658 = tpu.memref_slice %arg6[%dma_wait3A_655, %dma_wait3A_656, %dma_wait3A_657] : memref<8x50x128xf32, #tpu.memory_space<vmem>> -> memref<1x50x128xf32, #tpu.memory_space<vmem>>
    %dma_wait3A_659 = tpu.memref_squeeze %dma_wait3A_658 : memref<1x50x128xf32, #tpu.memory_space<vmem>> -> memref<50x128xf32, #tpu.memory_space<vmem>>
    %dma_wait3A_660 = arith.constant 0 : i32
    %dma_wait3A_661 = tpu.memref_slice %arg5[%dma_wait3A_654, %dma_wait3A_660] : memref<256x50xi32, #tpu.memory_space<vmem>> -> memref<1x50xi32, #tpu.memory_space<vmem>>
    %dma_wait3A_662 = tpu.memref_squeeze %dma_wait3A_661 : memref<1x50xi32, #tpu.memory_space<vmem>> -> memref<50xi32, #tpu.memory_space<vmem>>
    %dma_wait3A_663 = arith.constant 0 : i32
    %dma_wait3A_664 = arith.constant 0 : i32
    %dma_wait3A_665 = tpu.memref_slice %arg3[%dma_wait3A_663, %dma_wait3A_664] : memref<1000000x128xf32, #tpu.memory_space<hbm>> -> memref<1000000x128xf32, #tpu.memory_space<hbm>>
    tpu.wait_indirect_dma semaphore(%arg9 : memref<!tpu.dma_semaphore, #tpu.memory_space<semaphore_mem>>) src(%dma_wait3A_665 : memref<1000000x128xf32, #tpu.memory_space<hbm>>) dst(%dma_wait3A_659 : memref<50x128xf32, #tpu.memory_space<vmem>>)
    %add3A_666 = arith.constant 250 : i32
    %add3A_667 = arith.addi %add3A_4, %add3A_666 : i32
    %dma_start3A_668 = arith.constant 2 : i32
    %dma_start3A_669 = arith.constant 0 : i32
    %dma_start3A_670 = arith.constant 0 : i32
    %dma_start3A_671 = tpu.memref_slice %arg6[%dma_start3A_668, %dma_start3A_669, %dma_start3A_670] : memref<8x50x128xf32, #tpu.memory_space<vmem>> -> memref<1x50x128xf32, #tpu.memory_space<vmem>>
    %dma_start3A_672 = tpu.memref_squeeze %dma_start3A_671 : memref<1x50x128xf32, #tpu.memory_space<vmem>> -> memref<50x128xf32, #tpu.memory_space<vmem>>
    %dma_start3A_673 = arith.constant 0 : i32
    %dma_start3A_674 = arith.constant 0 : i32
    %dma_start3A_675 = tpu.memref_slice %arg4[%add3A_667, %dma_start3A_673, %dma_start3A_674] : memref<16384x50x128xf32, #tpu.memory_space<hbm>> -> memref<1x50x128xf32, #tpu.memory_space<hbm>>
    %dma_start3A_676 = tpu.memref_squeeze %dma_start3A_675 : memref<1x50x128xf32, #tpu.memory_space<hbm>> -> memref<50x128xf32, #tpu.memory_space<hbm>>
    %dma_start3A_677 = arith.constant 0 : i32
    %dma_start3A_678 = arith.constant 0 : i32
    %dma_start3A_679 = tpu.memref_slice %arg4[%add3A_667, %dma_start3A_677, %dma_start3A_678] : memref<16384x50x128xf32, #tpu.memory_space<hbm>> -> memref<1x50x128xf32, #tpu.memory_space<hbm>>
    %dma_start3A_680 = tpu.memref_squeeze %dma_start3A_679 : memref<1x50x128xf32, #tpu.memory_space<hbm>> -> memref<50x128xf32, #tpu.memory_space<hbm>>
    %dma_start3A_681 = arith.constant 0 : i32
    %dma_start3A_682 = arith.constant 0 : i32
    %dma_start3A_683 = tpu.memref_slice %arg6[%dma_start3A_668, %dma_start3A_681, %dma_start3A_682] : memref<8x50x128xf32, #tpu.memory_space<vmem>> -> memref<1x50x128xf32, #tpu.memory_space<vmem>>
    %dma_start3A_684 = tpu.memref_squeeze %dma_start3A_683 : memref<1x50x128xf32, #tpu.memory_space<vmem>> -> memref<50x128xf32, #tpu.memory_space<vmem>>
    tpu.enqueue_dma source(%dma_start3A_684 : memref<50x128xf32, #tpu.memory_space<vmem>>) target(%dma_start3A_680 : memref<50x128xf32, #tpu.memory_space<hbm>>) target_semaphore(%arg17 : memref<!tpu.dma_semaphore, #tpu.memory_space<semaphore_mem>>)
    %dma_wait3A_685 = arith.constant 0 : i32
    %dma_wait3A_686 = arith.constant 3 : i32
    %dma_wait3A_687 = arith.constant 0 : i32
    %dma_wait3A_688 = arith.constant 0 : i32
    %dma_wait3A_689 = tpu.memref_slice %arg6[%dma_wait3A_686, %dma_wait3A_687, %dma_wait3A_688] : memref<8x50x128xf32, #tpu.memory_space<vmem>> -> memref<1x50x128xf32, #tpu.memory_space<vmem>>
    %dma_wait3A_690 = tpu.memref_squeeze %dma_wait3A_689 : memref<1x50x128xf32, #tpu.memory_space<vmem>> -> memref<50x128xf32, #tpu.memory_space<vmem>>
    %dma_wait3A_691 = arith.constant 0 : i32
    %dma_wait3A_692 = tpu.memref_slice %arg5[%dma_wait3A_685, %dma_wait3A_691] : memref<256x50xi32, #tpu.memory_space<vmem>> -> memref<1x50xi32, #tpu.memory_space<vmem>>
    %dma_wait3A_693 = tpu.memref_squeeze %dma_wait3A_692 : memref<1x50xi32, #tpu.memory_space<vmem>> -> memref<50xi32, #tpu.memory_space<vmem>>
    %dma_wait3A_694 = arith.constant 0 : i32
    %dma_wait3A_695 = arith.constant 0 : i32
    %dma_wait3A_696 = tpu.memref_slice %arg3[%dma_wait3A_694, %dma_wait3A_695] : memref<1000000x128xf32, #tpu.memory_space<hbm>> -> memref<1000000x128xf32, #tpu.memory_space<hbm>>
    tpu.wait_indirect_dma semaphore(%arg10 : memref<!tpu.dma_semaphore, #tpu.memory_space<semaphore_mem>>) src(%dma_wait3A_696 : memref<1000000x128xf32, #tpu.memory_space<hbm>>) dst(%dma_wait3A_690 : memref<50x128xf32, #tpu.memory_space<vmem>>)
    %add3A_697 = arith.constant 251 : i32
    %add3A_698 = arith.addi %add3A_4, %add3A_697 : i32
    %dma_start3A_699 = arith.constant 3 : i32
    %dma_start3A_700 = arith.constant 0 : i32
    %dma_start3A_701 = arith.constant 0 : i32
    %dma_start3A_702 = tpu.memref_slice %arg6[%dma_start3A_699, %dma_start3A_700, %dma_start3A_701] : memref<8x50x128xf32, #tpu.memory_space<vmem>> -> memref<1x50x128xf32, #tpu.memory_space<vmem>>
    %dma_start3A_703 = tpu.memref_squeeze %dma_start3A_702 : memref<1x50x128xf32, #tpu.memory_space<vmem>> -> memref<50x128xf32, #tpu.memory_space<vmem>>
    %dma_start3A_704 = arith.constant 0 : i32
    %dma_start3A_705 = arith.constant 0 : i32
    %dma_start3A_706 = tpu.memref_slice %arg4[%add3A_698, %dma_start3A_704, %dma_start3A_705] : memref<16384x50x128xf32, #tpu.memory_space<hbm>> -> memref<1x50x128xf32, #tpu.memory_space<hbm>>
    %dma_start3A_707 = tpu.memref_squeeze %dma_start3A_706 : memref<1x50x128xf32, #tpu.memory_space<hbm>> -> memref<50x128xf32, #tpu.memory_space<hbm>>
    %dma_start3A_708 = arith.constant 0 : i32
    %dma_start3A_709 = arith.constant 0 : i32
    %dma_start3A_710 = tpu.memref_slice %arg4[%add3A_698, %dma_start3A_708, %dma_start3A_709] : memref<16384x50x128xf32, #tpu.memory_space<hbm>> -> memref<1x50x128xf32, #tpu.memory_space<hbm>>
    %dma_start3A_711 = tpu.memref_squeeze %dma_start3A_710 : memref<1x50x128xf32, #tpu.memory_space<hbm>> -> memref<50x128xf32, #tpu.memory_space<hbm>>
    %dma_start3A_712 = arith.constant 0 : i32
    %dma_start3A_713 = arith.constant 0 : i32
    %dma_start3A_714 = tpu.memref_slice %arg6[%dma_start3A_699, %dma_start3A_712, %dma_start3A_713] : memref<8x50x128xf32, #tpu.memory_space<vmem>> -> memref<1x50x128xf32, #tpu.memory_space<vmem>>
    %dma_start3A_715 = tpu.memref_squeeze %dma_start3A_714 : memref<1x50x128xf32, #tpu.memory_space<vmem>> -> memref<50x128xf32, #tpu.memory_space<vmem>>
    tpu.enqueue_dma source(%dma_start3A_715 : memref<50x128xf32, #tpu.memory_space<vmem>>) target(%dma_start3A_711 : memref<50x128xf32, #tpu.memory_space<hbm>>) target_semaphore(%arg18 : memref<!tpu.dma_semaphore, #tpu.memory_space<semaphore_mem>>)
    %dma_wait3A_716 = arith.constant 0 : i32
    %dma_wait3A_717 = arith.constant 4 : i32
    %dma_wait3A_718 = arith.constant 0 : i32
    %dma_wait3A_719 = arith.constant 0 : i32
    %dma_wait3A_720 = tpu.memref_slice %arg6[%dma_wait3A_717, %dma_wait3A_718, %dma_wait3A_719] : memref<8x50x128xf32, #tpu.memory_space<vmem>> -> memref<1x50x128xf32, #tpu.memory_space<vmem>>
    %dma_wait3A_721 = tpu.memref_squeeze %dma_wait3A_720 : memref<1x50x128xf32, #tpu.memory_space<vmem>> -> memref<50x128xf32, #tpu.memory_space<vmem>>
    %dma_wait3A_722 = arith.constant 0 : i32
    %dma_wait3A_723 = tpu.memref_slice %arg5[%dma_wait3A_716, %dma_wait3A_722] : memref<256x50xi32, #tpu.memory_space<vmem>> -> memref<1x50xi32, #tpu.memory_space<vmem>>
    %dma_wait3A_724 = tpu.memref_squeeze %dma_wait3A_723 : memref<1x50xi32, #tpu.memory_space<vmem>> -> memref<50xi32, #tpu.memory_space<vmem>>
    %dma_wait3A_725 = arith.constant 0 : i32
    %dma_wait3A_726 = arith.constant 0 : i32
    %dma_wait3A_727 = tpu.memref_slice %arg3[%dma_wait3A_725, %dma_wait3A_726] : memref<1000000x128xf32, #tpu.memory_space<hbm>> -> memref<1000000x128xf32, #tpu.memory_space<hbm>>
    tpu.wait_indirect_dma semaphore(%arg11 : memref<!tpu.dma_semaphore, #tpu.memory_space<semaphore_mem>>) src(%dma_wait3A_727 : memref<1000000x128xf32, #tpu.memory_space<hbm>>) dst(%dma_wait3A_721 : memref<50x128xf32, #tpu.memory_space<vmem>>)
    %add3A_728 = arith.constant 252 : i32
    %add3A_729 = arith.addi %add3A_4, %add3A_728 : i32
    %dma_start3A_730 = arith.constant 4 : i32
    %dma_start3A_731 = arith.constant 0 : i32
    %dma_start3A_732 = arith.constant 0 : i32
    %dma_start3A_733 = tpu.memref_slice %arg6[%dma_start3A_730, %dma_start3A_731, %dma_start3A_732] : memref<8x50x128xf32, #tpu.memory_space<vmem>> -> memref<1x50x128xf32, #tpu.memory_space<vmem>>
    %dma_start3A_734 = tpu.memref_squeeze %dma_start3A_733 : memref<1x50x128xf32, #tpu.memory_space<vmem>> -> memref<50x128xf32, #tpu.memory_space<vmem>>
    %dma_start3A_735 = arith.constant 0 : i32
    %dma_start3A_736 = arith.constant 0 : i32
    %dma_start3A_737 = tpu.memref_slice %arg4[%add3A_729, %dma_start3A_735, %dma_start3A_736] : memref<16384x50x128xf32, #tpu.memory_space<hbm>> -> memref<1x50x128xf32, #tpu.memory_space<hbm>>
    %dma_start3A_738 = tpu.memref_squeeze %dma_start3A_737 : memref<1x50x128xf32, #tpu.memory_space<hbm>> -> memref<50x128xf32, #tpu.memory_space<hbm>>
    %dma_start3A_739 = arith.constant 0 : i32
    %dma_start3A_740 = arith.constant 0 : i32
    %dma_start3A_741 = tpu.memref_slice %arg4[%add3A_729, %dma_start3A_739, %dma_start3A_740] : memref<16384x50x128xf32, #tpu.memory_space<hbm>> -> memref<1x50x128xf32, #tpu.memory_space<hbm>>
    %dma_start3A_742 = tpu.memref_squeeze %dma_start3A_741 : memref<1x50x128xf32, #tpu.memory_space<hbm>> -> memref<50x128xf32, #tpu.memory_space<hbm>>
    %dma_start3A_743 = arith.constant 0 : i32
    %dma_start3A_744 = arith.constant 0 : i32
    %dma_start3A_745 = tpu.memref_slice %arg6[%dma_start3A_730, %dma_start3A_743, %dma_start3A_744] : memref<8x50x128xf32, #tpu.memory_space<vmem>> -> memref<1x50x128xf32, #tpu.memory_space<vmem>>
    %dma_start3A_746 = tpu.memref_squeeze %dma_start3A_745 : memref<1x50x128xf32, #tpu.memory_space<vmem>> -> memref<50x128xf32, #tpu.memory_space<vmem>>
    tpu.enqueue_dma source(%dma_start3A_746 : memref<50x128xf32, #tpu.memory_space<vmem>>) target(%dma_start3A_742 : memref<50x128xf32, #tpu.memory_space<hbm>>) target_semaphore(%arg19 : memref<!tpu.dma_semaphore, #tpu.memory_space<semaphore_mem>>)
    %dma_wait3A_747 = arith.constant 0 : i32
    %dma_wait3A_748 = arith.constant 5 : i32
    %dma_wait3A_749 = arith.constant 0 : i32
    %dma_wait3A_750 = arith.constant 0 : i32
    %dma_wait3A_751 = tpu.memref_slice %arg6[%dma_wait3A_748, %dma_wait3A_749, %dma_wait3A_750] : memref<8x50x128xf32, #tpu.memory_space<vmem>> -> memref<1x50x128xf32, #tpu.memory_space<vmem>>
    %dma_wait3A_752 = tpu.memref_squeeze %dma_wait3A_751 : memref<1x50x128xf32, #tpu.memory_space<vmem>> -> memref<50x128xf32, #tpu.memory_space<vmem>>
    %dma_wait3A_753 = arith.constant 0 : i32
    %dma_wait3A_754 = tpu.memref_slice %arg5[%dma_wait3A_747, %dma_wait3A_753] : memref<256x50xi32, #tpu.memory_space<vmem>> -> memref<1x50xi32, #tpu.memory_space<vmem>>
    %dma_wait3A_755 = tpu.memref_squeeze %dma_wait3A_754 : memref<1x50xi32, #tpu.memory_space<vmem>> -> memref<50xi32, #tpu.memory_space<vmem>>
    %dma_wait3A_756 = arith.constant 0 : i32
    %dma_wait3A_757 = arith.constant 0 : i32
    %dma_wait3A_758 = tpu.memref_slice %arg3[%dma_wait3A_756, %dma_wait3A_757] : memref<1000000x128xf32, #tpu.memory_space<hbm>> -> memref<1000000x128xf32, #tpu.memory_space<hbm>>
    tpu.wait_indirect_dma semaphore(%arg12 : memref<!tpu.dma_semaphore, #tpu.memory_space<semaphore_mem>>) src(%dma_wait3A_758 : memref<1000000x128xf32, #tpu.memory_space<hbm>>) dst(%dma_wait3A_752 : memref<50x128xf32, #tpu.memory_space<vmem>>)
    %add3A_759 = arith.constant 253 : i32
    %add3A_760 = arith.addi %add3A_4, %add3A_759 : i32
    %dma_start3A_761 = arith.constant 5 : i32
    %dma_start3A_762 = arith.constant 0 : i32
    %dma_start3A_763 = arith.constant 0 : i32
    %dma_start3A_764 = tpu.memref_slice %arg6[%dma_start3A_761, %dma_start3A_762, %dma_start3A_763] : memref<8x50x128xf32, #tpu.memory_space<vmem>> -> memref<1x50x128xf32, #tpu.memory_space<vmem>>
    %dma_start3A_765 = tpu.memref_squeeze %dma_start3A_764 : memref<1x50x128xf32, #tpu.memory_space<vmem>> -> memref<50x128xf32, #tpu.memory_space<vmem>>
    %dma_start3A_766 = arith.constant 0 : i32
    %dma_start3A_767 = arith.constant 0 : i32
    %dma_start3A_768 = tpu.memref_slice %arg4[%add3A_760, %dma_start3A_766, %dma_start3A_767] : memref<16384x50x128xf32, #tpu.memory_space<hbm>> -> memref<1x50x128xf32, #tpu.memory_space<hbm>>
    %dma_start3A_769 = tpu.memref_squeeze %dma_start3A_768 : memref<1x50x128xf32, #tpu.memory_space<hbm>> -> memref<50x128xf32, #tpu.memory_space<hbm>>
    %dma_start3A_770 = arith.constant 0 : i32
    %dma_start3A_771 = arith.constant 0 : i32
    %dma_start3A_772 = tpu.memref_slice %arg4[%add3A_760, %dma_start3A_770, %dma_start3A_771] : memref<16384x50x128xf32, #tpu.memory_space<hbm>> -> memref<1x50x128xf32, #tpu.memory_space<hbm>>
    %dma_start3A_773 = tpu.memref_squeeze %dma_start3A_772 : memref<1x50x128xf32, #tpu.memory_space<hbm>> -> memref<50x128xf32, #tpu.memory_space<hbm>>
    %dma_start3A_774 = arith.constant 0 : i32
    %dma_start3A_775 = arith.constant 0 : i32
    %dma_start3A_776 = tpu.memref_slice %arg6[%dma_start3A_761, %dma_start3A_774, %dma_start3A_775] : memref<8x50x128xf32, #tpu.memory_space<vmem>> -> memref<1x50x128xf32, #tpu.memory_space<vmem>>
    %dma_start3A_777 = tpu.memref_squeeze %dma_start3A_776 : memref<1x50x128xf32, #tpu.memory_space<vmem>> -> memref<50x128xf32, #tpu.memory_space<vmem>>
    tpu.enqueue_dma source(%dma_start3A_777 : memref<50x128xf32, #tpu.memory_space<vmem>>) target(%dma_start3A_773 : memref<50x128xf32, #tpu.memory_space<hbm>>) target_semaphore(%arg20 : memref<!tpu.dma_semaphore, #tpu.memory_space<semaphore_mem>>)
    %dma_wait3A_778 = arith.constant 0 : i32
    %dma_wait3A_779 = arith.constant 6 : i32
    %dma_wait3A_780 = arith.constant 0 : i32
    %dma_wait3A_781 = arith.constant 0 : i32
    %dma_wait3A_782 = tpu.memref_slice %arg6[%dma_wait3A_779, %dma_wait3A_780, %dma_wait3A_781] : memref<8x50x128xf32, #tpu.memory_space<vmem>> -> memref<1x50x128xf32, #tpu.memory_space<vmem>>
    %dma_wait3A_783 = tpu.memref_squeeze %dma_wait3A_782 : memref<1x50x128xf32, #tpu.memory_space<vmem>> -> memref<50x128xf32, #tpu.memory_space<vmem>>
    %dma_wait3A_784 = arith.constant 0 : i32
    %dma_wait3A_785 = tpu.memref_slice %arg5[%dma_wait3A_778, %dma_wait3A_784] : memref<256x50xi32, #tpu.memory_space<vmem>> -> memref<1x50xi32, #tpu.memory_space<vmem>>
    %dma_wait3A_786 = tpu.memref_squeeze %dma_wait3A_785 : memref<1x50xi32, #tpu.memory_space<vmem>> -> memref<50xi32, #tpu.memory_space<vmem>>
    %dma_wait3A_787 = arith.constant 0 : i32
    %dma_wait3A_788 = arith.constant 0 : i32
    %dma_wait3A_789 = tpu.memref_slice %arg3[%dma_wait3A_787, %dma_wait3A_788] : memref<1000000x128xf32, #tpu.memory_space<hbm>> -> memref<1000000x128xf32, #tpu.memory_space<hbm>>
    tpu.wait_indirect_dma semaphore(%arg13 : memref<!tpu.dma_semaphore, #tpu.memory_space<semaphore_mem>>) src(%dma_wait3A_789 : memref<1000000x128xf32, #tpu.memory_space<hbm>>) dst(%dma_wait3A_783 : memref<50x128xf32, #tpu.memory_space<vmem>>)
    %add3A_790 = arith.constant 254 : i32
    %add3A_791 = arith.addi %add3A_4, %add3A_790 : i32
    %dma_start3A_792 = arith.constant 6 : i32
    %dma_start3A_793 = arith.constant 0 : i32
    %dma_start3A_794 = arith.constant 0 : i32
    %dma_start3A_795 = tpu.memref_slice %arg6[%dma_start3A_792, %dma_start3A_793, %dma_start3A_794] : memref<8x50x128xf32, #tpu.memory_space<vmem>> -> memref<1x50x128xf32, #tpu.memory_space<vmem>>
    %dma_start3A_796 = tpu.memref_squeeze %dma_start3A_795 : memref<1x50x128xf32, #tpu.memory_space<vmem>> -> memref<50x128xf32, #tpu.memory_space<vmem>>
    %dma_start3A_797 = arith.constant 0 : i32
    %dma_start3A_798 = arith.constant 0 : i32
    %dma_start3A_799 = tpu.memref_slice %arg4[%add3A_791, %dma_start3A_797, %dma_start3A_798] : memref<16384x50x128xf32, #tpu.memory_space<hbm>> -> memref<1x50x128xf32, #tpu.memory_space<hbm>>
    %dma_start3A_800 = tpu.memref_squeeze %dma_start3A_799 : memref<1x50x128xf32, #tpu.memory_space<hbm>> -> memref<50x128xf32, #tpu.memory_space<hbm>>
    %dma_start3A_801 = arith.constant 0 : i32
    %dma_start3A_802 = arith.constant 0 : i32
    %dma_start3A_803 = tpu.memref_slice %arg4[%add3A_791, %dma_start3A_801, %dma_start3A_802] : memref<16384x50x128xf32, #tpu.memory_space<hbm>> -> memref<1x50x128xf32, #tpu.memory_space<hbm>>
    %dma_start3A_804 = tpu.memref_squeeze %dma_start3A_803 : memref<1x50x128xf32, #tpu.memory_space<hbm>> -> memref<50x128xf32, #tpu.memory_space<hbm>>
    %dma_start3A_805 = arith.constant 0 : i32
    %dma_start3A_806 = arith.constant 0 : i32
    %dma_start3A_807 = tpu.memref_slice %arg6[%dma_start3A_792, %dma_start3A_805, %dma_start3A_806] : memref<8x50x128xf32, #tpu.memory_space<vmem>> -> memref<1x50x128xf32, #tpu.memory_space<vmem>>
    %dma_start3A_808 = tpu.memref_squeeze %dma_start3A_807 : memref<1x50x128xf32, #tpu.memory_space<vmem>> -> memref<50x128xf32, #tpu.memory_space<vmem>>
    tpu.enqueue_dma source(%dma_start3A_808 : memref<50x128xf32, #tpu.memory_space<vmem>>) target(%dma_start3A_804 : memref<50x128xf32, #tpu.memory_space<hbm>>) target_semaphore(%arg21 : memref<!tpu.dma_semaphore, #tpu.memory_space<semaphore_mem>>)
    %dma_wait3A_809 = arith.constant 0 : i32
    %dma_wait3A_810 = arith.constant 7 : i32
    %dma_wait3A_811 = arith.constant 0 : i32
    %dma_wait3A_812 = arith.constant 0 : i32
    %dma_wait3A_813 = tpu.memref_slice %arg6[%dma_wait3A_810, %dma_wait3A_811, %dma_wait3A_812] : memref<8x50x128xf32, #tpu.memory_space<vmem>> -> memref<1x50x128xf32, #tpu.memory_space<vmem>>
    %dma_wait3A_814 = tpu.memref_squeeze %dma_wait3A_813 : memref<1x50x128xf32, #tpu.memory_space<vmem>> -> memref<50x128xf32, #tpu.memory_space<vmem>>
    %dma_wait3A_815 = arith.constant 0 : i32
    %dma_wait3A_816 = tpu.memref_slice %arg5[%dma_wait3A_809, %dma_wait3A_815] : memref<256x50xi32, #tpu.memory_space<vmem>> -> memref<1x50xi32, #tpu.memory_space<vmem>>
    %dma_wait3A_817 = tpu.memref_squeeze %dma_wait3A_816 : memref<1x50xi32, #tpu.memory_space<vmem>> -> memref<50xi32, #tpu.memory_space<vmem>>
    %dma_wait3A_818 = arith.constant 0 : i32
    %dma_wait3A_819 = arith.constant 0 : i32
    %dma_wait3A_820 = tpu.memref_slice %arg3[%dma_wait3A_818, %dma_wait3A_819] : memref<1000000x128xf32, #tpu.memory_space<hbm>> -> memref<1000000x128xf32, #tpu.memory_space<hbm>>
    tpu.wait_indirect_dma semaphore(%arg14 : memref<!tpu.dma_semaphore, #tpu.memory_space<semaphore_mem>>) src(%dma_wait3A_820 : memref<1000000x128xf32, #tpu.memory_space<hbm>>) dst(%dma_wait3A_814 : memref<50x128xf32, #tpu.memory_space<vmem>>)
    %add3A_821 = arith.constant 255 : i32
    %add3A_822 = arith.addi %add3A_4, %add3A_821 : i32
    %dma_start3A_823 = arith.constant 7 : i32
    %dma_start3A_824 = arith.constant 0 : i32
    %dma_start3A_825 = arith.constant 0 : i32
    %dma_start3A_826 = tpu.memref_slice %arg6[%dma_start3A_823, %dma_start3A_824, %dma_start3A_825] : memref<8x50x128xf32, #tpu.memory_space<vmem>> -> memref<1x50x128xf32, #tpu.memory_space<vmem>>
    %dma_start3A_827 = tpu.memref_squeeze %dma_start3A_826 : memref<1x50x128xf32, #tpu.memory_space<vmem>> -> memref<50x128xf32, #tpu.memory_space<vmem>>
    %dma_start3A_828 = arith.constant 0 : i32
    %dma_start3A_829 = arith.constant 0 : i32
    %dma_start3A_830 = tpu.memref_slice %arg4[%add3A_822, %dma_start3A_828, %dma_start3A_829] : memref<16384x50x128xf32, #tpu.memory_space<hbm>> -> memref<1x50x128xf32, #tpu.memory_space<hbm>>
    %dma_start3A_831 = tpu.memref_squeeze %dma_start3A_830 : memref<1x50x128xf32, #tpu.memory_space<hbm>> -> memref<50x128xf32, #tpu.memory_space<hbm>>
    %dma_start3A_832 = arith.constant 0 : i32
    %dma_start3A_833 = arith.constant 0 : i32
    %dma_start3A_834 = tpu.memref_slice %arg4[%add3A_822, %dma_start3A_832, %dma_start3A_833] : memref<16384x50x128xf32, #tpu.memory_space<hbm>> -> memref<1x50x128xf32, #tpu.memory_space<hbm>>
    %dma_start3A_835 = tpu.memref_squeeze %dma_start3A_834 : memref<1x50x128xf32, #tpu.memory_space<hbm>> -> memref<50x128xf32, #tpu.memory_space<hbm>>
    %dma_start3A_836 = arith.constant 0 : i32
    %dma_start3A_837 = arith.constant 0 : i32
    %dma_start3A_838 = tpu.memref_slice %arg6[%dma_start3A_823, %dma_start3A_836, %dma_start3A_837] : memref<8x50x128xf32, #tpu.memory_space<vmem>> -> memref<1x50x128xf32, #tpu.memory_space<vmem>>
    %dma_start3A_839 = tpu.memref_squeeze %dma_start3A_838 : memref<1x50x128xf32, #tpu.memory_space<vmem>> -> memref<50x128xf32, #tpu.memory_space<vmem>>
    tpu.enqueue_dma source(%dma_start3A_839 : memref<50x128xf32, #tpu.memory_space<vmem>>) target(%dma_start3A_835 : memref<50x128xf32, #tpu.memory_space<hbm>>) target_semaphore(%arg22 : memref<!tpu.dma_semaphore, #tpu.memory_space<semaphore_mem>>)
    %dma_wait3A_840 = arith.constant 0 : i32
    %dma_wait3A_841 = arith.constant 0 : i32
    %dma_wait3A_842 = arith.constant 0 : i32
    %dma_wait3A_843 = arith.constant 0 : i32
    %dma_wait3A_844 = tpu.memref_slice %arg6[%dma_wait3A_840, %dma_wait3A_842, %dma_wait3A_843] : memref<8x50x128xf32, #tpu.memory_space<vmem>> -> memref<1x50x128xf32, #tpu.memory_space<vmem>>
    %dma_wait3A_845 = tpu.memref_squeeze %dma_wait3A_844 : memref<1x50x128xf32, #tpu.memory_space<vmem>> -> memref<50x128xf32, #tpu.memory_space<vmem>>
    %dma_wait3A_846 = arith.constant 0 : i32
    %dma_wait3A_847 = arith.constant 0 : i32
    %dma_wait3A_848 = tpu.memref_slice %arg4[%dma_wait3A_841, %dma_wait3A_846, %dma_wait3A_847] : memref<16384x50x128xf32, #tpu.memory_space<hbm>> -> memref<1x50x128xf32, #tpu.memory_space<hbm>>
    %dma_wait3A_849 = tpu.memref_squeeze %dma_wait3A_848 : memref<1x50x128xf32, #tpu.memory_space<hbm>> -> memref<50x128xf32, #tpu.memory_space<hbm>>
    %dma_wait3A_850 = arith.constant 0 : i32
    %dma_wait3A_851 = arith.constant 0 : i32
    %dma_wait3A_852 = tpu.memref_slice %arg4[%dma_wait3A_841, %dma_wait3A_850, %dma_wait3A_851] : memref<16384x50x128xf32, #tpu.memory_space<hbm>> -> memref<1x50x128xf32, #tpu.memory_space<hbm>>
    %dma_wait3A_853 = tpu.memref_squeeze %dma_wait3A_852 : memref<1x50x128xf32, #tpu.memory_space<hbm>> -> memref<50x128xf32, #tpu.memory_space<hbm>>
    %dma_wait3A_854 = arith.constant 0 : i32
    %dma_wait3A_855 = arith.constant 0 : i32
    %dma_wait3A_856 = tpu.memref_slice %arg6[%dma_wait3A_840, %dma_wait3A_854, %dma_wait3A_855] : memref<8x50x128xf32, #tpu.memory_space<vmem>> -> memref<1x50x128xf32, #tpu.memory_space<vmem>>
    %dma_wait3A_857 = tpu.memref_squeeze %dma_wait3A_856 : memref<1x50x128xf32, #tpu.memory_space<vmem>> -> memref<50x128xf32, #tpu.memory_space<vmem>>
    tpu.wait_dma2 semaphore(%arg15 : memref<!tpu.dma_semaphore, #tpu.memory_space<semaphore_mem>>) src(%dma_wait3A_857 : memref<50x128xf32, #tpu.memory_space<vmem>>) dst(%dma_wait3A_853 : memref<50x128xf32, #tpu.memory_space<hbm>>)
    %dma_wait3A_858 = arith.constant 1 : i32
    %dma_wait3A_859 = arith.constant 0 : i32
    %dma_wait3A_860 = arith.constant 0 : i32
    %dma_wait3A_861 = arith.constant 0 : i32
    %dma_wait3A_862 = tpu.memref_slice %arg6[%dma_wait3A_858, %dma_wait3A_860, %dma_wait3A_861] : memref<8x50x128xf32, #tpu.memory_space<vmem>> -> memref<1x50x128xf32, #tpu.memory_space<vmem>>
    %dma_wait3A_863 = tpu.memref_squeeze %dma_wait3A_862 : memref<1x50x128xf32, #tpu.memory_space<vmem>> -> memref<50x128xf32, #tpu.memory_space<vmem>>
    %dma_wait3A_864 = arith.constant 0 : i32
    %dma_wait3A_865 = arith.constant 0 : i32
    %dma_wait3A_866 = tpu.memref_slice %arg4[%dma_wait3A_859, %dma_wait3A_864, %dma_wait3A_865] : memref<16384x50x128xf32, #tpu.memory_space<hbm>> -> memref<1x50x128xf32, #tpu.memory_space<hbm>>
    %dma_wait3A_867 = tpu.memref_squeeze %dma_wait3A_866 : memref<1x50x128xf32, #tpu.memory_space<hbm>> -> memref<50x128xf32, #tpu.memory_space<hbm>>
    %dma_wait3A_868 = arith.constant 0 : i32
    %dma_wait3A_869 = arith.constant 0 : i32
    %dma_wait3A_870 = tpu.memref_slice %arg4[%dma_wait3A_859, %dma_wait3A_868, %dma_wait3A_869] : memref<16384x50x128xf32, #tpu.memory_space<hbm>> -> memref<1x50x128xf32, #tpu.memory_space<hbm>>
    %dma_wait3A_871 = tpu.memref_squeeze %dma_wait3A_870 : memref<1x50x128xf32, #tpu.memory_space<hbm>> -> memref<50x128xf32, #tpu.memory_space<hbm>>
    %dma_wait3A_872 = arith.constant 0 : i32
    %dma_wait3A_873 = arith.constant 0 : i32
    %dma_wait3A_874 = tpu.memref_slice %arg6[%dma_wait3A_858, %dma_wait3A_872, %dma_wait3A_873] : memref<8x50x128xf32, #tpu.memory_space<vmem>> -> memref<1x50x128xf32, #tpu.memory_space<vmem>>
    %dma_wait3A_875 = tpu.memref_squeeze %dma_wait3A_874 : memref<1x50x128xf32, #tpu.memory_space<vmem>> -> memref<50x128xf32, #tpu.memory_space<vmem>>
    tpu.wait_dma2 semaphore(%arg16 : memref<!tpu.dma_semaphore, #tpu.memory_space<semaphore_mem>>) src(%dma_wait3A_875 : memref<50x128xf32, #tpu.memory_space<vmem>>) dst(%dma_wait3A_871 : memref<50x128xf32, #tpu.memory_space<hbm>>)
    %dma_wait3A_876 = arith.constant 2 : i32
    %dma_wait3A_877 = arith.constant 0 : i32
    %dma_wait3A_878 = arith.constant 0 : i32
    %dma_wait3A_879 = arith.constant 0 : i32
    %dma_wait3A_880 = tpu.memref_slice %arg6[%dma_wait3A_876, %dma_wait3A_878, %dma_wait3A_879] : memref<8x50x128xf32, #tpu.memory_space<vmem>> -> memref<1x50x128xf32, #tpu.memory_space<vmem>>
    %dma_wait3A_881 = tpu.memref_squeeze %dma_wait3A_880 : memref<1x50x128xf32, #tpu.memory_space<vmem>> -> memref<50x128xf32, #tpu.memory_space<vmem>>
    %dma_wait3A_882 = arith.constant 0 : i32
    %dma_wait3A_883 = arith.constant 0 : i32
    %dma_wait3A_884 = tpu.memref_slice %arg4[%dma_wait3A_877, %dma_wait3A_882, %dma_wait3A_883] : memref<16384x50x128xf32, #tpu.memory_space<hbm>> -> memref<1x50x128xf32, #tpu.memory_space<hbm>>
    %dma_wait3A_885 = tpu.memref_squeeze %dma_wait3A_884 : memref<1x50x128xf32, #tpu.memory_space<hbm>> -> memref<50x128xf32, #tpu.memory_space<hbm>>
    %dma_wait3A_886 = arith.constant 0 : i32
    %dma_wait3A_887 = arith.constant 0 : i32
    %dma_wait3A_888 = tpu.memref_slice %arg4[%dma_wait3A_877, %dma_wait3A_886, %dma_wait3A_887] : memref<16384x50x128xf32, #tpu.memory_space<hbm>> -> memref<1x50x128xf32, #tpu.memory_space<hbm>>
    %dma_wait3A_889 = tpu.memref_squeeze %dma_wait3A_888 : memref<1x50x128xf32, #tpu.memory_space<hbm>> -> memref<50x128xf32, #tpu.memory_space<hbm>>
    %dma_wait3A_890 = arith.constant 0 : i32
    %dma_wait3A_891 = arith.constant 0 : i32
    %dma_wait3A_892 = tpu.memref_slice %arg6[%dma_wait3A_876, %dma_wait3A_890, %dma_wait3A_891] : memref<8x50x128xf32, #tpu.memory_space<vmem>> -> memref<1x50x128xf32, #tpu.memory_space<vmem>>
    %dma_wait3A_893 = tpu.memref_squeeze %dma_wait3A_892 : memref<1x50x128xf32, #tpu.memory_space<vmem>> -> memref<50x128xf32, #tpu.memory_space<vmem>>
    tpu.wait_dma2 semaphore(%arg17 : memref<!tpu.dma_semaphore, #tpu.memory_space<semaphore_mem>>) src(%dma_wait3A_893 : memref<50x128xf32, #tpu.memory_space<vmem>>) dst(%dma_wait3A_889 : memref<50x128xf32, #tpu.memory_space<hbm>>)
    %dma_wait3A_894 = arith.constant 3 : i32
    %dma_wait3A_895 = arith.constant 0 : i32
    %dma_wait3A_896 = arith.constant 0 : i32
    %dma_wait3A_897 = arith.constant 0 : i32
    %dma_wait3A_898 = tpu.memref_slice %arg6[%dma_wait3A_894, %dma_wait3A_896, %dma_wait3A_897] : memref<8x50x128xf32, #tpu.memory_space<vmem>> -> memref<1x50x128xf32, #tpu.memory_space<vmem>>
    %dma_wait3A_899 = tpu.memref_squeeze %dma_wait3A_898 : memref<1x50x128xf32, #tpu.memory_space<vmem>> -> memref<50x128xf32, #tpu.memory_space<vmem>>
    %dma_wait3A_900 = arith.constant 0 : i32
    %dma_wait3A_901 = arith.constant 0 : i32
    %dma_wait3A_902 = tpu.memref_slice %arg4[%dma_wait3A_895, %dma_wait3A_900, %dma_wait3A_901] : memref<16384x50x128xf32, #tpu.memory_space<hbm>> -> memref<1x50x128xf32, #tpu.memory_space<hbm>>
    %dma_wait3A_903 = tpu.memref_squeeze %dma_wait3A_902 : memref<1x50x128xf32, #tpu.memory_space<hbm>> -> memref<50x128xf32, #tpu.memory_space<hbm>>
    %dma_wait3A_904 = arith.constant 0 : i32
    %dma_wait3A_905 = arith.constant 0 : i32
    %dma_wait3A_906 = tpu.memref_slice %arg4[%dma_wait3A_895, %dma_wait3A_904, %dma_wait3A_905] : memref<16384x50x128xf32, #tpu.memory_space<hbm>> -> memref<1x50x128xf32, #tpu.memory_space<hbm>>
    %dma_wait3A_907 = tpu.memref_squeeze %dma_wait3A_906 : memref<1x50x128xf32, #tpu.memory_space<hbm>> -> memref<50x128xf32, #tpu.memory_space<hbm>>
    %dma_wait3A_908 = arith.constant 0 : i32
    %dma_wait3A_909 = arith.constant 0 : i32
    %dma_wait3A_910 = tpu.memref_slice %arg6[%dma_wait3A_894, %dma_wait3A_908, %dma_wait3A_909] : memref<8x50x128xf32, #tpu.memory_space<vmem>> -> memref<1x50x128xf32, #tpu.memory_space<vmem>>
    %dma_wait3A_911 = tpu.memref_squeeze %dma_wait3A_910 : memref<1x50x128xf32, #tpu.memory_space<vmem>> -> memref<50x128xf32, #tpu.memory_space<vmem>>
    tpu.wait_dma2 semaphore(%arg18 : memref<!tpu.dma_semaphore, #tpu.memory_space<semaphore_mem>>) src(%dma_wait3A_911 : memref<50x128xf32, #tpu.memory_space<vmem>>) dst(%dma_wait3A_907 : memref<50x128xf32, #tpu.memory_space<hbm>>)
    %dma_wait3A_912 = arith.constant 4 : i32
    %dma_wait3A_913 = arith.constant 0 : i32
    %dma_wait3A_914 = arith.constant 0 : i32
    %dma_wait3A_915 = arith.constant 0 : i32
    %dma_wait3A_916 = tpu.memref_slice %arg6[%dma_wait3A_912, %dma_wait3A_914, %dma_wait3A_915] : memref<8x50x128xf32, #tpu.memory_space<vmem>> -> memref<1x50x128xf32, #tpu.memory_space<vmem>>
    %dma_wait3A_917 = tpu.memref_squeeze %dma_wait3A_916 : memref<1x50x128xf32, #tpu.memory_space<vmem>> -> memref<50x128xf32, #tpu.memory_space<vmem>>
    %dma_wait3A_918 = arith.constant 0 : i32
    %dma_wait3A_919 = arith.constant 0 : i32
    %dma_wait3A_920 = tpu.memref_slice %arg4[%dma_wait3A_913, %dma_wait3A_918, %dma_wait3A_919] : memref<16384x50x128xf32, #tpu.memory_space<hbm>> -> memref<1x50x128xf32, #tpu.memory_space<hbm>>
    %dma_wait3A_921 = tpu.memref_squeeze %dma_wait3A_920 : memref<1x50x128xf32, #tpu.memory_space<hbm>> -> memref<50x128xf32, #tpu.memory_space<hbm>>
    %dma_wait3A_922 = arith.constant 0 : i32
    %dma_wait3A_923 = arith.constant 0 : i32
    %dma_wait3A_924 = tpu.memref_slice %arg4[%dma_wait3A_913, %dma_wait3A_922, %dma_wait3A_923] : memref<16384x50x128xf32, #tpu.memory_space<hbm>> -> memref<1x50x128xf32, #tpu.memory_space<hbm>>
    %dma_wait3A_925 = tpu.memref_squeeze %dma_wait3A_924 : memref<1x50x128xf32, #tpu.memory_space<hbm>> -> memref<50x128xf32, #tpu.memory_space<hbm>>
    %dma_wait3A_926 = arith.constant 0 : i32
    %dma_wait3A_927 = arith.constant 0 : i32
    %dma_wait3A_928 = tpu.memref_slice %arg6[%dma_wait3A_912, %dma_wait3A_926, %dma_wait3A_927] : memref<8x50x128xf32, #tpu.memory_space<vmem>> -> memref<1x50x128xf32, #tpu.memory_space<vmem>>
    %dma_wait3A_929 = tpu.memref_squeeze %dma_wait3A_928 : memref<1x50x128xf32, #tpu.memory_space<vmem>> -> memref<50x128xf32, #tpu.memory_space<vmem>>
    tpu.wait_dma2 semaphore(%arg19 : memref<!tpu.dma_semaphore, #tpu.memory_space<semaphore_mem>>) src(%dma_wait3A_929 : memref<50x128xf32, #tpu.memory_space<vmem>>) dst(%dma_wait3A_925 : memref<50x128xf32, #tpu.memory_space<hbm>>)
    %dma_wait3A_930 = arith.constant 5 : i32
    %dma_wait3A_931 = arith.constant 0 : i32
    %dma_wait3A_932 = arith.constant 0 : i32
    %dma_wait3A_933 = arith.constant 0 : i32
    %dma_wait3A_934 = tpu.memref_slice %arg6[%dma_wait3A_930, %dma_wait3A_932, %dma_wait3A_933] : memref<8x50x128xf32, #tpu.memory_space<vmem>> -> memref<1x50x128xf32, #tpu.memory_space<vmem>>
    %dma_wait3A_935 = tpu.memref_squeeze %dma_wait3A_934 : memref<1x50x128xf32, #tpu.memory_space<vmem>> -> memref<50x128xf32, #tpu.memory_space<vmem>>
    %dma_wait3A_936 = arith.constant 0 : i32
    %dma_wait3A_937 = arith.constant 0 : i32
    %dma_wait3A_938 = tpu.memref_slice %arg4[%dma_wait3A_931, %dma_wait3A_936, %dma_wait3A_937] : memref<16384x50x128xf32, #tpu.memory_space<hbm>> -> memref<1x50x128xf32, #tpu.memory_space<hbm>>
    %dma_wait3A_939 = tpu.memref_squeeze %dma_wait3A_938 : memref<1x50x128xf32, #tpu.memory_space<hbm>> -> memref<50x128xf32, #tpu.memory_space<hbm>>
    %dma_wait3A_940 = arith.constant 0 : i32
    %dma_wait3A_941 = arith.constant 0 : i32
    %dma_wait3A_942 = tpu.memref_slice %arg4[%dma_wait3A_931, %dma_wait3A_940, %dma_wait3A_941] : memref<16384x50x128xf32, #tpu.memory_space<hbm>> -> memref<1x50x128xf32, #tpu.memory_space<hbm>>
    %dma_wait3A_943 = tpu.memref_squeeze %dma_wait3A_942 : memref<1x50x128xf32, #tpu.memory_space<hbm>> -> memref<50x128xf32, #tpu.memory_space<hbm>>
    %dma_wait3A_944 = arith.constant 0 : i32
    %dma_wait3A_945 = arith.constant 0 : i32
    %dma_wait3A_946 = tpu.memref_slice %arg6[%dma_wait3A_930, %dma_wait3A_944, %dma_wait3A_945] : memref<8x50x128xf32, #tpu.memory_space<vmem>> -> memref<1x50x128xf32, #tpu.memory_space<vmem>>
    %dma_wait3A_947 = tpu.memref_squeeze %dma_wait3A_946 : memref<1x50x128xf32, #tpu.memory_space<vmem>> -> memref<50x128xf32, #tpu.memory_space<vmem>>
    tpu.wait_dma2 semaphore(%arg20 : memref<!tpu.dma_semaphore, #tpu.memory_space<semaphore_mem>>) src(%dma_wait3A_947 : memref<50x128xf32, #tpu.memory_space<vmem>>) dst(%dma_wait3A_943 : memref<50x128xf32, #tpu.memory_space<hbm>>)
    %dma_wait3A_948 = arith.constant 6 : i32
    %dma_wait3A_949 = arith.constant 0 : i32
    %dma_wait3A_950 = arith.constant 0 : i32
    %dma_wait3A_951 = arith.constant 0 : i32
    %dma_wait3A_952 = tpu.memref_slice %arg6[%dma_wait3A_948, %dma_wait3A_950, %dma_wait3A_951] : memref<8x50x128xf32, #tpu.memory_space<vmem>> -> memref<1x50x128xf32, #tpu.memory_space<vmem>>
    %dma_wait3A_953 = tpu.memref_squeeze %dma_wait3A_952 : memref<1x50x128xf32, #tpu.memory_space<vmem>> -> memref<50x128xf32, #tpu.memory_space<vmem>>
    %dma_wait3A_954 = arith.constant 0 : i32
    %dma_wait3A_955 = arith.constant 0 : i32
    %dma_wait3A_956 = tpu.memref_slice %arg4[%dma_wait3A_949, %dma_wait3A_954, %dma_wait3A_955] : memref<16384x50x128xf32, #tpu.memory_space<hbm>> -> memref<1x50x128xf32, #tpu.memory_space<hbm>>
    %dma_wait3A_957 = tpu.memref_squeeze %dma_wait3A_956 : memref<1x50x128xf32, #tpu.memory_space<hbm>> -> memref<50x128xf32, #tpu.memory_space<hbm>>
    %dma_wait3A_958 = arith.constant 0 : i32
    %dma_wait3A_959 = arith.constant 0 : i32
    %dma_wait3A_960 = tpu.memref_slice %arg4[%dma_wait3A_949, %dma_wait3A_958, %dma_wait3A_959] : memref<16384x50x128xf32, #tpu.memory_space<hbm>> -> memref<1x50x128xf32, #tpu.memory_space<hbm>>
    %dma_wait3A_961 = tpu.memref_squeeze %dma_wait3A_960 : memref<1x50x128xf32, #tpu.memory_space<hbm>> -> memref<50x128xf32, #tpu.memory_space<hbm>>
    %dma_wait3A_962 = arith.constant 0 : i32
    %dma_wait3A_963 = arith.constant 0 : i32
    %dma_wait3A_964 = tpu.memref_slice %arg6[%dma_wait3A_948, %dma_wait3A_962, %dma_wait3A_963] : memref<8x50x128xf32, #tpu.memory_space<vmem>> -> memref<1x50x128xf32, #tpu.memory_space<vmem>>
    %dma_wait3A_965 = tpu.memref_squeeze %dma_wait3A_964 : memref<1x50x128xf32, #tpu.memory_space<vmem>> -> memref<50x128xf32, #tpu.memory_space<vmem>>
    tpu.wait_dma2 semaphore(%arg21 : memref<!tpu.dma_semaphore, #tpu.memory_space<semaphore_mem>>) src(%dma_wait3A_965 : memref<50x128xf32, #tpu.memory_space<vmem>>) dst(%dma_wait3A_961 : memref<50x128xf32, #tpu.memory_space<hbm>>)
    %dma_wait3A_966 = arith.constant 7 : i32
    %dma_wait3A_967 = arith.constant 0 : i32
    %dma_wait3A_968 = arith.constant 0 : i32
    %dma_wait3A_969 = arith.constant 0 : i32
    %dma_wait3A_970 = tpu.memref_slice %arg6[%dma_wait3A_966, %dma_wait3A_968, %dma_wait3A_969] : memref<8x50x128xf32, #tpu.memory_space<vmem>> -> memref<1x50x128xf32, #tpu.memory_space<vmem>>
    %dma_wait3A_971 = tpu.memref_squeeze %dma_wait3A_970 : memref<1x50x128xf32, #tpu.memory_space<vmem>> -> memref<50x128xf32, #tpu.memory_space<vmem>>
    %dma_wait3A_972 = arith.constant 0 : i32
    %dma_wait3A_973 = arith.constant 0 : i32
    %dma_wait3A_974 = tpu.memref_slice %arg4[%dma_wait3A_967, %dma_wait3A_972, %dma_wait3A_973] : memref<16384x50x128xf32, #tpu.memory_space<hbm>> -> memref<1x50x128xf32, #tpu.memory_space<hbm>>
    %dma_wait3A_975 = tpu.memref_squeeze %dma_wait3A_974 : memref<1x50x128xf32, #tpu.memory_space<hbm>> -> memref<50x128xf32, #tpu.memory_space<hbm>>
    %dma_wait3A_976 = arith.constant 0 : i32
    %dma_wait3A_977 = arith.constant 0 : i32
    %dma_wait3A_978 = tpu.memref_slice %arg4[%dma_wait3A_967, %dma_wait3A_976, %dma_wait3A_977] : memref<16384x50x128xf32, #tpu.memory_space<hbm>> -> memref<1x50x128xf32, #tpu.memory_space<hbm>>
    %dma_wait3A_979 = tpu.memref_squeeze %dma_wait3A_978 : memref<1x50x128xf32, #tpu.memory_space<hbm>> -> memref<50x128xf32, #tpu.memory_space<hbm>>
    %dma_wait3A_980 = arith.constant 0 : i32
    %dma_wait3A_981 = arith.constant 0 : i32
    %dma_wait3A_982 = tpu.memref_slice %arg6[%dma_wait3A_966, %dma_wait3A_980, %dma_wait3A_981] : memref<8x50x128xf32, #tpu.memory_space<vmem>> -> memref<1x50x128xf32, #tpu.memory_space<vmem>>
    %dma_wait3A_983 = tpu.memref_squeeze %dma_wait3A_982 : memref<1x50x128xf32, #tpu.memory_space<vmem>> -> memref<50x128xf32, #tpu.memory_space<vmem>>
    tpu.wait_dma2 semaphore(%arg22 : memref<!tpu.dma_semaphore, #tpu.memory_space<semaphore_mem>>) src(%dma_wait3A_983 : memref<50x128xf32, #tpu.memory_space<vmem>>) dst(%dma_wait3A_979 : memref<50x128xf32, #tpu.memory_space<hbm>>)
    %add3A_984 = arith.constant 256 : i32
    %add3A_985 = arith.addi %mul3A_2, %add3A_984 : i32
    "tpu.region"() ({
      %run_scoped3A = tpu.sem_alloc : memref<!tpu.dma_semaphore, #tpu.memory_space<semaphore_mem>>
      %dma_start3A_1968 = arith.constant 0 : i32
      %dma_start3A_1969 = tpu.memref_slice %arg2[%add3A_985, %dma_start3A_1968] : memref<16384x50xi32, #tpu.memory_space<hbm>> -> memref<256x50xi32, #tpu.memory_space<hbm>>
      %dma_start3A_1970 = arith.constant 0 : i32
      %dma_start3A_1971 = tpu.memref_slice %arg2[%add3A_985, %dma_start3A_1970] : memref<16384x50xi32, #tpu.memory_space<hbm>> -> memref<256x50xi32, #tpu.memory_space<hbm>>
      tpu.enqueue_dma source(%dma_start3A_1971 : memref<256x50xi32, #tpu.memory_space<hbm>>) target(%arg5 : memref<256x50xi32, #tpu.memory_space<vmem>>) target_semaphore(%run_scoped3A : memref<!tpu.dma_semaphore, #tpu.memory_space<semaphore_mem>>)
      %dma_wait3A_1972 = arith.constant 0 : i32
      %dma_wait3A_1973 = tpu.memref_slice %arg2[%add3A_985, %dma_wait3A_1972] : memref<16384x50xi32, #tpu.memory_space<hbm>> -> memref<256x50xi32, #tpu.memory_space<hbm>>
      %dma_wait3A_1974 = arith.constant 0 : i32
      %dma_wait3A_1975 = tpu.memref_slice %arg2[%add3A_985, %dma_wait3A_1974] : memref<16384x50xi32, #tpu.memory_space<hbm>> -> memref<256x50xi32, #tpu.memory_space<hbm>>
      tpu.wait_dma2 semaphore(%run_scoped3A : memref<!tpu.dma_semaphore, #tpu.memory_space<semaphore_mem>>) src(%dma_wait3A_1975 : memref<256x50xi32, #tpu.memory_space<hbm>>) dst(%arg5 : memref<256x50xi32, #tpu.memory_space<vmem>>)
      tpu.yield
    }) : () -> ()
    %dma_start3A_986 = arith.constant 0 : i32
    %dma_start3A_987 = arith.constant 0 : i32
    %dma_start3A_988 = arith.constant 0 : i32
    %dma_start3A_989 = arith.constant 0 : i32
    %dma_start3A_990 = tpu.memref_slice %arg6[%dma_start3A_987, %dma_start3A_988, %dma_start3A_989] : memref<8x50x128xf32, #tpu.memory_space<vmem>> -> memref<1x50x128xf32, #tpu.memory_space<vmem>>
    %dma_start3A_991 = tpu.memref_squeeze %dma_start3A_990 : memref<1x50x128xf32, #tpu.memory_space<vmem>> -> memref<50x128xf32, #tpu.memory_space<vmem>>
    %dma_start3A_992 = arith.constant 0 : i32
    %dma_start3A_993 = tpu.memref_slice %arg5[%dma_start3A_986, %dma_start3A_992] : memref<256x50xi32, #tpu.memory_space<vmem>> -> memref<1x50xi32, #tpu.memory_space<vmem>>
    %dma_start3A_994 = tpu.memref_squeeze %dma_start3A_993 : memref<1x50xi32, #tpu.memory_space<vmem>> -> memref<50xi32, #tpu.memory_space<vmem>>
    %dma_start3A_995 = arith.constant 0 : i32
    %dma_start3A_996 = arith.constant 0 : i32
    %dma_start3A_997 = tpu.memref_slice %arg3[%dma_start3A_995, %dma_start3A_996] : memref<1000000x128xf32, #tpu.memory_space<hbm>> -> memref<1000000x128xf32, #tpu.memory_space<hbm>>
    tpu.enqueue_indirect_dma source(%dma_start3A_997 : memref<1000000x128xf32, #tpu.memory_space<hbm>>) target(%dma_start3A_991 : memref<50x128xf32, #tpu.memory_space<vmem>>) offsets(%dma_start3A_994 : memref<50xi32, #tpu.memory_space<vmem>>) semaphore(%arg7 : memref<!tpu.dma_semaphore, #tpu.memory_space<semaphore_mem>>)
    %dma_start3A_998 = arith.constant 1 : i32
    %dma_start3A_999 = arith.constant 1 : i32
    %dma_start3A_1000 = arith.constant 0 : i32
    %dma_start3A_1001 = arith.constant 0 : i32
    %dma_start3A_1002 = tpu.memref_slice %arg6[%dma_start3A_999, %dma_start3A_1000, %dma_start3A_1001] : memref<8x50x128xf32, #tpu.memory_space<vmem>> -> memref<1x50x128xf32, #tpu.memory_space<vmem>>
    %dma_start3A_1003 = tpu.memref_squeeze %dma_start3A_1002 : memref<1x50x128xf32, #tpu.memory_space<vmem>> -> memref<50x128xf32, #tpu.memory_space<vmem>>
    %dma_start3A_1004 = arith.constant 0 : i32
    %dma_start3A_1005 = tpu.memref_slice %arg5[%dma_start3A_998, %dma_start3A_1004] : memref<256x50xi32, #tpu.memory_space<vmem>> -> memref<1x50xi32, #tpu.memory_space<vmem>>
    %dma_start3A_1006 = tpu.memref_squeeze %dma_start3A_1005 : memref<1x50xi32, #tpu.memory_space<vmem>> -> memref<50xi32, #tpu.memory_space<vmem>>
    %dma_start3A_1007 = arith.constant 0 : i32
    %dma_start3A_1008 = arith.constant 0 : i32
    %dma_start3A_1009 = tpu.memref_slice %arg3[%dma_start3A_1007, %dma_start3A_1008] : memref<1000000x128xf32, #tpu.memory_space<hbm>> -> memref<1000000x128xf32, #tpu.memory_space<hbm>>
    tpu.enqueue_indirect_dma source(%dma_start3A_1009 : memref<1000000x128xf32, #tpu.memory_space<hbm>>) target(%dma_start3A_1003 : memref<50x128xf32, #tpu.memory_space<vmem>>) offsets(%dma_start3A_1006 : memref<50xi32, #tpu.memory_space<vmem>>) semaphore(%arg8 : memref<!tpu.dma_semaphore, #tpu.memory_space<semaphore_mem>>)
    %dma_start3A_1010 = arith.constant 2 : i32
    %dma_start3A_1011 = arith.constant 2 : i32
    %dma_start3A_1012 = arith.constant 0 : i32
    %dma_start3A_1013 = arith.constant 0 : i32
    %dma_start3A_1014 = tpu.memref_slice %arg6[%dma_start3A_1011, %dma_start3A_1012, %dma_start3A_1013] : memref<8x50x128xf32, #tpu.memory_space<vmem>> -> memref<1x50x128xf32, #tpu.memory_space<vmem>>
    %dma_start3A_1015 = tpu.memref_squeeze %dma_start3A_1014 : memref<1x50x128xf32, #tpu.memory_space<vmem>> -> memref<50x128xf32, #tpu.memory_space<vmem>>
    %dma_start3A_1016 = arith.constant 0 : i32
    %dma_start3A_1017 = tpu.memref_slice %arg5[%dma_start3A_1010, %dma_start3A_1016] : memref<256x50xi32, #tpu.memory_space<vmem>> -> memref<1x50xi32, #tpu.memory_space<vmem>>
    %dma_start3A_1018 = tpu.memref_squeeze %dma_start3A_1017 : memref<1x50xi32, #tpu.memory_space<vmem>> -> memref<50xi32, #tpu.memory_space<vmem>>
    %dma_start3A_1019 = arith.constant 0 : i32
    %dma_start3A_1020 = arith.constant 0 : i32
    %dma_start3A_1021 = tpu.memref_slice %arg3[%dma_start3A_1019, %dma_start3A_1020] : memref<1000000x128xf32, #tpu.memory_space<hbm>> -> memref<1000000x128xf32, #tpu.memory_space<hbm>>
    tpu.enqueue_indirect_dma source(%dma_start3A_1021 : memref<1000000x128xf32, #tpu.memory_space<hbm>>) target(%dma_start3A_1015 : memref<50x128xf32, #tpu.memory_space<vmem>>) offsets(%dma_start3A_1018 : memref<50xi32, #tpu.memory_space<vmem>>) semaphore(%arg9 : memref<!tpu.dma_semaphore, #tpu.memory_space<semaphore_mem>>)
    %dma_start3A_1022 = arith.constant 3 : i32
    %dma_start3A_1023 = arith.constant 3 : i32
    %dma_start3A_1024 = arith.constant 0 : i32
    %dma_start3A_1025 = arith.constant 0 : i32
    %dma_start3A_1026 = tpu.memref_slice %arg6[%dma_start3A_1023, %dma_start3A_1024, %dma_start3A_1025] : memref<8x50x128xf32, #tpu.memory_space<vmem>> -> memref<1x50x128xf32, #tpu.memory_space<vmem>>
    %dma_start3A_1027 = tpu.memref_squeeze %dma_start3A_1026 : memref<1x50x128xf32, #tpu.memory_space<vmem>> -> memref<50x128xf32, #tpu.memory_space<vmem>>
    %dma_start3A_1028 = arith.constant 0 : i32
    %dma_start3A_1029 = tpu.memref_slice %arg5[%dma_start3A_1022, %dma_start3A_1028] : memref<256x50xi32, #tpu.memory_space<vmem>> -> memref<1x50xi32, #tpu.memory_space<vmem>>
    %dma_start3A_1030 = tpu.memref_squeeze %dma_start3A_1029 : memref<1x50xi32, #tpu.memory_space<vmem>> -> memref<50xi32, #tpu.memory_space<vmem>>
    %dma_start3A_1031 = arith.constant 0 : i32
    %dma_start3A_1032 = arith.constant 0 : i32
    %dma_start3A_1033 = tpu.memref_slice %arg3[%dma_start3A_1031, %dma_start3A_1032] : memref<1000000x128xf32, #tpu.memory_space<hbm>> -> memref<1000000x128xf32, #tpu.memory_space<hbm>>
    tpu.enqueue_indirect_dma source(%dma_start3A_1033 : memref<1000000x128xf32, #tpu.memory_space<hbm>>) target(%dma_start3A_1027 : memref<50x128xf32, #tpu.memory_space<vmem>>) offsets(%dma_start3A_1030 : memref<50xi32, #tpu.memory_space<vmem>>) semaphore(%arg10 : memref<!tpu.dma_semaphore, #tpu.memory_space<semaphore_mem>>)
    %dma_start3A_1034 = arith.constant 4 : i32
    %dma_start3A_1035 = arith.constant 4 : i32
    %dma_start3A_1036 = arith.constant 0 : i32
    %dma_start3A_1037 = arith.constant 0 : i32
    %dma_start3A_1038 = tpu.memref_slice %arg6[%dma_start3A_1035, %dma_start3A_1036, %dma_start3A_1037] : memref<8x50x128xf32, #tpu.memory_space<vmem>> -> memref<1x50x128xf32, #tpu.memory_space<vmem>>
    %dma_start3A_1039 = tpu.memref_squeeze %dma_start3A_1038 : memref<1x50x128xf32, #tpu.memory_space<vmem>> -> memref<50x128xf32, #tpu.memory_space<vmem>>
    %dma_start3A_1040 = arith.constant 0 : i32
    %dma_start3A_1041 = tpu.memref_slice %arg5[%dma_start3A_1034, %dma_start3A_1040] : memref<256x50xi32, #tpu.memory_space<vmem>> -> memref<1x50xi32, #tpu.memory_space<vmem>>
    %dma_start3A_1042 = tpu.memref_squeeze %dma_start3A_1041 : memref<1x50xi32, #tpu.memory_space<vmem>> -> memref<50xi32, #tpu.memory_space<vmem>>
    %dma_start3A_1043 = arith.constant 0 : i32
    %dma_start3A_1044 = arith.constant 0 : i32
    %dma_start3A_1045 = tpu.memref_slice %arg3[%dma_start3A_1043, %dma_start3A_1044] : memref<1000000x128xf32, #tpu.memory_space<hbm>> -> memref<1000000x128xf32, #tpu.memory_space<hbm>>
    tpu.enqueue_indirect_dma source(%dma_start3A_1045 : memref<1000000x128xf32, #tpu.memory_space<hbm>>) target(%dma_start3A_1039 : memref<50x128xf32, #tpu.memory_space<vmem>>) offsets(%dma_start3A_1042 : memref<50xi32, #tpu.memory_space<vmem>>) semaphore(%arg11 : memref<!tpu.dma_semaphore, #tpu.memory_space<semaphore_mem>>)
    %dma_start3A_1046 = arith.constant 5 : i32
    %dma_start3A_1047 = arith.constant 5 : i32
    %dma_start3A_1048 = arith.constant 0 : i32
    %dma_start3A_1049 = arith.constant 0 : i32
    %dma_start3A_1050 = tpu.memref_slice %arg6[%dma_start3A_1047, %dma_start3A_1048, %dma_start3A_1049] : memref<8x50x128xf32, #tpu.memory_space<vmem>> -> memref<1x50x128xf32, #tpu.memory_space<vmem>>
    %dma_start3A_1051 = tpu.memref_squeeze %dma_start3A_1050 : memref<1x50x128xf32, #tpu.memory_space<vmem>> -> memref<50x128xf32, #tpu.memory_space<vmem>>
    %dma_start3A_1052 = arith.constant 0 : i32
    %dma_start3A_1053 = tpu.memref_slice %arg5[%dma_start3A_1046, %dma_start3A_1052] : memref<256x50xi32, #tpu.memory_space<vmem>> -> memref<1x50xi32, #tpu.memory_space<vmem>>
    %dma_start3A_1054 = tpu.memref_squeeze %dma_start3A_1053 : memref<1x50xi32, #tpu.memory_space<vmem>> -> memref<50xi32, #tpu.memory_space<vmem>>
    %dma_start3A_1055 = arith.constant 0 : i32
    %dma_start3A_1056 = arith.constant 0 : i32
    %dma_start3A_1057 = tpu.memref_slice %arg3[%dma_start3A_1055, %dma_start3A_1056] : memref<1000000x128xf32, #tpu.memory_space<hbm>> -> memref<1000000x128xf32, #tpu.memory_space<hbm>>
    tpu.enqueue_indirect_dma source(%dma_start3A_1057 : memref<1000000x128xf32, #tpu.memory_space<hbm>>) target(%dma_start3A_1051 : memref<50x128xf32, #tpu.memory_space<vmem>>) offsets(%dma_start3A_1054 : memref<50xi32, #tpu.memory_space<vmem>>) semaphore(%arg12 : memref<!tpu.dma_semaphore, #tpu.memory_space<semaphore_mem>>)
    %dma_start3A_1058 = arith.constant 6 : i32
    %dma_start3A_1059 = arith.constant 6 : i32
    %dma_start3A_1060 = arith.constant 0 : i32
    %dma_start3A_1061 = arith.constant 0 : i32
    %dma_start3A_1062 = tpu.memref_slice %arg6[%dma_start3A_1059, %dma_start3A_1060, %dma_start3A_1061] : memref<8x50x128xf32, #tpu.memory_space<vmem>> -> memref<1x50x128xf32, #tpu.memory_space<vmem>>
    %dma_start3A_1063 = tpu.memref_squeeze %dma_start3A_1062 : memref<1x50x128xf32, #tpu.memory_space<vmem>> -> memref<50x128xf32, #tpu.memory_space<vmem>>
    %dma_start3A_1064 = arith.constant 0 : i32
    %dma_start3A_1065 = tpu.memref_slice %arg5[%dma_start3A_1058, %dma_start3A_1064] : memref<256x50xi32, #tpu.memory_space<vmem>> -> memref<1x50xi32, #tpu.memory_space<vmem>>
    %dma_start3A_1066 = tpu.memref_squeeze %dma_start3A_1065 : memref<1x50xi32, #tpu.memory_space<vmem>> -> memref<50xi32, #tpu.memory_space<vmem>>
    %dma_start3A_1067 = arith.constant 0 : i32
    %dma_start3A_1068 = arith.constant 0 : i32
    %dma_start3A_1069 = tpu.memref_slice %arg3[%dma_start3A_1067, %dma_start3A_1068] : memref<1000000x128xf32, #tpu.memory_space<hbm>> -> memref<1000000x128xf32, #tpu.memory_space<hbm>>
    tpu.enqueue_indirect_dma source(%dma_start3A_1069 : memref<1000000x128xf32, #tpu.memory_space<hbm>>) target(%dma_start3A_1063 : memref<50x128xf32, #tpu.memory_space<vmem>>) offsets(%dma_start3A_1066 : memref<50xi32, #tpu.memory_space<vmem>>) semaphore(%arg13 : memref<!tpu.dma_semaphore, #tpu.memory_space<semaphore_mem>>)
    %dma_wait3A_1070 = arith.constant 0 : i32
    %dma_wait3A_1071 = arith.constant 0 : i32
    %dma_wait3A_1072 = arith.constant 0 : i32
    %dma_wait3A_1073 = arith.constant 0 : i32
    %dma_wait3A_1074 = tpu.memref_slice %arg6[%dma_wait3A_1071, %dma_wait3A_1072, %dma_wait3A_1073] : memref<8x50x128xf32, #tpu.memory_space<vmem>> -> memref<1x50x128xf32, #tpu.memory_space<vmem>>
    %dma_wait3A_1075 = tpu.memref_squeeze %dma_wait3A_1074 : memref<1x50x128xf32, #tpu.memory_space<vmem>> -> memref<50x128xf32, #tpu.memory_space<vmem>>
    %dma_wait3A_1076 = arith.constant 0 : i32
    %dma_wait3A_1077 = tpu.memref_slice %arg5[%dma_wait3A_1070, %dma_wait3A_1076] : memref<256x50xi32, #tpu.memory_space<vmem>> -> memref<1x50xi32, #tpu.memory_space<vmem>>
    %dma_wait3A_1078 = tpu.memref_squeeze %dma_wait3A_1077 : memref<1x50xi32, #tpu.memory_space<vmem>> -> memref<50xi32, #tpu.memory_space<vmem>>
    %dma_wait3A_1079 = arith.constant 0 : i32
    %dma_wait3A_1080 = arith.constant 0 : i32
    %dma_wait3A_1081 = tpu.memref_slice %arg3[%dma_wait3A_1079, %dma_wait3A_1080] : memref<1000000x128xf32, #tpu.memory_space<hbm>> -> memref<1000000x128xf32, #tpu.memory_space<hbm>>
    tpu.wait_indirect_dma semaphore(%arg7 : memref<!tpu.dma_semaphore, #tpu.memory_space<semaphore_mem>>) src(%dma_wait3A_1081 : memref<1000000x128xf32, #tpu.memory_space<hbm>>) dst(%dma_wait3A_1075 : memref<50x128xf32, #tpu.memory_space<vmem>>)
    %add3A_1082 = arith.constant 0 : i32
    %add3A_1083 = arith.addi %add3A_985, %add3A_1082 : i32
    %dma_start3A_1084 = arith.constant 0 : i32
    %dma_start3A_1085 = arith.constant 0 : i32
    %dma_start3A_1086 = arith.constant 0 : i32
    %dma_start3A_1087 = tpu.memref_slice %arg6[%dma_start3A_1084, %dma_start3A_1085, %dma_start3A_1086] : memref<8x50x128xf32, #tpu.memory_space<vmem>> -> memref<1x50x128xf32, #tpu.memory_space<vmem>>
    %dma_start3A_1088 = tpu.memref_squeeze %dma_start3A_1087 : memref<1x50x128xf32, #tpu.memory_space<vmem>> -> memref<50x128xf32, #tpu.memory_space<vmem>>
    %dma_start3A_1089 = arith.constant 0 : i32
    %dma_start3A_1090 = arith.constant 0 : i32
    %dma_start3A_1091 = tpu.memref_slice %arg4[%add3A_1083, %dma_start3A_1089, %dma_start3A_1090] : memref<16384x50x128xf32, #tpu.memory_space<hbm>> -> memref<1x50x128xf32, #tpu.memory_space<hbm>>
    %dma_start3A_1092 = tpu.memref_squeeze %dma_start3A_1091 : memref<1x50x128xf32, #tpu.memory_space<hbm>> -> memref<50x128xf32, #tpu.memory_space<hbm>>
    %dma_start3A_1093 = arith.constant 0 : i32
    %dma_start3A_1094 = arith.constant 0 : i32
    %dma_start3A_1095 = tpu.memref_slice %arg4[%add3A_1083, %dma_start3A_1093, %dma_start3A_1094] : memref<16384x50x128xf32, #tpu.memory_space<hbm>> -> memref<1x50x128xf32, #tpu.memory_space<hbm>>
    %dma_start3A_1096 = tpu.memref_squeeze %dma_start3A_1095 : memref<1x50x128xf32, #tpu.memory_space<hbm>> -> memref<50x128xf32, #tpu.memory_space<hbm>>
    %dma_start3A_1097 = arith.constant 0 : i32
    %dma_start3A_1098 = arith.constant 0 : i32
    %dma_start3A_1099 = tpu.memref_slice %arg6[%dma_start3A_1084, %dma_start3A_1097, %dma_start3A_1098] : memref<8x50x128xf32, #tpu.memory_space<vmem>> -> memref<1x50x128xf32, #tpu.memory_space<vmem>>
    %dma_start3A_1100 = tpu.memref_squeeze %dma_start3A_1099 : memref<1x50x128xf32, #tpu.memory_space<vmem>> -> memref<50x128xf32, #tpu.memory_space<vmem>>
    tpu.enqueue_dma source(%dma_start3A_1100 : memref<50x128xf32, #tpu.memory_space<vmem>>) target(%dma_start3A_1096 : memref<50x128xf32, #tpu.memory_space<hbm>>) target_semaphore(%arg15 : memref<!tpu.dma_semaphore, #tpu.memory_space<semaphore_mem>>)
    %dma_start3A_1101 = arith.constant 7 : i32
    %dma_start3A_1102 = arith.constant 7 : i32
    %dma_start3A_1103 = arith.constant 0 : i32
    %dma_start3A_1104 = arith.constant 0 : i32
    %dma_start3A_1105 = tpu.memref_slice %arg6[%dma_start3A_1102, %dma_start3A_1103, %dma_start3A_1104] : memref<8x50x128xf32, #tpu.memory_space<vmem>> -> memref<1x50x128xf32, #tpu.memory_space<vmem>>
    %dma_start3A_1106 = tpu.memref_squeeze %dma_start3A_1105 : memref<1x50x128xf32, #tpu.memory_space<vmem>> -> memref<50x128xf32, #tpu.memory_space<vmem>>
    %dma_start3A_1107 = arith.constant 0 : i32
    %dma_start3A_1108 = tpu.memref_slice %arg5[%dma_start3A_1101, %dma_start3A_1107] : memref<256x50xi32, #tpu.memory_space<vmem>> -> memref<1x50xi32, #tpu.memory_space<vmem>>
    %dma_start3A_1109 = tpu.memref_squeeze %dma_start3A_1108 : memref<1x50xi32, #tpu.memory_space<vmem>> -> memref<50xi32, #tpu.memory_space<vmem>>
    %dma_start3A_1110 = arith.constant 0 : i32
    %dma_start3A_1111 = arith.constant 0 : i32
    %dma_start3A_1112 = tpu.memref_slice %arg3[%dma_start3A_1110, %dma_start3A_1111] : memref<1000000x128xf32, #tpu.memory_space<hbm>> -> memref<1000000x128xf32, #tpu.memory_space<hbm>>
    tpu.enqueue_indirect_dma source(%dma_start3A_1112 : memref<1000000x128xf32, #tpu.memory_space<hbm>>) target(%dma_start3A_1106 : memref<50x128xf32, #tpu.memory_space<vmem>>) offsets(%dma_start3A_1109 : memref<50xi32, #tpu.memory_space<vmem>>) semaphore(%arg14 : memref<!tpu.dma_semaphore, #tpu.memory_space<semaphore_mem>>)
    %dma_wait3A_1113 = arith.constant 0 : i32
    %dma_wait3A_1114 = arith.constant 1 : i32
    %dma_wait3A_1115 = arith.constant 0 : i32
    %dma_wait3A_1116 = arith.constant 0 : i32
    %dma_wait3A_1117 = tpu.memref_slice %arg6[%dma_wait3A_1114, %dma_wait3A_1115, %dma_wait3A_1116] : memref<8x50x128xf32, #tpu.memory_space<vmem>> -> memref<1x50x128xf32, #tpu.memory_space<vmem>>
    %dma_wait3A_1118 = tpu.memref_squeeze %dma_wait3A_1117 : memref<1x50x128xf32, #tpu.memory_space<vmem>> -> memref<50x128xf32, #tpu.memory_space<vmem>>
    %dma_wait3A_1119 = arith.constant 0 : i32
    %dma_wait3A_1120 = tpu.memref_slice %arg5[%dma_wait3A_1113, %dma_wait3A_1119] : memref<256x50xi32, #tpu.memory_space<vmem>> -> memref<1x50xi32, #tpu.memory_space<vmem>>
    %dma_wait3A_1121 = tpu.memref_squeeze %dma_wait3A_1120 : memref<1x50xi32, #tpu.memory_space<vmem>> -> memref<50xi32, #tpu.memory_space<vmem>>
    %dma_wait3A_1122 = arith.constant 0 : i32
    %dma_wait3A_1123 = arith.constant 0 : i32
    %dma_wait3A_1124 = tpu.memref_slice %arg3[%dma_wait3A_1122, %dma_wait3A_1123] : memref<1000000x128xf32, #tpu.memory_space<hbm>> -> memref<1000000x128xf32, #tpu.memory_space<hbm>>
    tpu.wait_indirect_dma semaphore(%arg8 : memref<!tpu.dma_semaphore, #tpu.memory_space<semaphore_mem>>) src(%dma_wait3A_1124 : memref<1000000x128xf32, #tpu.memory_space<hbm>>) dst(%dma_wait3A_1118 : memref<50x128xf32, #tpu.memory_space<vmem>>)
    %add3A_1125 = arith.constant 1 : i32
    %add3A_1126 = arith.addi %add3A_985, %add3A_1125 : i32
    %dma_start3A_1127 = arith.constant 1 : i32
    %dma_start3A_1128 = arith.constant 0 : i32
    %dma_start3A_1129 = arith.constant 0 : i32
    %dma_start3A_1130 = tpu.memref_slice %arg6[%dma_start3A_1127, %dma_start3A_1128, %dma_start3A_1129] : memref<8x50x128xf32, #tpu.memory_space<vmem>> -> memref<1x50x128xf32, #tpu.memory_space<vmem>>
    %dma_start3A_1131 = tpu.memref_squeeze %dma_start3A_1130 : memref<1x50x128xf32, #tpu.memory_space<vmem>> -> memref<50x128xf32, #tpu.memory_space<vmem>>
    %dma_start3A_1132 = arith.constant 0 : i32
    %dma_start3A_1133 = arith.constant 0 : i32
    %dma_start3A_1134 = tpu.memref_slice %arg4[%add3A_1126, %dma_start3A_1132, %dma_start3A_1133] : memref<16384x50x128xf32, #tpu.memory_space<hbm>> -> memref<1x50x128xf32, #tpu.memory_space<hbm>>
    %dma_start3A_1135 = tpu.memref_squeeze %dma_start3A_1134 : memref<1x50x128xf32, #tpu.memory_space<hbm>> -> memref<50x128xf32, #tpu.memory_space<hbm>>
    %dma_start3A_1136 = arith.constant 0 : i32
    %dma_start3A_1137 = arith.constant 0 : i32
    %dma_start3A_1138 = tpu.memref_slice %arg4[%add3A_1126, %dma_start3A_1136, %dma_start3A_1137] : memref<16384x50x128xf32, #tpu.memory_space<hbm>> -> memref<1x50x128xf32, #tpu.memory_space<hbm>>
    %dma_start3A_1139 = tpu.memref_squeeze %dma_start3A_1138 : memref<1x50x128xf32, #tpu.memory_space<hbm>> -> memref<50x128xf32, #tpu.memory_space<hbm>>
    %dma_start3A_1140 = arith.constant 0 : i32
    %dma_start3A_1141 = arith.constant 0 : i32
    %dma_start3A_1142 = tpu.memref_slice %arg6[%dma_start3A_1127, %dma_start3A_1140, %dma_start3A_1141] : memref<8x50x128xf32, #tpu.memory_space<vmem>> -> memref<1x50x128xf32, #tpu.memory_space<vmem>>
    %dma_start3A_1143 = tpu.memref_squeeze %dma_start3A_1142 : memref<1x50x128xf32, #tpu.memory_space<vmem>> -> memref<50x128xf32, #tpu.memory_space<vmem>>
    tpu.enqueue_dma source(%dma_start3A_1143 : memref<50x128xf32, #tpu.memory_space<vmem>>) target(%dma_start3A_1139 : memref<50x128xf32, #tpu.memory_space<hbm>>) target_semaphore(%arg16 : memref<!tpu.dma_semaphore, #tpu.memory_space<semaphore_mem>>)
    %dma_wait3A_1144 = arith.constant 0 : i32
    %dma_wait3A_1145 = arith.constant 0 : i32
    %dma_wait3A_1146 = arith.constant 0 : i32
    %dma_wait3A_1147 = arith.constant 0 : i32
    %dma_wait3A_1148 = tpu.memref_slice %arg6[%dma_wait3A_1144, %dma_wait3A_1146, %dma_wait3A_1147] : memref<8x50x128xf32, #tpu.memory_space<vmem>> -> memref<1x50x128xf32, #tpu.memory_space<vmem>>
    %dma_wait3A_1149 = tpu.memref_squeeze %dma_wait3A_1148 : memref<1x50x128xf32, #tpu.memory_space<vmem>> -> memref<50x128xf32, #tpu.memory_space<vmem>>
    %dma_wait3A_1150 = arith.constant 0 : i32
    %dma_wait3A_1151 = arith.constant 0 : i32
    %dma_wait3A_1152 = tpu.memref_slice %arg4[%dma_wait3A_1145, %dma_wait3A_1150, %dma_wait3A_1151] : memref<16384x50x128xf32, #tpu.memory_space<hbm>> -> memref<1x50x128xf32, #tpu.memory_space<hbm>>
    %dma_wait3A_1153 = tpu.memref_squeeze %dma_wait3A_1152 : memref<1x50x128xf32, #tpu.memory_space<hbm>> -> memref<50x128xf32, #tpu.memory_space<hbm>>
    %dma_wait3A_1154 = arith.constant 0 : i32
    %dma_wait3A_1155 = arith.constant 0 : i32
    %dma_wait3A_1156 = tpu.memref_slice %arg4[%dma_wait3A_1145, %dma_wait3A_1154, %dma_wait3A_1155] : memref<16384x50x128xf32, #tpu.memory_space<hbm>> -> memref<1x50x128xf32, #tpu.memory_space<hbm>>
    %dma_wait3A_1157 = tpu.memref_squeeze %dma_wait3A_1156 : memref<1x50x128xf32, #tpu.memory_space<hbm>> -> memref<50x128xf32, #tpu.memory_space<hbm>>
    %dma_wait3A_1158 = arith.constant 0 : i32
    %dma_wait3A_1159 = arith.constant 0 : i32
    %dma_wait3A_1160 = tpu.memref_slice %arg6[%dma_wait3A_1144, %dma_wait3A_1158, %dma_wait3A_1159] : memref<8x50x128xf32, #tpu.memory_space<vmem>> -> memref<1x50x128xf32, #tpu.memory_space<vmem>>
    %dma_wait3A_1161 = tpu.memref_squeeze %dma_wait3A_1160 : memref<1x50x128xf32, #tpu.memory_space<vmem>> -> memref<50x128xf32, #tpu.memory_space<vmem>>
    tpu.wait_dma2 semaphore(%arg15 : memref<!tpu.dma_semaphore, #tpu.memory_space<semaphore_mem>>) src(%dma_wait3A_1161 : memref<50x128xf32, #tpu.memory_space<vmem>>) dst(%dma_wait3A_1157 : memref<50x128xf32, #tpu.memory_space<hbm>>)
    %dma_start3A_1162 = arith.constant 8 : i32
    %dma_start3A_1163 = arith.constant 0 : i32
    %dma_start3A_1164 = arith.constant 0 : i32
    %dma_start3A_1165 = arith.constant 0 : i32
    %dma_start3A_1166 = tpu.memref_slice %arg6[%dma_start3A_1163, %dma_start3A_1164, %dma_start3A_1165] : memref<8x50x128xf32, #tpu.memory_space<vmem>> -> memref<1x50x128xf32, #tpu.memory_space<vmem>>
    %dma_start3A_1167 = tpu.memref_squeeze %dma_start3A_1166 : memref<1x50x128xf32, #tpu.memory_space<vmem>> -> memref<50x128xf32, #tpu.memory_space<vmem>>
    %dma_start3A_1168 = arith.constant 0 : i32
    %dma_start3A_1169 = tpu.memref_slice %arg5[%dma_start3A_1162, %dma_start3A_1168] : memref<256x50xi32, #tpu.memory_space<vmem>> -> memref<1x50xi32, #tpu.memory_space<vmem>>
    %dma_start3A_1170 = tpu.memref_squeeze %dma_start3A_1169 : memref<1x50xi32, #tpu.memory_space<vmem>> -> memref<50xi32, #tpu.memory_space<vmem>>
    %dma_start3A_1171 = arith.constant 0 : i32
    %dma_start3A_1172 = arith.constant 0 : i32
    %dma_start3A_1173 = tpu.memref_slice %arg3[%dma_start3A_1171, %dma_start3A_1172] : memref<1000000x128xf32, #tpu.memory_space<hbm>> -> memref<1000000x128xf32, #tpu.memory_space<hbm>>
    tpu.enqueue_indirect_dma source(%dma_start3A_1173 : memref<1000000x128xf32, #tpu.memory_space<hbm>>) target(%dma_start3A_1167 : memref<50x128xf32, #tpu.memory_space<vmem>>) offsets(%dma_start3A_1170 : memref<50xi32, #tpu.memory_space<vmem>>) semaphore(%arg7 : memref<!tpu.dma_semaphore, #tpu.memory_space<semaphore_mem>>)
    %dma_wait3A_1174 = arith.constant 0 : i32
    %dma_wait3A_1175 = arith.constant 2 : i32
    %dma_wait3A_1176 = arith.constant 0 : i32
    %dma_wait3A_1177 = arith.constant 0 : i32
    %dma_wait3A_1178 = tpu.memref_slice %arg6[%dma_wait3A_1175, %dma_wait3A_1176, %dma_wait3A_1177] : memref<8x50x128xf32, #tpu.memory_space<vmem>> -> memref<1x50x128xf32, #tpu.memory_space<vmem>>
    %dma_wait3A_1179 = tpu.memref_squeeze %dma_wait3A_1178 : memref<1x50x128xf32, #tpu.memory_space<vmem>> -> memref<50x128xf32, #tpu.memory_space<vmem>>
    %dma_wait3A_1180 = arith.constant 0 : i32
    %dma_wait3A_1181 = tpu.memref_slice %arg5[%dma_wait3A_1174, %dma_wait3A_1180] : memref<256x50xi32, #tpu.memory_space<vmem>> -> memref<1x50xi32, #tpu.memory_space<vmem>>
    %dma_wait3A_1182 = tpu.memref_squeeze %dma_wait3A_1181 : memref<1x50xi32, #tpu.memory_space<vmem>> -> memref<50xi32, #tpu.memory_space<vmem>>
    %dma_wait3A_1183 = arith.constant 0 : i32
    %dma_wait3A_1184 = arith.constant 0 : i32
    %dma_wait3A_1185 = tpu.memref_slice %arg3[%dma_wait3A_1183, %dma_wait3A_1184] : memref<1000000x128xf32, #tpu.memory_space<hbm>> -> memref<1000000x128xf32, #tpu.memory_space<hbm>>
    tpu.wait_indirect_dma semaphore(%arg9 : memref<!tpu.dma_semaphore, #tpu.memory_space<semaphore_mem>>) src(%dma_wait3A_1185 : memref<1000000x128xf32, #tpu.memory_space<hbm>>) dst(%dma_wait3A_1179 : memref<50x128xf32, #tpu.memory_space<vmem>>)
    %add3A_1186 = arith.constant 2 : i32
    %add3A_1187 = arith.addi %add3A_985, %add3A_1186 : i32
    %dma_start3A_1188 = arith.constant 2 : i32
    %dma_start3A_1189 = arith.constant 0 : i32
    %dma_start3A_1190 = arith.constant 0 : i32
    %dma_start3A_1191 = tpu.memref_slice %arg6[%dma_start3A_1188, %dma_start3A_1189, %dma_start3A_1190] : memref<8x50x128xf32, #tpu.memory_space<vmem>> -> memref<1x50x128xf32, #tpu.memory_space<vmem>>
    %dma_start3A_1192 = tpu.memref_squeeze %dma_start3A_1191 : memref<1x50x128xf32, #tpu.memory_space<vmem>> -> memref<50x128xf32, #tpu.memory_space<vmem>>
    %dma_start3A_1193 = arith.constant 0 : i32
    %dma_start3A_1194 = arith.constant 0 : i32
    %dma_start3A_1195 = tpu.memref_slice %arg4[%add3A_1187, %dma_start3A_1193, %dma_start3A_1194] : memref<16384x50x128xf32, #tpu.memory_space<hbm>> -> memref<1x50x128xf32, #tpu.memory_space<hbm>>
    %dma_start3A_1196 = tpu.memref_squeeze %dma_start3A_1195 : memref<1x50x128xf32, #tpu.memory_space<hbm>> -> memref<50x128xf32, #tpu.memory_space<hbm>>
    %dma_start3A_1197 = arith.constant 0 : i32
    %dma_start3A_1198 = arith.constant 0 : i32
    %dma_start3A_1199 = tpu.memref_slice %arg4[%add3A_1187, %dma_start3A_1197, %dma_start3A_1198] : memref<16384x50x128xf32, #tpu.memory_space<hbm>> -> memref<1x50x128xf32, #tpu.memory_space<hbm>>
    %dma_start3A_1200 = tpu.memref_squeeze %dma_start3A_1199 : memref<1x50x128xf32, #tpu.memory_space<hbm>> -> memref<50x128xf32, #tpu.memory_space<hbm>>
    %dma_start3A_1201 = arith.constant 0 : i32
    %dma_start3A_1202 = arith.constant 0 : i32
    %dma_start3A_1203 = tpu.memref_slice %arg6[%dma_start3A_1188, %dma_start3A_1201, %dma_start3A_1202] : memref<8x50x128xf32, #tpu.memory_space<vmem>> -> memref<1x50x128xf32, #tpu.memory_space<vmem>>
    %dma_start3A_1204 = tpu.memref_squeeze %dma_start3A_1203 : memref<1x50x128xf32, #tpu.memory_space<vmem>> -> memref<50x128xf32, #tpu.memory_space<vmem>>
    tpu.enqueue_dma source(%dma_start3A_1204 : memref<50x128xf32, #tpu.memory_space<vmem>>) target(%dma_start3A_1200 : memref<50x128xf32, #tpu.memory_space<hbm>>) target_semaphore(%arg17 : memref<!tpu.dma_semaphore, #tpu.memory_space<semaphore_mem>>)
    %dma_wait3A_1205 = arith.constant 1 : i32
    %dma_wait3A_1206 = arith.constant 0 : i32
    %dma_wait3A_1207 = arith.constant 0 : i32
    %dma_wait3A_1208 = arith.constant 0 : i32
    %dma_wait3A_1209 = tpu.memref_slice %arg6[%dma_wait3A_1205, %dma_wait3A_1207, %dma_wait3A_1208] : memref<8x50x128xf32, #tpu.memory_space<vmem>> -> memref<1x50x128xf32, #tpu.memory_space<vmem>>
    %dma_wait3A_1210 = tpu.memref_squeeze %dma_wait3A_1209 : memref<1x50x128xf32, #tpu.memory_space<vmem>> -> memref<50x128xf32, #tpu.memory_space<vmem>>
    %dma_wait3A_1211 = arith.constant 0 : i32
    %dma_wait3A_1212 = arith.constant 0 : i32
    %dma_wait3A_1213 = tpu.memref_slice %arg4[%dma_wait3A_1206, %dma_wait3A_1211, %dma_wait3A_1212] : memref<16384x50x128xf32, #tpu.memory_space<hbm>> -> memref<1x50x128xf32, #tpu.memory_space<hbm>>
    %dma_wait3A_1214 = tpu.memref_squeeze %dma_wait3A_1213 : memref<1x50x128xf32, #tpu.memory_space<hbm>> -> memref<50x128xf32, #tpu.memory_space<hbm>>
    %dma_wait3A_1215 = arith.constant 0 : i32
    %dma_wait3A_1216 = arith.constant 0 : i32
    %dma_wait3A_1217 = tpu.memref_slice %arg4[%dma_wait3A_1206, %dma_wait3A_1215, %dma_wait3A_1216] : memref<16384x50x128xf32, #tpu.memory_space<hbm>> -> memref<1x50x128xf32, #tpu.memory_space<hbm>>
    %dma_wait3A_1218 = tpu.memref_squeeze %dma_wait3A_1217 : memref<1x50x128xf32, #tpu.memory_space<hbm>> -> memref<50x128xf32, #tpu.memory_space<hbm>>
    %dma_wait3A_1219 = arith.constant 0 : i32
    %dma_wait3A_1220 = arith.constant 0 : i32
    %dma_wait3A_1221 = tpu.memref_slice %arg6[%dma_wait3A_1205, %dma_wait3A_1219, %dma_wait3A_1220] : memref<8x50x128xf32, #tpu.memory_space<vmem>> -> memref<1x50x128xf32, #tpu.memory_space<vmem>>
    %dma_wait3A_1222 = tpu.memref_squeeze %dma_wait3A_1221 : memref<1x50x128xf32, #tpu.memory_space<vmem>> -> memref<50x128xf32, #tpu.memory_space<vmem>>
    tpu.wait_dma2 semaphore(%arg16 : memref<!tpu.dma_semaphore, #tpu.memory_space<semaphore_mem>>) src(%dma_wait3A_1222 : memref<50x128xf32, #tpu.memory_space<vmem>>) dst(%dma_wait3A_1218 : memref<50x128xf32, #tpu.memory_space<hbm>>)
    %dma_start3A_1223 = arith.constant 9 : i32
    %dma_start3A_1224 = arith.constant 1 : i32
    %dma_start3A_1225 = arith.constant 0 : i32
    %dma_start3A_1226 = arith.constant 0 : i32
    %dma_start3A_1227 = tpu.memref_slice %arg6[%dma_start3A_1224, %dma_start3A_1225, %dma_start3A_1226] : memref<8x50x128xf32, #tpu.memory_space<vmem>> -> memref<1x50x128xf32, #tpu.memory_space<vmem>>
    %dma_start3A_1228 = tpu.memref_squeeze %dma_start3A_1227 : memref<1x50x128xf32, #tpu.memory_space<vmem>> -> memref<50x128xf32, #tpu.memory_space<vmem>>
    %dma_start3A_1229 = arith.constant 0 : i32
    %dma_start3A_1230 = tpu.memref_slice %arg5[%dma_start3A_1223, %dma_start3A_1229] : memref<256x50xi32, #tpu.memory_space<vmem>> -> memref<1x50xi32, #tpu.memory_space<vmem>>
    %dma_start3A_1231 = tpu.memref_squeeze %dma_start3A_1230 : memref<1x50xi32, #tpu.memory_space<vmem>> -> memref<50xi32, #tpu.memory_space<vmem>>
    %dma_start3A_1232 = arith.constant 0 : i32
    %dma_start3A_1233 = arith.constant 0 : i32
    %dma_start3A_1234 = tpu.memref_slice %arg3[%dma_start3A_1232, %dma_start3A_1233] : memref<1000000x128xf32, #tpu.memory_space<hbm>> -> memref<1000000x128xf32, #tpu.memory_space<hbm>>
    tpu.enqueue_indirect_dma source(%dma_start3A_1234 : memref<1000000x128xf32, #tpu.memory_space<hbm>>) target(%dma_start3A_1228 : memref<50x128xf32, #tpu.memory_space<vmem>>) offsets(%dma_start3A_1231 : memref<50xi32, #tpu.memory_space<vmem>>) semaphore(%arg8 : memref<!tpu.dma_semaphore, #tpu.memory_space<semaphore_mem>>)
    %dma_wait3A_1235 = arith.constant 0 : i32
    %dma_wait3A_1236 = arith.constant 3 : i32
    %dma_wait3A_1237 = arith.constant 0 : i32
    %dma_wait3A_1238 = arith.constant 0 : i32
    %dma_wait3A_1239 = tpu.memref_slice %arg6[%dma_wait3A_1236, %dma_wait3A_1237, %dma_wait3A_1238] : memref<8x50x128xf32, #tpu.memory_space<vmem>> -> memref<1x50x128xf32, #tpu.memory_space<vmem>>
    %dma_wait3A_1240 = tpu.memref_squeeze %dma_wait3A_1239 : memref<1x50x128xf32, #tpu.memory_space<vmem>> -> memref<50x128xf32, #tpu.memory_space<vmem>>
    %dma_wait3A_1241 = arith.constant 0 : i32
    %dma_wait3A_1242 = tpu.memref_slice %arg5[%dma_wait3A_1235, %dma_wait3A_1241] : memref<256x50xi32, #tpu.memory_space<vmem>> -> memref<1x50xi32, #tpu.memory_space<vmem>>
    %dma_wait3A_1243 = tpu.memref_squeeze %dma_wait3A_1242 : memref<1x50xi32, #tpu.memory_space<vmem>> -> memref<50xi32, #tpu.memory_space<vmem>>
    %dma_wait3A_1244 = arith.constant 0 : i32
    %dma_wait3A_1245 = arith.constant 0 : i32
    %dma_wait3A_1246 = tpu.memref_slice %arg3[%dma_wait3A_1244, %dma_wait3A_1245] : memref<1000000x128xf32, #tpu.memory_space<hbm>> -> memref<1000000x128xf32, #tpu.memory_space<hbm>>
    tpu.wait_indirect_dma semaphore(%arg10 : memref<!tpu.dma_semaphore, #tpu.memory_space<semaphore_mem>>) src(%dma_wait3A_1246 : memref<1000000x128xf32, #tpu.memory_space<hbm>>) dst(%dma_wait3A_1240 : memref<50x128xf32, #tpu.memory_space<vmem>>)
    %add3A_1247 = arith.constant 3 : i32
    %add3A_1248 = arith.addi %add3A_985, %add3A_1247 : i32
    %dma_start3A_1249 = arith.constant 3 : i32
    %dma_start3A_1250 = arith.constant 0 : i32
    %dma_start3A_1251 = arith.constant 0 : i32
    %dma_start3A_1252 = tpu.memref_slice %arg6[%dma_start3A_1249, %dma_start3A_1250, %dma_start3A_1251] : memref<8x50x128xf32, #tpu.memory_space<vmem>> -> memref<1x50x128xf32, #tpu.memory_space<vmem>>
    %dma_start3A_1253 = tpu.memref_squeeze %dma_start3A_1252 : memref<1x50x128xf32, #tpu.memory_space<vmem>> -> memref<50x128xf32, #tpu.memory_space<vmem>>
    %dma_start3A_1254 = arith.constant 0 : i32
    %dma_start3A_1255 = arith.constant 0 : i32
    %dma_start3A_1256 = tpu.memref_slice %arg4[%add3A_1248, %dma_start3A_1254, %dma_start3A_1255] : memref<16384x50x128xf32, #tpu.memory_space<hbm>> -> memref<1x50x128xf32, #tpu.memory_space<hbm>>
    %dma_start3A_1257 = tpu.memref_squeeze %dma_start3A_1256 : memref<1x50x128xf32, #tpu.memory_space<hbm>> -> memref<50x128xf32, #tpu.memory_space<hbm>>
    %dma_start3A_1258 = arith.constant 0 : i32
    %dma_start3A_1259 = arith.constant 0 : i32
    %dma_start3A_1260 = tpu.memref_slice %arg4[%add3A_1248, %dma_start3A_1258, %dma_start3A_1259] : memref<16384x50x128xf32, #tpu.memory_space<hbm>> -> memref<1x50x128xf32, #tpu.memory_space<hbm>>
    %dma_start3A_1261 = tpu.memref_squeeze %dma_start3A_1260 : memref<1x50x128xf32, #tpu.memory_space<hbm>> -> memref<50x128xf32, #tpu.memory_space<hbm>>
    %dma_start3A_1262 = arith.constant 0 : i32
    %dma_start3A_1263 = arith.constant 0 : i32
    %dma_start3A_1264 = tpu.memref_slice %arg6[%dma_start3A_1249, %dma_start3A_1262, %dma_start3A_1263] : memref<8x50x128xf32, #tpu.memory_space<vmem>> -> memref<1x50x128xf32, #tpu.memory_space<vmem>>
    %dma_start3A_1265 = tpu.memref_squeeze %dma_start3A_1264 : memref<1x50x128xf32, #tpu.memory_space<vmem>> -> memref<50x128xf32, #tpu.memory_space<vmem>>
    tpu.enqueue_dma source(%dma_start3A_1265 : memref<50x128xf32, #tpu.memory_space<vmem>>) target(%dma_start3A_1261 : memref<50x128xf32, #tpu.memory_space<hbm>>) target_semaphore(%arg18 : memref<!tpu.dma_semaphore, #tpu.memory_space<semaphore_mem>>)
    %dma_wait3A_1266 = arith.constant 2 : i32
    %dma_wait3A_1267 = arith.constant 0 : i32
    %dma_wait3A_1268 = arith.constant 0 : i32
    %dma_wait3A_1269 = arith.constant 0 : i32
    %dma_wait3A_1270 = tpu.memref_slice %arg6[%dma_wait3A_1266, %dma_wait3A_1268, %dma_wait3A_1269] : memref<8x50x128xf32, #tpu.memory_space<vmem>> -> memref<1x50x128xf32, #tpu.memory_space<vmem>>
    %dma_wait3A_1271 = tpu.memref_squeeze %dma_wait3A_1270 : memref<1x50x128xf32, #tpu.memory_space<vmem>> -> memref<50x128xf32, #tpu.memory_space<vmem>>
    %dma_wait3A_1272 = arith.constant 0 : i32
    %dma_wait3A_1273 = arith.constant 0 : i32
    %dma_wait3A_1274 = tpu.memref_slice %arg4[%dma_wait3A_1267, %dma_wait3A_1272, %dma_wait3A_1273] : memref<16384x50x128xf32, #tpu.memory_space<hbm>> -> memref<1x50x128xf32, #tpu.memory_space<hbm>>
    %dma_wait3A_1275 = tpu.memref_squeeze %dma_wait3A_1274 : memref<1x50x128xf32, #tpu.memory_space<hbm>> -> memref<50x128xf32, #tpu.memory_space<hbm>>
    %dma_wait3A_1276 = arith.constant 0 : i32
    %dma_wait3A_1277 = arith.constant 0 : i32
    %dma_wait3A_1278 = tpu.memref_slice %arg4[%dma_wait3A_1267, %dma_wait3A_1276, %dma_wait3A_1277] : memref<16384x50x128xf32, #tpu.memory_space<hbm>> -> memref<1x50x128xf32, #tpu.memory_space<hbm>>
    %dma_wait3A_1279 = tpu.memref_squeeze %dma_wait3A_1278 : memref<1x50x128xf32, #tpu.memory_space<hbm>> -> memref<50x128xf32, #tpu.memory_space<hbm>>
    %dma_wait3A_1280 = arith.constant 0 : i32
    %dma_wait3A_1281 = arith.constant 0 : i32
    %dma_wait3A_1282 = tpu.memref_slice %arg6[%dma_wait3A_1266, %dma_wait3A_1280, %dma_wait3A_1281] : memref<8x50x128xf32, #tpu.memory_space<vmem>> -> memref<1x50x128xf32, #tpu.memory_space<vmem>>
    %dma_wait3A_1283 = tpu.memref_squeeze %dma_wait3A_1282 : memref<1x50x128xf32, #tpu.memory_space<vmem>> -> memref<50x128xf32, #tpu.memory_space<vmem>>
    tpu.wait_dma2 semaphore(%arg17 : memref<!tpu.dma_semaphore, #tpu.memory_space<semaphore_mem>>) src(%dma_wait3A_1283 : memref<50x128xf32, #tpu.memory_space<vmem>>) dst(%dma_wait3A_1279 : memref<50x128xf32, #tpu.memory_space<hbm>>)
    %dma_start3A_1284 = arith.constant 10 : i32
    %dma_start3A_1285 = arith.constant 2 : i32
    %dma_start3A_1286 = arith.constant 0 : i32
    %dma_start3A_1287 = arith.constant 0 : i32
    %dma_start3A_1288 = tpu.memref_slice %arg6[%dma_start3A_1285, %dma_start3A_1286, %dma_start3A_1287] : memref<8x50x128xf32, #tpu.memory_space<vmem>> -> memref<1x50x128xf32, #tpu.memory_space<vmem>>
    %dma_start3A_1289 = tpu.memref_squeeze %dma_start3A_1288 : memref<1x50x128xf32, #tpu.memory_space<vmem>> -> memref<50x128xf32, #tpu.memory_space<vmem>>
    %dma_start3A_1290 = arith.constant 0 : i32
    %dma_start3A_1291 = tpu.memref_slice %arg5[%dma_start3A_1284, %dma_start3A_1290] : memref<256x50xi32, #tpu.memory_space<vmem>> -> memref<1x50xi32, #tpu.memory_space<vmem>>
    %dma_start3A_1292 = tpu.memref_squeeze %dma_start3A_1291 : memref<1x50xi32, #tpu.memory_space<vmem>> -> memref<50xi32, #tpu.memory_space<vmem>>
    %dma_start3A_1293 = arith.constant 0 : i32
    %dma_start3A_1294 = arith.constant 0 : i32
    %dma_start3A_1295 = tpu.memref_slice %arg3[%dma_start3A_1293, %dma_start3A_1294] : memref<1000000x128xf32, #tpu.memory_space<hbm>> -> memref<1000000x128xf32, #tpu.memory_space<hbm>>
    tpu.enqueue_indirect_dma source(%dma_start3A_1295 : memref<1000000x128xf32, #tpu.memory_space<hbm>>) target(%dma_start3A_1289 : memref<50x128xf32, #tpu.memory_space<vmem>>) offsets(%dma_start3A_1292 : memref<50xi32, #tpu.memory_space<vmem>>) semaphore(%arg9 : memref<!tpu.dma_semaphore, #tpu.memory_space<semaphore_mem>>)
    %dma_wait3A_1296 = arith.constant 0 : i32
    %dma_wait3A_1297 = arith.constant 4 : i32
    %dma_wait3A_1298 = arith.constant 0 : i32
    %dma_wait3A_1299 = arith.constant 0 : i32
    %dma_wait3A_1300 = tpu.memref_slice %arg6[%dma_wait3A_1297, %dma_wait3A_1298, %dma_wait3A_1299] : memref<8x50x128xf32, #tpu.memory_space<vmem>> -> memref<1x50x128xf32, #tpu.memory_space<vmem>>
    %dma_wait3A_1301 = tpu.memref_squeeze %dma_wait3A_1300 : memref<1x50x128xf32, #tpu.memory_space<vmem>> -> memref<50x128xf32, #tpu.memory_space<vmem>>
    %dma_wait3A_1302 = arith.constant 0 : i32
    %dma_wait3A_1303 = tpu.memref_slice %arg5[%dma_wait3A_1296, %dma_wait3A_1302] : memref<256x50xi32, #tpu.memory_space<vmem>> -> memref<1x50xi32, #tpu.memory_space<vmem>>
    %dma_wait3A_1304 = tpu.memref_squeeze %dma_wait3A_1303 : memref<1x50xi32, #tpu.memory_space<vmem>> -> memref<50xi32, #tpu.memory_space<vmem>>
    %dma_wait3A_1305 = arith.constant 0 : i32
    %dma_wait3A_1306 = arith.constant 0 : i32
    %dma_wait3A_1307 = tpu.memref_slice %arg3[%dma_wait3A_1305, %dma_wait3A_1306] : memref<1000000x128xf32, #tpu.memory_space<hbm>> -> memref<1000000x128xf32, #tpu.memory_space<hbm>>
    tpu.wait_indirect_dma semaphore(%arg11 : memref<!tpu.dma_semaphore, #tpu.memory_space<semaphore_mem>>) src(%dma_wait3A_1307 : memref<1000000x128xf32, #tpu.memory_space<hbm>>) dst(%dma_wait3A_1301 : memref<50x128xf32, #tpu.memory_space<vmem>>)
    %add3A_1308 = arith.constant 4 : i32
    %add3A_1309 = arith.addi %add3A_985, %add3A_1308 : i32
    %dma_start3A_1310 = arith.constant 4 : i32
    %dma_start3A_1311 = arith.constant 0 : i32
    %dma_start3A_1312 = arith.constant 0 : i32
    %dma_start3A_1313 = tpu.memref_slice %arg6[%dma_start3A_1310, %dma_start3A_1311, %dma_start3A_1312] : memref<8x50x128xf32, #tpu.memory_space<vmem>> -> memref<1x50x128xf32, #tpu.memory_space<vmem>>
    %dma_start3A_1314 = tpu.memref_squeeze %dma_start3A_1313 : memref<1x50x128xf32, #tpu.memory_space<vmem>> -> memref<50x128xf32, #tpu.memory_space<vmem>>
    %dma_start3A_1315 = arith.constant 0 : i32
    %dma_start3A_1316 = arith.constant 0 : i32
    %dma_start3A_1317 = tpu.memref_slice %arg4[%add3A_1309, %dma_start3A_1315, %dma_start3A_1316] : memref<16384x50x128xf32, #tpu.memory_space<hbm>> -> memref<1x50x128xf32, #tpu.memory_space<hbm>>
    %dma_start3A_1318 = tpu.memref_squeeze %dma_start3A_1317 : memref<1x50x128xf32, #tpu.memory_space<hbm>> -> memref<50x128xf32, #tpu.memory_space<hbm>>
    %dma_start3A_1319 = arith.constant 0 : i32
    %dma_start3A_1320 = arith.constant 0 : i32
    %dma_start3A_1321 = tpu.memref_slice %arg4[%add3A_1309, %dma_start3A_1319, %dma_start3A_1320] : memref<16384x50x128xf32, #tpu.memory_space<hbm>> -> memref<1x50x128xf32, #tpu.memory_space<hbm>>
    %dma_start3A_1322 = tpu.memref_squeeze %dma_start3A_1321 : memref<1x50x128xf32, #tpu.memory_space<hbm>> -> memref<50x128xf32, #tpu.memory_space<hbm>>
    %dma_start3A_1323 = arith.constant 0 : i32
    %dma_start3A_1324 = arith.constant 0 : i32
    %dma_start3A_1325 = tpu.memref_slice %arg6[%dma_start3A_1310, %dma_start3A_1323, %dma_start3A_1324] : memref<8x50x128xf32, #tpu.memory_space<vmem>> -> memref<1x50x128xf32, #tpu.memory_space<vmem>>
    %dma_start3A_1326 = tpu.memref_squeeze %dma_start3A_1325 : memref<1x50x128xf32, #tpu.memory_space<vmem>> -> memref<50x128xf32, #tpu.memory_space<vmem>>
    tpu.enqueue_dma source(%dma_start3A_1326 : memref<50x128xf32, #tpu.memory_space<vmem>>) target(%dma_start3A_1322 : memref<50x128xf32, #tpu.memory_space<hbm>>) target_semaphore(%arg19 : memref<!tpu.dma_semaphore, #tpu.memory_space<semaphore_mem>>)
    %dma_wait3A_1327 = arith.constant 3 : i32
    %dma_wait3A_1328 = arith.constant 0 : i32
    %dma_wait3A_1329 = arith.constant 0 : i32
    %dma_wait3A_1330 = arith.constant 0 : i32
    %dma_wait3A_1331 = tpu.memref_slice %arg6[%dma_wait3A_1327, %dma_wait3A_1329, %dma_wait3A_1330] : memref<8x50x128xf32, #tpu.memory_space<vmem>> -> memref<1x50x128xf32, #tpu.memory_space<vmem>>
    %dma_wait3A_1332 = tpu.memref_squeeze %dma_wait3A_1331 : memref<1x50x128xf32, #tpu.memory_space<vmem>> -> memref<50x128xf32, #tpu.memory_space<vmem>>
    %dma_wait3A_1333 = arith.constant 0 : i32
    %dma_wait3A_1334 = arith.constant 0 : i32
    %dma_wait3A_1335 = tpu.memref_slice %arg4[%dma_wait3A_1328, %dma_wait3A_1333, %dma_wait3A_1334] : memref<16384x50x128xf32, #tpu.memory_space<hbm>> -> memref<1x50x128xf32, #tpu.memory_space<hbm>>
    %dma_wait3A_1336 = tpu.memref_squeeze %dma_wait3A_1335 : memref<1x50x128xf32, #tpu.memory_space<hbm>> -> memref<50x128xf32, #tpu.memory_space<hbm>>
    %dma_wait3A_1337 = arith.constant 0 : i32
    %dma_wait3A_1338 = arith.constant 0 : i32
    %dma_wait3A_1339 = tpu.memref_slice %arg4[%dma_wait3A_1328, %dma_wait3A_1337, %dma_wait3A_1338] : memref<16384x50x128xf32, #tpu.memory_space<hbm>> -> memref<1x50x128xf32, #tpu.memory_space<hbm>>
    %dma_wait3A_1340 = tpu.memref_squeeze %dma_wait3A_1339 : memref<1x50x128xf32, #tpu.memory_space<hbm>> -> memref<50x128xf32, #tpu.memory_space<hbm>>
    %dma_wait3A_1341 = arith.constant 0 : i32
    %dma_wait3A_1342 = arith.constant 0 : i32
    %dma_wait3A_1343 = tpu.memref_slice %arg6[%dma_wait3A_1327, %dma_wait3A_1341, %dma_wait3A_1342] : memref<8x50x128xf32, #tpu.memory_space<vmem>> -> memref<1x50x128xf32, #tpu.memory_space<vmem>>
    %dma_wait3A_1344 = tpu.memref_squeeze %dma_wait3A_1343 : memref<1x50x128xf32, #tpu.memory_space<vmem>> -> memref<50x128xf32, #tpu.memory_space<vmem>>
    tpu.wait_dma2 semaphore(%arg18 : memref<!tpu.dma_semaphore, #tpu.memory_space<semaphore_mem>>) src(%dma_wait3A_1344 : memref<50x128xf32, #tpu.memory_space<vmem>>) dst(%dma_wait3A_1340 : memref<50x128xf32, #tpu.memory_space<hbm>>)
    %dma_start3A_1345 = arith.constant 11 : i32
    %dma_start3A_1346 = arith.constant 3 : i32
    %dma_start3A_1347 = arith.constant 0 : i32
    %dma_start3A_1348 = arith.constant 0 : i32
    %dma_start3A_1349 = tpu.memref_slice %arg6[%dma_start3A_1346, %dma_start3A_1347, %dma_start3A_1348] : memref<8x50x128xf32, #tpu.memory_space<vmem>> -> memref<1x50x128xf32, #tpu.memory_space<vmem>>
    %dma_start3A_1350 = tpu.memref_squeeze %dma_start3A_1349 : memref<1x50x128xf32, #tpu.memory_space<vmem>> -> memref<50x128xf32, #tpu.memory_space<vmem>>
    %dma_start3A_1351 = arith.constant 0 : i32
    %dma_start3A_1352 = tpu.memref_slice %arg5[%dma_start3A_1345, %dma_start3A_1351] : memref<256x50xi32, #tpu.memory_space<vmem>> -> memref<1x50xi32, #tpu.memory_space<vmem>>
    %dma_start3A_1353 = tpu.memref_squeeze %dma_start3A_1352 : memref<1x50xi32, #tpu.memory_space<vmem>> -> memref<50xi32, #tpu.memory_space<vmem>>
    %dma_start3A_1354 = arith.constant 0 : i32
    %dma_start3A_1355 = arith.constant 0 : i32
    %dma_start3A_1356 = tpu.memref_slice %arg3[%dma_start3A_1354, %dma_start3A_1355] : memref<1000000x128xf32, #tpu.memory_space<hbm>> -> memref<1000000x128xf32, #tpu.memory_space<hbm>>
    tpu.enqueue_indirect_dma source(%dma_start3A_1356 : memref<1000000x128xf32, #tpu.memory_space<hbm>>) target(%dma_start3A_1350 : memref<50x128xf32, #tpu.memory_space<vmem>>) offsets(%dma_start3A_1353 : memref<50xi32, #tpu.memory_space<vmem>>) semaphore(%arg10 : memref<!tpu.dma_semaphore, #tpu.memory_space<semaphore_mem>>)
    %dma_wait3A_1357 = arith.constant 0 : i32
    %dma_wait3A_1358 = arith.constant 5 : i32
    %dma_wait3A_1359 = arith.constant 0 : i32
    %dma_wait3A_1360 = arith.constant 0 : i32
    %dma_wait3A_1361 = tpu.memref_slice %arg6[%dma_wait3A_1358, %dma_wait3A_1359, %dma_wait3A_1360] : memref<8x50x128xf32, #tpu.memory_space<vmem>> -> memref<1x50x128xf32, #tpu.memory_space<vmem>>
    %dma_wait3A_1362 = tpu.memref_squeeze %dma_wait3A_1361 : memref<1x50x128xf32, #tpu.memory_space<vmem>> -> memref<50x128xf32, #tpu.memory_space<vmem>>
    %dma_wait3A_1363 = arith.constant 0 : i32
    %dma_wait3A_1364 = tpu.memref_slice %arg5[%dma_wait3A_1357, %dma_wait3A_1363] : memref<256x50xi32, #tpu.memory_space<vmem>> -> memref<1x50xi32, #tpu.memory_space<vmem>>
    %dma_wait3A_1365 = tpu.memref_squeeze %dma_wait3A_1364 : memref<1x50xi32, #tpu.memory_space<vmem>> -> memref<50xi32, #tpu.memory_space<vmem>>
    %dma_wait3A_1366 = arith.constant 0 : i32
    %dma_wait3A_1367 = arith.constant 0 : i32
    %dma_wait3A_1368 = tpu.memref_slice %arg3[%dma_wait3A_1366, %dma_wait3A_1367] : memref<1000000x128xf32, #tpu.memory_space<hbm>> -> memref<1000000x128xf32, #tpu.memory_space<hbm>>
    tpu.wait_indirect_dma semaphore(%arg12 : memref<!tpu.dma_semaphore, #tpu.memory_space<semaphore_mem>>) src(%dma_wait3A_1368 : memref<1000000x128xf32, #tpu.memory_space<hbm>>) dst(%dma_wait3A_1362 : memref<50x128xf32, #tpu.memory_space<vmem>>)
    %add3A_1369 = arith.constant 5 : i32
    %add3A_1370 = arith.addi %add3A_985, %add3A_1369 : i32
    %dma_start3A_1371 = arith.constant 5 : i32
    %dma_start3A_1372 = arith.constant 0 : i32
    %dma_start3A_1373 = arith.constant 0 : i32
    %dma_start3A_1374 = tpu.memref_slice %arg6[%dma_start3A_1371, %dma_start3A_1372, %dma_start3A_1373] : memref<8x50x128xf32, #tpu.memory_space<vmem>> -> memref<1x50x128xf32, #tpu.memory_space<vmem>>
    %dma_start3A_1375 = tpu.memref_squeeze %dma_start3A_1374 : memref<1x50x128xf32, #tpu.memory_space<vmem>> -> memref<50x128xf32, #tpu.memory_space<vmem>>
    %dma_start3A_1376 = arith.constant 0 : i32
    %dma_start3A_1377 = arith.constant 0 : i32
    %dma_start3A_1378 = tpu.memref_slice %arg4[%add3A_1370, %dma_start3A_1376, %dma_start3A_1377] : memref<16384x50x128xf32, #tpu.memory_space<hbm>> -> memref<1x50x128xf32, #tpu.memory_space<hbm>>
    %dma_start3A_1379 = tpu.memref_squeeze %dma_start3A_1378 : memref<1x50x128xf32, #tpu.memory_space<hbm>> -> memref<50x128xf32, #tpu.memory_space<hbm>>
    %dma_start3A_1380 = arith.constant 0 : i32
    %dma_start3A_1381 = arith.constant 0 : i32
    %dma_start3A_1382 = tpu.memref_slice %arg4[%add3A_1370, %dma_start3A_1380, %dma_start3A_1381] : memref<16384x50x128xf32, #tpu.memory_space<hbm>> -> memref<1x50x128xf32, #tpu.memory_space<hbm>>
    %dma_start3A_1383 = tpu.memref_squeeze %dma_start3A_1382 : memref<1x50x128xf32, #tpu.memory_space<hbm>> -> memref<50x128xf32, #tpu.memory_space<hbm>>
    %dma_start3A_1384 = arith.constant 0 : i32
    %dma_start3A_1385 = arith.constant 0 : i32
    %dma_start3A_1386 = tpu.memref_slice %arg6[%dma_start3A_1371, %dma_start3A_1384, %dma_start3A_1385] : memref<8x50x128xf32, #tpu.memory_space<vmem>> -> memref<1x50x128xf32, #tpu.memory_space<vmem>>
    %dma_start3A_1387 = tpu.memref_squeeze %dma_start3A_1386 : memref<1x50x128xf32, #tpu.memory_space<vmem>> -> memref<50x128xf32, #tpu.memory_space<vmem>>
    tpu.enqueue_dma source(%dma_start3A_1387 : memref<50x128xf32, #tpu.memory_space<vmem>>) target(%dma_start3A_1383 : memref<50x128xf32, #tpu.memory_space<hbm>>) target_semaphore(%arg20 : memref<!tpu.dma_semaphore, #tpu.memory_space<semaphore_mem>>)
    %dma_wait3A_1388 = arith.constant 4 : i32
    %dma_wait3A_1389 = arith.constant 0 : i32
    %dma_wait3A_1390 = arith.constant 0 : i32
    %dma_wait3A_1391 = arith.constant 0 : i32
    %dma_wait3A_1392 = tpu.memref_slice %arg6[%dma_wait3A_1388, %dma_wait3A_1390, %dma_wait3A_1391] : memref<8x50x128xf32, #tpu.memory_space<vmem>> -> memref<1x50x128xf32, #tpu.memory_space<vmem>>
    %dma_wait3A_1393 = tpu.memref_squeeze %dma_wait3A_1392 : memref<1x50x128xf32, #tpu.memory_space<vmem>> -> memref<50x128xf32, #tpu.memory_space<vmem>>
    %dma_wait3A_1394 = arith.constant 0 : i32
    %dma_wait3A_1395 = arith.constant 0 : i32
    %dma_wait3A_1396 = tpu.memref_slice %arg4[%dma_wait3A_1389, %dma_wait3A_1394, %dma_wait3A_1395] : memref<16384x50x128xf32, #tpu.memory_space<hbm>> -> memref<1x50x128xf32, #tpu.memory_space<hbm>>
    %dma_wait3A_1397 = tpu.memref_squeeze %dma_wait3A_1396 : memref<1x50x128xf32, #tpu.memory_space<hbm>> -> memref<50x128xf32, #tpu.memory_space<hbm>>
    %dma_wait3A_1398 = arith.constant 0 : i32
    %dma_wait3A_1399 = arith.constant 0 : i32
    %dma_wait3A_1400 = tpu.memref_slice %arg4[%dma_wait3A_1389, %dma_wait3A_1398, %dma_wait3A_1399] : memref<16384x50x128xf32, #tpu.memory_space<hbm>> -> memref<1x50x128xf32, #tpu.memory_space<hbm>>
    %dma_wait3A_1401 = tpu.memref_squeeze %dma_wait3A_1400 : memref<1x50x128xf32, #tpu.memory_space<hbm>> -> memref<50x128xf32, #tpu.memory_space<hbm>>
    %dma_wait3A_1402 = arith.constant 0 : i32
    %dma_wait3A_1403 = arith.constant 0 : i32
    %dma_wait3A_1404 = tpu.memref_slice %arg6[%dma_wait3A_1388, %dma_wait3A_1402, %dma_wait3A_1403] : memref<8x50x128xf32, #tpu.memory_space<vmem>> -> memref<1x50x128xf32, #tpu.memory_space<vmem>>
    %dma_wait3A_1405 = tpu.memref_squeeze %dma_wait3A_1404 : memref<1x50x128xf32, #tpu.memory_space<vmem>> -> memref<50x128xf32, #tpu.memory_space<vmem>>
    tpu.wait_dma2 semaphore(%arg19 : memref<!tpu.dma_semaphore, #tpu.memory_space<semaphore_mem>>) src(%dma_wait3A_1405 : memref<50x128xf32, #tpu.memory_space<vmem>>) dst(%dma_wait3A_1401 : memref<50x128xf32, #tpu.memory_space<hbm>>)
    %dma_start3A_1406 = arith.constant 12 : i32
    %dma_start3A_1407 = arith.constant 4 : i32
    %dma_start3A_1408 = arith.constant 0 : i32
    %dma_start3A_1409 = arith.constant 0 : i32
    %dma_start3A_1410 = tpu.memref_slice %arg6[%dma_start3A_1407, %dma_start3A_1408, %dma_start3A_1409] : memref<8x50x128xf32, #tpu.memory_space<vmem>> -> memref<1x50x128xf32, #tpu.memory_space<vmem>>
    %dma_start3A_1411 = tpu.memref_squeeze %dma_start3A_1410 : memref<1x50x128xf32, #tpu.memory_space<vmem>> -> memref<50x128xf32, #tpu.memory_space<vmem>>
    %dma_start3A_1412 = arith.constant 0 : i32
    %dma_start3A_1413 = tpu.memref_slice %arg5[%dma_start3A_1406, %dma_start3A_1412] : memref<256x50xi32, #tpu.memory_space<vmem>> -> memref<1x50xi32, #tpu.memory_space<vmem>>
    %dma_start3A_1414 = tpu.memref_squeeze %dma_start3A_1413 : memref<1x50xi32, #tpu.memory_space<vmem>> -> memref<50xi32, #tpu.memory_space<vmem>>
    %dma_start3A_1415 = arith.constant 0 : i32
    %dma_start3A_1416 = arith.constant 0 : i32
    %dma_start3A_1417 = tpu.memref_slice %arg3[%dma_start3A_1415, %dma_start3A_1416] : memref<1000000x128xf32, #tpu.memory_space<hbm>> -> memref<1000000x128xf32, #tpu.memory_space<hbm>>
    tpu.enqueue_indirect_dma source(%dma_start3A_1417 : memref<1000000x128xf32, #tpu.memory_space<hbm>>) target(%dma_start3A_1411 : memref<50x128xf32, #tpu.memory_space<vmem>>) offsets(%dma_start3A_1414 : memref<50xi32, #tpu.memory_space<vmem>>) semaphore(%arg11 : memref<!tpu.dma_semaphore, #tpu.memory_space<semaphore_mem>>)
    %dma_wait3A_1418 = arith.constant 0 : i32
    %dma_wait3A_1419 = arith.constant 6 : i32
    %dma_wait3A_1420 = arith.constant 0 : i32
    %dma_wait3A_1421 = arith.constant 0 : i32
    %dma_wait3A_1422 = tpu.memref_slice %arg6[%dma_wait3A_1419, %dma_wait3A_1420, %dma_wait3A_1421] : memref<8x50x128xf32, #tpu.memory_space<vmem>> -> memref<1x50x128xf32, #tpu.memory_space<vmem>>
    %dma_wait3A_1423 = tpu.memref_squeeze %dma_wait3A_1422 : memref<1x50x128xf32, #tpu.memory_space<vmem>> -> memref<50x128xf32, #tpu.memory_space<vmem>>
    %dma_wait3A_1424 = arith.constant 0 : i32
    %dma_wait3A_1425 = tpu.memref_slice %arg5[%dma_wait3A_1418, %dma_wait3A_1424] : memref<256x50xi32, #tpu.memory_space<vmem>> -> memref<1x50xi32, #tpu.memory_space<vmem>>
    %dma_wait3A_1426 = tpu.memref_squeeze %dma_wait3A_1425 : memref<1x50xi32, #tpu.memory_space<vmem>> -> memref<50xi32, #tpu.memory_space<vmem>>
    %dma_wait3A_1427 = arith.constant 0 : i32
    %dma_wait3A_1428 = arith.constant 0 : i32
    %dma_wait3A_1429 = tpu.memref_slice %arg3[%dma_wait3A_1427, %dma_wait3A_1428] : memref<1000000x128xf32, #tpu.memory_space<hbm>> -> memref<1000000x128xf32, #tpu.memory_space<hbm>>
    tpu.wait_indirect_dma semaphore(%arg13 : memref<!tpu.dma_semaphore, #tpu.memory_space<semaphore_mem>>) src(%dma_wait3A_1429 : memref<1000000x128xf32, #tpu.memory_space<hbm>>) dst(%dma_wait3A_1423 : memref<50x128xf32, #tpu.memory_space<vmem>>)
    %add3A_1430 = arith.constant 6 : i32
    %add3A_1431 = arith.addi %add3A_985, %add3A_1430 : i32
    %dma_start3A_1432 = arith.constant 6 : i32
    %dma_start3A_1433 = arith.constant 0 : i32
    %dma_start3A_1434 = arith.constant 0 : i32
    %dma_start3A_1435 = tpu.memref_slice %arg6[%dma_start3A_1432, %dma_start3A_1433, %dma_start3A_1434] : memref<8x50x128xf32, #tpu.memory_space<vmem>> -> memref<1x50x128xf32, #tpu.memory_space<vmem>>
    %dma_start3A_1436 = tpu.memref_squeeze %dma_start3A_1435 : memref<1x50x128xf32, #tpu.memory_space<vmem>> -> memref<50x128xf32, #tpu.memory_space<vmem>>
    %dma_start3A_1437 = arith.constant 0 : i32
    %dma_start3A_1438 = arith.constant 0 : i32
    %dma_start3A_1439 = tpu.memref_slice %arg4[%add3A_1431, %dma_start3A_1437, %dma_start3A_1438] : memref<16384x50x128xf32, #tpu.memory_space<hbm>> -> memref<1x50x128xf32, #tpu.memory_space<hbm>>
    %dma_start3A_1440 = tpu.memref_squeeze %dma_start3A_1439 : memref<1x50x128xf32, #tpu.memory_space<hbm>> -> memref<50x128xf32, #tpu.memory_space<hbm>>
    %dma_start3A_1441 = arith.constant 0 : i32
    %dma_start3A_1442 = arith.constant 0 : i32
    %dma_start3A_1443 = tpu.memref_slice %arg4[%add3A_1431, %dma_start3A_1441, %dma_start3A_1442] : memref<16384x50x128xf32, #tpu.memory_space<hbm>> -> memref<1x50x128xf32, #tpu.memory_space<hbm>>
    %dma_start3A_1444 = tpu.memref_squeeze %dma_start3A_1443 : memref<1x50x128xf32, #tpu.memory_space<hbm>> -> memref<50x128xf32, #tpu.memory_space<hbm>>
    %dma_start3A_1445 = arith.constant 0 : i32
    %dma_start3A_1446 = arith.constant 0 : i32
    %dma_start3A_1447 = tpu.memref_slice %arg6[%dma_start3A_1432, %dma_start3A_1445, %dma_start3A_1446] : memref<8x50x128xf32, #tpu.memory_space<vmem>> -> memref<1x50x128xf32, #tpu.memory_space<vmem>>
    %dma_start3A_1448 = tpu.memref_squeeze %dma_start3A_1447 : memref<1x50x128xf32, #tpu.memory_space<vmem>> -> memref<50x128xf32, #tpu.memory_space<vmem>>
    tpu.enqueue_dma source(%dma_start3A_1448 : memref<50x128xf32, #tpu.memory_space<vmem>>) target(%dma_start3A_1444 : memref<50x128xf32, #tpu.memory_space<hbm>>) target_semaphore(%arg21 : memref<!tpu.dma_semaphore, #tpu.memory_space<semaphore_mem>>)
    %dma_wait3A_1449 = arith.constant 5 : i32
    %dma_wait3A_1450 = arith.constant 0 : i32
    %dma_wait3A_1451 = arith.constant 0 : i32
    %dma_wait3A_1452 = arith.constant 0 : i32
    %dma_wait3A_1453 = tpu.memref_slice %arg6[%dma_wait3A_1449, %dma_wait3A_1451, %dma_wait3A_1452] : memref<8x50x128xf32, #tpu.memory_space<vmem>> -> memref<1x50x128xf32, #tpu.memory_space<vmem>>
    %dma_wait3A_1454 = tpu.memref_squeeze %dma_wait3A_1453 : memref<1x50x128xf32, #tpu.memory_space<vmem>> -> memref<50x128xf32, #tpu.memory_space<vmem>>
    %dma_wait3A_1455 = arith.constant 0 : i32
    %dma_wait3A_1456 = arith.constant 0 : i32
    %dma_wait3A_1457 = tpu.memref_slice %arg4[%dma_wait3A_1450, %dma_wait3A_1455, %dma_wait3A_1456] : memref<16384x50x128xf32, #tpu.memory_space<hbm>> -> memref<1x50x128xf32, #tpu.memory_space<hbm>>
    %dma_wait3A_1458 = tpu.memref_squeeze %dma_wait3A_1457 : memref<1x50x128xf32, #tpu.memory_space<hbm>> -> memref<50x128xf32, #tpu.memory_space<hbm>>
    %dma_wait3A_1459 = arith.constant 0 : i32
    %dma_wait3A_1460 = arith.constant 0 : i32
    %dma_wait3A_1461 = tpu.memref_slice %arg4[%dma_wait3A_1450, %dma_wait3A_1459, %dma_wait3A_1460] : memref<16384x50x128xf32, #tpu.memory_space<hbm>> -> memref<1x50x128xf32, #tpu.memory_space<hbm>>
    %dma_wait3A_1462 = tpu.memref_squeeze %dma_wait3A_1461 : memref<1x50x128xf32, #tpu.memory_space<hbm>> -> memref<50x128xf32, #tpu.memory_space<hbm>>
    %dma_wait3A_1463 = arith.constant 0 : i32
    %dma_wait3A_1464 = arith.constant 0 : i32
    %dma_wait3A_1465 = tpu.memref_slice %arg6[%dma_wait3A_1449, %dma_wait3A_1463, %dma_wait3A_1464] : memref<8x50x128xf32, #tpu.memory_space<vmem>> -> memref<1x50x128xf32, #tpu.memory_space<vmem>>
    %dma_wait3A_1466 = tpu.memref_squeeze %dma_wait3A_1465 : memref<1x50x128xf32, #tpu.memory_space<vmem>> -> memref<50x128xf32, #tpu.memory_space<vmem>>
    tpu.wait_dma2 semaphore(%arg20 : memref<!tpu.dma_semaphore, #tpu.memory_space<semaphore_mem>>) src(%dma_wait3A_1466 : memref<50x128xf32, #tpu.memory_space<vmem>>) dst(%dma_wait3A_1462 : memref<50x128xf32, #tpu.memory_space<hbm>>)
    %dma_start3A_1467 = arith.constant 13 : i32
    %dma_start3A_1468 = arith.constant 5 : i32
    %dma_start3A_1469 = arith.constant 0 : i32
    %dma_start3A_1470 = arith.constant 0 : i32
    %dma_start3A_1471 = tpu.memref_slice %arg6[%dma_start3A_1468, %dma_start3A_1469, %dma_start3A_1470] : memref<8x50x128xf32, #tpu.memory_space<vmem>> -> memref<1x50x128xf32, #tpu.memory_space<vmem>>
    %dma_start3A_1472 = tpu.memref_squeeze %dma_start3A_1471 : memref<1x50x128xf32, #tpu.memory_space<vmem>> -> memref<50x128xf32, #tpu.memory_space<vmem>>
    %dma_start3A_1473 = arith.constant 0 : i32
    %dma_start3A_1474 = tpu.memref_slice %arg5[%dma_start3A_1467, %dma_start3A_1473] : memref<256x50xi32, #tpu.memory_space<vmem>> -> memref<1x50xi32, #tpu.memory_space<vmem>>
    %dma_start3A_1475 = tpu.memref_squeeze %dma_start3A_1474 : memref<1x50xi32, #tpu.memory_space<vmem>> -> memref<50xi32, #tpu.memory_space<vmem>>
    %dma_start3A_1476 = arith.constant 0 : i32
    %dma_start3A_1477 = arith.constant 0 : i32
    %dma_start3A_1478 = tpu.memref_slice %arg3[%dma_start3A_1476, %dma_start3A_1477] : memref<1000000x128xf32, #tpu.memory_space<hbm>> -> memref<1000000x128xf32, #tpu.memory_space<hbm>>
    tpu.enqueue_indirect_dma source(%dma_start3A_1478 : memref<1000000x128xf32, #tpu.memory_space<hbm>>) target(%dma_start3A_1472 : memref<50x128xf32, #tpu.memory_space<vmem>>) offsets(%dma_start3A_1475 : memref<50xi32, #tpu.memory_space<vmem>>) semaphore(%arg12 : memref<!tpu.dma_semaphore, #tpu.memory_space<semaphore_mem>>)
    %dma_wait3A_1479 = arith.constant 0 : i32
    %dma_wait3A_1480 = arith.constant 7 : i32
    %dma_wait3A_1481 = arith.constant 0 : i32
    %dma_wait3A_1482 = arith.constant 0 : i32
    %dma_wait3A_1483 = tpu.memref_slice %arg6[%dma_wait3A_1480, %dma_wait3A_1481, %dma_wait3A_1482] : memref<8x50x128xf32, #tpu.memory_space<vmem>> -> memref<1x50x128xf32, #tpu.memory_space<vmem>>
    %dma_wait3A_1484 = tpu.memref_squeeze %dma_wait3A_1483 : memref<1x50x128xf32, #tpu.memory_space<vmem>> -> memref<50x128xf32, #tpu.memory_space<vmem>>
    %dma_wait3A_1485 = arith.constant 0 : i32
    %dma_wait3A_1486 = tpu.memref_slice %arg5[%dma_wait3A_1479, %dma_wait3A_1485] : memref<256x50xi32, #tpu.memory_space<vmem>> -> memref<1x50xi32, #tpu.memory_space<vmem>>
    %dma_wait3A_1487 = tpu.memref_squeeze %dma_wait3A_1486 : memref<1x50xi32, #tpu.memory_space<vmem>> -> memref<50xi32, #tpu.memory_space<vmem>>
    %dma_wait3A_1488 = arith.constant 0 : i32
    %dma_wait3A_1489 = arith.constant 0 : i32
    %dma_wait3A_1490 = tpu.memref_slice %arg3[%dma_wait3A_1488, %dma_wait3A_1489] : memref<1000000x128xf32, #tpu.memory_space<hbm>> -> memref<1000000x128xf32, #tpu.memory_space<hbm>>
    tpu.wait_indirect_dma semaphore(%arg14 : memref<!tpu.dma_semaphore, #tpu.memory_space<semaphore_mem>>) src(%dma_wait3A_1490 : memref<1000000x128xf32, #tpu.memory_space<hbm>>) dst(%dma_wait3A_1484 : memref<50x128xf32, #tpu.memory_space<vmem>>)
    %add3A_1491 = arith.constant 7 : i32
    %add3A_1492 = arith.addi %add3A_985, %add3A_1491 : i32
    %dma_start3A_1493 = arith.constant 7 : i32
    %dma_start3A_1494 = arith.constant 0 : i32
    %dma_start3A_1495 = arith.constant 0 : i32
    %dma_start3A_1496 = tpu.memref_slice %arg6[%dma_start3A_1493, %dma_start3A_1494, %dma_start3A_1495] : memref<8x50x128xf32, #tpu.memory_space<vmem>> -> memref<1x50x128xf32, #tpu.memory_space<vmem>>
    %dma_start3A_1497 = tpu.memref_squeeze %dma_start3A_1496 : memref<1x50x128xf32, #tpu.memory_space<vmem>> -> memref<50x128xf32, #tpu.memory_space<vmem>>
    %dma_start3A_1498 = arith.constant 0 : i32
    %dma_start3A_1499 = arith.constant 0 : i32
    %dma_start3A_1500 = tpu.memref_slice %arg4[%add3A_1492, %dma_start3A_1498, %dma_start3A_1499] : memref<16384x50x128xf32, #tpu.memory_space<hbm>> -> memref<1x50x128xf32, #tpu.memory_space<hbm>>
    %dma_start3A_1501 = tpu.memref_squeeze %dma_start3A_1500 : memref<1x50x128xf32, #tpu.memory_space<hbm>> -> memref<50x128xf32, #tpu.memory_space<hbm>>
    %dma_start3A_1502 = arith.constant 0 : i32
    %dma_start3A_1503 = arith.constant 0 : i32
    %dma_start3A_1504 = tpu.memref_slice %arg4[%add3A_1492, %dma_start3A_1502, %dma_start3A_1503] : memref<16384x50x128xf32, #tpu.memory_space<hbm>> -> memref<1x50x128xf32, #tpu.memory_space<hbm>>
    %dma_start3A_1505 = tpu.memref_squeeze %dma_start3A_1504 : memref<1x50x128xf32, #tpu.memory_space<hbm>> -> memref<50x128xf32, #tpu.memory_space<hbm>>
    %dma_start3A_1506 = arith.constant 0 : i32
    %dma_start3A_1507 = arith.constant 0 : i32
    %dma_start3A_1508 = tpu.memref_slice %arg6[%dma_start3A_1493, %dma_start3A_1506, %dma_start3A_1507] : memref<8x50x128xf32, #tpu.memory_space<vmem>> -> memref<1x50x128xf32, #tpu.memory_space<vmem>>
    %dma_start3A_1509 = tpu.memref_squeeze %dma_start3A_1508 : memref<1x50x128xf32, #tpu.memory_space<vmem>> -> memref<50x128xf32, #tpu.memory_space<vmem>>
    tpu.enqueue_dma source(%dma_start3A_1509 : memref<50x128xf32, #tpu.memory_space<vmem>>) target(%dma_start3A_1505 : memref<50x128xf32, #tpu.memory_space<hbm>>) target_semaphore(%arg22 : memref<!tpu.dma_semaphore, #tpu.memory_space<semaphore_mem>>)
    %scan3A_1510 = arith.constant 0 : i32
    %scan3A_1511 = arith.constant 1 : i32
    %scan3A_1512 = arith.constant 30 : i32
    %scan3A_1513 = arith.addi %scan3A_1511, %scan3A_1512 : i32
    %scan3A_1514 = arith.constant 1 : i32
    scf.for %scan3A_1968 = %scan3A_1511 to %scan3A_1513 step %scan3A_1514  : i32 {
      %mul3A_1969 = arith.constant 8 : i32
      %mul3A_1970 = arith.muli %scan3A_1968, %mul3A_1969 : i32
      %add3A_1971 = arith.constant 0 : i32
      %add3A_1972 = arith.addi %mul3A_1970, %add3A_1971 : i32
      %dma_wait3A_1973 = arith.constant 6 : i32
      %dma_wait3A_1974 = arith.constant 0 : i32
      %dma_wait3A_1975 = arith.constant 0 : i32
      %dma_wait3A_1976 = arith.constant 0 : i32
      %dma_wait3A_1977 = tpu.memref_slice %arg6[%dma_wait3A_1973, %dma_wait3A_1975, %dma_wait3A_1976] : memref<8x50x128xf32, #tpu.memory_space<vmem>> -> memref<1x50x128xf32, #tpu.memory_space<vmem>>
      %dma_wait3A_1978 = tpu.memref_squeeze %dma_wait3A_1977 : memref<1x50x128xf32, #tpu.memory_space<vmem>> -> memref<50x128xf32, #tpu.memory_space<vmem>>
      %dma_wait3A_1979 = arith.constant 0 : i32
      %dma_wait3A_1980 = arith.constant 0 : i32
      %dma_wait3A_1981 = tpu.memref_slice %arg4[%dma_wait3A_1974, %dma_wait3A_1979, %dma_wait3A_1980] : memref<16384x50x128xf32, #tpu.memory_space<hbm>> -> memref<1x50x128xf32, #tpu.memory_space<hbm>>
      %dma_wait3A_1982 = tpu.memref_squeeze %dma_wait3A_1981 : memref<1x50x128xf32, #tpu.memory_space<hbm>> -> memref<50x128xf32, #tpu.memory_space<hbm>>
      %dma_wait3A_1983 = arith.constant 0 : i32
      %dma_wait3A_1984 = arith.constant 0 : i32
      %dma_wait3A_1985 = tpu.memref_slice %arg4[%dma_wait3A_1974, %dma_wait3A_1983, %dma_wait3A_1984] : memref<16384x50x128xf32, #tpu.memory_space<hbm>> -> memref<1x50x128xf32, #tpu.memory_space<hbm>>
      %dma_wait3A_1986 = tpu.memref_squeeze %dma_wait3A_1985 : memref<1x50x128xf32, #tpu.memory_space<hbm>> -> memref<50x128xf32, #tpu.memory_space<hbm>>
      %dma_wait3A_1987 = arith.constant 0 : i32
      %dma_wait3A_1988 = arith.constant 0 : i32
      %dma_wait3A_1989 = tpu.memref_slice %arg6[%dma_wait3A_1973, %dma_wait3A_1987, %dma_wait3A_1988] : memref<8x50x128xf32, #tpu.memory_space<vmem>> -> memref<1x50x128xf32, #tpu.memory_space<vmem>>
      %dma_wait3A_1990 = tpu.memref_squeeze %dma_wait3A_1989 : memref<1x50x128xf32, #tpu.memory_space<vmem>> -> memref<50x128xf32, #tpu.memory_space<vmem>>
      tpu.wait_dma2 semaphore(%arg21 : memref<!tpu.dma_semaphore, #tpu.memory_space<semaphore_mem>>) src(%dma_wait3A_1990 : memref<50x128xf32, #tpu.memory_space<vmem>>) dst(%dma_wait3A_1986 : memref<50x128xf32, #tpu.memory_space<hbm>>)
      %add3A_1991 = arith.constant 6 : i32
      %add3A_1992 = arith.addi %add3A_1972, %add3A_1991 : i32
      %dma_start3A_1993 = arith.constant 6 : i32
      %dma_start3A_1994 = arith.constant 0 : i32
      %dma_start3A_1995 = arith.constant 0 : i32
      %dma_start3A_1996 = tpu.memref_slice %arg6[%dma_start3A_1993, %dma_start3A_1994, %dma_start3A_1995] : memref<8x50x128xf32, #tpu.memory_space<vmem>> -> memref<1x50x128xf32, #tpu.memory_space<vmem>>
      %dma_start3A_1997 = tpu.memref_squeeze %dma_start3A_1996 : memref<1x50x128xf32, #tpu.memory_space<vmem>> -> memref<50x128xf32, #tpu.memory_space<vmem>>
      %dma_start3A_1998 = arith.constant 0 : i32
      %dma_start3A_1999 = tpu.memref_slice %arg5[%add3A_1992, %dma_start3A_1998] : memref<256x50xi32, #tpu.memory_space<vmem>> -> memref<1x50xi32, #tpu.memory_space<vmem>>
      %dma_start3A_2000 = tpu.memref_squeeze %dma_start3A_1999 : memref<1x50xi32, #tpu.memory_space<vmem>> -> memref<50xi32, #tpu.memory_space<vmem>>
      %dma_start3A_2001 = arith.constant 0 : i32
      %dma_start3A_2002 = arith.constant 0 : i32
      %dma_start3A_2003 = tpu.memref_slice %arg3[%dma_start3A_2001, %dma_start3A_2002] : memref<1000000x128xf32, #tpu.memory_space<hbm>> -> memref<1000000x128xf32, #tpu.memory_space<hbm>>
      tpu.enqueue_indirect_dma source(%dma_start3A_2003 : memref<1000000x128xf32, #tpu.memory_space<hbm>>) target(%dma_start3A_1997 : memref<50x128xf32, #tpu.memory_space<vmem>>) offsets(%dma_start3A_2000 : memref<50xi32, #tpu.memory_space<vmem>>) semaphore(%arg13 : memref<!tpu.dma_semaphore, #tpu.memory_space<semaphore_mem>>)
      %dma_wait3A_2004 = arith.constant 0 : i32
      %dma_wait3A_2005 = arith.constant 0 : i32
      %dma_wait3A_2006 = arith.constant 0 : i32
      %dma_wait3A_2007 = arith.constant 0 : i32
      %dma_wait3A_2008 = tpu.memref_slice %arg6[%dma_wait3A_2005, %dma_wait3A_2006, %dma_wait3A_2007] : memref<8x50x128xf32, #tpu.memory_space<vmem>> -> memref<1x50x128xf32, #tpu.memory_space<vmem>>
      %dma_wait3A_2009 = tpu.memref_squeeze %dma_wait3A_2008 : memref<1x50x128xf32, #tpu.memory_space<vmem>> -> memref<50x128xf32, #tpu.memory_space<vmem>>
      %dma_wait3A_2010 = arith.constant 0 : i32
      %dma_wait3A_2011 = tpu.memref_slice %arg5[%dma_wait3A_2004, %dma_wait3A_2010] : memref<256x50xi32, #tpu.memory_space<vmem>> -> memref<1x50xi32, #tpu.memory_space<vmem>>
      %dma_wait3A_2012 = tpu.memref_squeeze %dma_wait3A_2011 : memref<1x50xi32, #tpu.memory_space<vmem>> -> memref<50xi32, #tpu.memory_space<vmem>>
      %dma_wait3A_2013 = arith.constant 0 : i32
      %dma_wait3A_2014 = arith.constant 0 : i32
      %dma_wait3A_2015 = tpu.memref_slice %arg3[%dma_wait3A_2013, %dma_wait3A_2014] : memref<1000000x128xf32, #tpu.memory_space<hbm>> -> memref<1000000x128xf32, #tpu.memory_space<hbm>>
      tpu.wait_indirect_dma semaphore(%arg7 : memref<!tpu.dma_semaphore, #tpu.memory_space<semaphore_mem>>) src(%dma_wait3A_2015 : memref<1000000x128xf32, #tpu.memory_space<hbm>>) dst(%dma_wait3A_2009 : memref<50x128xf32, #tpu.memory_space<vmem>>)
      %add3A_2016 = arith.addi %add3A_985, %add3A_1972 : i32
      %dma_start3A_2017 = arith.constant 0 : i32
      %dma_start3A_2018 = arith.constant 0 : i32
      %dma_start3A_2019 = arith.constant 0 : i32
      %dma_start3A_2020 = tpu.memref_slice %arg6[%dma_start3A_2017, %dma_start3A_2018, %dma_start3A_2019] : memref<8x50x128xf32, #tpu.memory_space<vmem>> -> memref<1x50x128xf32, #tpu.memory_space<vmem>>
      %dma_start3A_2021 = tpu.memref_squeeze %dma_start3A_2020 : memref<1x50x128xf32, #tpu.memory_space<vmem>> -> memref<50x128xf32, #tpu.memory_space<vmem>>
      %dma_start3A_2022 = arith.constant 0 : i32
      %dma_start3A_2023 = arith.constant 0 : i32
      %dma_start3A_2024 = tpu.memref_slice %arg4[%add3A_2016, %dma_start3A_2022, %dma_start3A_2023] : memref<16384x50x128xf32, #tpu.memory_space<hbm>> -> memref<1x50x128xf32, #tpu.memory_space<hbm>>
      %dma_start3A_2025 = tpu.memref_squeeze %dma_start3A_2024 : memref<1x50x128xf32, #tpu.memory_space<hbm>> -> memref<50x128xf32, #tpu.memory_space<hbm>>
      %dma_start3A_2026 = arith.constant 0 : i32
      %dma_start3A_2027 = arith.constant 0 : i32
      %dma_start3A_2028 = tpu.memref_slice %arg4[%add3A_2016, %dma_start3A_2026, %dma_start3A_2027] : memref<16384x50x128xf32, #tpu.memory_space<hbm>> -> memref<1x50x128xf32, #tpu.memory_space<hbm>>
      %dma_start3A_2029 = tpu.memref_squeeze %dma_start3A_2028 : memref<1x50x128xf32, #tpu.memory_space<hbm>> -> memref<50x128xf32, #tpu.memory_space<hbm>>
      %dma_start3A_2030 = arith.constant 0 : i32
      %dma_start3A_2031 = arith.constant 0 : i32
      %dma_start3A_2032 = tpu.memref_slice %arg6[%dma_start3A_2017, %dma_start3A_2030, %dma_start3A_2031] : memref<8x50x128xf32, #tpu.memory_space<vmem>> -> memref<1x50x128xf32, #tpu.memory_space<vmem>>
      %dma_start3A_2033 = tpu.memref_squeeze %dma_start3A_2032 : memref<1x50x128xf32, #tpu.memory_space<vmem>> -> memref<50x128xf32, #tpu.memory_space<vmem>>
      tpu.enqueue_dma source(%dma_start3A_2033 : memref<50x128xf32, #tpu.memory_space<vmem>>) target(%dma_start3A_2029 : memref<50x128xf32, #tpu.memory_space<hbm>>) target_semaphore(%arg15 : memref<!tpu.dma_semaphore, #tpu.memory_space<semaphore_mem>>)
      %mul3A_2034 = arith.constant 8 : i32
      %mul3A_2035 = arith.muli %scan3A_1968, %mul3A_2034 : i32
      %add3A_2036 = arith.constant 1 : i32
      %add3A_2037 = arith.addi %mul3A_2035, %add3A_2036 : i32
      %dma_wait3A_2038 = arith.constant 7 : i32
      %dma_wait3A_2039 = arith.constant 0 : i32
      %dma_wait3A_2040 = arith.constant 0 : i32
      %dma_wait3A_2041 = arith.constant 0 : i32
      %dma_wait3A_2042 = tpu.memref_slice %arg6[%dma_wait3A_2038, %dma_wait3A_2040, %dma_wait3A_2041] : memref<8x50x128xf32, #tpu.memory_space<vmem>> -> memref<1x50x128xf32, #tpu.memory_space<vmem>>
      %dma_wait3A_2043 = tpu.memref_squeeze %dma_wait3A_2042 : memref<1x50x128xf32, #tpu.memory_space<vmem>> -> memref<50x128xf32, #tpu.memory_space<vmem>>
      %dma_wait3A_2044 = arith.constant 0 : i32
      %dma_wait3A_2045 = arith.constant 0 : i32
      %dma_wait3A_2046 = tpu.memref_slice %arg4[%dma_wait3A_2039, %dma_wait3A_2044, %dma_wait3A_2045] : memref<16384x50x128xf32, #tpu.memory_space<hbm>> -> memref<1x50x128xf32, #tpu.memory_space<hbm>>
      %dma_wait3A_2047 = tpu.memref_squeeze %dma_wait3A_2046 : memref<1x50x128xf32, #tpu.memory_space<hbm>> -> memref<50x128xf32, #tpu.memory_space<hbm>>
      %dma_wait3A_2048 = arith.constant 0 : i32
      %dma_wait3A_2049 = arith.constant 0 : i32
      %dma_wait3A_2050 = tpu.memref_slice %arg4[%dma_wait3A_2039, %dma_wait3A_2048, %dma_wait3A_2049] : memref<16384x50x128xf32, #tpu.memory_space<hbm>> -> memref<1x50x128xf32, #tpu.memory_space<hbm>>
      %dma_wait3A_2051 = tpu.memref_squeeze %dma_wait3A_2050 : memref<1x50x128xf32, #tpu.memory_space<hbm>> -> memref<50x128xf32, #tpu.memory_space<hbm>>
      %dma_wait3A_2052 = arith.constant 0 : i32
      %dma_wait3A_2053 = arith.constant 0 : i32
      %dma_wait3A_2054 = tpu.memref_slice %arg6[%dma_wait3A_2038, %dma_wait3A_2052, %dma_wait3A_2053] : memref<8x50x128xf32, #tpu.memory_space<vmem>> -> memref<1x50x128xf32, #tpu.memory_space<vmem>>
      %dma_wait3A_2055 = tpu.memref_squeeze %dma_wait3A_2054 : memref<1x50x128xf32, #tpu.memory_space<vmem>> -> memref<50x128xf32, #tpu.memory_space<vmem>>
      tpu.wait_dma2 semaphore(%arg22 : memref<!tpu.dma_semaphore, #tpu.memory_space<semaphore_mem>>) src(%dma_wait3A_2055 : memref<50x128xf32, #tpu.memory_space<vmem>>) dst(%dma_wait3A_2051 : memref<50x128xf32, #tpu.memory_space<hbm>>)
      %add3A_2056 = arith.constant 6 : i32
      %add3A_2057 = arith.addi %add3A_2037, %add3A_2056 : i32
      %dma_start3A_2058 = arith.constant 7 : i32
      %dma_start3A_2059 = arith.constant 0 : i32
      %dma_start3A_2060 = arith.constant 0 : i32
      %dma_start3A_2061 = tpu.memref_slice %arg6[%dma_start3A_2058, %dma_start3A_2059, %dma_start3A_2060] : memref<8x50x128xf32, #tpu.memory_space<vmem>> -> memref<1x50x128xf32, #tpu.memory_space<vmem>>
      %dma_start3A_2062 = tpu.memref_squeeze %dma_start3A_2061 : memref<1x50x128xf32, #tpu.memory_space<vmem>> -> memref<50x128xf32, #tpu.memory_space<vmem>>
      %dma_start3A_2063 = arith.constant 0 : i32
      %dma_start3A_2064 = tpu.memref_slice %arg5[%add3A_2057, %dma_start3A_2063] : memref<256x50xi32, #tpu.memory_space<vmem>> -> memref<1x50xi32, #tpu.memory_space<vmem>>
      %dma_start3A_2065 = tpu.memref_squeeze %dma_start3A_2064 : memref<1x50xi32, #tpu.memory_space<vmem>> -> memref<50xi32, #tpu.memory_space<vmem>>
      %dma_start3A_2066 = arith.constant 0 : i32
      %dma_start3A_2067 = arith.constant 0 : i32
      %dma_start3A_2068 = tpu.memref_slice %arg3[%dma_start3A_2066, %dma_start3A_2067] : memref<1000000x128xf32, #tpu.memory_space<hbm>> -> memref<1000000x128xf32, #tpu.memory_space<hbm>>
      tpu.enqueue_indirect_dma source(%dma_start3A_2068 : memref<1000000x128xf32, #tpu.memory_space<hbm>>) target(%dma_start3A_2062 : memref<50x128xf32, #tpu.memory_space<vmem>>) offsets(%dma_start3A_2065 : memref<50xi32, #tpu.memory_space<vmem>>) semaphore(%arg14 : memref<!tpu.dma_semaphore, #tpu.memory_space<semaphore_mem>>)
      %dma_wait3A_2069 = arith.constant 0 : i32
      %dma_wait3A_2070 = arith.constant 1 : i32
      %dma_wait3A_2071 = arith.constant 0 : i32
      %dma_wait3A_2072 = arith.constant 0 : i32
      %dma_wait3A_2073 = tpu.memref_slice %arg6[%dma_wait3A_2070, %dma_wait3A_2071, %dma_wait3A_2072] : memref<8x50x128xf32, #tpu.memory_space<vmem>> -> memref<1x50x128xf32, #tpu.memory_space<vmem>>
      %dma_wait3A_2074 = tpu.memref_squeeze %dma_wait3A_2073 : memref<1x50x128xf32, #tpu.memory_space<vmem>> -> memref<50x128xf32, #tpu.memory_space<vmem>>
      %dma_wait3A_2075 = arith.constant 0 : i32
      %dma_wait3A_2076 = tpu.memref_slice %arg5[%dma_wait3A_2069, %dma_wait3A_2075] : memref<256x50xi32, #tpu.memory_space<vmem>> -> memref<1x50xi32, #tpu.memory_space<vmem>>
      %dma_wait3A_2077 = tpu.memref_squeeze %dma_wait3A_2076 : memref<1x50xi32, #tpu.memory_space<vmem>> -> memref<50xi32, #tpu.memory_space<vmem>>
      %dma_wait3A_2078 = arith.constant 0 : i32
      %dma_wait3A_2079 = arith.constant 0 : i32
      %dma_wait3A_2080 = tpu.memref_slice %arg3[%dma_wait3A_2078, %dma_wait3A_2079] : memref<1000000x128xf32, #tpu.memory_space<hbm>> -> memref<1000000x128xf32, #tpu.memory_space<hbm>>
      tpu.wait_indirect_dma semaphore(%arg8 : memref<!tpu.dma_semaphore, #tpu.memory_space<semaphore_mem>>) src(%dma_wait3A_2080 : memref<1000000x128xf32, #tpu.memory_space<hbm>>) dst(%dma_wait3A_2074 : memref<50x128xf32, #tpu.memory_space<vmem>>)
      %add3A_2081 = arith.addi %add3A_985, %add3A_2037 : i32
      %dma_start3A_2082 = arith.constant 1 : i32
      %dma_start3A_2083 = arith.constant 0 : i32
      %dma_start3A_2084 = arith.constant 0 : i32
      %dma_start3A_2085 = tpu.memref_slice %arg6[%dma_start3A_2082, %dma_start3A_2083, %dma_start3A_2084] : memref<8x50x128xf32, #tpu.memory_space<vmem>> -> memref<1x50x128xf32, #tpu.memory_space<vmem>>
      %dma_start3A_2086 = tpu.memref_squeeze %dma_start3A_2085 : memref<1x50x128xf32, #tpu.memory_space<vmem>> -> memref<50x128xf32, #tpu.memory_space<vmem>>
      %dma_start3A_2087 = arith.constant 0 : i32
      %dma_start3A_2088 = arith.constant 0 : i32
      %dma_start3A_2089 = tpu.memref_slice %arg4[%add3A_2081, %dma_start3A_2087, %dma_start3A_2088] : memref<16384x50x128xf32, #tpu.memory_space<hbm>> -> memref<1x50x128xf32, #tpu.memory_space<hbm>>
      %dma_start3A_2090 = tpu.memref_squeeze %dma_start3A_2089 : memref<1x50x128xf32, #tpu.memory_space<hbm>> -> memref<50x128xf32, #tpu.memory_space<hbm>>
      %dma_start3A_2091 = arith.constant 0 : i32
      %dma_start3A_2092 = arith.constant 0 : i32
      %dma_start3A_2093 = tpu.memref_slice %arg4[%add3A_2081, %dma_start3A_2091, %dma_start3A_2092] : memref<16384x50x128xf32, #tpu.memory_space<hbm>> -> memref<1x50x128xf32, #tpu.memory_space<hbm>>
      %dma_start3A_2094 = tpu.memref_squeeze %dma_start3A_2093 : memref<1x50x128xf32, #tpu.memory_space<hbm>> -> memref<50x128xf32, #tpu.memory_space<hbm>>
      %dma_start3A_2095 = arith.constant 0 : i32
      %dma_start3A_2096 = arith.constant 0 : i32
      %dma_start3A_2097 = tpu.memref_slice %arg6[%dma_start3A_2082, %dma_start3A_2095, %dma_start3A_2096] : memref<8x50x128xf32, #tpu.memory_space<vmem>> -> memref<1x50x128xf32, #tpu.memory_space<vmem>>
      %dma_start3A_2098 = tpu.memref_squeeze %dma_start3A_2097 : memref<1x50x128xf32, #tpu.memory_space<vmem>> -> memref<50x128xf32, #tpu.memory_space<vmem>>
      tpu.enqueue_dma source(%dma_start3A_2098 : memref<50x128xf32, #tpu.memory_space<vmem>>) target(%dma_start3A_2094 : memref<50x128xf32, #tpu.memory_space<hbm>>) target_semaphore(%arg16 : memref<!tpu.dma_semaphore, #tpu.memory_space<semaphore_mem>>)
      %mul3A_2099 = arith.constant 8 : i32
      %mul3A_2100 = arith.muli %scan3A_1968, %mul3A_2099 : i32
      %add3A_2101 = arith.constant 2 : i32
      %add3A_2102 = arith.addi %mul3A_2100, %add3A_2101 : i32
      %dma_wait3A_2103 = arith.constant 0 : i32
      %dma_wait3A_2104 = arith.constant 0 : i32
      %dma_wait3A_2105 = arith.constant 0 : i32
      %dma_wait3A_2106 = arith.constant 0 : i32
      %dma_wait3A_2107 = tpu.memref_slice %arg6[%dma_wait3A_2103, %dma_wait3A_2105, %dma_wait3A_2106] : memref<8x50x128xf32, #tpu.memory_space<vmem>> -> memref<1x50x128xf32, #tpu.memory_space<vmem>>
      %dma_wait3A_2108 = tpu.memref_squeeze %dma_wait3A_2107 : memref<1x50x128xf32, #tpu.memory_space<vmem>> -> memref<50x128xf32, #tpu.memory_space<vmem>>
      %dma_wait3A_2109 = arith.constant 0 : i32
      %dma_wait3A_2110 = arith.constant 0 : i32
      %dma_wait3A_2111 = tpu.memref_slice %arg4[%dma_wait3A_2104, %dma_wait3A_2109, %dma_wait3A_2110] : memref<16384x50x128xf32, #tpu.memory_space<hbm>> -> memref<1x50x128xf32, #tpu.memory_space<hbm>>
      %dma_wait3A_2112 = tpu.memref_squeeze %dma_wait3A_2111 : memref<1x50x128xf32, #tpu.memory_space<hbm>> -> memref<50x128xf32, #tpu.memory_space<hbm>>
      %dma_wait3A_2113 = arith.constant 0 : i32
      %dma_wait3A_2114 = arith.constant 0 : i32
      %dma_wait3A_2115 = tpu.memref_slice %arg4[%dma_wait3A_2104, %dma_wait3A_2113, %dma_wait3A_2114] : memref<16384x50x128xf32, #tpu.memory_space<hbm>> -> memref<1x50x128xf32, #tpu.memory_space<hbm>>
      %dma_wait3A_2116 = tpu.memref_squeeze %dma_wait3A_2115 : memref<1x50x128xf32, #tpu.memory_space<hbm>> -> memref<50x128xf32, #tpu.memory_space<hbm>>
      %dma_wait3A_2117 = arith.constant 0 : i32
      %dma_wait3A_2118 = arith.constant 0 : i32
      %dma_wait3A_2119 = tpu.memref_slice %arg6[%dma_wait3A_2103, %dma_wait3A_2117, %dma_wait3A_2118] : memref<8x50x128xf32, #tpu.memory_space<vmem>> -> memref<1x50x128xf32, #tpu.memory_space<vmem>>
      %dma_wait3A_2120 = tpu.memref_squeeze %dma_wait3A_2119 : memref<1x50x128xf32, #tpu.memory_space<vmem>> -> memref<50x128xf32, #tpu.memory_space<vmem>>
      tpu.wait_dma2 semaphore(%arg15 : memref<!tpu.dma_semaphore, #tpu.memory_space<semaphore_mem>>) src(%dma_wait3A_2120 : memref<50x128xf32, #tpu.memory_space<vmem>>) dst(%dma_wait3A_2116 : memref<50x128xf32, #tpu.memory_space<hbm>>)
      %add3A_2121 = arith.constant 6 : i32
      %add3A_2122 = arith.addi %add3A_2102, %add3A_2121 : i32
      %dma_start3A_2123 = arith.constant 0 : i32
      %dma_start3A_2124 = arith.constant 0 : i32
      %dma_start3A_2125 = arith.constant 0 : i32
      %dma_start3A_2126 = tpu.memref_slice %arg6[%dma_start3A_2123, %dma_start3A_2124, %dma_start3A_2125] : memref<8x50x128xf32, #tpu.memory_space<vmem>> -> memref<1x50x128xf32, #tpu.memory_space<vmem>>
      %dma_start3A_2127 = tpu.memref_squeeze %dma_start3A_2126 : memref<1x50x128xf32, #tpu.memory_space<vmem>> -> memref<50x128xf32, #tpu.memory_space<vmem>>
      %dma_start3A_2128 = arith.constant 0 : i32
      %dma_start3A_2129 = tpu.memref_slice %arg5[%add3A_2122, %dma_start3A_2128] : memref<256x50xi32, #tpu.memory_space<vmem>> -> memref<1x50xi32, #tpu.memory_space<vmem>>
      %dma_start3A_2130 = tpu.memref_squeeze %dma_start3A_2129 : memref<1x50xi32, #tpu.memory_space<vmem>> -> memref<50xi32, #tpu.memory_space<vmem>>
      %dma_start3A_2131 = arith.constant 0 : i32
      %dma_start3A_2132 = arith.constant 0 : i32
      %dma_start3A_2133 = tpu.memref_slice %arg3[%dma_start3A_2131, %dma_start3A_2132] : memref<1000000x128xf32, #tpu.memory_space<hbm>> -> memref<1000000x128xf32, #tpu.memory_space<hbm>>
      tpu.enqueue_indirect_dma source(%dma_start3A_2133 : memref<1000000x128xf32, #tpu.memory_space<hbm>>) target(%dma_start3A_2127 : memref<50x128xf32, #tpu.memory_space<vmem>>) offsets(%dma_start3A_2130 : memref<50xi32, #tpu.memory_space<vmem>>) semaphore(%arg7 : memref<!tpu.dma_semaphore, #tpu.memory_space<semaphore_mem>>)
      %dma_wait3A_2134 = arith.constant 0 : i32
      %dma_wait3A_2135 = arith.constant 2 : i32
      %dma_wait3A_2136 = arith.constant 0 : i32
      %dma_wait3A_2137 = arith.constant 0 : i32
      %dma_wait3A_2138 = tpu.memref_slice %arg6[%dma_wait3A_2135, %dma_wait3A_2136, %dma_wait3A_2137] : memref<8x50x128xf32, #tpu.memory_space<vmem>> -> memref<1x50x128xf32, #tpu.memory_space<vmem>>
      %dma_wait3A_2139 = tpu.memref_squeeze %dma_wait3A_2138 : memref<1x50x128xf32, #tpu.memory_space<vmem>> -> memref<50x128xf32, #tpu.memory_space<vmem>>
      %dma_wait3A_2140 = arith.constant 0 : i32
      %dma_wait3A_2141 = tpu.memref_slice %arg5[%dma_wait3A_2134, %dma_wait3A_2140] : memref<256x50xi32, #tpu.memory_space<vmem>> -> memref<1x50xi32, #tpu.memory_space<vmem>>
      %dma_wait3A_2142 = tpu.memref_squeeze %dma_wait3A_2141 : memref<1x50xi32, #tpu.memory_space<vmem>> -> memref<50xi32, #tpu.memory_space<vmem>>
      %dma_wait3A_2143 = arith.constant 0 : i32
      %dma_wait3A_2144 = arith.constant 0 : i32
      %dma_wait3A_2145 = tpu.memref_slice %arg3[%dma_wait3A_2143, %dma_wait3A_2144] : memref<1000000x128xf32, #tpu.memory_space<hbm>> -> memref<1000000x128xf32, #tpu.memory_space<hbm>>
      tpu.wait_indirect_dma semaphore(%arg9 : memref<!tpu.dma_semaphore, #tpu.memory_space<semaphore_mem>>) src(%dma_wait3A_2145 : memref<1000000x128xf32, #tpu.memory_space<hbm>>) dst(%dma_wait3A_2139 : memref<50x128xf32, #tpu.memory_space<vmem>>)
      %add3A_2146 = arith.addi %add3A_985, %add3A_2102 : i32
      %dma_start3A_2147 = arith.constant 2 : i32
      %dma_start3A_2148 = arith.constant 0 : i32
      %dma_start3A_2149 = arith.constant 0 : i32
      %dma_start3A_2150 = tpu.memref_slice %arg6[%dma_start3A_2147, %dma_start3A_2148, %dma_start3A_2149] : memref<8x50x128xf32, #tpu.memory_space<vmem>> -> memref<1x50x128xf32, #tpu.memory_space<vmem>>
      %dma_start3A_2151 = tpu.memref_squeeze %dma_start3A_2150 : memref<1x50x128xf32, #tpu.memory_space<vmem>> -> memref<50x128xf32, #tpu.memory_space<vmem>>
      %dma_start3A_2152 = arith.constant 0 : i32
      %dma_start3A_2153 = arith.constant 0 : i32
      %dma_start3A_2154 = tpu.memref_slice %arg4[%add3A_2146, %dma_start3A_2152, %dma_start3A_2153] : memref<16384x50x128xf32, #tpu.memory_space<hbm>> -> memref<1x50x128xf32, #tpu.memory_space<hbm>>
      %dma_start3A_2155 = tpu.memref_squeeze %dma_start3A_2154 : memref<1x50x128xf32, #tpu.memory_space<hbm>> -> memref<50x128xf32, #tpu.memory_space<hbm>>
      %dma_start3A_2156 = arith.constant 0 : i32
      %dma_start3A_2157 = arith.constant 0 : i32
      %dma_start3A_2158 = tpu.memref_slice %arg4[%add3A_2146, %dma_start3A_2156, %dma_start3A_2157] : memref<16384x50x128xf32, #tpu.memory_space<hbm>> -> memref<1x50x128xf32, #tpu.memory_space<hbm>>
      %dma_start3A_2159 = tpu.memref_squeeze %dma_start3A_2158 : memref<1x50x128xf32, #tpu.memory_space<hbm>> -> memref<50x128xf32, #tpu.memory_space<hbm>>
      %dma_start3A_2160 = arith.constant 0 : i32
      %dma_start3A_2161 = arith.constant 0 : i32
      %dma_start3A_2162 = tpu.memref_slice %arg6[%dma_start3A_2147, %dma_start3A_2160, %dma_start3A_2161] : memref<8x50x128xf32, #tpu.memory_space<vmem>> -> memref<1x50x128xf32, #tpu.memory_space<vmem>>
      %dma_start3A_2163 = tpu.memref_squeeze %dma_start3A_2162 : memref<1x50x128xf32, #tpu.memory_space<vmem>> -> memref<50x128xf32, #tpu.memory_space<vmem>>
      tpu.enqueue_dma source(%dma_start3A_2163 : memref<50x128xf32, #tpu.memory_space<vmem>>) target(%dma_start3A_2159 : memref<50x128xf32, #tpu.memory_space<hbm>>) target_semaphore(%arg17 : memref<!tpu.dma_semaphore, #tpu.memory_space<semaphore_mem>>)
      %mul3A_2164 = arith.constant 8 : i32
      %mul3A_2165 = arith.muli %scan3A_1968, %mul3A_2164 : i32
      %add3A_2166 = arith.constant 3 : i32
      %add3A_2167 = arith.addi %mul3A_2165, %add3A_2166 : i32
      %dma_wait3A_2168 = arith.constant 1 : i32
      %dma_wait3A_2169 = arith.constant 0 : i32
      %dma_wait3A_2170 = arith.constant 0 : i32
      %dma_wait3A_2171 = arith.constant 0 : i32
      %dma_wait3A_2172 = tpu.memref_slice %arg6[%dma_wait3A_2168, %dma_wait3A_2170, %dma_wait3A_2171] : memref<8x50x128xf32, #tpu.memory_space<vmem>> -> memref<1x50x128xf32, #tpu.memory_space<vmem>>
      %dma_wait3A_2173 = tpu.memref_squeeze %dma_wait3A_2172 : memref<1x50x128xf32, #tpu.memory_space<vmem>> -> memref<50x128xf32, #tpu.memory_space<vmem>>
      %dma_wait3A_2174 = arith.constant 0 : i32
      %dma_wait3A_2175 = arith.constant 0 : i32
      %dma_wait3A_2176 = tpu.memref_slice %arg4[%dma_wait3A_2169, %dma_wait3A_2174, %dma_wait3A_2175] : memref<16384x50x128xf32, #tpu.memory_space<hbm>> -> memref<1x50x128xf32, #tpu.memory_space<hbm>>
      %dma_wait3A_2177 = tpu.memref_squeeze %dma_wait3A_2176 : memref<1x50x128xf32, #tpu.memory_space<hbm>> -> memref<50x128xf32, #tpu.memory_space<hbm>>
      %dma_wait3A_2178 = arith.constant 0 : i32
      %dma_wait3A_2179 = arith.constant 0 : i32
      %dma_wait3A_2180 = tpu.memref_slice %arg4[%dma_wait3A_2169, %dma_wait3A_2178, %dma_wait3A_2179] : memref<16384x50x128xf32, #tpu.memory_space<hbm>> -> memref<1x50x128xf32, #tpu.memory_space<hbm>>
      %dma_wait3A_2181 = tpu.memref_squeeze %dma_wait3A_2180 : memref<1x50x128xf32, #tpu.memory_space<hbm>> -> memref<50x128xf32, #tpu.memory_space<hbm>>
      %dma_wait3A_2182 = arith.constant 0 : i32
      %dma_wait3A_2183 = arith.constant 0 : i32
      %dma_wait3A_2184 = tpu.memref_slice %arg6[%dma_wait3A_2168, %dma_wait3A_2182, %dma_wait3A_2183] : memref<8x50x128xf32, #tpu.memory_space<vmem>> -> memref<1x50x128xf32, #tpu.memory_space<vmem>>
      %dma_wait3A_2185 = tpu.memref_squeeze %dma_wait3A_2184 : memref<1x50x128xf32, #tpu.memory_space<vmem>> -> memref<50x128xf32, #tpu.memory_space<vmem>>
      tpu.wait_dma2 semaphore(%arg16 : memref<!tpu.dma_semaphore, #tpu.memory_space<semaphore_mem>>) src(%dma_wait3A_2185 : memref<50x128xf32, #tpu.memory_space<vmem>>) dst(%dma_wait3A_2181 : memref<50x128xf32, #tpu.memory_space<hbm>>)
      %add3A_2186 = arith.constant 6 : i32
      %add3A_2187 = arith.addi %add3A_2167, %add3A_2186 : i32
      %dma_start3A_2188 = arith.constant 1 : i32
      %dma_start3A_2189 = arith.constant 0 : i32
      %dma_start3A_2190 = arith.constant 0 : i32
      %dma_start3A_2191 = tpu.memref_slice %arg6[%dma_start3A_2188, %dma_start3A_2189, %dma_start3A_2190] : memref<8x50x128xf32, #tpu.memory_space<vmem>> -> memref<1x50x128xf32, #tpu.memory_space<vmem>>
      %dma_start3A_2192 = tpu.memref_squeeze %dma_start3A_2191 : memref<1x50x128xf32, #tpu.memory_space<vmem>> -> memref<50x128xf32, #tpu.memory_space<vmem>>
      %dma_start3A_2193 = arith.constant 0 : i32
      %dma_start3A_2194 = tpu.memref_slice %arg5[%add3A_2187, %dma_start3A_2193] : memref<256x50xi32, #tpu.memory_space<vmem>> -> memref<1x50xi32, #tpu.memory_space<vmem>>
      %dma_start3A_2195 = tpu.memref_squeeze %dma_start3A_2194 : memref<1x50xi32, #tpu.memory_space<vmem>> -> memref<50xi32, #tpu.memory_space<vmem>>
      %dma_start3A_2196 = arith.constant 0 : i32
      %dma_start3A_2197 = arith.constant 0 : i32
      %dma_start3A_2198 = tpu.memref_slice %arg3[%dma_start3A_2196, %dma_start3A_2197] : memref<1000000x128xf32, #tpu.memory_space<hbm>> -> memref<1000000x128xf32, #tpu.memory_space<hbm>>
      tpu.enqueue_indirect_dma source(%dma_start3A_2198 : memref<1000000x128xf32, #tpu.memory_space<hbm>>) target(%dma_start3A_2192 : memref<50x128xf32, #tpu.memory_space<vmem>>) offsets(%dma_start3A_2195 : memref<50xi32, #tpu.memory_space<vmem>>) semaphore(%arg8 : memref<!tpu.dma_semaphore, #tpu.memory_space<semaphore_mem>>)
      %dma_wait3A_2199 = arith.constant 0 : i32
      %dma_wait3A_2200 = arith.constant 3 : i32
      %dma_wait3A_2201 = arith.constant 0 : i32
      %dma_wait3A_2202 = arith.constant 0 : i32
      %dma_wait3A_2203 = tpu.memref_slice %arg6[%dma_wait3A_2200, %dma_wait3A_2201, %dma_wait3A_2202] : memref<8x50x128xf32, #tpu.memory_space<vmem>> -> memref<1x50x128xf32, #tpu.memory_space<vmem>>
      %dma_wait3A_2204 = tpu.memref_squeeze %dma_wait3A_2203 : memref<1x50x128xf32, #tpu.memory_space<vmem>> -> memref<50x128xf32, #tpu.memory_space<vmem>>
      %dma_wait3A_2205 = arith.constant 0 : i32
      %dma_wait3A_2206 = tpu.memref_slice %arg5[%dma_wait3A_2199, %dma_wait3A_2205] : memref<256x50xi32, #tpu.memory_space<vmem>> -> memref<1x50xi32, #tpu.memory_space<vmem>>
      %dma_wait3A_2207 = tpu.memref_squeeze %dma_wait3A_2206 : memref<1x50xi32, #tpu.memory_space<vmem>> -> memref<50xi32, #tpu.memory_space<vmem>>
      %dma_wait3A_2208 = arith.constant 0 : i32
      %dma_wait3A_2209 = arith.constant 0 : i32
      %dma_wait3A_2210 = tpu.memref_slice %arg3[%dma_wait3A_2208, %dma_wait3A_2209] : memref<1000000x128xf32, #tpu.memory_space<hbm>> -> memref<1000000x128xf32, #tpu.memory_space<hbm>>
      tpu.wait_indirect_dma semaphore(%arg10 : memref<!tpu.dma_semaphore, #tpu.memory_space<semaphore_mem>>) src(%dma_wait3A_2210 : memref<1000000x128xf32, #tpu.memory_space<hbm>>) dst(%dma_wait3A_2204 : memref<50x128xf32, #tpu.memory_space<vmem>>)
      %add3A_2211 = arith.addi %add3A_985, %add3A_2167 : i32
      %dma_start3A_2212 = arith.constant 3 : i32
      %dma_start3A_2213 = arith.constant 0 : i32
      %dma_start3A_2214 = arith.constant 0 : i32
      %dma_start3A_2215 = tpu.memref_slice %arg6[%dma_start3A_2212, %dma_start3A_2213, %dma_start3A_2214] : memref<8x50x128xf32, #tpu.memory_space<vmem>> -> memref<1x50x128xf32, #tpu.memory_space<vmem>>
      %dma_start3A_2216 = tpu.memref_squeeze %dma_start3A_2215 : memref<1x50x128xf32, #tpu.memory_space<vmem>> -> memref<50x128xf32, #tpu.memory_space<vmem>>
      %dma_start3A_2217 = arith.constant 0 : i32
      %dma_start3A_2218 = arith.constant 0 : i32
      %dma_start3A_2219 = tpu.memref_slice %arg4[%add3A_2211, %dma_start3A_2217, %dma_start3A_2218] : memref<16384x50x128xf32, #tpu.memory_space<hbm>> -> memref<1x50x128xf32, #tpu.memory_space<hbm>>
      %dma_start3A_2220 = tpu.memref_squeeze %dma_start3A_2219 : memref<1x50x128xf32, #tpu.memory_space<hbm>> -> memref<50x128xf32, #tpu.memory_space<hbm>>
      %dma_start3A_2221 = arith.constant 0 : i32
      %dma_start3A_2222 = arith.constant 0 : i32
      %dma_start3A_2223 = tpu.memref_slice %arg4[%add3A_2211, %dma_start3A_2221, %dma_start3A_2222] : memref<16384x50x128xf32, #tpu.memory_space<hbm>> -> memref<1x50x128xf32, #tpu.memory_space<hbm>>
      %dma_start3A_2224 = tpu.memref_squeeze %dma_start3A_2223 : memref<1x50x128xf32, #tpu.memory_space<hbm>> -> memref<50x128xf32, #tpu.memory_space<hbm>>
      %dma_start3A_2225 = arith.constant 0 : i32
      %dma_start3A_2226 = arith.constant 0 : i32
      %dma_start3A_2227 = tpu.memref_slice %arg6[%dma_start3A_2212, %dma_start3A_2225, %dma_start3A_2226] : memref<8x50x128xf32, #tpu.memory_space<vmem>> -> memref<1x50x128xf32, #tpu.memory_space<vmem>>
      %dma_start3A_2228 = tpu.memref_squeeze %dma_start3A_2227 : memref<1x50x128xf32, #tpu.memory_space<vmem>> -> memref<50x128xf32, #tpu.memory_space<vmem>>
      tpu.enqueue_dma source(%dma_start3A_2228 : memref<50x128xf32, #tpu.memory_space<vmem>>) target(%dma_start3A_2224 : memref<50x128xf32, #tpu.memory_space<hbm>>) target_semaphore(%arg18 : memref<!tpu.dma_semaphore, #tpu.memory_space<semaphore_mem>>)
      %mul3A_2229 = arith.constant 8 : i32
      %mul3A_2230 = arith.muli %scan3A_1968, %mul3A_2229 : i32
      %add3A_2231 = arith.constant 4 : i32
      %add3A_2232 = arith.addi %mul3A_2230, %add3A_2231 : i32
      %dma_wait3A_2233 = arith.constant 2 : i32
      %dma_wait3A_2234 = arith.constant 0 : i32
      %dma_wait3A_2235 = arith.constant 0 : i32
      %dma_wait3A_2236 = arith.constant 0 : i32
      %dma_wait3A_2237 = tpu.memref_slice %arg6[%dma_wait3A_2233, %dma_wait3A_2235, %dma_wait3A_2236] : memref<8x50x128xf32, #tpu.memory_space<vmem>> -> memref<1x50x128xf32, #tpu.memory_space<vmem>>
      %dma_wait3A_2238 = tpu.memref_squeeze %dma_wait3A_2237 : memref<1x50x128xf32, #tpu.memory_space<vmem>> -> memref<50x128xf32, #tpu.memory_space<vmem>>
      %dma_wait3A_2239 = arith.constant 0 : i32
      %dma_wait3A_2240 = arith.constant 0 : i32
      %dma_wait3A_2241 = tpu.memref_slice %arg4[%dma_wait3A_2234, %dma_wait3A_2239, %dma_wait3A_2240] : memref<16384x50x128xf32, #tpu.memory_space<hbm>> -> memref<1x50x128xf32, #tpu.memory_space<hbm>>
      %dma_wait3A_2242 = tpu.memref_squeeze %dma_wait3A_2241 : memref<1x50x128xf32, #tpu.memory_space<hbm>> -> memref<50x128xf32, #tpu.memory_space<hbm>>
      %dma_wait3A_2243 = arith.constant 0 : i32
      %dma_wait3A_2244 = arith.constant 0 : i32
      %dma_wait3A_2245 = tpu.memref_slice %arg4[%dma_wait3A_2234, %dma_wait3A_2243, %dma_wait3A_2244] : memref<16384x50x128xf32, #tpu.memory_space<hbm>> -> memref<1x50x128xf32, #tpu.memory_space<hbm>>
      %dma_wait3A_2246 = tpu.memref_squeeze %dma_wait3A_2245 : memref<1x50x128xf32, #tpu.memory_space<hbm>> -> memref<50x128xf32, #tpu.memory_space<hbm>>
      %dma_wait3A_2247 = arith.constant 0 : i32
      %dma_wait3A_2248 = arith.constant 0 : i32
      %dma_wait3A_2249 = tpu.memref_slice %arg6[%dma_wait3A_2233, %dma_wait3A_2247, %dma_wait3A_2248] : memref<8x50x128xf32, #tpu.memory_space<vmem>> -> memref<1x50x128xf32, #tpu.memory_space<vmem>>
      %dma_wait3A_2250 = tpu.memref_squeeze %dma_wait3A_2249 : memref<1x50x128xf32, #tpu.memory_space<vmem>> -> memref<50x128xf32, #tpu.memory_space<vmem>>
      tpu.wait_dma2 semaphore(%arg17 : memref<!tpu.dma_semaphore, #tpu.memory_space<semaphore_mem>>) src(%dma_wait3A_2250 : memref<50x128xf32, #tpu.memory_space<vmem>>) dst(%dma_wait3A_2246 : memref<50x128xf32, #tpu.memory_space<hbm>>)
      %add3A_2251 = arith.constant 6 : i32
      %add3A_2252 = arith.addi %add3A_2232, %add3A_2251 : i32
      %dma_start3A_2253 = arith.constant 2 : i32
      %dma_start3A_2254 = arith.constant 0 : i32
      %dma_start3A_2255 = arith.constant 0 : i32
      %dma_start3A_2256 = tpu.memref_slice %arg6[%dma_start3A_2253, %dma_start3A_2254, %dma_start3A_2255] : memref<8x50x128xf32, #tpu.memory_space<vmem>> -> memref<1x50x128xf32, #tpu.memory_space<vmem>>
      %dma_start3A_2257 = tpu.memref_squeeze %dma_start3A_2256 : memref<1x50x128xf32, #tpu.memory_space<vmem>> -> memref<50x128xf32, #tpu.memory_space<vmem>>
      %dma_start3A_2258 = arith.constant 0 : i32
      %dma_start3A_2259 = tpu.memref_slice %arg5[%add3A_2252, %dma_start3A_2258] : memref<256x50xi32, #tpu.memory_space<vmem>> -> memref<1x50xi32, #tpu.memory_space<vmem>>
      %dma_start3A_2260 = tpu.memref_squeeze %dma_start3A_2259 : memref<1x50xi32, #tpu.memory_space<vmem>> -> memref<50xi32, #tpu.memory_space<vmem>>
      %dma_start3A_2261 = arith.constant 0 : i32
      %dma_start3A_2262 = arith.constant 0 : i32
      %dma_start3A_2263 = tpu.memref_slice %arg3[%dma_start3A_2261, %dma_start3A_2262] : memref<1000000x128xf32, #tpu.memory_space<hbm>> -> memref<1000000x128xf32, #tpu.memory_space<hbm>>
      tpu.enqueue_indirect_dma source(%dma_start3A_2263 : memref<1000000x128xf32, #tpu.memory_space<hbm>>) target(%dma_start3A_2257 : memref<50x128xf32, #tpu.memory_space<vmem>>) offsets(%dma_start3A_2260 : memref<50xi32, #tpu.memory_space<vmem>>) semaphore(%arg9 : memref<!tpu.dma_semaphore, #tpu.memory_space<semaphore_mem>>)
      %dma_wait3A_2264 = arith.constant 0 : i32
      %dma_wait3A_2265 = arith.constant 4 : i32
      %dma_wait3A_2266 = arith.constant 0 : i32
      %dma_wait3A_2267 = arith.constant 0 : i32
      %dma_wait3A_2268 = tpu.memref_slice %arg6[%dma_wait3A_2265, %dma_wait3A_2266, %dma_wait3A_2267] : memref<8x50x128xf32, #tpu.memory_space<vmem>> -> memref<1x50x128xf32, #tpu.memory_space<vmem>>
      %dma_wait3A_2269 = tpu.memref_squeeze %dma_wait3A_2268 : memref<1x50x128xf32, #tpu.memory_space<vmem>> -> memref<50x128xf32, #tpu.memory_space<vmem>>
      %dma_wait3A_2270 = arith.constant 0 : i32
      %dma_wait3A_2271 = tpu.memref_slice %arg5[%dma_wait3A_2264, %dma_wait3A_2270] : memref<256x50xi32, #tpu.memory_space<vmem>> -> memref<1x50xi32, #tpu.memory_space<vmem>>
      %dma_wait3A_2272 = tpu.memref_squeeze %dma_wait3A_2271 : memref<1x50xi32, #tpu.memory_space<vmem>> -> memref<50xi32, #tpu.memory_space<vmem>>
      %dma_wait3A_2273 = arith.constant 0 : i32
      %dma_wait3A_2274 = arith.constant 0 : i32
      %dma_wait3A_2275 = tpu.memref_slice %arg3[%dma_wait3A_2273, %dma_wait3A_2274] : memref<1000000x128xf32, #tpu.memory_space<hbm>> -> memref<1000000x128xf32, #tpu.memory_space<hbm>>
      tpu.wait_indirect_dma semaphore(%arg11 : memref<!tpu.dma_semaphore, #tpu.memory_space<semaphore_mem>>) src(%dma_wait3A_2275 : memref<1000000x128xf32, #tpu.memory_space<hbm>>) dst(%dma_wait3A_2269 : memref<50x128xf32, #tpu.memory_space<vmem>>)
      %add3A_2276 = arith.addi %add3A_985, %add3A_2232 : i32
      %dma_start3A_2277 = arith.constant 4 : i32
      %dma_start3A_2278 = arith.constant 0 : i32
      %dma_start3A_2279 = arith.constant 0 : i32
      %dma_start3A_2280 = tpu.memref_slice %arg6[%dma_start3A_2277, %dma_start3A_2278, %dma_start3A_2279] : memref<8x50x128xf32, #tpu.memory_space<vmem>> -> memref<1x50x128xf32, #tpu.memory_space<vmem>>
      %dma_start3A_2281 = tpu.memref_squeeze %dma_start3A_2280 : memref<1x50x128xf32, #tpu.memory_space<vmem>> -> memref<50x128xf32, #tpu.memory_space<vmem>>
      %dma_start3A_2282 = arith.constant 0 : i32
      %dma_start3A_2283 = arith.constant 0 : i32
      %dma_start3A_2284 = tpu.memref_slice %arg4[%add3A_2276, %dma_start3A_2282, %dma_start3A_2283] : memref<16384x50x128xf32, #tpu.memory_space<hbm>> -> memref<1x50x128xf32, #tpu.memory_space<hbm>>
      %dma_start3A_2285 = tpu.memref_squeeze %dma_start3A_2284 : memref<1x50x128xf32, #tpu.memory_space<hbm>> -> memref<50x128xf32, #tpu.memory_space<hbm>>
      %dma_start3A_2286 = arith.constant 0 : i32
      %dma_start3A_2287 = arith.constant 0 : i32
      %dma_start3A_2288 = tpu.memref_slice %arg4[%add3A_2276, %dma_start3A_2286, %dma_start3A_2287] : memref<16384x50x128xf32, #tpu.memory_space<hbm>> -> memref<1x50x128xf32, #tpu.memory_space<hbm>>
      %dma_start3A_2289 = tpu.memref_squeeze %dma_start3A_2288 : memref<1x50x128xf32, #tpu.memory_space<hbm>> -> memref<50x128xf32, #tpu.memory_space<hbm>>
      %dma_start3A_2290 = arith.constant 0 : i32
      %dma_start3A_2291 = arith.constant 0 : i32
      %dma_start3A_2292 = tpu.memref_slice %arg6[%dma_start3A_2277, %dma_start3A_2290, %dma_start3A_2291] : memref<8x50x128xf32, #tpu.memory_space<vmem>> -> memref<1x50x128xf32, #tpu.memory_space<vmem>>
      %dma_start3A_2293 = tpu.memref_squeeze %dma_start3A_2292 : memref<1x50x128xf32, #tpu.memory_space<vmem>> -> memref<50x128xf32, #tpu.memory_space<vmem>>
      tpu.enqueue_dma source(%dma_start3A_2293 : memref<50x128xf32, #tpu.memory_space<vmem>>) target(%dma_start3A_2289 : memref<50x128xf32, #tpu.memory_space<hbm>>) target_semaphore(%arg19 : memref<!tpu.dma_semaphore, #tpu.memory_space<semaphore_mem>>)
      %mul3A_2294 = arith.constant 8 : i32
      %mul3A_2295 = arith.muli %scan3A_1968, %mul3A_2294 : i32
      %add3A_2296 = arith.constant 5 : i32
      %add3A_2297 = arith.addi %mul3A_2295, %add3A_2296 : i32
      %dma_wait3A_2298 = arith.constant 3 : i32
      %dma_wait3A_2299 = arith.constant 0 : i32
      %dma_wait3A_2300 = arith.constant 0 : i32
      %dma_wait3A_2301 = arith.constant 0 : i32
      %dma_wait3A_2302 = tpu.memref_slice %arg6[%dma_wait3A_2298, %dma_wait3A_2300, %dma_wait3A_2301] : memref<8x50x128xf32, #tpu.memory_space<vmem>> -> memref<1x50x128xf32, #tpu.memory_space<vmem>>
      %dma_wait3A_2303 = tpu.memref_squeeze %dma_wait3A_2302 : memref<1x50x128xf32, #tpu.memory_space<vmem>> -> memref<50x128xf32, #tpu.memory_space<vmem>>
      %dma_wait3A_2304 = arith.constant 0 : i32
      %dma_wait3A_2305 = arith.constant 0 : i32
      %dma_wait3A_2306 = tpu.memref_slice %arg4[%dma_wait3A_2299, %dma_wait3A_2304, %dma_wait3A_2305] : memref<16384x50x128xf32, #tpu.memory_space<hbm>> -> memref<1x50x128xf32, #tpu.memory_space<hbm>>
      %dma_wait3A_2307 = tpu.memref_squeeze %dma_wait3A_2306 : memref<1x50x128xf32, #tpu.memory_space<hbm>> -> memref<50x128xf32, #tpu.memory_space<hbm>>
      %dma_wait3A_2308 = arith.constant 0 : i32
      %dma_wait3A_2309 = arith.constant 0 : i32
      %dma_wait3A_2310 = tpu.memref_slice %arg4[%dma_wait3A_2299, %dma_wait3A_2308, %dma_wait3A_2309] : memref<16384x50x128xf32, #tpu.memory_space<hbm>> -> memref<1x50x128xf32, #tpu.memory_space<hbm>>
      %dma_wait3A_2311 = tpu.memref_squeeze %dma_wait3A_2310 : memref<1x50x128xf32, #tpu.memory_space<hbm>> -> memref<50x128xf32, #tpu.memory_space<hbm>>
      %dma_wait3A_2312 = arith.constant 0 : i32
      %dma_wait3A_2313 = arith.constant 0 : i32
      %dma_wait3A_2314 = tpu.memref_slice %arg6[%dma_wait3A_2298, %dma_wait3A_2312, %dma_wait3A_2313] : memref<8x50x128xf32, #tpu.memory_space<vmem>> -> memref<1x50x128xf32, #tpu.memory_space<vmem>>
      %dma_wait3A_2315 = tpu.memref_squeeze %dma_wait3A_2314 : memref<1x50x128xf32, #tpu.memory_space<vmem>> -> memref<50x128xf32, #tpu.memory_space<vmem>>
      tpu.wait_dma2 semaphore(%arg18 : memref<!tpu.dma_semaphore, #tpu.memory_space<semaphore_mem>>) src(%dma_wait3A_2315 : memref<50x128xf32, #tpu.memory_space<vmem>>) dst(%dma_wait3A_2311 : memref<50x128xf32, #tpu.memory_space<hbm>>)
      %add3A_2316 = arith.constant 6 : i32
      %add3A_2317 = arith.addi %add3A_2297, %add3A_2316 : i32
      %dma_start3A_2318 = arith.constant 3 : i32
      %dma_start3A_2319 = arith.constant 0 : i32
      %dma_start3A_2320 = arith.constant 0 : i32
      %dma_start3A_2321 = tpu.memref_slice %arg6[%dma_start3A_2318, %dma_start3A_2319, %dma_start3A_2320] : memref<8x50x128xf32, #tpu.memory_space<vmem>> -> memref<1x50x128xf32, #tpu.memory_space<vmem>>
      %dma_start3A_2322 = tpu.memref_squeeze %dma_start3A_2321 : memref<1x50x128xf32, #tpu.memory_space<vmem>> -> memref<50x128xf32, #tpu.memory_space<vmem>>
      %dma_start3A_2323 = arith.constant 0 : i32
      %dma_start3A_2324 = tpu.memref_slice %arg5[%add3A_2317, %dma_start3A_2323] : memref<256x50xi32, #tpu.memory_space<vmem>> -> memref<1x50xi32, #tpu.memory_space<vmem>>
      %dma_start3A_2325 = tpu.memref_squeeze %dma_start3A_2324 : memref<1x50xi32, #tpu.memory_space<vmem>> -> memref<50xi32, #tpu.memory_space<vmem>>
      %dma_start3A_2326 = arith.constant 0 : i32
      %dma_start3A_2327 = arith.constant 0 : i32
      %dma_start3A_2328 = tpu.memref_slice %arg3[%dma_start3A_2326, %dma_start3A_2327] : memref<1000000x128xf32, #tpu.memory_space<hbm>> -> memref<1000000x128xf32, #tpu.memory_space<hbm>>
      tpu.enqueue_indirect_dma source(%dma_start3A_2328 : memref<1000000x128xf32, #tpu.memory_space<hbm>>) target(%dma_start3A_2322 : memref<50x128xf32, #tpu.memory_space<vmem>>) offsets(%dma_start3A_2325 : memref<50xi32, #tpu.memory_space<vmem>>) semaphore(%arg10 : memref<!tpu.dma_semaphore, #tpu.memory_space<semaphore_mem>>)
      %dma_wait3A_2329 = arith.constant 0 : i32
      %dma_wait3A_2330 = arith.constant 5 : i32
      %dma_wait3A_2331 = arith.constant 0 : i32
      %dma_wait3A_2332 = arith.constant 0 : i32
      %dma_wait3A_2333 = tpu.memref_slice %arg6[%dma_wait3A_2330, %dma_wait3A_2331, %dma_wait3A_2332] : memref<8x50x128xf32, #tpu.memory_space<vmem>> -> memref<1x50x128xf32, #tpu.memory_space<vmem>>
      %dma_wait3A_2334 = tpu.memref_squeeze %dma_wait3A_2333 : memref<1x50x128xf32, #tpu.memory_space<vmem>> -> memref<50x128xf32, #tpu.memory_space<vmem>>
      %dma_wait3A_2335 = arith.constant 0 : i32
      %dma_wait3A_2336 = tpu.memref_slice %arg5[%dma_wait3A_2329, %dma_wait3A_2335] : memref<256x50xi32, #tpu.memory_space<vmem>> -> memref<1x50xi32, #tpu.memory_space<vmem>>
      %dma_wait3A_2337 = tpu.memref_squeeze %dma_wait3A_2336 : memref<1x50xi32, #tpu.memory_space<vmem>> -> memref<50xi32, #tpu.memory_space<vmem>>
      %dma_wait3A_2338 = arith.constant 0 : i32
      %dma_wait3A_2339 = arith.constant 0 : i32
      %dma_wait3A_2340 = tpu.memref_slice %arg3[%dma_wait3A_2338, %dma_wait3A_2339] : memref<1000000x128xf32, #tpu.memory_space<hbm>> -> memref<1000000x128xf32, #tpu.memory_space<hbm>>
      tpu.wait_indirect_dma semaphore(%arg12 : memref<!tpu.dma_semaphore, #tpu.memory_space<semaphore_mem>>) src(%dma_wait3A_2340 : memref<1000000x128xf32, #tpu.memory_space<hbm>>) dst(%dma_wait3A_2334 : memref<50x128xf32, #tpu.memory_space<vmem>>)
      %add3A_2341 = arith.addi %add3A_985, %add3A_2297 : i32
      %dma_start3A_2342 = arith.constant 5 : i32
      %dma_start3A_2343 = arith.constant 0 : i32
      %dma_start3A_2344 = arith.constant 0 : i32
      %dma_start3A_2345 = tpu.memref_slice %arg6[%dma_start3A_2342, %dma_start3A_2343, %dma_start3A_2344] : memref<8x50x128xf32, #tpu.memory_space<vmem>> -> memref<1x50x128xf32, #tpu.memory_space<vmem>>
      %dma_start3A_2346 = tpu.memref_squeeze %dma_start3A_2345 : memref<1x50x128xf32, #tpu.memory_space<vmem>> -> memref<50x128xf32, #tpu.memory_space<vmem>>
      %dma_start3A_2347 = arith.constant 0 : i32
      %dma_start3A_2348 = arith.constant 0 : i32
      %dma_start3A_2349 = tpu.memref_slice %arg4[%add3A_2341, %dma_start3A_2347, %dma_start3A_2348] : memref<16384x50x128xf32, #tpu.memory_space<hbm>> -> memref<1x50x128xf32, #tpu.memory_space<hbm>>
      %dma_start3A_2350 = tpu.memref_squeeze %dma_start3A_2349 : memref<1x50x128xf32, #tpu.memory_space<hbm>> -> memref<50x128xf32, #tpu.memory_space<hbm>>
      %dma_start3A_2351 = arith.constant 0 : i32
      %dma_start3A_2352 = arith.constant 0 : i32
      %dma_start3A_2353 = tpu.memref_slice %arg4[%add3A_2341, %dma_start3A_2351, %dma_start3A_2352] : memref<16384x50x128xf32, #tpu.memory_space<hbm>> -> memref<1x50x128xf32, #tpu.memory_space<hbm>>
      %dma_start3A_2354 = tpu.memref_squeeze %dma_start3A_2353 : memref<1x50x128xf32, #tpu.memory_space<hbm>> -> memref<50x128xf32, #tpu.memory_space<hbm>>
      %dma_start3A_2355 = arith.constant 0 : i32
      %dma_start3A_2356 = arith.constant 0 : i32
      %dma_start3A_2357 = tpu.memref_slice %arg6[%dma_start3A_2342, %dma_start3A_2355, %dma_start3A_2356] : memref<8x50x128xf32, #tpu.memory_space<vmem>> -> memref<1x50x128xf32, #tpu.memory_space<vmem>>
      %dma_start3A_2358 = tpu.memref_squeeze %dma_start3A_2357 : memref<1x50x128xf32, #tpu.memory_space<vmem>> -> memref<50x128xf32, #tpu.memory_space<vmem>>
      tpu.enqueue_dma source(%dma_start3A_2358 : memref<50x128xf32, #tpu.memory_space<vmem>>) target(%dma_start3A_2354 : memref<50x128xf32, #tpu.memory_space<hbm>>) target_semaphore(%arg20 : memref<!tpu.dma_semaphore, #tpu.memory_space<semaphore_mem>>)
      %mul3A_2359 = arith.constant 8 : i32
      %mul3A_2360 = arith.muli %scan3A_1968, %mul3A_2359 : i32
      %add3A_2361 = arith.constant 6 : i32
      %add3A_2362 = arith.addi %mul3A_2360, %add3A_2361 : i32
      %dma_wait3A_2363 = arith.constant 4 : i32
      %dma_wait3A_2364 = arith.constant 0 : i32
      %dma_wait3A_2365 = arith.constant 0 : i32
      %dma_wait3A_2366 = arith.constant 0 : i32
      %dma_wait3A_2367 = tpu.memref_slice %arg6[%dma_wait3A_2363, %dma_wait3A_2365, %dma_wait3A_2366] : memref<8x50x128xf32, #tpu.memory_space<vmem>> -> memref<1x50x128xf32, #tpu.memory_space<vmem>>
      %dma_wait3A_2368 = tpu.memref_squeeze %dma_wait3A_2367 : memref<1x50x128xf32, #tpu.memory_space<vmem>> -> memref<50x128xf32, #tpu.memory_space<vmem>>
      %dma_wait3A_2369 = arith.constant 0 : i32
      %dma_wait3A_2370 = arith.constant 0 : i32
      %dma_wait3A_2371 = tpu.memref_slice %arg4[%dma_wait3A_2364, %dma_wait3A_2369, %dma_wait3A_2370] : memref<16384x50x128xf32, #tpu.memory_space<hbm>> -> memref<1x50x128xf32, #tpu.memory_space<hbm>>
      %dma_wait3A_2372 = tpu.memref_squeeze %dma_wait3A_2371 : memref<1x50x128xf32, #tpu.memory_space<hbm>> -> memref<50x128xf32, #tpu.memory_space<hbm>>
      %dma_wait3A_2373 = arith.constant 0 : i32
      %dma_wait3A_2374 = arith.constant 0 : i32
      %dma_wait3A_2375 = tpu.memref_slice %arg4[%dma_wait3A_2364, %dma_wait3A_2373, %dma_wait3A_2374] : memref<16384x50x128xf32, #tpu.memory_space<hbm>> -> memref<1x50x128xf32, #tpu.memory_space<hbm>>
      %dma_wait3A_2376 = tpu.memref_squeeze %dma_wait3A_2375 : memref<1x50x128xf32, #tpu.memory_space<hbm>> -> memref<50x128xf32, #tpu.memory_space<hbm>>
      %dma_wait3A_2377 = arith.constant 0 : i32
      %dma_wait3A_2378 = arith.constant 0 : i32
      %dma_wait3A_2379 = tpu.memref_slice %arg6[%dma_wait3A_2363, %dma_wait3A_2377, %dma_wait3A_2378] : memref<8x50x128xf32, #tpu.memory_space<vmem>> -> memref<1x50x128xf32, #tpu.memory_space<vmem>>
      %dma_wait3A_2380 = tpu.memref_squeeze %dma_wait3A_2379 : memref<1x50x128xf32, #tpu.memory_space<vmem>> -> memref<50x128xf32, #tpu.memory_space<vmem>>
      tpu.wait_dma2 semaphore(%arg19 : memref<!tpu.dma_semaphore, #tpu.memory_space<semaphore_mem>>) src(%dma_wait3A_2380 : memref<50x128xf32, #tpu.memory_space<vmem>>) dst(%dma_wait3A_2376 : memref<50x128xf32, #tpu.memory_space<hbm>>)
      %add3A_2381 = arith.constant 6 : i32
      %add3A_2382 = arith.addi %add3A_2362, %add3A_2381 : i32
      %dma_start3A_2383 = arith.constant 4 : i32
      %dma_start3A_2384 = arith.constant 0 : i32
      %dma_start3A_2385 = arith.constant 0 : i32
      %dma_start3A_2386 = tpu.memref_slice %arg6[%dma_start3A_2383, %dma_start3A_2384, %dma_start3A_2385] : memref<8x50x128xf32, #tpu.memory_space<vmem>> -> memref<1x50x128xf32, #tpu.memory_space<vmem>>
      %dma_start3A_2387 = tpu.memref_squeeze %dma_start3A_2386 : memref<1x50x128xf32, #tpu.memory_space<vmem>> -> memref<50x128xf32, #tpu.memory_space<vmem>>
      %dma_start3A_2388 = arith.constant 0 : i32
      %dma_start3A_2389 = tpu.memref_slice %arg5[%add3A_2382, %dma_start3A_2388] : memref<256x50xi32, #tpu.memory_space<vmem>> -> memref<1x50xi32, #tpu.memory_space<vmem>>
      %dma_start3A_2390 = tpu.memref_squeeze %dma_start3A_2389 : memref<1x50xi32, #tpu.memory_space<vmem>> -> memref<50xi32, #tpu.memory_space<vmem>>
      %dma_start3A_2391 = arith.constant 0 : i32
      %dma_start3A_2392 = arith.constant 0 : i32
      %dma_start3A_2393 = tpu.memref_slice %arg3[%dma_start3A_2391, %dma_start3A_2392] : memref<1000000x128xf32, #tpu.memory_space<hbm>> -> memref<1000000x128xf32, #tpu.memory_space<hbm>>
      tpu.enqueue_indirect_dma source(%dma_start3A_2393 : memref<1000000x128xf32, #tpu.memory_space<hbm>>) target(%dma_start3A_2387 : memref<50x128xf32, #tpu.memory_space<vmem>>) offsets(%dma_start3A_2390 : memref<50xi32, #tpu.memory_space<vmem>>) semaphore(%arg11 : memref<!tpu.dma_semaphore, #tpu.memory_space<semaphore_mem>>)
      %dma_wait3A_2394 = arith.constant 0 : i32
      %dma_wait3A_2395 = arith.constant 6 : i32
      %dma_wait3A_2396 = arith.constant 0 : i32
      %dma_wait3A_2397 = arith.constant 0 : i32
      %dma_wait3A_2398 = tpu.memref_slice %arg6[%dma_wait3A_2395, %dma_wait3A_2396, %dma_wait3A_2397] : memref<8x50x128xf32, #tpu.memory_space<vmem>> -> memref<1x50x128xf32, #tpu.memory_space<vmem>>
      %dma_wait3A_2399 = tpu.memref_squeeze %dma_wait3A_2398 : memref<1x50x128xf32, #tpu.memory_space<vmem>> -> memref<50x128xf32, #tpu.memory_space<vmem>>
      %dma_wait3A_2400 = arith.constant 0 : i32
      %dma_wait3A_2401 = tpu.memref_slice %arg5[%dma_wait3A_2394, %dma_wait3A_2400] : memref<256x50xi32, #tpu.memory_space<vmem>> -> memref<1x50xi32, #tpu.memory_space<vmem>>
      %dma_wait3A_2402 = tpu.memref_squeeze %dma_wait3A_2401 : memref<1x50xi32, #tpu.memory_space<vmem>> -> memref<50xi32, #tpu.memory_space<vmem>>
      %dma_wait3A_2403 = arith.constant 0 : i32
      %dma_wait3A_2404 = arith.constant 0 : i32
      %dma_wait3A_2405 = tpu.memref_slice %arg3[%dma_wait3A_2403, %dma_wait3A_2404] : memref<1000000x128xf32, #tpu.memory_space<hbm>> -> memref<1000000x128xf32, #tpu.memory_space<hbm>>
      tpu.wait_indirect_dma semaphore(%arg13 : memref<!tpu.dma_semaphore, #tpu.memory_space<semaphore_mem>>) src(%dma_wait3A_2405 : memref<1000000x128xf32, #tpu.memory_space<hbm>>) dst(%dma_wait3A_2399 : memref<50x128xf32, #tpu.memory_space<vmem>>)
      %add3A_2406 = arith.addi %add3A_985, %add3A_2362 : i32
      %dma_start3A_2407 = arith.constant 6 : i32
      %dma_start3A_2408 = arith.constant 0 : i32
      %dma_start3A_2409 = arith.constant 0 : i32
      %dma_start3A_2410 = tpu.memref_slice %arg6[%dma_start3A_2407, %dma_start3A_2408, %dma_start3A_2409] : memref<8x50x128xf32, #tpu.memory_space<vmem>> -> memref<1x50x128xf32, #tpu.memory_space<vmem>>
      %dma_start3A_2411 = tpu.memref_squeeze %dma_start3A_2410 : memref<1x50x128xf32, #tpu.memory_space<vmem>> -> memref<50x128xf32, #tpu.memory_space<vmem>>
      %dma_start3A_2412 = arith.constant 0 : i32
      %dma_start3A_2413 = arith.constant 0 : i32
      %dma_start3A_2414 = tpu.memref_slice %arg4[%add3A_2406, %dma_start3A_2412, %dma_start3A_2413] : memref<16384x50x128xf32, #tpu.memory_space<hbm>> -> memref<1x50x128xf32, #tpu.memory_space<hbm>>
      %dma_start3A_2415 = tpu.memref_squeeze %dma_start3A_2414 : memref<1x50x128xf32, #tpu.memory_space<hbm>> -> memref<50x128xf32, #tpu.memory_space<hbm>>
      %dma_start3A_2416 = arith.constant 0 : i32
      %dma_start3A_2417 = arith.constant 0 : i32
      %dma_start3A_2418 = tpu.memref_slice %arg4[%add3A_2406, %dma_start3A_2416, %dma_start3A_2417] : memref<16384x50x128xf32, #tpu.memory_space<hbm>> -> memref<1x50x128xf32, #tpu.memory_space<hbm>>
      %dma_start3A_2419 = tpu.memref_squeeze %dma_start3A_2418 : memref<1x50x128xf32, #tpu.memory_space<hbm>> -> memref<50x128xf32, #tpu.memory_space<hbm>>
      %dma_start3A_2420 = arith.constant 0 : i32
      %dma_start3A_2421 = arith.constant 0 : i32
      %dma_start3A_2422 = tpu.memref_slice %arg6[%dma_start3A_2407, %dma_start3A_2420, %dma_start3A_2421] : memref<8x50x128xf32, #tpu.memory_space<vmem>> -> memref<1x50x128xf32, #tpu.memory_space<vmem>>
      %dma_start3A_2423 = tpu.memref_squeeze %dma_start3A_2422 : memref<1x50x128xf32, #tpu.memory_space<vmem>> -> memref<50x128xf32, #tpu.memory_space<vmem>>
      tpu.enqueue_dma source(%dma_start3A_2423 : memref<50x128xf32, #tpu.memory_space<vmem>>) target(%dma_start3A_2419 : memref<50x128xf32, #tpu.memory_space<hbm>>) target_semaphore(%arg21 : memref<!tpu.dma_semaphore, #tpu.memory_space<semaphore_mem>>)
      %mul3A_2424 = arith.constant 8 : i32
      %mul3A_2425 = arith.muli %scan3A_1968, %mul3A_2424 : i32
      %add3A_2426 = arith.constant 7 : i32
      %add3A_2427 = arith.addi %mul3A_2425, %add3A_2426 : i32
      %dma_wait3A_2428 = arith.constant 5 : i32
      %dma_wait3A_2429 = arith.constant 0 : i32
      %dma_wait3A_2430 = arith.constant 0 : i32
      %dma_wait3A_2431 = arith.constant 0 : i32
      %dma_wait3A_2432 = tpu.memref_slice %arg6[%dma_wait3A_2428, %dma_wait3A_2430, %dma_wait3A_2431] : memref<8x50x128xf32, #tpu.memory_space<vmem>> -> memref<1x50x128xf32, #tpu.memory_space<vmem>>
      %dma_wait3A_2433 = tpu.memref_squeeze %dma_wait3A_2432 : memref<1x50x128xf32, #tpu.memory_space<vmem>> -> memref<50x128xf32, #tpu.memory_space<vmem>>
      %dma_wait3A_2434 = arith.constant 0 : i32
      %dma_wait3A_2435 = arith.constant 0 : i32
      %dma_wait3A_2436 = tpu.memref_slice %arg4[%dma_wait3A_2429, %dma_wait3A_2434, %dma_wait3A_2435] : memref<16384x50x128xf32, #tpu.memory_space<hbm>> -> memref<1x50x128xf32, #tpu.memory_space<hbm>>
      %dma_wait3A_2437 = tpu.memref_squeeze %dma_wait3A_2436 : memref<1x50x128xf32, #tpu.memory_space<hbm>> -> memref<50x128xf32, #tpu.memory_space<hbm>>
      %dma_wait3A_2438 = arith.constant 0 : i32
      %dma_wait3A_2439 = arith.constant 0 : i32
      %dma_wait3A_2440 = tpu.memref_slice %arg4[%dma_wait3A_2429, %dma_wait3A_2438, %dma_wait3A_2439] : memref<16384x50x128xf32, #tpu.memory_space<hbm>> -> memref<1x50x128xf32, #tpu.memory_space<hbm>>
      %dma_wait3A_2441 = tpu.memref_squeeze %dma_wait3A_2440 : memref<1x50x128xf32, #tpu.memory_space<hbm>> -> memref<50x128xf32, #tpu.memory_space<hbm>>
      %dma_wait3A_2442 = arith.constant 0 : i32
      %dma_wait3A_2443 = arith.constant 0 : i32
      %dma_wait3A_2444 = tpu.memref_slice %arg6[%dma_wait3A_2428, %dma_wait3A_2442, %dma_wait3A_2443] : memref<8x50x128xf32, #tpu.memory_space<vmem>> -> memref<1x50x128xf32, #tpu.memory_space<vmem>>
      %dma_wait3A_2445 = tpu.memref_squeeze %dma_wait3A_2444 : memref<1x50x128xf32, #tpu.memory_space<vmem>> -> memref<50x128xf32, #tpu.memory_space<vmem>>
      tpu.wait_dma2 semaphore(%arg20 : memref<!tpu.dma_semaphore, #tpu.memory_space<semaphore_mem>>) src(%dma_wait3A_2445 : memref<50x128xf32, #tpu.memory_space<vmem>>) dst(%dma_wait3A_2441 : memref<50x128xf32, #tpu.memory_space<hbm>>)
      %add3A_2446 = arith.constant 6 : i32
      %add3A_2447 = arith.addi %add3A_2427, %add3A_2446 : i32
      %dma_start3A_2448 = arith.constant 5 : i32
      %dma_start3A_2449 = arith.constant 0 : i32
      %dma_start3A_2450 = arith.constant 0 : i32
      %dma_start3A_2451 = tpu.memref_slice %arg6[%dma_start3A_2448, %dma_start3A_2449, %dma_start3A_2450] : memref<8x50x128xf32, #tpu.memory_space<vmem>> -> memref<1x50x128xf32, #tpu.memory_space<vmem>>
      %dma_start3A_2452 = tpu.memref_squeeze %dma_start3A_2451 : memref<1x50x128xf32, #tpu.memory_space<vmem>> -> memref<50x128xf32, #tpu.memory_space<vmem>>
      %dma_start3A_2453 = arith.constant 0 : i32
      %dma_start3A_2454 = tpu.memref_slice %arg5[%add3A_2447, %dma_start3A_2453] : memref<256x50xi32, #tpu.memory_space<vmem>> -> memref<1x50xi32, #tpu.memory_space<vmem>>
      %dma_start3A_2455 = tpu.memref_squeeze %dma_start3A_2454 : memref<1x50xi32, #tpu.memory_space<vmem>> -> memref<50xi32, #tpu.memory_space<vmem>>
      %dma_start3A_2456 = arith.constant 0 : i32
      %dma_start3A_2457 = arith.constant 0 : i32
      %dma_start3A_2458 = tpu.memref_slice %arg3[%dma_start3A_2456, %dma_start3A_2457] : memref<1000000x128xf32, #tpu.memory_space<hbm>> -> memref<1000000x128xf32, #tpu.memory_space<hbm>>
      tpu.enqueue_indirect_dma source(%dma_start3A_2458 : memref<1000000x128xf32, #tpu.memory_space<hbm>>) target(%dma_start3A_2452 : memref<50x128xf32, #tpu.memory_space<vmem>>) offsets(%dma_start3A_2455 : memref<50xi32, #tpu.memory_space<vmem>>) semaphore(%arg12 : memref<!tpu.dma_semaphore, #tpu.memory_space<semaphore_mem>>)
      %dma_wait3A_2459 = arith.constant 0 : i32
      %dma_wait3A_2460 = arith.constant 7 : i32
      %dma_wait3A_2461 = arith.constant 0 : i32
      %dma_wait3A_2462 = arith.constant 0 : i32
      %dma_wait3A_2463 = tpu.memref_slice %arg6[%dma_wait3A_2460, %dma_wait3A_2461, %dma_wait3A_2462] : memref<8x50x128xf32, #tpu.memory_space<vmem>> -> memref<1x50x128xf32, #tpu.memory_space<vmem>>
      %dma_wait3A_2464 = tpu.memref_squeeze %dma_wait3A_2463 : memref<1x50x128xf32, #tpu.memory_space<vmem>> -> memref<50x128xf32, #tpu.memory_space<vmem>>
      %dma_wait3A_2465 = arith.constant 0 : i32
      %dma_wait3A_2466 = tpu.memref_slice %arg5[%dma_wait3A_2459, %dma_wait3A_2465] : memref<256x50xi32, #tpu.memory_space<vmem>> -> memref<1x50xi32, #tpu.memory_space<vmem>>
      %dma_wait3A_2467 = tpu.memref_squeeze %dma_wait3A_2466 : memref<1x50xi32, #tpu.memory_space<vmem>> -> memref<50xi32, #tpu.memory_space<vmem>>
      %dma_wait3A_2468 = arith.constant 0 : i32
      %dma_wait3A_2469 = arith.constant 0 : i32
      %dma_wait3A_2470 = tpu.memref_slice %arg3[%dma_wait3A_2468, %dma_wait3A_2469] : memref<1000000x128xf32, #tpu.memory_space<hbm>> -> memref<1000000x128xf32, #tpu.memory_space<hbm>>
      tpu.wait_indirect_dma semaphore(%arg14 : memref<!tpu.dma_semaphore, #tpu.memory_space<semaphore_mem>>) src(%dma_wait3A_2470 : memref<1000000x128xf32, #tpu.memory_space<hbm>>) dst(%dma_wait3A_2464 : memref<50x128xf32, #tpu.memory_space<vmem>>)
      %add3A_2471 = arith.addi %add3A_985, %add3A_2427 : i32
      %dma_start3A_2472 = arith.constant 7 : i32
      %dma_start3A_2473 = arith.constant 0 : i32
      %dma_start3A_2474 = arith.constant 0 : i32
      %dma_start3A_2475 = tpu.memref_slice %arg6[%dma_start3A_2472, %dma_start3A_2473, %dma_start3A_2474] : memref<8x50x128xf32, #tpu.memory_space<vmem>> -> memref<1x50x128xf32, #tpu.memory_space<vmem>>
      %dma_start3A_2476 = tpu.memref_squeeze %dma_start3A_2475 : memref<1x50x128xf32, #tpu.memory_space<vmem>> -> memref<50x128xf32, #tpu.memory_space<vmem>>
      %dma_start3A_2477 = arith.constant 0 : i32
      %dma_start3A_2478 = arith.constant 0 : i32
      %dma_start3A_2479 = tpu.memref_slice %arg4[%add3A_2471, %dma_start3A_2477, %dma_start3A_2478] : memref<16384x50x128xf32, #tpu.memory_space<hbm>> -> memref<1x50x128xf32, #tpu.memory_space<hbm>>
      %dma_start3A_2480 = tpu.memref_squeeze %dma_start3A_2479 : memref<1x50x128xf32, #tpu.memory_space<hbm>> -> memref<50x128xf32, #tpu.memory_space<hbm>>
      %dma_start3A_2481 = arith.constant 0 : i32
      %dma_start3A_2482 = arith.constant 0 : i32
      %dma_start3A_2483 = tpu.memref_slice %arg4[%add3A_2471, %dma_start3A_2481, %dma_start3A_2482] : memref<16384x50x128xf32, #tpu.memory_space<hbm>> -> memref<1x50x128xf32, #tpu.memory_space<hbm>>
      %dma_start3A_2484 = tpu.memref_squeeze %dma_start3A_2483 : memref<1x50x128xf32, #tpu.memory_space<hbm>> -> memref<50x128xf32, #tpu.memory_space<hbm>>
      %dma_start3A_2485 = arith.constant 0 : i32
      %dma_start3A_2486 = arith.constant 0 : i32
      %dma_start3A_2487 = tpu.memref_slice %arg6[%dma_start3A_2472, %dma_start3A_2485, %dma_start3A_2486] : memref<8x50x128xf32, #tpu.memory_space<vmem>> -> memref<1x50x128xf32, #tpu.memory_space<vmem>>
      %dma_start3A_2488 = tpu.memref_squeeze %dma_start3A_2487 : memref<1x50x128xf32, #tpu.memory_space<vmem>> -> memref<50x128xf32, #tpu.memory_space<vmem>>
      tpu.enqueue_dma source(%dma_start3A_2488 : memref<50x128xf32, #tpu.memory_space<vmem>>) target(%dma_start3A_2484 : memref<50x128xf32, #tpu.memory_space<hbm>>) target_semaphore(%arg22 : memref<!tpu.dma_semaphore, #tpu.memory_space<semaphore_mem>>)
    }
    %scan3A_1515 = arith.constant 30 : i32
    %dma_wait3A_1516 = arith.constant 6 : i32
    %dma_wait3A_1517 = arith.constant 0 : i32
    %dma_wait3A_1518 = arith.constant 0 : i32
    %dma_wait3A_1519 = arith.constant 0 : i32
    %dma_wait3A_1520 = tpu.memref_slice %arg6[%dma_wait3A_1516, %dma_wait3A_1518, %dma_wait3A_1519] : memref<8x50x128xf32, #tpu.memory_space<vmem>> -> memref<1x50x128xf32, #tpu.memory_space<vmem>>
    %dma_wait3A_1521 = tpu.memref_squeeze %dma_wait3A_1520 : memref<1x50x128xf32, #tpu.memory_space<vmem>> -> memref<50x128xf32, #tpu.memory_space<vmem>>
    %dma_wait3A_1522 = arith.constant 0 : i32
    %dma_wait3A_1523 = arith.constant 0 : i32
    %dma_wait3A_1524 = tpu.memref_slice %arg4[%dma_wait3A_1517, %dma_wait3A_1522, %dma_wait3A_1523] : memref<16384x50x128xf32, #tpu.memory_space<hbm>> -> memref<1x50x128xf32, #tpu.memory_space<hbm>>
    %dma_wait3A_1525 = tpu.memref_squeeze %dma_wait3A_1524 : memref<1x50x128xf32, #tpu.memory_space<hbm>> -> memref<50x128xf32, #tpu.memory_space<hbm>>
    %dma_wait3A_1526 = arith.constant 0 : i32
    %dma_wait3A_1527 = arith.constant 0 : i32
    %dma_wait3A_1528 = tpu.memref_slice %arg4[%dma_wait3A_1517, %dma_wait3A_1526, %dma_wait3A_1527] : memref<16384x50x128xf32, #tpu.memory_space<hbm>> -> memref<1x50x128xf32, #tpu.memory_space<hbm>>
    %dma_wait3A_1529 = tpu.memref_squeeze %dma_wait3A_1528 : memref<1x50x128xf32, #tpu.memory_space<hbm>> -> memref<50x128xf32, #tpu.memory_space<hbm>>
    %dma_wait3A_1530 = arith.constant 0 : i32
    %dma_wait3A_1531 = arith.constant 0 : i32
    %dma_wait3A_1532 = tpu.memref_slice %arg6[%dma_wait3A_1516, %dma_wait3A_1530, %dma_wait3A_1531] : memref<8x50x128xf32, #tpu.memory_space<vmem>> -> memref<1x50x128xf32, #tpu.memory_space<vmem>>
    %dma_wait3A_1533 = tpu.memref_squeeze %dma_wait3A_1532 : memref<1x50x128xf32, #tpu.memory_space<vmem>> -> memref<50x128xf32, #tpu.memory_space<vmem>>
    tpu.wait_dma2 semaphore(%arg21 : memref<!tpu.dma_semaphore, #tpu.memory_space<semaphore_mem>>) src(%dma_wait3A_1533 : memref<50x128xf32, #tpu.memory_space<vmem>>) dst(%dma_wait3A_1529 : memref<50x128xf32, #tpu.memory_space<hbm>>)
    %dma_start3A_1534 = arith.constant 254 : i32
    %dma_start3A_1535 = arith.constant 6 : i32
    %dma_start3A_1536 = arith.constant 0 : i32
    %dma_start3A_1537 = arith.constant 0 : i32
    %dma_start3A_1538 = tpu.memref_slice %arg6[%dma_start3A_1535, %dma_start3A_1536, %dma_start3A_1537] : memref<8x50x128xf32, #tpu.memory_space<vmem>> -> memref<1x50x128xf32, #tpu.memory_space<vmem>>
    %dma_start3A_1539 = tpu.memref_squeeze %dma_start3A_1538 : memref<1x50x128xf32, #tpu.memory_space<vmem>> -> memref<50x128xf32, #tpu.memory_space<vmem>>
    %dma_start3A_1540 = arith.constant 0 : i32
    %dma_start3A_1541 = tpu.memref_slice %arg5[%dma_start3A_1534, %dma_start3A_1540] : memref<256x50xi32, #tpu.memory_space<vmem>> -> memref<1x50xi32, #tpu.memory_space<vmem>>
    %dma_start3A_1542 = tpu.memref_squeeze %dma_start3A_1541 : memref<1x50xi32, #tpu.memory_space<vmem>> -> memref<50xi32, #tpu.memory_space<vmem>>
    %dma_start3A_1543 = arith.constant 0 : i32
    %dma_start3A_1544 = arith.constant 0 : i32
    %dma_start3A_1545 = tpu.memref_slice %arg3[%dma_start3A_1543, %dma_start3A_1544] : memref<1000000x128xf32, #tpu.memory_space<hbm>> -> memref<1000000x128xf32, #tpu.memory_space<hbm>>
    tpu.enqueue_indirect_dma source(%dma_start3A_1545 : memref<1000000x128xf32, #tpu.memory_space<hbm>>) target(%dma_start3A_1539 : memref<50x128xf32, #tpu.memory_space<vmem>>) offsets(%dma_start3A_1542 : memref<50xi32, #tpu.memory_space<vmem>>) semaphore(%arg13 : memref<!tpu.dma_semaphore, #tpu.memory_space<semaphore_mem>>)
    %dma_wait3A_1546 = arith.constant 0 : i32
    %dma_wait3A_1547 = arith.constant 0 : i32
    %dma_wait3A_1548 = arith.constant 0 : i32
    %dma_wait3A_1549 = arith.constant 0 : i32
    %dma_wait3A_1550 = tpu.memref_slice %arg6[%dma_wait3A_1547, %dma_wait3A_1548, %dma_wait3A_1549] : memref<8x50x128xf32, #tpu.memory_space<vmem>> -> memref<1x50x128xf32, #tpu.memory_space<vmem>>
    %dma_wait3A_1551 = tpu.memref_squeeze %dma_wait3A_1550 : memref<1x50x128xf32, #tpu.memory_space<vmem>> -> memref<50x128xf32, #tpu.memory_space<vmem>>
    %dma_wait3A_1552 = arith.constant 0 : i32
    %dma_wait3A_1553 = tpu.memref_slice %arg5[%dma_wait3A_1546, %dma_wait3A_1552] : memref<256x50xi32, #tpu.memory_space<vmem>> -> memref<1x50xi32, #tpu.memory_space<vmem>>
    %dma_wait3A_1554 = tpu.memref_squeeze %dma_wait3A_1553 : memref<1x50xi32, #tpu.memory_space<vmem>> -> memref<50xi32, #tpu.memory_space<vmem>>
    %dma_wait3A_1555 = arith.constant 0 : i32
    %dma_wait3A_1556 = arith.constant 0 : i32
    %dma_wait3A_1557 = tpu.memref_slice %arg3[%dma_wait3A_1555, %dma_wait3A_1556] : memref<1000000x128xf32, #tpu.memory_space<hbm>> -> memref<1000000x128xf32, #tpu.memory_space<hbm>>
    tpu.wait_indirect_dma semaphore(%arg7 : memref<!tpu.dma_semaphore, #tpu.memory_space<semaphore_mem>>) src(%dma_wait3A_1557 : memref<1000000x128xf32, #tpu.memory_space<hbm>>) dst(%dma_wait3A_1551 : memref<50x128xf32, #tpu.memory_space<vmem>>)
    %add3A_1558 = arith.constant 248 : i32
    %add3A_1559 = arith.addi %add3A_985, %add3A_1558 : i32
    %dma_start3A_1560 = arith.constant 0 : i32
    %dma_start3A_1561 = arith.constant 0 : i32
    %dma_start3A_1562 = arith.constant 0 : i32
    %dma_start3A_1563 = tpu.memref_slice %arg6[%dma_start3A_1560, %dma_start3A_1561, %dma_start3A_1562] : memref<8x50x128xf32, #tpu.memory_space<vmem>> -> memref<1x50x128xf32, #tpu.memory_space<vmem>>
    %dma_start3A_1564 = tpu.memref_squeeze %dma_start3A_1563 : memref<1x50x128xf32, #tpu.memory_space<vmem>> -> memref<50x128xf32, #tpu.memory_space<vmem>>
    %dma_start3A_1565 = arith.constant 0 : i32
    %dma_start3A_1566 = arith.constant 0 : i32
    %dma_start3A_1567 = tpu.memref_slice %arg4[%add3A_1559, %dma_start3A_1565, %dma_start3A_1566] : memref<16384x50x128xf32, #tpu.memory_space<hbm>> -> memref<1x50x128xf32, #tpu.memory_space<hbm>>
    %dma_start3A_1568 = tpu.memref_squeeze %dma_start3A_1567 : memref<1x50x128xf32, #tpu.memory_space<hbm>> -> memref<50x128xf32, #tpu.memory_space<hbm>>
    %dma_start3A_1569 = arith.constant 0 : i32
    %dma_start3A_1570 = arith.constant 0 : i32
    %dma_start3A_1571 = tpu.memref_slice %arg4[%add3A_1559, %dma_start3A_1569, %dma_start3A_1570] : memref<16384x50x128xf32, #tpu.memory_space<hbm>> -> memref<1x50x128xf32, #tpu.memory_space<hbm>>
    %dma_start3A_1572 = tpu.memref_squeeze %dma_start3A_1571 : memref<1x50x128xf32, #tpu.memory_space<hbm>> -> memref<50x128xf32, #tpu.memory_space<hbm>>
    %dma_start3A_1573 = arith.constant 0 : i32
    %dma_start3A_1574 = arith.constant 0 : i32
    %dma_start3A_1575 = tpu.memref_slice %arg6[%dma_start3A_1560, %dma_start3A_1573, %dma_start3A_1574] : memref<8x50x128xf32, #tpu.memory_space<vmem>> -> memref<1x50x128xf32, #tpu.memory_space<vmem>>
    %dma_start3A_1576 = tpu.memref_squeeze %dma_start3A_1575 : memref<1x50x128xf32, #tpu.memory_space<vmem>> -> memref<50x128xf32, #tpu.memory_space<vmem>>
    tpu.enqueue_dma source(%dma_start3A_1576 : memref<50x128xf32, #tpu.memory_space<vmem>>) target(%dma_start3A_1572 : memref<50x128xf32, #tpu.memory_space<hbm>>) target_semaphore(%arg15 : memref<!tpu.dma_semaphore, #tpu.memory_space<semaphore_mem>>)
    %dma_wait3A_1577 = arith.constant 7 : i32
    %dma_wait3A_1578 = arith.constant 0 : i32
    %dma_wait3A_1579 = arith.constant 0 : i32
    %dma_wait3A_1580 = arith.constant 0 : i32
    %dma_wait3A_1581 = tpu.memref_slice %arg6[%dma_wait3A_1577, %dma_wait3A_1579, %dma_wait3A_1580] : memref<8x50x128xf32, #tpu.memory_space<vmem>> -> memref<1x50x128xf32, #tpu.memory_space<vmem>>
    %dma_wait3A_1582 = tpu.memref_squeeze %dma_wait3A_1581 : memref<1x50x128xf32, #tpu.memory_space<vmem>> -> memref<50x128xf32, #tpu.memory_space<vmem>>
    %dma_wait3A_1583 = arith.constant 0 : i32
    %dma_wait3A_1584 = arith.constant 0 : i32
    %dma_wait3A_1585 = tpu.memref_slice %arg4[%dma_wait3A_1578, %dma_wait3A_1583, %dma_wait3A_1584] : memref<16384x50x128xf32, #tpu.memory_space<hbm>> -> memref<1x50x128xf32, #tpu.memory_space<hbm>>
    %dma_wait3A_1586 = tpu.memref_squeeze %dma_wait3A_1585 : memref<1x50x128xf32, #tpu.memory_space<hbm>> -> memref<50x128xf32, #tpu.memory_space<hbm>>
    %dma_wait3A_1587 = arith.constant 0 : i32
    %dma_wait3A_1588 = arith.constant 0 : i32
    %dma_wait3A_1589 = tpu.memref_slice %arg4[%dma_wait3A_1578, %dma_wait3A_1587, %dma_wait3A_1588] : memref<16384x50x128xf32, #tpu.memory_space<hbm>> -> memref<1x50x128xf32, #tpu.memory_space<hbm>>
    %dma_wait3A_1590 = tpu.memref_squeeze %dma_wait3A_1589 : memref<1x50x128xf32, #tpu.memory_space<hbm>> -> memref<50x128xf32, #tpu.memory_space<hbm>>
    %dma_wait3A_1591 = arith.constant 0 : i32
    %dma_wait3A_1592 = arith.constant 0 : i32
    %dma_wait3A_1593 = tpu.memref_slice %arg6[%dma_wait3A_1577, %dma_wait3A_1591, %dma_wait3A_1592] : memref<8x50x128xf32, #tpu.memory_space<vmem>> -> memref<1x50x128xf32, #tpu.memory_space<vmem>>
    %dma_wait3A_1594 = tpu.memref_squeeze %dma_wait3A_1593 : memref<1x50x128xf32, #tpu.memory_space<vmem>> -> memref<50x128xf32, #tpu.memory_space<vmem>>
    tpu.wait_dma2 semaphore(%arg22 : memref<!tpu.dma_semaphore, #tpu.memory_space<semaphore_mem>>) src(%dma_wait3A_1594 : memref<50x128xf32, #tpu.memory_space<vmem>>) dst(%dma_wait3A_1590 : memref<50x128xf32, #tpu.memory_space<hbm>>)
    %dma_start3A_1595 = arith.constant 255 : i32
    %dma_start3A_1596 = arith.constant 7 : i32
    %dma_start3A_1597 = arith.constant 0 : i32
    %dma_start3A_1598 = arith.constant 0 : i32
    %dma_start3A_1599 = tpu.memref_slice %arg6[%dma_start3A_1596, %dma_start3A_1597, %dma_start3A_1598] : memref<8x50x128xf32, #tpu.memory_space<vmem>> -> memref<1x50x128xf32, #tpu.memory_space<vmem>>
    %dma_start3A_1600 = tpu.memref_squeeze %dma_start3A_1599 : memref<1x50x128xf32, #tpu.memory_space<vmem>> -> memref<50x128xf32, #tpu.memory_space<vmem>>
    %dma_start3A_1601 = arith.constant 0 : i32
    %dma_start3A_1602 = tpu.memref_slice %arg5[%dma_start3A_1595, %dma_start3A_1601] : memref<256x50xi32, #tpu.memory_space<vmem>> -> memref<1x50xi32, #tpu.memory_space<vmem>>
    %dma_start3A_1603 = tpu.memref_squeeze %dma_start3A_1602 : memref<1x50xi32, #tpu.memory_space<vmem>> -> memref<50xi32, #tpu.memory_space<vmem>>
    %dma_start3A_1604 = arith.constant 0 : i32
    %dma_start3A_1605 = arith.constant 0 : i32
    %dma_start3A_1606 = tpu.memref_slice %arg3[%dma_start3A_1604, %dma_start3A_1605] : memref<1000000x128xf32, #tpu.memory_space<hbm>> -> memref<1000000x128xf32, #tpu.memory_space<hbm>>
    tpu.enqueue_indirect_dma source(%dma_start3A_1606 : memref<1000000x128xf32, #tpu.memory_space<hbm>>) target(%dma_start3A_1600 : memref<50x128xf32, #tpu.memory_space<vmem>>) offsets(%dma_start3A_1603 : memref<50xi32, #tpu.memory_space<vmem>>) semaphore(%arg14 : memref<!tpu.dma_semaphore, #tpu.memory_space<semaphore_mem>>)
    %dma_wait3A_1607 = arith.constant 0 : i32
    %dma_wait3A_1608 = arith.constant 1 : i32
    %dma_wait3A_1609 = arith.constant 0 : i32
    %dma_wait3A_1610 = arith.constant 0 : i32
    %dma_wait3A_1611 = tpu.memref_slice %arg6[%dma_wait3A_1608, %dma_wait3A_1609, %dma_wait3A_1610] : memref<8x50x128xf32, #tpu.memory_space<vmem>> -> memref<1x50x128xf32, #tpu.memory_space<vmem>>
    %dma_wait3A_1612 = tpu.memref_squeeze %dma_wait3A_1611 : memref<1x50x128xf32, #tpu.memory_space<vmem>> -> memref<50x128xf32, #tpu.memory_space<vmem>>
    %dma_wait3A_1613 = arith.constant 0 : i32
    %dma_wait3A_1614 = tpu.memref_slice %arg5[%dma_wait3A_1607, %dma_wait3A_1613] : memref<256x50xi32, #tpu.memory_space<vmem>> -> memref<1x50xi32, #tpu.memory_space<vmem>>
    %dma_wait3A_1615 = tpu.memref_squeeze %dma_wait3A_1614 : memref<1x50xi32, #tpu.memory_space<vmem>> -> memref<50xi32, #tpu.memory_space<vmem>>
    %dma_wait3A_1616 = arith.constant 0 : i32
    %dma_wait3A_1617 = arith.constant 0 : i32
    %dma_wait3A_1618 = tpu.memref_slice %arg3[%dma_wait3A_1616, %dma_wait3A_1617] : memref<1000000x128xf32, #tpu.memory_space<hbm>> -> memref<1000000x128xf32, #tpu.memory_space<hbm>>
    tpu.wait_indirect_dma semaphore(%arg8 : memref<!tpu.dma_semaphore, #tpu.memory_space<semaphore_mem>>) src(%dma_wait3A_1618 : memref<1000000x128xf32, #tpu.memory_space<hbm>>) dst(%dma_wait3A_1612 : memref<50x128xf32, #tpu.memory_space<vmem>>)
    %add3A_1619 = arith.constant 249 : i32
    %add3A_1620 = arith.addi %add3A_985, %add3A_1619 : i32
    %dma_start3A_1621 = arith.constant 1 : i32
    %dma_start3A_1622 = arith.constant 0 : i32
    %dma_start3A_1623 = arith.constant 0 : i32
    %dma_start3A_1624 = tpu.memref_slice %arg6[%dma_start3A_1621, %dma_start3A_1622, %dma_start3A_1623] : memref<8x50x128xf32, #tpu.memory_space<vmem>> -> memref<1x50x128xf32, #tpu.memory_space<vmem>>
    %dma_start3A_1625 = tpu.memref_squeeze %dma_start3A_1624 : memref<1x50x128xf32, #tpu.memory_space<vmem>> -> memref<50x128xf32, #tpu.memory_space<vmem>>
    %dma_start3A_1626 = arith.constant 0 : i32
    %dma_start3A_1627 = arith.constant 0 : i32
    %dma_start3A_1628 = tpu.memref_slice %arg4[%add3A_1620, %dma_start3A_1626, %dma_start3A_1627] : memref<16384x50x128xf32, #tpu.memory_space<hbm>> -> memref<1x50x128xf32, #tpu.memory_space<hbm>>
    %dma_start3A_1629 = tpu.memref_squeeze %dma_start3A_1628 : memref<1x50x128xf32, #tpu.memory_space<hbm>> -> memref<50x128xf32, #tpu.memory_space<hbm>>
    %dma_start3A_1630 = arith.constant 0 : i32
    %dma_start3A_1631 = arith.constant 0 : i32
    %dma_start3A_1632 = tpu.memref_slice %arg4[%add3A_1620, %dma_start3A_1630, %dma_start3A_1631] : memref<16384x50x128xf32, #tpu.memory_space<hbm>> -> memref<1x50x128xf32, #tpu.memory_space<hbm>>
    %dma_start3A_1633 = tpu.memref_squeeze %dma_start3A_1632 : memref<1x50x128xf32, #tpu.memory_space<hbm>> -> memref<50x128xf32, #tpu.memory_space<hbm>>
    %dma_start3A_1634 = arith.constant 0 : i32
    %dma_start3A_1635 = arith.constant 0 : i32
    %dma_start3A_1636 = tpu.memref_slice %arg6[%dma_start3A_1621, %dma_start3A_1634, %dma_start3A_1635] : memref<8x50x128xf32, #tpu.memory_space<vmem>> -> memref<1x50x128xf32, #tpu.memory_space<vmem>>
    %dma_start3A_1637 = tpu.memref_squeeze %dma_start3A_1636 : memref<1x50x128xf32, #tpu.memory_space<vmem>> -> memref<50x128xf32, #tpu.memory_space<vmem>>
    tpu.enqueue_dma source(%dma_start3A_1637 : memref<50x128xf32, #tpu.memory_space<vmem>>) target(%dma_start3A_1633 : memref<50x128xf32, #tpu.memory_space<hbm>>) target_semaphore(%arg16 : memref<!tpu.dma_semaphore, #tpu.memory_space<semaphore_mem>>)
    %dma_wait3A_1638 = arith.constant 0 : i32
    %dma_wait3A_1639 = arith.constant 2 : i32
    %dma_wait3A_1640 = arith.constant 0 : i32
    %dma_wait3A_1641 = arith.constant 0 : i32
    %dma_wait3A_1642 = tpu.memref_slice %arg6[%dma_wait3A_1639, %dma_wait3A_1640, %dma_wait3A_1641] : memref<8x50x128xf32, #tpu.memory_space<vmem>> -> memref<1x50x128xf32, #tpu.memory_space<vmem>>
    %dma_wait3A_1643 = tpu.memref_squeeze %dma_wait3A_1642 : memref<1x50x128xf32, #tpu.memory_space<vmem>> -> memref<50x128xf32, #tpu.memory_space<vmem>>
    %dma_wait3A_1644 = arith.constant 0 : i32
    %dma_wait3A_1645 = tpu.memref_slice %arg5[%dma_wait3A_1638, %dma_wait3A_1644] : memref<256x50xi32, #tpu.memory_space<vmem>> -> memref<1x50xi32, #tpu.memory_space<vmem>>
    %dma_wait3A_1646 = tpu.memref_squeeze %dma_wait3A_1645 : memref<1x50xi32, #tpu.memory_space<vmem>> -> memref<50xi32, #tpu.memory_space<vmem>>
    %dma_wait3A_1647 = arith.constant 0 : i32
    %dma_wait3A_1648 = arith.constant 0 : i32
    %dma_wait3A_1649 = tpu.memref_slice %arg3[%dma_wait3A_1647, %dma_wait3A_1648] : memref<1000000x128xf32, #tpu.memory_space<hbm>> -> memref<1000000x128xf32, #tpu.memory_space<hbm>>
    tpu.wait_indirect_dma semaphore(%arg9 : memref<!tpu.dma_semaphore, #tpu.memory_space<semaphore_mem>>) src(%dma_wait3A_1649 : memref<1000000x128xf32, #tpu.memory_space<hbm>>) dst(%dma_wait3A_1643 : memref<50x128xf32, #tpu.memory_space<vmem>>)
    %add3A_1650 = arith.constant 250 : i32
    %add3A_1651 = arith.addi %add3A_985, %add3A_1650 : i32
    %dma_start3A_1652 = arith.constant 2 : i32
    %dma_start3A_1653 = arith.constant 0 : i32
    %dma_start3A_1654 = arith.constant 0 : i32
    %dma_start3A_1655 = tpu.memref_slice %arg6[%dma_start3A_1652, %dma_start3A_1653, %dma_start3A_1654] : memref<8x50x128xf32, #tpu.memory_space<vmem>> -> memref<1x50x128xf32, #tpu.memory_space<vmem>>
    %dma_start3A_1656 = tpu.memref_squeeze %dma_start3A_1655 : memref<1x50x128xf32, #tpu.memory_space<vmem>> -> memref<50x128xf32, #tpu.memory_space<vmem>>
    %dma_start3A_1657 = arith.constant 0 : i32
    %dma_start3A_1658 = arith.constant 0 : i32
    %dma_start3A_1659 = tpu.memref_slice %arg4[%add3A_1651, %dma_start3A_1657, %dma_start3A_1658] : memref<16384x50x128xf32, #tpu.memory_space<hbm>> -> memref<1x50x128xf32, #tpu.memory_space<hbm>>
    %dma_start3A_1660 = tpu.memref_squeeze %dma_start3A_1659 : memref<1x50x128xf32, #tpu.memory_space<hbm>> -> memref<50x128xf32, #tpu.memory_space<hbm>>
    %dma_start3A_1661 = arith.constant 0 : i32
    %dma_start3A_1662 = arith.constant 0 : i32
    %dma_start3A_1663 = tpu.memref_slice %arg4[%add3A_1651, %dma_start3A_1661, %dma_start3A_1662] : memref<16384x50x128xf32, #tpu.memory_space<hbm>> -> memref<1x50x128xf32, #tpu.memory_space<hbm>>
    %dma_start3A_1664 = tpu.memref_squeeze %dma_start3A_1663 : memref<1x50x128xf32, #tpu.memory_space<hbm>> -> memref<50x128xf32, #tpu.memory_space<hbm>>
    %dma_start3A_1665 = arith.constant 0 : i32
    %dma_start3A_1666 = arith.constant 0 : i32
    %dma_start3A_1667 = tpu.memref_slice %arg6[%dma_start3A_1652, %dma_start3A_1665, %dma_start3A_1666] : memref<8x50x128xf32, #tpu.memory_space<vmem>> -> memref<1x50x128xf32, #tpu.memory_space<vmem>>
    %dma_start3A_1668 = tpu.memref_squeeze %dma_start3A_1667 : memref<1x50x128xf32, #tpu.memory_space<vmem>> -> memref<50x128xf32, #tpu.memory_space<vmem>>
    tpu.enqueue_dma source(%dma_start3A_1668 : memref<50x128xf32, #tpu.memory_space<vmem>>) target(%dma_start3A_1664 : memref<50x128xf32, #tpu.memory_space<hbm>>) target_semaphore(%arg17 : memref<!tpu.dma_semaphore, #tpu.memory_space<semaphore_mem>>)
    %dma_wait3A_1669 = arith.constant 0 : i32
    %dma_wait3A_1670 = arith.constant 3 : i32
    %dma_wait3A_1671 = arith.constant 0 : i32
    %dma_wait3A_1672 = arith.constant 0 : i32
    %dma_wait3A_1673 = tpu.memref_slice %arg6[%dma_wait3A_1670, %dma_wait3A_1671, %dma_wait3A_1672] : memref<8x50x128xf32, #tpu.memory_space<vmem>> -> memref<1x50x128xf32, #tpu.memory_space<vmem>>
    %dma_wait3A_1674 = tpu.memref_squeeze %dma_wait3A_1673 : memref<1x50x128xf32, #tpu.memory_space<vmem>> -> memref<50x128xf32, #tpu.memory_space<vmem>>
    %dma_wait3A_1675 = arith.constant 0 : i32
    %dma_wait3A_1676 = tpu.memref_slice %arg5[%dma_wait3A_1669, %dma_wait3A_1675] : memref<256x50xi32, #tpu.memory_space<vmem>> -> memref<1x50xi32, #tpu.memory_space<vmem>>
    %dma_wait3A_1677 = tpu.memref_squeeze %dma_wait3A_1676 : memref<1x50xi32, #tpu.memory_space<vmem>> -> memref<50xi32, #tpu.memory_space<vmem>>
    %dma_wait3A_1678 = arith.constant 0 : i32
    %dma_wait3A_1679 = arith.constant 0 : i32
    %dma_wait3A_1680 = tpu.memref_slice %arg3[%dma_wait3A_1678, %dma_wait3A_1679] : memref<1000000x128xf32, #tpu.memory_space<hbm>> -> memref<1000000x128xf32, #tpu.memory_space<hbm>>
    tpu.wait_indirect_dma semaphore(%arg10 : memref<!tpu.dma_semaphore, #tpu.memory_space<semaphore_mem>>) src(%dma_wait3A_1680 : memref<1000000x128xf32, #tpu.memory_space<hbm>>) dst(%dma_wait3A_1674 : memref<50x128xf32, #tpu.memory_space<vmem>>)
    %add3A_1681 = arith.constant 251 : i32
    %add3A_1682 = arith.addi %add3A_985, %add3A_1681 : i32
    %dma_start3A_1683 = arith.constant 3 : i32
    %dma_start3A_1684 = arith.constant 0 : i32
    %dma_start3A_1685 = arith.constant 0 : i32
    %dma_start3A_1686 = tpu.memref_slice %arg6[%dma_start3A_1683, %dma_start3A_1684, %dma_start3A_1685] : memref<8x50x128xf32, #tpu.memory_space<vmem>> -> memref<1x50x128xf32, #tpu.memory_space<vmem>>
    %dma_start3A_1687 = tpu.memref_squeeze %dma_start3A_1686 : memref<1x50x128xf32, #tpu.memory_space<vmem>> -> memref<50x128xf32, #tpu.memory_space<vmem>>
    %dma_start3A_1688 = arith.constant 0 : i32
    %dma_start3A_1689 = arith.constant 0 : i32
    %dma_start3A_1690 = tpu.memref_slice %arg4[%add3A_1682, %dma_start3A_1688, %dma_start3A_1689] : memref<16384x50x128xf32, #tpu.memory_space<hbm>> -> memref<1x50x128xf32, #tpu.memory_space<hbm>>
    %dma_start3A_1691 = tpu.memref_squeeze %dma_start3A_1690 : memref<1x50x128xf32, #tpu.memory_space<hbm>> -> memref<50x128xf32, #tpu.memory_space<hbm>>
    %dma_start3A_1692 = arith.constant 0 : i32
    %dma_start3A_1693 = arith.constant 0 : i32
    %dma_start3A_1694 = tpu.memref_slice %arg4[%add3A_1682, %dma_start3A_1692, %dma_start3A_1693] : memref<16384x50x128xf32, #tpu.memory_space<hbm>> -> memref<1x50x128xf32, #tpu.memory_space<hbm>>
    %dma_start3A_1695 = tpu.memref_squeeze %dma_start3A_1694 : memref<1x50x128xf32, #tpu.memory_space<hbm>> -> memref<50x128xf32, #tpu.memory_space<hbm>>
    %dma_start3A_1696 = arith.constant 0 : i32
    %dma_start3A_1697 = arith.constant 0 : i32
    %dma_start3A_1698 = tpu.memref_slice %arg6[%dma_start3A_1683, %dma_start3A_1696, %dma_start3A_1697] : memref<8x50x128xf32, #tpu.memory_space<vmem>> -> memref<1x50x128xf32, #tpu.memory_space<vmem>>
    %dma_start3A_1699 = tpu.memref_squeeze %dma_start3A_1698 : memref<1x50x128xf32, #tpu.memory_space<vmem>> -> memref<50x128xf32, #tpu.memory_space<vmem>>
    tpu.enqueue_dma source(%dma_start3A_1699 : memref<50x128xf32, #tpu.memory_space<vmem>>) target(%dma_start3A_1695 : memref<50x128xf32, #tpu.memory_space<hbm>>) target_semaphore(%arg18 : memref<!tpu.dma_semaphore, #tpu.memory_space<semaphore_mem>>)
    %dma_wait3A_1700 = arith.constant 0 : i32
    %dma_wait3A_1701 = arith.constant 4 : i32
    %dma_wait3A_1702 = arith.constant 0 : i32
    %dma_wait3A_1703 = arith.constant 0 : i32
    %dma_wait3A_1704 = tpu.memref_slice %arg6[%dma_wait3A_1701, %dma_wait3A_1702, %dma_wait3A_1703] : memref<8x50x128xf32, #tpu.memory_space<vmem>> -> memref<1x50x128xf32, #tpu.memory_space<vmem>>
    %dma_wait3A_1705 = tpu.memref_squeeze %dma_wait3A_1704 : memref<1x50x128xf32, #tpu.memory_space<vmem>> -> memref<50x128xf32, #tpu.memory_space<vmem>>
    %dma_wait3A_1706 = arith.constant 0 : i32
    %dma_wait3A_1707 = tpu.memref_slice %arg5[%dma_wait3A_1700, %dma_wait3A_1706] : memref<256x50xi32, #tpu.memory_space<vmem>> -> memref<1x50xi32, #tpu.memory_space<vmem>>
    %dma_wait3A_1708 = tpu.memref_squeeze %dma_wait3A_1707 : memref<1x50xi32, #tpu.memory_space<vmem>> -> memref<50xi32, #tpu.memory_space<vmem>>
    %dma_wait3A_1709 = arith.constant 0 : i32
    %dma_wait3A_1710 = arith.constant 0 : i32
    %dma_wait3A_1711 = tpu.memref_slice %arg3[%dma_wait3A_1709, %dma_wait3A_1710] : memref<1000000x128xf32, #tpu.memory_space<hbm>> -> memref<1000000x128xf32, #tpu.memory_space<hbm>>
    tpu.wait_indirect_dma semaphore(%arg11 : memref<!tpu.dma_semaphore, #tpu.memory_space<semaphore_mem>>) src(%dma_wait3A_1711 : memref<1000000x128xf32, #tpu.memory_space<hbm>>) dst(%dma_wait3A_1705 : memref<50x128xf32, #tpu.memory_space<vmem>>)
    %add3A_1712 = arith.constant 252 : i32
    %add3A_1713 = arith.addi %add3A_985, %add3A_1712 : i32
    %dma_start3A_1714 = arith.constant 4 : i32
    %dma_start3A_1715 = arith.constant 0 : i32
    %dma_start3A_1716 = arith.constant 0 : i32
    %dma_start3A_1717 = tpu.memref_slice %arg6[%dma_start3A_1714, %dma_start3A_1715, %dma_start3A_1716] : memref<8x50x128xf32, #tpu.memory_space<vmem>> -> memref<1x50x128xf32, #tpu.memory_space<vmem>>
    %dma_start3A_1718 = tpu.memref_squeeze %dma_start3A_1717 : memref<1x50x128xf32, #tpu.memory_space<vmem>> -> memref<50x128xf32, #tpu.memory_space<vmem>>
    %dma_start3A_1719 = arith.constant 0 : i32
    %dma_start3A_1720 = arith.constant 0 : i32
    %dma_start3A_1721 = tpu.memref_slice %arg4[%add3A_1713, %dma_start3A_1719, %dma_start3A_1720] : memref<16384x50x128xf32, #tpu.memory_space<hbm>> -> memref<1x50x128xf32, #tpu.memory_space<hbm>>
    %dma_start3A_1722 = tpu.memref_squeeze %dma_start3A_1721 : memref<1x50x128xf32, #tpu.memory_space<hbm>> -> memref<50x128xf32, #tpu.memory_space<hbm>>
    %dma_start3A_1723 = arith.constant 0 : i32
    %dma_start3A_1724 = arith.constant 0 : i32
    %dma_start3A_1725 = tpu.memref_slice %arg4[%add3A_1713, %dma_start3A_1723, %dma_start3A_1724] : memref<16384x50x128xf32, #tpu.memory_space<hbm>> -> memref<1x50x128xf32, #tpu.memory_space<hbm>>
    %dma_start3A_1726 = tpu.memref_squeeze %dma_start3A_1725 : memref<1x50x128xf32, #tpu.memory_space<hbm>> -> memref<50x128xf32, #tpu.memory_space<hbm>>
    %dma_start3A_1727 = arith.constant 0 : i32
    %dma_start3A_1728 = arith.constant 0 : i32
    %dma_start3A_1729 = tpu.memref_slice %arg6[%dma_start3A_1714, %dma_start3A_1727, %dma_start3A_1728] : memref<8x50x128xf32, #tpu.memory_space<vmem>> -> memref<1x50x128xf32, #tpu.memory_space<vmem>>
    %dma_start3A_1730 = tpu.memref_squeeze %dma_start3A_1729 : memref<1x50x128xf32, #tpu.memory_space<vmem>> -> memref<50x128xf32, #tpu.memory_space<vmem>>
    tpu.enqueue_dma source(%dma_start3A_1730 : memref<50x128xf32, #tpu.memory_space<vmem>>) target(%dma_start3A_1726 : memref<50x128xf32, #tpu.memory_space<hbm>>) target_semaphore(%arg19 : memref<!tpu.dma_semaphore, #tpu.memory_space<semaphore_mem>>)
    %dma_wait3A_1731 = arith.constant 0 : i32
    %dma_wait3A_1732 = arith.constant 5 : i32
    %dma_wait3A_1733 = arith.constant 0 : i32
    %dma_wait3A_1734 = arith.constant 0 : i32
    %dma_wait3A_1735 = tpu.memref_slice %arg6[%dma_wait3A_1732, %dma_wait3A_1733, %dma_wait3A_1734] : memref<8x50x128xf32, #tpu.memory_space<vmem>> -> memref<1x50x128xf32, #tpu.memory_space<vmem>>
    %dma_wait3A_1736 = tpu.memref_squeeze %dma_wait3A_1735 : memref<1x50x128xf32, #tpu.memory_space<vmem>> -> memref<50x128xf32, #tpu.memory_space<vmem>>
    %dma_wait3A_1737 = arith.constant 0 : i32
    %dma_wait3A_1738 = tpu.memref_slice %arg5[%dma_wait3A_1731, %dma_wait3A_1737] : memref<256x50xi32, #tpu.memory_space<vmem>> -> memref<1x50xi32, #tpu.memory_space<vmem>>
    %dma_wait3A_1739 = tpu.memref_squeeze %dma_wait3A_1738 : memref<1x50xi32, #tpu.memory_space<vmem>> -> memref<50xi32, #tpu.memory_space<vmem>>
    %dma_wait3A_1740 = arith.constant 0 : i32
    %dma_wait3A_1741 = arith.constant 0 : i32
    %dma_wait3A_1742 = tpu.memref_slice %arg3[%dma_wait3A_1740, %dma_wait3A_1741] : memref<1000000x128xf32, #tpu.memory_space<hbm>> -> memref<1000000x128xf32, #tpu.memory_space<hbm>>
    tpu.wait_indirect_dma semaphore(%arg12 : memref<!tpu.dma_semaphore, #tpu.memory_space<semaphore_mem>>) src(%dma_wait3A_1742 : memref<1000000x128xf32, #tpu.memory_space<hbm>>) dst(%dma_wait3A_1736 : memref<50x128xf32, #tpu.memory_space<vmem>>)
    %add3A_1743 = arith.constant 253 : i32
    %add3A_1744 = arith.addi %add3A_985, %add3A_1743 : i32
    %dma_start3A_1745 = arith.constant 5 : i32
    %dma_start3A_1746 = arith.constant 0 : i32
    %dma_start3A_1747 = arith.constant 0 : i32
    %dma_start3A_1748 = tpu.memref_slice %arg6[%dma_start3A_1745, %dma_start3A_1746, %dma_start3A_1747] : memref<8x50x128xf32, #tpu.memory_space<vmem>> -> memref<1x50x128xf32, #tpu.memory_space<vmem>>
    %dma_start3A_1749 = tpu.memref_squeeze %dma_start3A_1748 : memref<1x50x128xf32, #tpu.memory_space<vmem>> -> memref<50x128xf32, #tpu.memory_space<vmem>>
    %dma_start3A_1750 = arith.constant 0 : i32
    %dma_start3A_1751 = arith.constant 0 : i32
    %dma_start3A_1752 = tpu.memref_slice %arg4[%add3A_1744, %dma_start3A_1750, %dma_start3A_1751] : memref<16384x50x128xf32, #tpu.memory_space<hbm>> -> memref<1x50x128xf32, #tpu.memory_space<hbm>>
    %dma_start3A_1753 = tpu.memref_squeeze %dma_start3A_1752 : memref<1x50x128xf32, #tpu.memory_space<hbm>> -> memref<50x128xf32, #tpu.memory_space<hbm>>
    %dma_start3A_1754 = arith.constant 0 : i32
    %dma_start3A_1755 = arith.constant 0 : i32
    %dma_start3A_1756 = tpu.memref_slice %arg4[%add3A_1744, %dma_start3A_1754, %dma_start3A_1755] : memref<16384x50x128xf32, #tpu.memory_space<hbm>> -> memref<1x50x128xf32, #tpu.memory_space<hbm>>
    %dma_start3A_1757 = tpu.memref_squeeze %dma_start3A_1756 : memref<1x50x128xf32, #tpu.memory_space<hbm>> -> memref<50x128xf32, #tpu.memory_space<hbm>>
    %dma_start3A_1758 = arith.constant 0 : i32
    %dma_start3A_1759 = arith.constant 0 : i32
    %dma_start3A_1760 = tpu.memref_slice %arg6[%dma_start3A_1745, %dma_start3A_1758, %dma_start3A_1759] : memref<8x50x128xf32, #tpu.memory_space<vmem>> -> memref<1x50x128xf32, #tpu.memory_space<vmem>>
    %dma_start3A_1761 = tpu.memref_squeeze %dma_start3A_1760 : memref<1x50x128xf32, #tpu.memory_space<vmem>> -> memref<50x128xf32, #tpu.memory_space<vmem>>
    tpu.enqueue_dma source(%dma_start3A_1761 : memref<50x128xf32, #tpu.memory_space<vmem>>) target(%dma_start3A_1757 : memref<50x128xf32, #tpu.memory_space<hbm>>) target_semaphore(%arg20 : memref<!tpu.dma_semaphore, #tpu.memory_space<semaphore_mem>>)
    %dma_wait3A_1762 = arith.constant 0 : i32
    %dma_wait3A_1763 = arith.constant 6 : i32
    %dma_wait3A_1764 = arith.constant 0 : i32
    %dma_wait3A_1765 = arith.constant 0 : i32
    %dma_wait3A_1766 = tpu.memref_slice %arg6[%dma_wait3A_1763, %dma_wait3A_1764, %dma_wait3A_1765] : memref<8x50x128xf32, #tpu.memory_space<vmem>> -> memref<1x50x128xf32, #tpu.memory_space<vmem>>
    %dma_wait3A_1767 = tpu.memref_squeeze %dma_wait3A_1766 : memref<1x50x128xf32, #tpu.memory_space<vmem>> -> memref<50x128xf32, #tpu.memory_space<vmem>>
    %dma_wait3A_1768 = arith.constant 0 : i32
    %dma_wait3A_1769 = tpu.memref_slice %arg5[%dma_wait3A_1762, %dma_wait3A_1768] : memref<256x50xi32, #tpu.memory_space<vmem>> -> memref<1x50xi32, #tpu.memory_space<vmem>>
    %dma_wait3A_1770 = tpu.memref_squeeze %dma_wait3A_1769 : memref<1x50xi32, #tpu.memory_space<vmem>> -> memref<50xi32, #tpu.memory_space<vmem>>
    %dma_wait3A_1771 = arith.constant 0 : i32
    %dma_wait3A_1772 = arith.constant 0 : i32
    %dma_wait3A_1773 = tpu.memref_slice %arg3[%dma_wait3A_1771, %dma_wait3A_1772] : memref<1000000x128xf32, #tpu.memory_space<hbm>> -> memref<1000000x128xf32, #tpu.memory_space<hbm>>
    tpu.wait_indirect_dma semaphore(%arg13 : memref<!tpu.dma_semaphore, #tpu.memory_space<semaphore_mem>>) src(%dma_wait3A_1773 : memref<1000000x128xf32, #tpu.memory_space<hbm>>) dst(%dma_wait3A_1767 : memref<50x128xf32, #tpu.memory_space<vmem>>)
    %add3A_1774 = arith.constant 254 : i32
    %add3A_1775 = arith.addi %add3A_985, %add3A_1774 : i32
    %dma_start3A_1776 = arith.constant 6 : i32
    %dma_start3A_1777 = arith.constant 0 : i32
    %dma_start3A_1778 = arith.constant 0 : i32
    %dma_start3A_1779 = tpu.memref_slice %arg6[%dma_start3A_1776, %dma_start3A_1777, %dma_start3A_1778] : memref<8x50x128xf32, #tpu.memory_space<vmem>> -> memref<1x50x128xf32, #tpu.memory_space<vmem>>
    %dma_start3A_1780 = tpu.memref_squeeze %dma_start3A_1779 : memref<1x50x128xf32, #tpu.memory_space<vmem>> -> memref<50x128xf32, #tpu.memory_space<vmem>>
    %dma_start3A_1781 = arith.constant 0 : i32
    %dma_start3A_1782 = arith.constant 0 : i32
    %dma_start3A_1783 = tpu.memref_slice %arg4[%add3A_1775, %dma_start3A_1781, %dma_start3A_1782] : memref<16384x50x128xf32, #tpu.memory_space<hbm>> -> memref<1x50x128xf32, #tpu.memory_space<hbm>>
    %dma_start3A_1784 = tpu.memref_squeeze %dma_start3A_1783 : memref<1x50x128xf32, #tpu.memory_space<hbm>> -> memref<50x128xf32, #tpu.memory_space<hbm>>
    %dma_start3A_1785 = arith.constant 0 : i32
    %dma_start3A_1786 = arith.constant 0 : i32
    %dma_start3A_1787 = tpu.memref_slice %arg4[%add3A_1775, %dma_start3A_1785, %dma_start3A_1786] : memref<16384x50x128xf32, #tpu.memory_space<hbm>> -> memref<1x50x128xf32, #tpu.memory_space<hbm>>
    %dma_start3A_1788 = tpu.memref_squeeze %dma_start3A_1787 : memref<1x50x128xf32, #tpu.memory_space<hbm>> -> memref<50x128xf32, #tpu.memory_space<hbm>>
    %dma_start3A_1789 = arith.constant 0 : i32
    %dma_start3A_1790 = arith.constant 0 : i32
    %dma_start3A_1791 = tpu.memref_slice %arg6[%dma_start3A_1776, %dma_start3A_1789, %dma_start3A_1790] : memref<8x50x128xf32, #tpu.memory_space<vmem>> -> memref<1x50x128xf32, #tpu.memory_space<vmem>>
    %dma_start3A_1792 = tpu.memref_squeeze %dma_start3A_1791 : memref<1x50x128xf32, #tpu.memory_space<vmem>> -> memref<50x128xf32, #tpu.memory_space<vmem>>
    tpu.enqueue_dma source(%dma_start3A_1792 : memref<50x128xf32, #tpu.memory_space<vmem>>) target(%dma_start3A_1788 : memref<50x128xf32, #tpu.memory_space<hbm>>) target_semaphore(%arg21 : memref<!tpu.dma_semaphore, #tpu.memory_space<semaphore_mem>>)
    %dma_wait3A_1793 = arith.constant 0 : i32
    %dma_wait3A_1794 = arith.constant 7 : i32
    %dma_wait3A_1795 = arith.constant 0 : i32
    %dma_wait3A_1796 = arith.constant 0 : i32
    %dma_wait3A_1797 = tpu.memref_slice %arg6[%dma_wait3A_1794, %dma_wait3A_1795, %dma_wait3A_1796] : memref<8x50x128xf32, #tpu.memory_space<vmem>> -> memref<1x50x128xf32, #tpu.memory_space<vmem>>
    %dma_wait3A_1798 = tpu.memref_squeeze %dma_wait3A_1797 : memref<1x50x128xf32, #tpu.memory_space<vmem>> -> memref<50x128xf32, #tpu.memory_space<vmem>>
    %dma_wait3A_1799 = arith.constant 0 : i32
    %dma_wait3A_1800 = tpu.memref_slice %arg5[%dma_wait3A_1793, %dma_wait3A_1799] : memref<256x50xi32, #tpu.memory_space<vmem>> -> memref<1x50xi32, #tpu.memory_space<vmem>>
    %dma_wait3A_1801 = tpu.memref_squeeze %dma_wait3A_1800 : memref<1x50xi32, #tpu.memory_space<vmem>> -> memref<50xi32, #tpu.memory_space<vmem>>
    %dma_wait3A_1802 = arith.constant 0 : i32
    %dma_wait3A_1803 = arith.constant 0 : i32
    %dma_wait3A_1804 = tpu.memref_slice %arg3[%dma_wait3A_1802, %dma_wait3A_1803] : memref<1000000x128xf32, #tpu.memory_space<hbm>> -> memref<1000000x128xf32, #tpu.memory_space<hbm>>
    tpu.wait_indirect_dma semaphore(%arg14 : memref<!tpu.dma_semaphore, #tpu.memory_space<semaphore_mem>>) src(%dma_wait3A_1804 : memref<1000000x128xf32, #tpu.memory_space<hbm>>) dst(%dma_wait3A_1798 : memref<50x128xf32, #tpu.memory_space<vmem>>)
    %add3A_1805 = arith.constant 255 : i32
    %add3A_1806 = arith.addi %add3A_985, %add3A_1805 : i32
    %dma_start3A_1807 = arith.constant 7 : i32
    %dma_start3A_1808 = arith.constant 0 : i32
    %dma_start3A_1809 = arith.constant 0 : i32
    %dma_start3A_1810 = tpu.memref_slice %arg6[%dma_start3A_1807, %dma_start3A_1808, %dma_start3A_1809] : memref<8x50x128xf32, #tpu.memory_space<vmem>> -> memref<1x50x128xf32, #tpu.memory_space<vmem>>
    %dma_start3A_1811 = tpu.memref_squeeze %dma_start3A_1810 : memref<1x50x128xf32, #tpu.memory_space<vmem>> -> memref<50x128xf32, #tpu.memory_space<vmem>>
    %dma_start3A_1812 = arith.constant 0 : i32
    %dma_start3A_1813 = arith.constant 0 : i32
    %dma_start3A_1814 = tpu.memref_slice %arg4[%add3A_1806, %dma_start3A_1812, %dma_start3A_1813] : memref<16384x50x128xf32, #tpu.memory_space<hbm>> -> memref<1x50x128xf32, #tpu.memory_space<hbm>>
    %dma_start3A_1815 = tpu.memref_squeeze %dma_start3A_1814 : memref<1x50x128xf32, #tpu.memory_space<hbm>> -> memref<50x128xf32, #tpu.memory_space<hbm>>
    %dma_start3A_1816 = arith.constant 0 : i32
    %dma_start3A_1817 = arith.constant 0 : i32
    %dma_start3A_1818 = tpu.memref_slice %arg4[%add3A_1806, %dma_start3A_1816, %dma_start3A_1817] : memref<16384x50x128xf32, #tpu.memory_space<hbm>> -> memref<1x50x128xf32, #tpu.memory_space<hbm>>
    %dma_start3A_1819 = tpu.memref_squeeze %dma_start3A_1818 : memref<1x50x128xf32, #tpu.memory_space<hbm>> -> memref<50x128xf32, #tpu.memory_space<hbm>>
    %dma_start3A_1820 = arith.constant 0 : i32
    %dma_start3A_1821 = arith.constant 0 : i32
    %dma_start3A_1822 = tpu.memref_slice %arg6[%dma_start3A_1807, %dma_start3A_1820, %dma_start3A_1821] : memref<8x50x128xf32, #tpu.memory_space<vmem>> -> memref<1x50x128xf32, #tpu.memory_space<vmem>>
    %dma_start3A_1823 = tpu.memref_squeeze %dma_start3A_1822 : memref<1x50x128xf32, #tpu.memory_space<vmem>> -> memref<50x128xf32, #tpu.memory_space<vmem>>
    tpu.enqueue_dma source(%dma_start3A_1823 : memref<50x128xf32, #tpu.memory_space<vmem>>) target(%dma_start3A_1819 : memref<50x128xf32, #tpu.memory_space<hbm>>) target_semaphore(%arg22 : memref<!tpu.dma_semaphore, #tpu.memory_space<semaphore_mem>>)
    %dma_wait3A_1824 = arith.constant 0 : i32
    %dma_wait3A_1825 = arith.constant 0 : i32
    %dma_wait3A_1826 = arith.constant 0 : i32
    %dma_wait3A_1827 = arith.constant 0 : i32
    %dma_wait3A_1828 = tpu.memref_slice %arg6[%dma_wait3A_1824, %dma_wait3A_1826, %dma_wait3A_1827] : memref<8x50x128xf32, #tpu.memory_space<vmem>> -> memref<1x50x128xf32, #tpu.memory_space<vmem>>
    %dma_wait3A_1829 = tpu.memref_squeeze %dma_wait3A_1828 : memref<1x50x128xf32, #tpu.memory_space<vmem>> -> memref<50x128xf32, #tpu.memory_space<vmem>>
    %dma_wait3A_1830 = arith.constant 0 : i32
    %dma_wait3A_1831 = arith.constant 0 : i32
    %dma_wait3A_1832 = tpu.memref_slice %arg4[%dma_wait3A_1825, %dma_wait3A_1830, %dma_wait3A_1831] : memref<16384x50x128xf32, #tpu.memory_space<hbm>> -> memref<1x50x128xf32, #tpu.memory_space<hbm>>
    %dma_wait3A_1833 = tpu.memref_squeeze %dma_wait3A_1832 : memref<1x50x128xf32, #tpu.memory_space<hbm>> -> memref<50x128xf32, #tpu.memory_space<hbm>>
    %dma_wait3A_1834 = arith.constant 0 : i32
    %dma_wait3A_1835 = arith.constant 0 : i32
    %dma_wait3A_1836 = tpu.memref_slice %arg4[%dma_wait3A_1825, %dma_wait3A_1834, %dma_wait3A_1835] : memref<16384x50x128xf32, #tpu.memory_space<hbm>> -> memref<1x50x128xf32, #tpu.memory_space<hbm>>
    %dma_wait3A_1837 = tpu.memref_squeeze %dma_wait3A_1836 : memref<1x50x128xf32, #tpu.memory_space<hbm>> -> memref<50x128xf32, #tpu.memory_space<hbm>>
    %dma_wait3A_1838 = arith.constant 0 : i32
    %dma_wait3A_1839 = arith.constant 0 : i32
    %dma_wait3A_1840 = tpu.memref_slice %arg6[%dma_wait3A_1824, %dma_wait3A_1838, %dma_wait3A_1839] : memref<8x50x128xf32, #tpu.memory_space<vmem>> -> memref<1x50x128xf32, #tpu.memory_space<vmem>>
    %dma_wait3A_1841 = tpu.memref_squeeze %dma_wait3A_1840 : memref<1x50x128xf32, #tpu.memory_space<vmem>> -> memref<50x128xf32, #tpu.memory_space<vmem>>
    tpu.wait_dma2 semaphore(%arg15 : memref<!tpu.dma_semaphore, #tpu.memory_space<semaphore_mem>>) src(%dma_wait3A_1841 : memref<50x128xf32, #tpu.memory_space<vmem>>) dst(%dma_wait3A_1837 : memref<50x128xf32, #tpu.memory_space<hbm>>)
    %dma_wait3A_1842 = arith.constant 1 : i32
    %dma_wait3A_1843 = arith.constant 0 : i32
    %dma_wait3A_1844 = arith.constant 0 : i32
    %dma_wait3A_1845 = arith.constant 0 : i32
    %dma_wait3A_1846 = tpu.memref_slice %arg6[%dma_wait3A_1842, %dma_wait3A_1844, %dma_wait3A_1845] : memref<8x50x128xf32, #tpu.memory_space<vmem>> -> memref<1x50x128xf32, #tpu.memory_space<vmem>>
    %dma_wait3A_1847 = tpu.memref_squeeze %dma_wait3A_1846 : memref<1x50x128xf32, #tpu.memory_space<vmem>> -> memref<50x128xf32, #tpu.memory_space<vmem>>
    %dma_wait3A_1848 = arith.constant 0 : i32
    %dma_wait3A_1849 = arith.constant 0 : i32
    %dma_wait3A_1850 = tpu.memref_slice %arg4[%dma_wait3A_1843, %dma_wait3A_1848, %dma_wait3A_1849] : memref<16384x50x128xf32, #tpu.memory_space<hbm>> -> memref<1x50x128xf32, #tpu.memory_space<hbm>>
    %dma_wait3A_1851 = tpu.memref_squeeze %dma_wait3A_1850 : memref<1x50x128xf32, #tpu.memory_space<hbm>> -> memref<50x128xf32, #tpu.memory_space<hbm>>
    %dma_wait3A_1852 = arith.constant 0 : i32
    %dma_wait3A_1853 = arith.constant 0 : i32
    %dma_wait3A_1854 = tpu.memref_slice %arg4[%dma_wait3A_1843, %dma_wait3A_1852, %dma_wait3A_1853] : memref<16384x50x128xf32, #tpu.memory_space<hbm>> -> memref<1x50x128xf32, #tpu.memory_space<hbm>>
    %dma_wait3A_1855 = tpu.memref_squeeze %dma_wait3A_1854 : memref<1x50x128xf32, #tpu.memory_space<hbm>> -> memref<50x128xf32, #tpu.memory_space<hbm>>
    %dma_wait3A_1856 = arith.constant 0 : i32
    %dma_wait3A_1857 = arith.constant 0 : i32
    %dma_wait3A_1858 = tpu.memref_slice %arg6[%dma_wait3A_1842, %dma_wait3A_1856, %dma_wait3A_1857] : memref<8x50x128xf32, #tpu.memory_space<vmem>> -> memref<1x50x128xf32, #tpu.memory_space<vmem>>
    %dma_wait3A_1859 = tpu.memref_squeeze %dma_wait3A_1858 : memref<1x50x128xf32, #tpu.memory_space<vmem>> -> memref<50x128xf32, #tpu.memory_space<vmem>>
    tpu.wait_dma2 semaphore(%arg16 : memref<!tpu.dma_semaphore, #tpu.memory_space<semaphore_mem>>) src(%dma_wait3A_1859 : memref<50x128xf32, #tpu.memory_space<vmem>>) dst(%dma_wait3A_1855 : memref<50x128xf32, #tpu.memory_space<hbm>>)
    %dma_wait3A_1860 = arith.constant 2 : i32
    %dma_wait3A_1861 = arith.constant 0 : i32
    %dma_wait3A_1862 = arith.constant 0 : i32
    %dma_wait3A_1863 = arith.constant 0 : i32
    %dma_wait3A_1864 = tpu.memref_slice %arg6[%dma_wait3A_1860, %dma_wait3A_1862, %dma_wait3A_1863] : memref<8x50x128xf32, #tpu.memory_space<vmem>> -> memref<1x50x128xf32, #tpu.memory_space<vmem>>
    %dma_wait3A_1865 = tpu.memref_squeeze %dma_wait3A_1864 : memref<1x50x128xf32, #tpu.memory_space<vmem>> -> memref<50x128xf32, #tpu.memory_space<vmem>>
    %dma_wait3A_1866 = arith.constant 0 : i32
    %dma_wait3A_1867 = arith.constant 0 : i32
    %dma_wait3A_1868 = tpu.memref_slice %arg4[%dma_wait3A_1861, %dma_wait3A_1866, %dma_wait3A_1867] : memref<16384x50x128xf32, #tpu.memory_space<hbm>> -> memref<1x50x128xf32, #tpu.memory_space<hbm>>
    %dma_wait3A_1869 = tpu.memref_squeeze %dma_wait3A_1868 : memref<1x50x128xf32, #tpu.memory_space<hbm>> -> memref<50x128xf32, #tpu.memory_space<hbm>>
    %dma_wait3A_1870 = arith.constant 0 : i32
    %dma_wait3A_1871 = arith.constant 0 : i32
    %dma_wait3A_1872 = tpu.memref_slice %arg4[%dma_wait3A_1861, %dma_wait3A_1870, %dma_wait3A_1871] : memref<16384x50x128xf32, #tpu.memory_space<hbm>> -> memref<1x50x128xf32, #tpu.memory_space<hbm>>
    %dma_wait3A_1873 = tpu.memref_squeeze %dma_wait3A_1872 : memref<1x50x128xf32, #tpu.memory_space<hbm>> -> memref<50x128xf32, #tpu.memory_space<hbm>>
    %dma_wait3A_1874 = arith.constant 0 : i32
    %dma_wait3A_1875 = arith.constant 0 : i32
    %dma_wait3A_1876 = tpu.memref_slice %arg6[%dma_wait3A_1860, %dma_wait3A_1874, %dma_wait3A_1875] : memref<8x50x128xf32, #tpu.memory_space<vmem>> -> memref<1x50x128xf32, #tpu.memory_space<vmem>>
    %dma_wait3A_1877 = tpu.memref_squeeze %dma_wait3A_1876 : memref<1x50x128xf32, #tpu.memory_space<vmem>> -> memref<50x128xf32, #tpu.memory_space<vmem>>
    tpu.wait_dma2 semaphore(%arg17 : memref<!tpu.dma_semaphore, #tpu.memory_space<semaphore_mem>>) src(%dma_wait3A_1877 : memref<50x128xf32, #tpu.memory_space<vmem>>) dst(%dma_wait3A_1873 : memref<50x128xf32, #tpu.memory_space<hbm>>)
    %dma_wait3A_1878 = arith.constant 3 : i32
    %dma_wait3A_1879 = arith.constant 0 : i32
    %dma_wait3A_1880 = arith.constant 0 : i32
    %dma_wait3A_1881 = arith.constant 0 : i32
    %dma_wait3A_1882 = tpu.memref_slice %arg6[%dma_wait3A_1878, %dma_wait3A_1880, %dma_wait3A_1881] : memref<8x50x128xf32, #tpu.memory_space<vmem>> -> memref<1x50x128xf32, #tpu.memory_space<vmem>>
    %dma_wait3A_1883 = tpu.memref_squeeze %dma_wait3A_1882 : memref<1x50x128xf32, #tpu.memory_space<vmem>> -> memref<50x128xf32, #tpu.memory_space<vmem>>
    %dma_wait3A_1884 = arith.constant 0 : i32
    %dma_wait3A_1885 = arith.constant 0 : i32
    %dma_wait3A_1886 = tpu.memref_slice %arg4[%dma_wait3A_1879, %dma_wait3A_1884, %dma_wait3A_1885] : memref<16384x50x128xf32, #tpu.memory_space<hbm>> -> memref<1x50x128xf32, #tpu.memory_space<hbm>>
    %dma_wait3A_1887 = tpu.memref_squeeze %dma_wait3A_1886 : memref<1x50x128xf32, #tpu.memory_space<hbm>> -> memref<50x128xf32, #tpu.memory_space<hbm>>
    %dma_wait3A_1888 = arith.constant 0 : i32
    %dma_wait3A_1889 = arith.constant 0 : i32
    %dma_wait3A_1890 = tpu.memref_slice %arg4[%dma_wait3A_1879, %dma_wait3A_1888, %dma_wait3A_1889] : memref<16384x50x128xf32, #tpu.memory_space<hbm>> -> memref<1x50x128xf32, #tpu.memory_space<hbm>>
    %dma_wait3A_1891 = tpu.memref_squeeze %dma_wait3A_1890 : memref<1x50x128xf32, #tpu.memory_space<hbm>> -> memref<50x128xf32, #tpu.memory_space<hbm>>
    %dma_wait3A_1892 = arith.constant 0 : i32
    %dma_wait3A_1893 = arith.constant 0 : i32
    %dma_wait3A_1894 = tpu.memref_slice %arg6[%dma_wait3A_1878, %dma_wait3A_1892, %dma_wait3A_1893] : memref<8x50x128xf32, #tpu.memory_space<vmem>> -> memref<1x50x128xf32, #tpu.memory_space<vmem>>
    %dma_wait3A_1895 = tpu.memref_squeeze %dma_wait3A_1894 : memref<1x50x128xf32, #tpu.memory_space<vmem>> -> memref<50x128xf32, #tpu.memory_space<vmem>>
    tpu.wait_dma2 semaphore(%arg18 : memref<!tpu.dma_semaphore, #tpu.memory_space<semaphore_mem>>) src(%dma_wait3A_1895 : memref<50x128xf32, #tpu.memory_space<vmem>>) dst(%dma_wait3A_1891 : memref<50x128xf32, #tpu.memory_space<hbm>>)
    %dma_wait3A_1896 = arith.constant 4 : i32
    %dma_wait3A_1897 = arith.constant 0 : i32
    %dma_wait3A_1898 = arith.constant 0 : i32
    %dma_wait3A_1899 = arith.constant 0 : i32
    %dma_wait3A_1900 = tpu.memref_slice %arg6[%dma_wait3A_1896, %dma_wait3A_1898, %dma_wait3A_1899] : memref<8x50x128xf32, #tpu.memory_space<vmem>> -> memref<1x50x128xf32, #tpu.memory_space<vmem>>
    %dma_wait3A_1901 = tpu.memref_squeeze %dma_wait3A_1900 : memref<1x50x128xf32, #tpu.memory_space<vmem>> -> memref<50x128xf32, #tpu.memory_space<vmem>>
    %dma_wait3A_1902 = arith.constant 0 : i32
    %dma_wait3A_1903 = arith.constant 0 : i32
    %dma_wait3A_1904 = tpu.memref_slice %arg4[%dma_wait3A_1897, %dma_wait3A_1902, %dma_wait3A_1903] : memref<16384x50x128xf32, #tpu.memory_space<hbm>> -> memref<1x50x128xf32, #tpu.memory_space<hbm>>
    %dma_wait3A_1905 = tpu.memref_squeeze %dma_wait3A_1904 : memref<1x50x128xf32, #tpu.memory_space<hbm>> -> memref<50x128xf32, #tpu.memory_space<hbm>>
    %dma_wait3A_1906 = arith.constant 0 : i32
    %dma_wait3A_1907 = arith.constant 0 : i32
    %dma_wait3A_1908 = tpu.memref_slice %arg4[%dma_wait3A_1897, %dma_wait3A_1906, %dma_wait3A_1907] : memref<16384x50x128xf32, #tpu.memory_space<hbm>> -> memref<1x50x128xf32, #tpu.memory_space<hbm>>
    %dma_wait3A_1909 = tpu.memref_squeeze %dma_wait3A_1908 : memref<1x50x128xf32, #tpu.memory_space<hbm>> -> memref<50x128xf32, #tpu.memory_space<hbm>>
    %dma_wait3A_1910 = arith.constant 0 : i32
    %dma_wait3A_1911 = arith.constant 0 : i32
    %dma_wait3A_1912 = tpu.memref_slice %arg6[%dma_wait3A_1896, %dma_wait3A_1910, %dma_wait3A_1911] : memref<8x50x128xf32, #tpu.memory_space<vmem>> -> memref<1x50x128xf32, #tpu.memory_space<vmem>>
    %dma_wait3A_1913 = tpu.memref_squeeze %dma_wait3A_1912 : memref<1x50x128xf32, #tpu.memory_space<vmem>> -> memref<50x128xf32, #tpu.memory_space<vmem>>
    tpu.wait_dma2 semaphore(%arg19 : memref<!tpu.dma_semaphore, #tpu.memory_space<semaphore_mem>>) src(%dma_wait3A_1913 : memref<50x128xf32, #tpu.memory_space<vmem>>) dst(%dma_wait3A_1909 : memref<50x128xf32, #tpu.memory_space<hbm>>)
    %dma_wait3A_1914 = arith.constant 5 : i32
    %dma_wait3A_1915 = arith.constant 0 : i32
    %dma_wait3A_1916 = arith.constant 0 : i32
    %dma_wait3A_1917 = arith.constant 0 : i32
    %dma_wait3A_1918 = tpu.memref_slice %arg6[%dma_wait3A_1914, %dma_wait3A_1916, %dma_wait3A_1917] : memref<8x50x128xf32, #tpu.memory_space<vmem>> -> memref<1x50x128xf32, #tpu.memory_space<vmem>>
    %dma_wait3A_1919 = tpu.memref_squeeze %dma_wait3A_1918 : memref<1x50x128xf32, #tpu.memory_space<vmem>> -> memref<50x128xf32, #tpu.memory_space<vmem>>
    %dma_wait3A_1920 = arith.constant 0 : i32
    %dma_wait3A_1921 = arith.constant 0 : i32
    %dma_wait3A_1922 = tpu.memref_slice %arg4[%dma_wait3A_1915, %dma_wait3A_1920, %dma_wait3A_1921] : memref<16384x50x128xf32, #tpu.memory_space<hbm>> -> memref<1x50x128xf32, #tpu.memory_space<hbm>>
    %dma_wait3A_1923 = tpu.memref_squeeze %dma_wait3A_1922 : memref<1x50x128xf32, #tpu.memory_space<hbm>> -> memref<50x128xf32, #tpu.memory_space<hbm>>
    %dma_wait3A_1924 = arith.constant 0 : i32
    %dma_wait3A_1925 = arith.constant 0 : i32
    %dma_wait3A_1926 = tpu.memref_slice %arg4[%dma_wait3A_1915, %dma_wait3A_1924, %dma_wait3A_1925] : memref<16384x50x128xf32, #tpu.memory_space<hbm>> -> memref<1x50x128xf32, #tpu.memory_space<hbm>>
    %dma_wait3A_1927 = tpu.memref_squeeze %dma_wait3A_1926 : memref<1x50x128xf32, #tpu.memory_space<hbm>> -> memref<50x128xf32, #tpu.memory_space<hbm>>
    %dma_wait3A_1928 = arith.constant 0 : i32
    %dma_wait3A_1929 = arith.constant 0 : i32
    %dma_wait3A_1930 = tpu.memref_slice %arg6[%dma_wait3A_1914, %dma_wait3A_1928, %dma_wait3A_1929] : memref<8x50x128xf32, #tpu.memory_space<vmem>> -> memref<1x50x128xf32, #tpu.memory_space<vmem>>
    %dma_wait3A_1931 = tpu.memref_squeeze %dma_wait3A_1930 : memref<1x50x128xf32, #tpu.memory_space<vmem>> -> memref<50x128xf32, #tpu.memory_space<vmem>>
    tpu.wait_dma2 semaphore(%arg20 : memref<!tpu.dma_semaphore, #tpu.memory_space<semaphore_mem>>) src(%dma_wait3A_1931 : memref<50x128xf32, #tpu.memory_space<vmem>>) dst(%dma_wait3A_1927 : memref<50x128xf32, #tpu.memory_space<hbm>>)
    %dma_wait3A_1932 = arith.constant 6 : i32
    %dma_wait3A_1933 = arith.constant 0 : i32
    %dma_wait3A_1934 = arith.constant 0 : i32
    %dma_wait3A_1935 = arith.constant 0 : i32
    %dma_wait3A_1936 = tpu.memref_slice %arg6[%dma_wait3A_1932, %dma_wait3A_1934, %dma_wait3A_1935] : memref<8x50x128xf32, #tpu.memory_space<vmem>> -> memref<1x50x128xf32, #tpu.memory_space<vmem>>
    %dma_wait3A_1937 = tpu.memref_squeeze %dma_wait3A_1936 : memref<1x50x128xf32, #tpu.memory_space<vmem>> -> memref<50x128xf32, #tpu.memory_space<vmem>>
    %dma_wait3A_1938 = arith.constant 0 : i32
    %dma_wait3A_1939 = arith.constant 0 : i32
    %dma_wait3A_1940 = tpu.memref_slice %arg4[%dma_wait3A_1933, %dma_wait3A_1938, %dma_wait3A_1939] : memref<16384x50x128xf32, #tpu.memory_space<hbm>> -> memref<1x50x128xf32, #tpu.memory_space<hbm>>
    %dma_wait3A_1941 = tpu.memref_squeeze %dma_wait3A_1940 : memref<1x50x128xf32, #tpu.memory_space<hbm>> -> memref<50x128xf32, #tpu.memory_space<hbm>>
    %dma_wait3A_1942 = arith.constant 0 : i32
    %dma_wait3A_1943 = arith.constant 0 : i32
    %dma_wait3A_1944 = tpu.memref_slice %arg4[%dma_wait3A_1933, %dma_wait3A_1942, %dma_wait3A_1943] : memref<16384x50x128xf32, #tpu.memory_space<hbm>> -> memref<1x50x128xf32, #tpu.memory_space<hbm>>
    %dma_wait3A_1945 = tpu.memref_squeeze %dma_wait3A_1944 : memref<1x50x128xf32, #tpu.memory_space<hbm>> -> memref<50x128xf32, #tpu.memory_space<hbm>>
    %dma_wait3A_1946 = arith.constant 0 : i32
    %dma_wait3A_1947 = arith.constant 0 : i32
    %dma_wait3A_1948 = tpu.memref_slice %arg6[%dma_wait3A_1932, %dma_wait3A_1946, %dma_wait3A_1947] : memref<8x50x128xf32, #tpu.memory_space<vmem>> -> memref<1x50x128xf32, #tpu.memory_space<vmem>>
    %dma_wait3A_1949 = tpu.memref_squeeze %dma_wait3A_1948 : memref<1x50x128xf32, #tpu.memory_space<vmem>> -> memref<50x128xf32, #tpu.memory_space<vmem>>
    tpu.wait_dma2 semaphore(%arg21 : memref<!tpu.dma_semaphore, #tpu.memory_space<semaphore_mem>>) src(%dma_wait3A_1949 : memref<50x128xf32, #tpu.memory_space<vmem>>) dst(%dma_wait3A_1945 : memref<50x128xf32, #tpu.memory_space<hbm>>)
    %dma_wait3A_1950 = arith.constant 7 : i32
    %dma_wait3A_1951 = arith.constant 0 : i32
    %dma_wait3A_1952 = arith.constant 0 : i32
    %dma_wait3A_1953 = arith.constant 0 : i32
    %dma_wait3A_1954 = tpu.memref_slice %arg6[%dma_wait3A_1950, %dma_wait3A_1952, %dma_wait3A_1953] : memref<8x50x128xf32, #tpu.memory_space<vmem>> -> memref<1x50x128xf32, #tpu.memory_space<vmem>>
    %dma_wait3A_1955 = tpu.memref_squeeze %dma_wait3A_1954 : memref<1x50x128xf32, #tpu.memory_space<vmem>> -> memref<50x128xf32, #tpu.memory_space<vmem>>
    %dma_wait3A_1956 = arith.constant 0 : i32
    %dma_wait3A_1957 = arith.constant 0 : i32
    %dma_wait3A_1958 = tpu.memref_slice %arg4[%dma_wait3A_1951, %dma_wait3A_1956, %dma_wait3A_1957] : memref<16384x50x128xf32, #tpu.memory_space<hbm>> -> memref<1x50x128xf32, #tpu.memory_space<hbm>>
    %dma_wait3A_1959 = tpu.memref_squeeze %dma_wait3A_1958 : memref<1x50x128xf32, #tpu.memory_space<hbm>> -> memref<50x128xf32, #tpu.memory_space<hbm>>
    %dma_wait3A_1960 = arith.constant 0 : i32
    %dma_wait3A_1961 = arith.constant 0 : i32
    %dma_wait3A_1962 = tpu.memref_slice %arg4[%dma_wait3A_1951, %dma_wait3A_1960, %dma_wait3A_1961] : memref<16384x50x128xf32, #tpu.memory_space<hbm>> -> memref<1x50x128xf32, #tpu.memory_space<hbm>>
    %dma_wait3A_1963 = tpu.memref_squeeze %dma_wait3A_1962 : memref<1x50x128xf32, #tpu.memory_space<hbm>> -> memref<50x128xf32, #tpu.memory_space<hbm>>
    %dma_wait3A_1964 = arith.constant 0 : i32
    %dma_wait3A_1965 = arith.constant 0 : i32
    %dma_wait3A_1966 = tpu.memref_slice %arg6[%dma_wait3A_1950, %dma_wait3A_1964, %dma_wait3A_1965] : memref<8x50x128xf32, #tpu.memory_space<vmem>> -> memref<1x50x128xf32, #tpu.memory_space<vmem>>
    %dma_wait3A_1967 = tpu.memref_squeeze %dma_wait3A_1966 : memref<1x50x128xf32, #tpu.memory_space<vmem>> -> memref<50x128xf32, #tpu.memory_space<vmem>>
    tpu.wait_dma2 semaphore(%arg22 : memref<!tpu.dma_semaphore, #tpu.memory_space<semaphore_mem>>) src(%dma_wait3A_1967 : memref<50x128xf32, #tpu.memory_space<vmem>>) dst(%dma_wait3A_1963 : memref<50x128xf32, #tpu.memory_space<hbm>>)
    return
  }
}

</mosaic_0001>

<sc_bundles>
// kernel: _embed.3.cloned.1.call-start
scs
__scs_entry_jumppad:
0x0: {  	(pc) =	sbr.rel $0x88, $3  }
0x1: {  	(tag) =	ssettag $0x0;
	lr =	simm.s32 $0x1  }
0x2: {  	[smem:$0x3F9F] =	sst lr;
	_ =	strace $0xD0000000  }
0x3: {  	_ = 	snop  }
0x4: {  	_ = 	snop  }
0x5: {  	_ = 	snop  }
0x6: {  	_ = 	snop  }
0x7: {  	_ = 	snop  }
__scs_overlays_trampoline_lowered:
0x8: {  	[smem:$0x3FAE] =	sst s0  }
0x9: {  	[smem:$0x3FAF] =	sst s1  }
0xa: {  	[smem:$0x3FB0] =	sst s2  }
0xb: {  	[smem:$0x3FB1] =	sst s3  }
0xc: {  	[smem:$0x3FB2] =	sst s4  }
0xd: {  	[smem:$0x3FB3] =	sst s5  }
0xe: {  	[smem:$0x3FB4] =	sst s6  }
0xf: {  	[smem:$0x3FB5] =	sst s7  }
0x10: {  	[smem:$0x3FB6] =	sst s8  }
0x11: {  	[smem:$0x3FB7] =	sst s9;
	s0 =	simm.s32 @!p0 $0x0  }
0x12: {  	s1 =	sld [smem:$0x3F9D];
	s0 =	simm.s32 @p0 $0x1  }
0x13: {  	[smem:$0x3FB8] =	sst s0;
	s0 =	simm.s32 @!p1 $0x0  }
0x14: {  	s2 =	sld [smem:$0x3F9C];
	s0 =	simm.s32 @p1 $0x1  }
0x15: {  	[smem:$0x3FB9] =	sst s0;
	s0 =	simm.s32 @!p2 $0x0  }
0x16: {  	s3 =	sld [smem:$0x3FDB];
	s0 =	simm.s32 @p2 $0x1  }
0x17: {  	s4 =	simm.s32 $0x1BF5;
	[smem:$0x3FBB] =	sst s0  }
0x18: {  	s0 =	sld [smem:$0x3F9E];
	_ =	swait.ge [sflag:s4], $0x0  }
0x19: {  	s7 =	sld [smem:$0x3F9F]  }
0x1a: {  	s8 =	sadd.s32 $0xFFFFE003, lr  }
0x1b: {  	s9 =	sadd.s32 $0xFFFFFEF7, lr;
	s5 =	simm.s32 $0xFFFFFFFF;
	p2 =	slt.u32 s8, $0xFFFFF086  }
0x1c: {  	p1 =	slt.u32 s9, $0xF7A;
	s5 =	simm.s32 @!p2 $0x0  }
0x1d: {  	s5 =	simm.s32 @p1 $0x1;
	p0 =	seq.s32 s7, s2  }
0x1e: {  	s7 =	smul.u32 @!p0 $0xF7A, s2;
	p2 =	seq.s32 @!p0 s5, $0x0  }
0x1f: {  	s9 =	smul.u32 $0xF7A, s1;
	s8 =	simm.s32 @!p0 $0x1BF5;
	p2 =	por !p2, p0  }
0x20: {  	[sflag:s8] =	ssyncset.s32 @!p0 $0xFFFFF086;
	s6 =	sadd.s32 @!p0 s3, s7;
	s7 =	simm.s32 @!p0 $0x108  }
0x21: {  	s3 =	sadd.s32 s3, s9;
	s6 =	sadd.s32 @!p0 $0x88, s6;
	s7 =	simm.s32 @p2 $0x1082  }
0x22: {  	[simem:s7], [sflag:s8] =	dma.local @!p0 [hbm:s6], $0xF7A  }
0x23: {  	s9 =	sor.u32 $0xD0000000, s2;
	s6 =	simm.s32 $0x108;
	_ =	swait.ge @!p0 [sflag:s8], $0x0  }
0x24: {  	s3 =	sadd.s32 $0x88, s3;
	s6 =	simm.s32 @!p1 $0x1082;
	[sflag:s4] =	ssyncset.s32 $0xFFFFF086  }
0x25: {  	[simem:s6], [sflag:s4] =	dma.local [hbm:s3], $0xF7A  }
0x26: {  	[smem:$0x3F9F] =	sst s1;
	(tag) =	ssettag s2;
	_ =	strace s9  }
0x27: {  	s1 =	sld [smem:$0x3FAF]  }
0x28: {  	s2 =	sld [smem:$0x3FB0]  }
0x29: {  	s4 =	sld [smem:$0x3FB2]  }
0x2a: {  	p0 =	seq.s32 s5, $0x0;
	s5 =	sld [smem:$0x3FB3]  }
0x2b: {  	s6 =	sld [smem:$0x3FB4]  }
0x2c: {  	s7 =	sld [smem:$0x3FB5]  }
0x2d: {  	s3 =	simm.s32 $0x108;
	s8 =	sld [smem:$0x3FB6]  }
0x2e: {  	s3 =	simm.s32 @!p0 $0x1082;
	s9 =	sld [smem:$0x3FB7]  }
0x2f: {  	lr =	sadd.s32 s0, s3;
	s0 =	sld [smem:$0x3FAE]  }
0x30: {  	s3 =	sld [smem:$0x3FB1]  }
0x31: {  	[smem:$0x3FBA] =	sst s10  }
0x32: {  	s10 =	sld [smem:$0x3FB8];
	_ =	sdelay $0x3  }
0x33: {  	p0 =	seq.s32 s10, $0x1;
	s10 =	sld [smem:$0x3FBA];
	_ =	sdelay $0x3  }
0x34: {  	[smem:$0x3FBA] =	sst s10  }
0x35: {  	s10 =	sld [smem:$0x3FB9];
	_ =	sdelay $0x3  }
0x36: {  	p1 =	seq.s32 s10, $0x1;
	s10 =	sld [smem:$0x3FBA];
	_ =	sdelay $0x3  }
0x37: {  	[smem:$0x3FBA] =	sst s10  }
0x38: {  	s10 =	sld [smem:$0x3FBB]  }
0x39: {  	_ = 	snop;
	(pc) =	sbr.ind lr, $3  }
0x3a: {  	_ = 	snop  }
0x3b: {  	_ = 	snop  }
0x3c: {  	p2 =	seq.s32 s10, $0x1;
	s10 =	sld [smem:$0x3FBA]  }
0x3d: {  	_ =	shalt  }
0x3e: {  	_ =	shalt  }
0x3f: {  	_ =	shalt  }
0x40: {  	_ =	shalt  }
0x41: {  	_ =	shalt  }
0x42: {  	_ =	shalt  }
0x43: {  	_ =	shalt  }
0x44: {  	_ =	shalt  }
0x45: {  	_ =	shalt  }
0x46: {  	_ =	shalt  }
0x47: {  	_ =	shalt  }
0x48: {  	_ =	shalt  }
0x49: {  	_ =	shalt  }
0x4a: {  	_ =	shalt  }
0x4b: {  	_ =	shalt  }
0x4c: {  	_ =	shalt  }
0x4d: {  	_ =	shalt  }
0x4e: {  	_ =	shalt  }
0x4f: {  	_ =	shalt  }
0x50: {  	_ =	shalt  }
0x51: {  	_ =	shalt  }
0x52: {  	_ =	shalt  }
0x53: {  	_ =	shalt  }
0x54: {  	_ =	shalt  }
0x55: {  	_ =	shalt  }
0x56: {  	_ =	shalt  }
0x57: {  	_ =	shalt  }
0x58: {  	_ =	shalt  }
0x59: {  	_ =	shalt  }
0x5a: {  	_ =	shalt  }
0x5b: {  	_ =	shalt  }
0x5c: {  	_ =	shalt  }
0x5d: {  	_ =	shalt  }
0x5e: {  	_ =	shalt  }
0x5f: {  	_ =	shalt  }
0x60: {  	_ =	shalt  }
0x61: {  	_ =	shalt  }
0x62: {  	_ =	shalt  }
0x63: {  	_ =	shalt  }
0x64: {  	_ =	shalt  }
0x65: {  	_ =	shalt  }
0x66: {  	_ =	shalt  }
0x67: {  	_ =	shalt  }
0x68: {  	_ =	shalt  }
0x69: {  	_ =	shalt  }
0x6a: {  	_ =	shalt  }
0x6b: {  	_ =	shalt  }
0x6c: {  	_ =	shalt  }
0x6d: {  	_ =	shalt  }
0x6e: {  	_ =	shalt  }
0x6f: {  	_ =	shalt  }
0x70: {  	_ =	shalt  }
0x71: {  	_ =	shalt  }
0x72: {  	_ =	shalt  }
0x73: {  	_ =	shalt  }
0x74: {  	_ =	shalt  }
0x75: {  	_ =	shalt  }
0x76: {  	_ =	shalt  }
0x77: {  	_ =	shalt  }
0x78: {  	_ =	shalt  }
0x79: {  	_ =	shalt  }
0x7a: {  	_ =	shalt  }
0x7b: {  	_ =	shalt  }
0x7c: {  	_ =	shalt  }
0x7d: {  	_ =	shalt  }
0x7e: {  	_ =	shalt  }
0x7f: {  	_ =	shalt  }
0x80: {  	_ =	shalt  }
0x81: {  	_ =	shalt  }
0x82: {  	_ =	shalt  }
0x83: {  	_ =	shalt  }
0x84: {  	_ =	shalt  }
0x85: {  	_ =	shalt  }
0x86: {  	_ =	shalt  }
0x87: {  	_ =	shalt  }
.Lfunc_end0:
.L_simem_size_0:
called_computation_lowered:
.L_overlay_start_0:
0x88: {  	s2 =	sld [smem:$0x3FD9]  }
0x89: {  	s3 =	sld [smem:$0x3FFE];
	_ =	sdelay $0x1  }
0x8a: {  	s1 =	srdreg.scid  }
0x8b: {  	s0 =	sand.u32 $0x1, s1  }
0x8c: {  	s17 =	sshll.u32 s0, $0xA;
	s2 =	sadd.s32 s3, s2  }
0x8d: {  	s2 =	sadd.s32 s2, s17  }
0x8e: {  	[smem:$0x3FC6] =	sst s2  }
0x8f: {  	_ = 	snop  }
0x90: {  	s2 =	sld [smem:$0x3FC8]  }
0x91: {  	s18 =	sld [smem:$0x3FD0];
	(tm) =	ssettm $0x1  }
0x92: {  	s4 =	sld [smem:$0x3FFB];
	_ =	sdelay $0x3  }
0x93: {  	_ =	strace s4  }
0x94: {  	s4 =	sld [smem:$0x3FFC];
	_ =	sdelay $0x3  }
0x95: {  	_ =	strace s4  }
0x96: {  	s4 =	sld [smem:$0x3FFD];
	_ =	sdelay $0x3  }
0x97: {  	_ =	strace s4  }
0x98: {  	_ =	strace $0x8FFFFFFF  }
0x99: {  	s19 =	sld [smem:$0x3FDB];
	_ =	sdelay $0x1  }
0x9a: {  	s5 =	simm.s32 $_scs_section_size  }
0x9b: {  	s6 =	simm.s32 $_size__tile_overlayer_lowered;
	s7 =	simm.s32 $_tile_overlayer_lowered  }
0x9c: {  	s22 =	simm.s32 $0x1BFF;
	s21 =	sshll.u32 s7, $0x1;
	s4 =	sadd.s32 s5, s19  }
0x9d: {  	s8 =	simm.s32 $0x0;
	s20 =	sshll.u32 s6, $0x1;
	s6 =	sadd.s32 s21, s4  }
0x9e: {  	[timem:s8], [sflag:s22] =	dma.local [hbm:s6], s20  }
0x9f: {  	_ =	swait.ge [sflag:s22], s20  }
0xa0: {  	s5 =	ssub.s32 $0x0, s20;
	[sflag:s22] =	ssyncset.done $0x0  }
0xa1: {  	[sflag:s22] =	ssyncadd.s32 s5;
	_ =	sdelay $0x1  }
0xa2: {  	s23 =	simm.s32 $0x1B8B  }
0xa3: {  	_ =	swait.ge [sflag:s23], $0x1  }
0xa4: {  	[sflag:s23] =	ssyncset.done $0x0  }
0xa5: {  	s25 =	simm.s32 $0x1B8E;
	s24 =	sld [smem:$0x3FFE];
	[sflag:s23] =	ssyncadd.s32 $0xFFFFFFFF  }
0xa6: {  	s26 =	simm.s32 $execute0_lowered;
	[smem:$0x3FD2] =	sst s25  }
0xa7: {  	s6 =	sshll.u32 s26, $0x1;
	_ =	strace $0x80000046;
	[dreg:$0x1] =	wrdreg $0xFFFFFFFF  }
0xa8: {  	s28 =	simm.s32 $_size_execute0_lowered;
	s4 =	sadd.s32 s4, s6;
	[dreg:$0x0] =	wrdreg $0x0  }
0xa9: {  	s6 =	sshll.u32 s28, $0x1;
	[dreg:$0x2] =	wrdreg s4  }
0xaa: {  	[dreg:$0x3] =	wrdreg s6  }
0xab: {  	[dreg:$0x4] =	wrdreg $0xC0  }
0xac: {  	_ =	task [dreg:s8], $0x5FFFF  }
0xad: {  	[dreg:$0x1] =	wrdreg $0xFFFFFFFF  }
0xae: {  	[dreg:$0x0] =	wrdreg $0x60  }
0xaf: {  	[dreg:$0x2] =	wrdreg s18  }
0xb0: {  	[dreg:$0x3] =	wrdreg s2  }
0xb1: {  	[dreg:$0x4] =	wrdreg s24  }
0xb2: {  	[dreg:$0x5] =	wrdreg $0x9  }
0xb3: {  	_ =	task.clear_ibuf [dreg:s8], $0x6FFFF;
	_ =	strace $0x90000046  }
0xb4: {  	s29 =	simm.s32 $0x9;
	_ =	strace $0x80000048  }
0xb5: {  	_ =	swait.ge [sflag:s29], $0x1  }
0xb6: {  	[sflag:s29] =	ssyncadd.s32 $0xFFFFFFFF  }
0xb7: {  	_ =	strace $0x90000048  }
0xb8: {  	_ =	sfence  }
0xb9: {  	s30 =	sld [smem:$0x0];
	_ =	sdelay $0x2  }
0xba: {  	s31 =	sshll.u32 s1, $0xD;
	s1 =	sshrl.u32 s1, $0x2  }
0xbb: {  	s3 =	sand.u32 $0x4000, s31;
	s1 =	sadd.s32 s1, s30  }
0xbc: {  	s0 =	sor.u32 s3, s0;
	s1 =	sshll.u32 s1, $0x11  }
0xbd: {  	s0 =	sor.u32 s1, s0  }
0xbe: {  	s0 =	sadd.s32 $0x8F2B, s0  }
0xbf: {  	[sflag:s0] =	ssyncadd.remote.s32 $0x1  }
0xc0: {  	_ =	sfence.sel $0xFFFF  }
0xc1: {  	[dreg:$0x0] =	wrdreg $0xFFFFFFFF;
	(pc) =	sbr.abs _section_cstart, $3  }
0xc2: {  	[dreg:$0x1] =	wrdreg $0xFFFFFFFF  }
0xc3: {  	_ =	task.clear_ibuf [dreg:s8], $0x2FFFF;
	_ =	strace $0x9FFFFFFF  }
0xc4: {  	(tm) =	ssettm $0x7FFFFFFF  }
0xc5: {  	_ =	shalt  }
tec
execute0_lowered:
.L_overlay_start_1:
0x0: {  	(tag) =	ssettag $0x1  }
0x1: {  	s0 =	rddreg [dreg:$0x0]  }
0x2: {  	s2 =	rddreg [dreg:$0x1]  }
0x3: {  	s1 =	rddreg [dreg:$0x2];
	s3 =	srdreg.scid  }
0x4: {  	s10 =	stileid.u32;
	s4 =	sand.u32 $0x1, s3;
	s3 =	simm.s32 $0x0  }
0x5: {  	s5 =	sshll.u32 s10, $0xA;
	s1 =	sadd.s32 $0x400, s1;
	s6 =	sshll.u32 s4, $0x9  }
0x6: {  	s22 =	smul.u32 $0xE0000, s10;
	s26 =	ssub.s32 $0x2, s4;
	s5 =	sor.u32 s6, s5  }
0x7: {  	[smem:$0x7FF] =	sst s3;
	s8 =	sshrl.u32 s26, $0x1;
	s7 =	smul.u32 $0x1C00, s5  }
0x8: {  	s9 =	smul.u32 $0x380, s5;
	s11 =	sshll.u32 s5, $0x4;
	s5 =	sor.u32 $0x100, s5  }
0x9: {  	s6 =	ssub.s32 s26, s8;
	s8 =	sadd.s32 s0, s11;
	s18 =	sshll.u32 s5, $0x4  }
0xa: {  	_ =	strace $0x80000047;
	[dreg:$0x4] =	wrdreg s8;
	s0 =	sadd.s32 s0, s18  }
0xb: {  	s5 =	smul.u32 $0x380, s5;
	s18 =	smax.u32 s6, $0x1;
	[dreg:$0xe] =	wrdreg s0  }
0xc: {  	s7 =	sshrl.u32 s7, $0x3;
	s9 =	sadd.s32 s1, s9;
	[dreg:$0x1f] =	wrdreg s18  }
0xd: {  	s7 =	sadd.s32 s1, s7;
	s20 =	sadd.s32 s1, s5;
	[dreg:$0x5] =	wrdreg s9  }
0xe: {  	s0 =	sadd.s32 s22, s1;
	s22 =	sadd.s32 $0xA80, s9;
	[dreg:$0xf] =	wrdreg s20  }
0xf: {  	s12 =	sadd.s32 $0x36400, s7;
	[smem:$0x7F9] =	sst s22  }
0x10: {  	s13 =	sadd.s32 $0x36780, s7;
	[dreg:$0x6] =	wrdreg s12  }
0x11: {  	s14 =	sadd.s32 $0x36B00, s7;
	[dreg:$0x7] =	wrdreg s13  }
0x12: {  	s15 =	sadd.s32 $0x36E80, s7;
	[dreg:$0x8] =	wrdreg s14  }
0x13: {  	s16 =	sadd.s32 $0x37200, s7;
	[dreg:$0x9] =	wrdreg s15  }
0x14: {  	s17 =	sadd.s32 $0x37580, s7;
	[dreg:$0xa] =	wrdreg s16  }
0x15: {  	s11 =	sadd.s32 $0x37900, s7;
	[dreg:$0xb] =	wrdreg s17  }
0x16: {  	s19 =	sadd.s32 $0x37C80, s7;
	[dreg:$0xc] =	wrdreg s11  }
0x17: {  	s21 =	sadd.s32 $0x38380, s7;
	[dreg:$0xd] =	wrdreg s19  }
0x18: {  	s23 =	sadd.s32 $0x38700, s7;
	[dreg:$0x10] =	wrdreg s21  }
0x19: {  	s24 =	sadd.s32 $0x38A80, s7;
	[dreg:$0x11] =	wrdreg s23  }
0x1a: {  	s25 =	sadd.s32 $0x38E00, s7;
	[dreg:$0x12] =	wrdreg s24  }
0x1b: {  	s26 =	sadd.s32 $0x39180, s7;
	[dreg:$0x13] =	wrdreg s25  }
0x1c: {  	s5 =	sadd.s32 $0x39500, s7;
	[dreg:$0x14] =	wrdreg s26  }
0x1d: {  	s8 =	sadd.s32 $0x39880, s7;
	[dreg:$0x15] =	wrdreg s5  }
0x1e: {  	s10 =	sadd.s32 $0x6E400, s7;
	[dreg:$0x16] =	wrdreg s8  }
0x1f: {  	s20 =	sadd.s32 $0x380, s9;
	[dreg:$0x17] =	wrdreg s10  }
0x20: {  	s28 =	simm.s32 $0x12800;
	s11 =	sadd.s32 $0x6E780, s7;
	[smem:$0x7F7] =	sst s20  }
0x21: {  	s29 =	simm.s32 $0x1;
	s12 =	sadd.s32 $0x6EB00, s7;
	[dreg:$0x18] =	wrdreg s11  }
0x22: {  	s31 =	simm.s32 $0x14400;
	s13 =	sadd.s32 $0x6EE80, s7;
	[dreg:$0x19] =	wrdreg s12  }
0x23: {  	s30 =	simm.s32 $0xF;
	s14 =	sadd.s32 $0x6F200, s7;
	[dreg:$0x1a] =	wrdreg s13  }
0x24: {  	s4 =	smul.u32 $0x70000, s4;
	s15 =	sadd.s32 $0x6F580, s7;
	[dreg:$0x1b] =	wrdreg s14  }
0x25: {  	s6 =	simm.s32 $0x3;
	s16 =	sadd.s32 $0x6F900, s7;
	[dreg:$0x1c] =	wrdreg s15  }
0x26: {  	s0 =	sadd.s32 s4, s0;
	s17 =	sadd.s32 $0x6FC80, s7;
	[dreg:$0x1d] =	wrdreg s16  }
0x27: {  	s18 =	simm.s32 $0x7;
	s19 =	sadd.s32 $0x1C00, s0;
	[dreg:$0x1e] =	wrdreg s17  }
0x28: {  	s22 =	simm.s32 $0x10;
	s0 =	sadd.s32 $0x39C00, s0;
	[smem:$0x7F5] =	sst s19  }
0x29: {  	s4 =	simm.s32 $0x0;
	s21 =	sadd.s32 $0x700, s9;
	[smem:$0x7F6] =	sst s0  }
0x2a: {  	s23 =	sadd.s32 $0xE00, s9;
	s24 =	sadd.s32 $0x1180, s9;
	[smem:$0x7F8] =	sst s21  }
0x2b: {  	s25 =	sadd.s32 $0x1500, s9;
	s26 =	sadd.s32 $0x1880, s9;
	[smem:$0x7FA] =	sst s23  }
0x2c: {  	s7 =	simm.s32 $0xA;
	s8 =	simm.s32 $0x4;
	[smem:$0x7FB] =	sst s24  }
0x2d: {  	s9 =	simm.s32 $0xB;
	s10 =	simm.s32 $0x5;
	[smem:$0x7FC] =	sst s25  }
0x2e: {  	s20 =	simm.s32 $0xE;
	[smem:$0x7FD] =	sst s26;
	s14 =	simm.s32 $0x32  }
0x2f: {  	s15 =	simm.s32 $0x8000;
	s17 =	simm.s32 $0x9C00;
	s19 =	simm.s32 $0xB800  }
0x30: {  	s21 =	simm.s32 $0xD400;
	s23 =	simm.s32 $0xF000;
	s25 =	simm.s32 $0x10C00  }
0x31: {  	s0 =	simm.s32 $0x2;
	s16 =	simm.s32 $0x9;
	s11 =	simm.s32 $0xC  }
0x32: {  	s12 =	simm.s32 $0x6;
	s26 =	simm.s32 $0xD;
	s24 =	simm.s32 $0x8  }
.LBB2_1:
0x33: {  	[smem:$0x7F4] =	sst s4  }
0x34: {  	s1 =	rddreg [dreg:$0x4];
	s4 =	simm.s32 $0x11  }
0x35: {  	[tilespmem:s3], [sflag:$0x11] =	stream.linear.gather [hbm4b:s1+s3], $0x8000, $0x38;
	[tilespmem:$0x16000] =	vst v63  }
0x36: {  	_ =	swait.ge [sflag:s4], $0x8000  }
0x37: {  	[sflag:s4] =	ssyncset.done $0x0  }
0x38: {  	[sflag:s4] =	ssyncadd.s32 $0xFFFF8000  }
0x39: {  	[tilespmem:s15], [sflag:$0x1] =	stream.indirect.gather [hbm4b:s2+s14], $0x80, s3, s14, $0xb8;
	[tilespmem:$0x16000] =	vst v63  }
0x3a: {  	s5 =	simm.s32 $0x80  }
0x3b: {  	[tilespmem:s17], [sflag:$0x2] =	stream.indirect.gather [hbm4b:s2+s14], $0x80, s5, s14, $0xb8;
	[tilespmem:$0x16000] =	vst v63  }
0x3c: {  	s13 =	simm.s32 $0x100  }
0x3d: {  	[tilespmem:s19], [sflag:$0x3] =	stream.indirect.gather [hbm4b:s2+s14], $0x80, s13, s14, $0xb8;
	[tilespmem:$0x16000] =	vst v63  }
0x3e: {  	s4 =	simm.s32 $0x180  }
0x3f: {  	[tilespmem:s21], [sflag:$0x4] =	stream.indirect.gather [hbm4b:s2+s14], $0x80, s4, s14, $0xb8;
	[tilespmem:$0x16000] =	vst v63  }
0x40: {  	s5 =	simm.s32 $0x200  }
0x41: {  	[tilespmem:s23], [sflag:$0x5] =	stream.indirect.gather [hbm4b:s2+s14], $0x80, s5, s14, $0xb8;
	[tilespmem:$0x16000] =	vst v63  }
0x42: {  	s13 =	simm.s32 $0x280  }
0x43: {  	[tilespmem:s25], [sflag:$0x6] =	stream.indirect.gather [hbm4b:s2+s14], $0x80, s13, s14, $0xb8;
	[tilespmem:$0x16000] =	vst v63  }
0x44: {  	s4 =	simm.s32 $0x300  }
0x45: {  	[tilespmem:s28], [sflag:$0x7] =	stream.indirect.gather [hbm4b:s2+s14], $0x80, s4, s14, $0xb8;
	[tilespmem:$0x16000] =	vst v63  }
0x46: {  	_ =	swait.ge [sflag:s29], $0x1900  }
0x47: {  	[sflag:s29] =	ssyncset.done $0x0  }
0x48: {  	s5 =	rddreg [dreg:$0x5];
	[sflag:s29] =	ssyncadd.s32 $0xFFFFE700  }
0x49: {  	[hbm4b:s5+s3] =	stream.linear.scatter [tilespmem:s15], [sflag:$0x9], $0x1900, $0x38;
	[tilespmem:$0x16000] =	vst v63  }
0x4a: {  	s13 =	simm.s32 $0x380  }
0x4b: {  	[tilespmem:s31], [sflag:$0x8] =	stream.indirect.gather [hbm4b:s2+s14], $0x80, s13, s14, $0xb8;
	[tilespmem:$0x16000] =	vst v63  }
0x4c: {  	_ =	swait.ge [sflag:s0], $0x1900  }
0x4d: {  	s4 =	sld [smem:$0x7F7]  }
0x4e: {  	[sflag:s0] =	ssyncset.done $0x0  }
0x4f: {  	[sflag:s0] =	ssyncadd.s32 $0xFFFFE700  }
0x50: {  	[hbm4b:s4+s3] =	stream.linear.scatter [tilespmem:s17], [sflag:$0xA], $0x1900, $0x38;
	[tilespmem:$0x16000] =	vst v63  }
0x51: {  	_ =	swait.ge [sflag:s16], $0x1900  }
0x52: {  	[sflag:s16] =	ssyncset.done $0x0  }
0x53: {  	s5 =	simm.s32 $0x400;
	[sflag:s16] =	ssyncadd.s32 $0xFFFFE700  }
0x54: {  	[tilespmem:s15], [sflag:$0x1] =	stream.indirect.gather [hbm4b:s2+s14], $0x80, s5, s14, $0xb8;
	[tilespmem:$0x16000] =	vst v63  }
0x55: {  	_ =	swait.ge [sflag:s6], $0x1900  }
0x56: {  	s13 =	sld [smem:$0x7F8]  }
0x57: {  	[sflag:s6] =	ssyncset.done $0x0  }
0x58: {  	[sflag:s6] =	ssyncadd.s32 $0xFFFFE700  }
0x59: {  	[hbm4b:s13+s3] =	stream.linear.scatter [tilespmem:s19], [sflag:$0xB], $0x1900, $0x38;
	[tilespmem:$0x16000] =	vst v63  }
0x5a: {  	_ =	swait.ge [sflag:s7], $0x1900  }
0x5b: {  	[sflag:s7] =	ssyncset.done $0x0  }
0x5c: {  	s4 =	simm.s32 $0x480;
	[sflag:s7] =	ssyncadd.s32 $0xFFFFE700  }
0x5d: {  	[tilespmem:s17], [sflag:$0x2] =	stream.indirect.gather [hbm4b:s2+s14], $0x80, s4, s14, $0xb8;
	[tilespmem:$0x16000] =	vst v63  }
0x5e: {  	_ =	swait.ge [sflag:s8], $0x1900  }
0x5f: {  	s5 =	sld [smem:$0x7F9]  }
0x60: {  	[sflag:s8] =	ssyncset.done $0x0  }
0x61: {  	[sflag:s8] =	ssyncadd.s32 $0xFFFFE700  }
0x62: {  	[hbm4b:s5+s3] =	stream.linear.scatter [tilespmem:s21], [sflag:$0xC], $0x1900, $0x38;
	[tilespmem:$0x16000] =	vst v63  }
0x63: {  	_ =	swait.ge [sflag:s9], $0x1900  }
0x64: {  	[sflag:s9] =	ssyncset.done $0x0  }
0x65: {  	s13 =	simm.s32 $0x500;
	[sflag:s9] =	ssyncadd.s32 $0xFFFFE700  }
0x66: {  	[tilespmem:s19], [sflag:$0x3] =	stream.indirect.gather [hbm4b:s2+s14], $0x80, s13, s14, $0xb8;
	[tilespmem:$0x16000] =	vst v63  }
0x67: {  	_ =	swait.ge [sflag:s10], $0x1900  }
0x68: {  	s4 =	sld [smem:$0x7FA]  }
0x69: {  	[sflag:s10] =	ssyncset.done $0x0  }
0x6a: {  	[sflag:s10] =	ssyncadd.s32 $0xFFFFE700  }
0x6b: {  	[hbm4b:s4+s3] =	stream.linear.scatter [tilespmem:s23], [sflag:$0xD], $0x1900, $0x38;
	[tilespmem:$0x16000] =	vst v63  }
0x6c: {  	_ =	swait.ge [sflag:s11], $0x1900  }
0x6d: {  	[sflag:s11] =	ssyncset.done $0x0  }
0x6e: {  	s5 =	simm.s32 $0x580;
	[sflag:s11] =	ssyncadd.s32 $0xFFFFE700  }
0x6f: {  	[tilespmem:s21], [sflag:$0x4] =	stream.indirect.gather [hbm4b:s2+s14], $0x80, s5, s14, $0xb8;
	[tilespmem:$0x16000] =	vst v63  }
0x70: {  	_ =	swait.ge [sflag:s12], $0x1900  }
0x71: {  	s13 =	sld [smem:$0x7FB]  }
0x72: {  	[sflag:s12] =	ssyncset.done $0x0  }
0x73: {  	[sflag:s12] =	ssyncadd.s32 $0xFFFFE700  }
0x74: {  	[hbm4b:s13+s3] =	stream.linear.scatter [tilespmem:s25], [sflag:$0xE], $0x1900, $0x38;
	[tilespmem:$0x16000] =	vst v63  }
0x75: {  	_ =	swait.ge [sflag:s26], $0x1900  }
0x76: {  	[sflag:s26] =	ssyncset.done $0x0  }
0x77: {  	s4 =	simm.s32 $0x600;
	[sflag:s26] =	ssyncadd.s32 $0xFFFFE700  }
0x78: {  	[tilespmem:s23], [sflag:$0x5] =	stream.indirect.gather [hbm4b:s2+s14], $0x80, s4, s14, $0xb8;
	[tilespmem:$0x16000] =	vst v63  }
0x79: {  	_ =	swait.ge [sflag:s18], $0x1900  }
0x7a: {  	s5 =	sld [smem:$0x7FC]  }
0x7b: {  	[sflag:s18] =	ssyncset.done $0x0  }
0x7c: {  	[sflag:s18] =	ssyncadd.s32 $0xFFFFE700  }
0x7d: {  	[hbm4b:s5+s3] =	stream.linear.scatter [tilespmem:s28], [sflag:$0xF], $0x1900, $0x38;
	[tilespmem:$0x16000] =	vst v63  }
0x7e: {  	_ =	swait.ge [sflag:s20], $0x1900  }
0x7f: {  	[sflag:s20] =	ssyncset.done $0x0  }
0x80: {  	s13 =	simm.s32 $0x680;
	[sflag:s20] =	ssyncadd.s32 $0xFFFFE700  }
0x81: {  	[tilespmem:s25], [sflag:$0x6] =	stream.indirect.gather [hbm4b:s2+s14], $0x80, s13, s14, $0xb8;
	[tilespmem:$0x16000] =	vst v63  }
0x82: {  	_ =	swait.ge [sflag:s24], $0x1900  }
0x83: {  	s4 =	sld [smem:$0x7FD]  }
0x84: {  	[sflag:s24] =	ssyncset.done $0x0  }
0x85: {  	[sflag:s24] =	ssyncadd.s32 $0xFFFFE700  }
0x86: {  	[hbm4b:s4+s3] =	stream.linear.scatter [tilespmem:s31], [sflag:$0x10], $0x1900, $0x38;
	[tilespmem:$0x16000] =	vst v63  }
0x87: {  	_ =	swait.ge [sflag:s30], $0x1900  }
0x88: {  	[sflag:s30] =	ssyncset.done $0x0  }
0x89: {  	s5 =	simm.s32 $0x700;
	[sflag:s30] =	ssyncadd.s32 $0xFFFFE700  }
0x8a: {  	[tilespmem:s28], [sflag:$0x7] =	stream.indirect.gather [hbm4b:s2+s14], $0x80, s5, s14, $0xb8;
	[tilespmem:$0x16000] =	vst v63  }
0x8b: {  	_ =	swait.ge [sflag:s29], $0x1900  }
0x8c: {  	s4 =	sld [smem:$0x7F5]  }
0x8d: {  	[sflag:s29] =	ssyncset.done $0x0  }
0x8e: {  	[sflag:s29] =	ssyncadd.s32 $0xFFFFE700  }
0x8f: {  	[hbm4b:s4+s3] =	stream.linear.scatter [tilespmem:s15], [sflag:$0x9], $0x1900, $0x38;
	[tilespmem:$0x16000] =	vst v63  }
0x90: {  	_ =	swait.ge [sflag:s22], $0x1900  }
0x91: {  	[sflag:s22] =	ssyncset.done $0x0  }
0x92: {  	s13 =	simm.s32 $0x780;
	[sflag:s22] =	ssyncadd.s32 $0xFFFFE700  }
0x93: {  	[tilespmem:s31], [sflag:$0x8] =	stream.indirect.gather [hbm4b:s2+s14], $0x80, s13, s14, $0xb8;
	[tilespmem:$0x16000] =	vst v63  }
0x94: {  	_ =	swait.ge [sflag:s0], $0x1900  }
0x95: {  	[sflag:s0] =	ssyncset.done $0x0  }
0x96: {  	s5 =	sadd.s32 $0x380, s4;
	[sflag:s0] =	ssyncadd.s32 $0xFFFFE700  }
0x97: {  	[hbm4b:s5+s3] =	stream.linear.scatter [tilespmem:s17], [sflag:$0xA], $0x1900, $0x38;
	[tilespmem:$0x16000] =	vst v63  }
0x98: {  	_ =	swait.ge [sflag:s16], $0x1900  }
0x99: {  	[sflag:s16] =	ssyncset.done $0x0  }
0x9a: {  	s13 =	simm.s32 $0x800;
	[sflag:s16] =	ssyncadd.s32 $0xFFFFE700  }
0x9b: {  	[tilespmem:s15], [sflag:$0x1] =	stream.indirect.gather [hbm4b:s2+s14], $0x80, s13, s14, $0xb8;
	[tilespmem:$0x16000] =	vst v63  }
0x9c: {  	_ =	swait.ge [sflag:s6], $0x1900  }
0x9d: {  	[sflag:s6] =	ssyncset.done $0x0  }
0x9e: {  	s5 =	sadd.s32 $0x700, s4;
	[sflag:s6] =	ssyncadd.s32 $0xFFFFE700  }
0x9f: {  	[hbm4b:s5+s3] =	stream.linear.scatter [tilespmem:s19], [sflag:$0xB], $0x1900, $0x38;
	[tilespmem:$0x16000] =	vst v63  }
0xa0: {  	_ =	swait.ge [sflag:s7], $0x1900  }
0xa1: {  	[sflag:s7] =	ssyncset.done $0x0  }
0xa2: {  	s13 =	simm.s32 $0x880;
	[sflag:s7] =	ssyncadd.s32 $0xFFFFE700  }
0xa3: {  	[tilespmem:s17], [sflag:$0x2] =	stream.indirect.gather [hbm4b:s2+s14], $0x80, s13, s14, $0xb8;
	[tilespmem:$0x16000] =	vst v63  }
0xa4: {  	_ =	swait.ge [sflag:s8], $0x1900  }
0xa5: {  	[sflag:s8] =	ssyncset.done $0x0  }
0xa6: {  	s5 =	sadd.s32 $0xA80, s4;
	[sflag:s8] =	ssyncadd.s32 $0xFFFFE700  }
0xa7: {  	[hbm4b:s5+s3] =	stream.linear.scatter [tilespmem:s21], [sflag:$0xC], $0x1900, $0x38;
	[tilespmem:$0x16000] =	vst v63  }
0xa8: {  	_ =	swait.ge [sflag:s9], $0x1900  }
0xa9: {  	[sflag:s9] =	ssyncset.done $0x0  }
0xaa: {  	s13 =	simm.s32 $0x900;
	[sflag:s9] =	ssyncadd.s32 $0xFFFFE700  }
0xab: {  	[tilespmem:s19], [sflag:$0x3] =	stream.indirect.gather [hbm4b:s2+s14], $0x80, s13, s14, $0xb8;
	[tilespmem:$0x16000] =	vst v63  }
0xac: {  	_ =	swait.ge [sflag:s10], $0x1900  }
0xad: {  	[sflag:s10] =	ssyncset.done $0x0  }
0xae: {  	s5 =	sadd.s32 $0xE00, s4;
	[sflag:s10] =	ssyncadd.s32 $0xFFFFE700  }
0xaf: {  	[hbm4b:s5+s3] =	stream.linear.scatter [tilespmem:s23], [sflag:$0xD], $0x1900, $0x38;
	[tilespmem:$0x16000] =	vst v63  }
0xb0: {  	_ =	swait.ge [sflag:s11], $0x1900  }
0xb1: {  	[sflag:s11] =	ssyncset.done $0x0  }
0xb2: {  	s13 =	simm.s32 $0x980;
	[sflag:s11] =	ssyncadd.s32 $0xFFFFE700  }
0xb3: {  	[tilespmem:s21], [sflag:$0x4] =	stream.indirect.gather [hbm4b:s2+s14], $0x80, s13, s14, $0xb8;
	[tilespmem:$0x16000] =	vst v63  }
0xb4: {  	_ =	swait.ge [sflag:s12], $0x1900  }
0xb5: {  	[sflag:s12] =	ssyncset.done $0x0  }
0xb6: {  	s5 =	sadd.s32 $0x1180, s4;
	[sflag:s12] =	ssyncadd.s32 $0xFFFFE700  }
0xb7: {  	[hbm4b:s5+s3] =	stream.linear.scatter [tilespmem:s25], [sflag:$0xE], $0x1900, $0x38;
	[tilespmem:$0x16000] =	vst v63  }
0xb8: {  	_ =	swait.ge [sflag:s26], $0x1900  }
0xb9: {  	[sflag:s26] =	ssyncset.done $0x0  }
0xba: {  	s13 =	simm.s32 $0xA00;
	[sflag:s26] =	ssyncadd.s32 $0xFFFFE700  }
0xbb: {  	[tilespmem:s23], [sflag:$0x5] =	stream.indirect.gather [hbm4b:s2+s14], $0x80, s13, s14, $0xb8;
	[tilespmem:$0x16000] =	vst v63  }
0xbc: {  	_ =	swait.ge [sflag:s18], $0x1900  }
0xbd: {  	[sflag:s18] =	ssyncset.done $0x0  }
0xbe: {  	s5 =	sadd.s32 $0x1500, s4;
	[sflag:s18] =	ssyncadd.s32 $0xFFFFE700  }
0xbf: {  	[hbm4b:s5+s3] =	stream.linear.scatter [tilespmem:s28], [sflag:$0xF], $0x1900, $0x38;
	[tilespmem:$0x16000] =	vst v63  }
0xc0: {  	_ =	swait.ge [sflag:s20], $0x1900  }
0xc1: {  	[sflag:s20] =	ssyncset.done $0x0  }
0xc2: {  	s13 =	simm.s32 $0xA80;
	[sflag:s20] =	ssyncadd.s32 $0xFFFFE700  }
0xc3: {  	[tilespmem:s25], [sflag:$0x6] =	stream.indirect.gather [hbm4b:s2+s14], $0x80, s13, s14, $0xb8;
	[tilespmem:$0x16000] =	vst v63  }
0xc4: {  	_ =	swait.ge [sflag:s24], $0x1900  }
0xc5: {  	s1 =	sadd.s32 $0x1880, s4;
	[sflag:s24] =	ssyncset.done $0x0  }
0xc6: {  	s5 =	sadd.s32 $0x1C00, s4;
	s13 =	simm.s32 $0x1000;
	[sflag:s24] =	ssyncadd.s32 $0xFFFFE700  }
.LBB2_2:
0xc7: {  	[hbm4b:s1+s3] =	stream.linear.scatter [tilespmem:s31], [sflag:$0x10], $0x1900, $0x38;
	[tilespmem:$0x16000] =	vst v63  }
0xc8: {  	s1 =	smov.u32 s13  }
0xc9: {  	p0 =	sne.s32 s13, $0x1D000;
	s13 =	sadd.s32 $0x1000, s13;
	_ =	swait.ge [sflag:s30], $0x1900  }
0xca: {  	s1 =	sshra.s32 s1, $0x2;
	[sflag:s30] =	ssyncset.done $0x0  }
0xcb: {  	s4 =	sadd.s32 $0x700, s1;
	[sflag:s30] =	ssyncadd.s32 $0xFFFFE700  }
0xcc: {  	[tilespmem:s28], [sflag:$0x7] =	stream.indirect.gather [hbm4b:s2+s14], $0x80, s4, s14, $0xb8;
	[tilespmem:$0x16000] =	vst v63  }
0xcd: {  	_ =	swait.ge [sflag:s29], $0x1900  }
0xce: {  	[sflag:s29] =	ssyncset.done $0x0  }
0xcf: {  	[sflag:s29] =	ssyncadd.s32 $0xFFFFE700  }
0xd0: {  	[hbm4b:s5+s3] =	stream.linear.scatter [tilespmem:s15], [sflag:$0x9], $0x1900, $0x38;
	[tilespmem:$0x16000] =	vst v63  }
0xd1: {  	_ =	swait.ge [sflag:s22], $0x1900  }
0xd2: {  	[sflag:s22] =	ssyncset.done $0x0  }
0xd3: {  	s4 =	sadd.s32 $0x780, s1;
	[sflag:s22] =	ssyncadd.s32 $0xFFFFE700  }
0xd4: {  	[tilespmem:s31], [sflag:$0x8] =	stream.indirect.gather [hbm4b:s2+s14], $0x80, s4, s14, $0xb8;
	[tilespmem:$0x16000] =	vst v63  }
0xd5: {  	_ =	swait.ge [sflag:s0], $0x1900  }
0xd6: {  	[sflag:s0] =	ssyncset.done $0x0  }
0xd7: {  	s4 =	sadd.s32 $0x380, s5;
	[sflag:s0] =	ssyncadd.s32 $0xFFFFE700  }
0xd8: {  	[hbm4b:s4+s3] =	stream.linear.scatter [tilespmem:s17], [sflag:$0xA], $0x1900, $0x38;
	[tilespmem:$0x16000] =	vst v63  }
0xd9: {  	_ =	swait.ge [sflag:s16], $0x1900  }
0xda: {  	[sflag:s16] =	ssyncset.done $0x0  }
0xdb: {  	s4 =	sadd.s32 $0x800, s1;
	[sflag:s16] =	ssyncadd.s32 $0xFFFFE700  }
0xdc: {  	[tilespmem:s15], [sflag:$0x1] =	stream.indirect.gather [hbm4b:s2+s14], $0x80, s4, s14, $0xb8;
	[tilespmem:$0x16000] =	vst v63  }
0xdd: {  	_ =	swait.ge [sflag:s6], $0x1900  }
0xde: {  	[sflag:s6] =	ssyncset.done $0x0  }
0xdf: {  	s4 =	sadd.s32 $0x700, s5;
	[sflag:s6] =	ssyncadd.s32 $0xFFFFE700  }
0xe0: {  	[hbm4b:s4+s3] =	stream.linear.scatter [tilespmem:s19], [sflag:$0xB], $0x1900, $0x38;
	[tilespmem:$0x16000] =	vst v63  }
0xe1: {  	_ =	swait.ge [sflag:s7], $0x1900  }
0xe2: {  	[sflag:s7] =	ssyncset.done $0x0  }
0xe3: {  	s4 =	sadd.s32 $0x880, s1;
	[sflag:s7] =	ssyncadd.s32 $0xFFFFE700  }
0xe4: {  	[tilespmem:s17], [sflag:$0x2] =	stream.indirect.gather [hbm4b:s2+s14], $0x80, s4, s14, $0xb8;
	[tilespmem:$0x16000] =	vst v63  }
0xe5: {  	_ =	swait.ge [sflag:s8], $0x1900  }
0xe6: {  	[sflag:s8] =	ssyncset.done $0x0  }
0xe7: {  	s4 =	sadd.s32 $0xA80, s5;
	[sflag:s8] =	ssyncadd.s32 $0xFFFFE700  }
0xe8: {  	[hbm4b:s4+s3] =	stream.linear.scatter [tilespmem:s21], [sflag:$0xC], $0x1900, $0x38;
	[tilespmem:$0x16000] =	vst v63  }
0xe9: {  	_ =	swait.ge [sflag:s9], $0x1900  }
0xea: {  	[sflag:s9] =	ssyncset.done $0x0  }
0xeb: {  	s4 =	sadd.s32 $0x900, s1;
	[sflag:s9] =	ssyncadd.s32 $0xFFFFE700  }
0xec: {  	[tilespmem:s19], [sflag:$0x3] =	stream.indirect.gather [hbm4b:s2+s14], $0x80, s4, s14, $0xb8;
	[tilespmem:$0x16000] =	vst v63  }
0xed: {  	_ =	swait.ge [sflag:s10], $0x1900  }
0xee: {  	[sflag:s10] =	ssyncset.done $0x0  }
0xef: {  	s4 =	sadd.s32 $0xE00, s5;
	[sflag:s10] =	ssyncadd.s32 $0xFFFFE700  }
0xf0: {  	[hbm4b:s4+s3] =	stream.linear.scatter [tilespmem:s23], [sflag:$0xD], $0x1900, $0x38;
	[tilespmem:$0x16000] =	vst v63  }
0xf1: {  	_ =	swait.ge [sflag:s11], $0x1900  }
0xf2: {  	[sflag:s11] =	ssyncset.done $0x0  }
0xf3: {  	s4 =	sadd.s32 $0x980, s1;
	[sflag:s11] =	ssyncadd.s32 $0xFFFFE700  }
0xf4: {  	[tilespmem:s21], [sflag:$0x4] =	stream.indirect.gather [hbm4b:s2+s14], $0x80, s4, s14, $0xb8;
	[tilespmem:$0x16000] =	vst v63  }
0xf5: {  	_ =	swait.ge [sflag:s12], $0x1900  }
0xf6: {  	[sflag:s12] =	ssyncset.done $0x0  }
0xf7: {  	s4 =	sadd.s32 $0x1180, s5;
	[sflag:s12] =	ssyncadd.s32 $0xFFFFE700  }
0xf8: {  	[hbm4b:s4+s3] =	stream.linear.scatter [tilespmem:s25], [sflag:$0xE], $0x1900, $0x38;
	[tilespmem:$0x16000] =	vst v63  }
0xf9: {  	_ =	swait.ge [sflag:s26], $0x1900  }
0xfa: {  	[sflag:s26] =	ssyncset.done $0x0  }
0xfb: {  	s4 =	sadd.s32 $0xA00, s1;
	[sflag:s26] =	ssyncadd.s32 $0xFFFFE700  }
0xfc: {  	[tilespmem:s23], [sflag:$0x5] =	stream.indirect.gather [hbm4b:s2+s14], $0x80, s4, s14, $0xb8;
	[tilespmem:$0x16000] =	vst v63  }
0xfd: {  	_ =	swait.ge [sflag:s18], $0x1900  }
0xfe: {  	[sflag:s18] =	ssyncset.done $0x0  }
0xff: {  	s4 =	sadd.s32 $0x1500, s5;
	[sflag:s18] =	ssyncadd.s32 $0xFFFFE700  }
0x100: {  	[hbm4b:s4+s3] =	stream.linear.scatter [tilespmem:s28], [sflag:$0xF], $0x1900, $0x38;
	[tilespmem:$0x16000] =	vst v63  }
0x101: {  	_ =	swait.ge [sflag:s20], $0x1900  }
0x102: {  	[sflag:s20] =	ssyncset.done $0x0  }
.Ltmp0:
0x103: {  	s1 =	sadd.s32 $0xA80, s1;
	[sflag:s20] =	ssyncadd.s32 $0xFFFFE700;
	(pc) =	sbr.rel @p0 .LBB2_2-.Ltmp0, $4  }
0x104: {  	[tilespmem:s25], [sflag:$0x6] =	stream.indirect.gather [hbm4b:s2+s14], $0x80, s1, s14, $0xb8;
	[tilespmem:$0x16000] =	vst v63  }
0x105: {  	_ =	swait.ge [sflag:s24], $0x1900  }
0x106: {  	[sflag:s24] =	ssyncset.done $0x0  }
0x107: {  	s1 =	sadd.s32 $0x1880, s5;
	s5 =	sadd.s32 $0x1C00, s5;
	[sflag:s24] =	ssyncadd.s32 $0xFFFFE700  }
0x108: {  	[hbm4b:s1+s3] =	stream.linear.scatter [tilespmem:s31], [sflag:$0x10], $0x1900, $0x38;
	[tilespmem:$0x16000] =	vst v63  }
0x109: {  	_ =	swait.ge [sflag:s30], $0x1900  }
0x10a: {  	[sflag:s30] =	ssyncset.done $0x0  }
0x10b: {  	s5 =	simm.s32 $0x7F00;
	[sflag:s30] =	ssyncadd.s32 $0xFFFFE700  }
0x10c: {  	[tilespmem:s28], [sflag:$0x7] =	stream.indirect.gather [hbm4b:s2+s14], $0x80, s5, s14, $0xb8;
	[tilespmem:$0x16000] =	vst v63  }
0x10d: {  	_ =	swait.ge [sflag:s29], $0x1900  }
0x10e: {  	[sflag:s29] =	ssyncset.done $0x0  }
0x10f: {  	s1 =	simm.s32 $0x0;
	s4 =	rddreg [dreg:$0x6];
	[sflag:s29] =	ssyncadd.s32 $0xFFFFE700  }
0x110: {  	[hbm4b:s4+s1] =	stream.linear.scatter [tilespmem:s15], [sflag:$0x9], $0x1900, $0x38;
	[tilespmem:$0x16000] =	vst v63  }
0x111: {  	_ =	swait.ge [sflag:s22], $0x1900  }
0x112: {  	[sflag:s22] =	ssyncset.done $0x0  }
0x113: {  	s13 =	simm.s32 $0x7F80;
	[sflag:s22] =	ssyncadd.s32 $0xFFFFE700  }
0x114: {  	[tilespmem:s31], [sflag:$0x8] =	stream.indirect.gather [hbm4b:s2+s14], $0x80, s13, s14, $0xb8;
	[tilespmem:$0x16000] =	vst v63  }
0x115: {  	_ =	swait.ge [sflag:s0], $0x1900  }
0x116: {  	[sflag:s0] =	ssyncset.done $0x0  }
0x117: {  	s5 =	rddreg [dreg:$0x7];
	[sflag:s0] =	ssyncadd.s32 $0xFFFFE700  }
0x118: {  	[hbm4b:s5+s1] =	stream.linear.scatter [tilespmem:s17], [sflag:$0xA], $0x1900, $0x38;
	[tilespmem:$0x16000] =	vst v63  }
0x119: {  	_ =	swait.ge [sflag:s6], $0x1900  }
0x11a: {  	[sflag:s6] =	ssyncset.done $0x0  }
0x11b: {  	s13 =	rddreg [dreg:$0x8];
	[sflag:s6] =	ssyncadd.s32 $0xFFFFE700  }
0x11c: {  	[hbm4b:s13+s1] =	stream.linear.scatter [tilespmem:s19], [sflag:$0xB], $0x1900, $0x38;
	[tilespmem:$0x16000] =	vst v63  }
0x11d: {  	_ =	swait.ge [sflag:s8], $0x1900  }
0x11e: {  	[sflag:s8] =	ssyncset.done $0x0  }
0x11f: {  	s5 =	rddreg [dreg:$0x9];
	[sflag:s8] =	ssyncadd.s32 $0xFFFFE700  }
0x120: {  	[hbm4b:s5+s1] =	stream.linear.scatter [tilespmem:s21], [sflag:$0xC], $0x1900, $0x38;
	[tilespmem:$0x16000] =	vst v63  }
0x121: {  	_ =	swait.ge [sflag:s10], $0x1900  }
0x122: {  	[sflag:s10] =	ssyncset.done $0x0  }
0x123: {  	s13 =	rddreg [dreg:$0xa];
	[sflag:s10] =	ssyncadd.s32 $0xFFFFE700  }
0x124: {  	[hbm4b:s13+s1] =	stream.linear.scatter [tilespmem:s23], [sflag:$0xD], $0x1900, $0x38;
	[tilespmem:$0x16000] =	vst v63  }
0x125: {  	_ =	swait.ge [sflag:s12], $0x1900  }
0x126: {  	[sflag:s12] =	ssyncset.done $0x0  }
0x127: {  	s5 =	rddreg [dreg:$0xb];
	[sflag:s12] =	ssyncadd.s32 $0xFFFFE700  }
0x128: {  	[hbm4b:s5+s1] =	stream.linear.scatter [tilespmem:s25], [sflag:$0xE], $0x1900, $0x38;
	[tilespmem:$0x16000] =	vst v63  }
0x129: {  	_ =	swait.ge [sflag:s18], $0x1900  }
0x12a: {  	[sflag:s18] =	ssyncset.done $0x0  }
0x12b: {  	s13 =	rddreg [dreg:$0xc];
	[sflag:s18] =	ssyncadd.s32 $0xFFFFE700  }
0x12c: {  	[hbm4b:s13+s1] =	stream.linear.scatter [tilespmem:s28], [sflag:$0xF], $0x1900, $0x38;
	[tilespmem:$0x16000] =	vst v63  }
0x12d: {  	_ =	swait.ge [sflag:s24], $0x1900  }
0x12e: {  	[sflag:s24] =	ssyncset.done $0x0  }
0x12f: {  	s5 =	rddreg [dreg:$0xd];
	[sflag:s24] =	ssyncadd.s32 $0xFFFFE700  }
0x130: {  	[hbm4b:s5+s1] =	stream.linear.scatter [tilespmem:s31], [sflag:$0x10], $0x1900, $0x38;
	[tilespmem:$0x16000] =	vst v63  }
0x131: {  	_ =	swait.ge [sflag:s16], $0x1900  }
0x132: {  	[sflag:s16] =	ssyncset.done $0x0  }
0x133: {  	[sflag:s16] =	ssyncadd.s32 $0xFFFFE700  }
0x134: {  	_ =	swait.ge [sflag:s7], $0x1900  }
0x135: {  	[sflag:s7] =	ssyncset.done $0x0  }
0x136: {  	[sflag:s7] =	ssyncadd.s32 $0xFFFFE700  }
0x137: {  	_ =	swait.ge [sflag:s9], $0x1900  }
0x138: {  	[sflag:s9] =	ssyncset.done $0x0  }
0x139: {  	[sflag:s9] =	ssyncadd.s32 $0xFFFFE700  }
0x13a: {  	_ =	swait.ge [sflag:s11], $0x1900  }
0x13b: {  	[sflag:s11] =	ssyncset.done $0x0  }
0x13c: {  	[sflag:s11] =	ssyncadd.s32 $0xFFFFE700  }
0x13d: {  	_ =	swait.ge [sflag:s26], $0x1900  }
0x13e: {  	[sflag:s26] =	ssyncset.done $0x0  }
0x13f: {  	[sflag:s26] =	ssyncadd.s32 $0xFFFFE700  }
0x140: {  	_ =	swait.ge [sflag:s20], $0x1900  }
0x141: {  	[sflag:s20] =	ssyncset.done $0x0  }
0x142: {  	[sflag:s20] =	ssyncadd.s32 $0xFFFFE700  }
0x143: {  	_ =	swait.ge [sflag:s30], $0x1900  }
0x144: {  	[sflag:s30] =	ssyncset.done $0x0  }
0x145: {  	[sflag:s30] =	ssyncadd.s32 $0xFFFFE700  }
0x146: {  	_ =	swait.ge [sflag:s22], $0x1900  }
0x147: {  	[sflag:s22] =	ssyncset.done $0x0  }
0x148: {  	s5 =	simm.s32 $0x11;
	s13 =	rddreg [dreg:$0xe];
	[sflag:s22] =	ssyncadd.s32 $0xFFFFE700  }
0x149: {  	[tilespmem:s1], [sflag:$0x11] =	stream.linear.gather [hbm4b:s13+s1], $0x8000, $0x38;
	[tilespmem:$0x16000] =	vst v63  }
0x14a: {  	_ =	swait.ge [sflag:s5], $0x8000  }
0x14b: {  	[sflag:s5] =	ssyncset.done $0x0  }
0x14c: {  	[sflag:s5] =	ssyncadd.s32 $0xFFFF8000  }
0x14d: {  	[tilespmem:s15], [sflag:$0x1] =	stream.indirect.gather [hbm4b:s2+s14], $0x80, s1, s14, $0xb8;
	[tilespmem:$0x16000] =	vst v63  }
0x14e: {  	s13 =	simm.s32 $0x80  }
0x14f: {  	[tilespmem:s17], [sflag:$0x2] =	stream.indirect.gather [hbm4b:s2+s14], $0x80, s13, s14, $0xb8;
	[tilespmem:$0x16000] =	vst v63  }
0x150: {  	s5 =	simm.s32 $0x100  }
0x151: {  	[tilespmem:s19], [sflag:$0x3] =	stream.indirect.gather [hbm4b:s2+s14], $0x80, s5, s14, $0xb8;
	[tilespmem:$0x16000] =	vst v63  }
0x152: {  	s13 =	simm.s32 $0x180  }
0x153: {  	[tilespmem:s21], [sflag:$0x4] =	stream.indirect.gather [hbm4b:s2+s14], $0x80, s13, s14, $0xb8;
	[tilespmem:$0x16000] =	vst v63  }
0x154: {  	s5 =	simm.s32 $0x200  }
0x155: {  	[tilespmem:s23], [sflag:$0x5] =	stream.indirect.gather [hbm4b:s2+s14], $0x80, s5, s14, $0xb8;
	[tilespmem:$0x16000] =	vst v63  }
0x156: {  	s13 =	simm.s32 $0x280  }
0x157: {  	[tilespmem:s25], [sflag:$0x6] =	stream.indirect.gather [hbm4b:s2+s14], $0x80, s13, s14, $0xb8;
	[tilespmem:$0x16000] =	vst v63  }
0x158: {  	s5 =	simm.s32 $0x300  }
0x159: {  	[tilespmem:s28], [sflag:$0x7] =	stream.indirect.gather [hbm4b:s2+s14], $0x80, s5, s14, $0xb8;
	[tilespmem:$0x16000] =	vst v63  }
0x15a: {  	_ =	swait.ge [sflag:s29], $0x1900  }
0x15b: {  	[sflag:s29] =	ssyncset.done $0x0  }
0x15c: {  	s13 =	rddreg [dreg:$0xf];
	[sflag:s29] =	ssyncadd.s32 $0xFFFFE700  }
0x15d: {  	[hbm4b:s13+s1] =	stream.linear.scatter [tilespmem:s15], [sflag:$0x9], $0x1900, $0x38;
	[tilespmem:$0x16000] =	vst v63  }
0x15e: {  	s5 =	simm.s32 $0x380  }
0x15f: {  	[tilespmem:s31], [sflag:$0x8] =	stream.indirect.gather [hbm4b:s2+s14], $0x80, s5, s14, $0xb8;
	[tilespmem:$0x16000] =	vst v63  }
0x160: {  	_ =	swait.ge [sflag:s0], $0x1900  }
0x161: {  	[sflag:s0] =	ssyncset.done $0x0  }
0x162: {  	s13 =	rddreg [dreg:$0x10];
	[sflag:s0] =	ssyncadd.s32 $0xFFFFE700  }
0x163: {  	[hbm4b:s13+s1] =	stream.linear.scatter [tilespmem:s17], [sflag:$0xA], $0x1900, $0x38;
	[tilespmem:$0x16000] =	vst v63  }
0x164: {  	_ =	swait.ge [sflag:s16], $0x1900  }
0x165: {  	[sflag:s16] =	ssyncset.done $0x0  }
0x166: {  	s5 =	simm.s32 $0x400;
	[sflag:s16] =	ssyncadd.s32 $0xFFFFE700  }
0x167: {  	[tilespmem:s15], [sflag:$0x1] =	stream.indirect.gather [hbm4b:s2+s14], $0x80, s5, s14, $0xb8;
	[tilespmem:$0x16000] =	vst v63  }
0x168: {  	_ =	swait.ge [sflag:s6], $0x1900  }
0x169: {  	[sflag:s6] =	ssyncset.done $0x0  }
0x16a: {  	s13 =	rddreg [dreg:$0x11];
	[sflag:s6] =	ssyncadd.s32 $0xFFFFE700  }
0x16b: {  	[hbm4b:s13+s1] =	stream.linear.scatter [tilespmem:s19], [sflag:$0xB], $0x1900, $0x38;
	[tilespmem:$0x16000] =	vst v63  }
0x16c: {  	_ =	swait.ge [sflag:s7], $0x1900  }
0x16d: {  	[sflag:s7] =	ssyncset.done $0x0  }
0x16e: {  	s5 =	simm.s32 $0x480;
	[sflag:s7] =	ssyncadd.s32 $0xFFFFE700  }
0x16f: {  	[tilespmem:s17], [sflag:$0x2] =	stream.indirect.gather [hbm4b:s2+s14], $0x80, s5, s14, $0xb8;
	[tilespmem:$0x16000] =	vst v63  }
0x170: {  	_ =	swait.ge [sflag:s8], $0x1900  }
0x171: {  	[sflag:s8] =	ssyncset.done $0x0  }
0x172: {  	s13 =	rddreg [dreg:$0x12];
	[sflag:s8] =	ssyncadd.s32 $0xFFFFE700  }
0x173: {  	[hbm4b:s13+s1] =	stream.linear.scatter [tilespmem:s21], [sflag:$0xC], $0x1900, $0x38;
	[tilespmem:$0x16000] =	vst v63  }
0x174: {  	_ =	swait.ge [sflag:s9], $0x1900  }
0x175: {  	[sflag:s9] =	ssyncset.done $0x0  }
0x176: {  	s5 =	simm.s32 $0x500;
	[sflag:s9] =	ssyncadd.s32 $0xFFFFE700  }
0x177: {  	[tilespmem:s19], [sflag:$0x3] =	stream.indirect.gather [hbm4b:s2+s14], $0x80, s5, s14, $0xb8;
	[tilespmem:$0x16000] =	vst v63  }
0x178: {  	_ =	swait.ge [sflag:s10], $0x1900  }
0x179: {  	[sflag:s10] =	ssyncset.done $0x0  }
0x17a: {  	s13 =	rddreg [dreg:$0x13];
	[sflag:s10] =	ssyncadd.s32 $0xFFFFE700  }
0x17b: {  	[hbm4b:s13+s1] =	stream.linear.scatter [tilespmem:s23], [sflag:$0xD], $0x1900, $0x38;
	[tilespmem:$0x16000] =	vst v63  }
0x17c: {  	_ =	swait.ge [sflag:s11], $0x1900  }
0x17d: {  	[sflag:s11] =	ssyncset.done $0x0  }
0x17e: {  	s5 =	simm.s32 $0x580;
	[sflag:s11] =	ssyncadd.s32 $0xFFFFE700  }
0x17f: {  	[tilespmem:s21], [sflag:$0x4] =	stream.indirect.gather [hbm4b:s2+s14], $0x80, s5, s14, $0xb8;
	[tilespmem:$0x16000] =	vst v63  }
0x180: {  	_ =	swait.ge [sflag:s12], $0x1900  }
0x181: {  	[sflag:s12] =	ssyncset.done $0x0  }
0x182: {  	s13 =	rddreg [dreg:$0x14];
	[sflag:s12] =	ssyncadd.s32 $0xFFFFE700  }
0x183: {  	[hbm4b:s13+s1] =	stream.linear.scatter [tilespmem:s25], [sflag:$0xE], $0x1900, $0x38;
	[tilespmem:$0x16000] =	vst v63  }
0x184: {  	_ =	swait.ge [sflag:s26], $0x1900  }
0x185: {  	[sflag:s26] =	ssyncset.done $0x0  }
0x186: {  	s5 =	simm.s32 $0x600;
	[sflag:s26] =	ssyncadd.s32 $0xFFFFE700  }
0x187: {  	[tilespmem:s23], [sflag:$0x5] =	stream.indirect.gather [hbm4b:s2+s14], $0x80, s5, s14, $0xb8;
	[tilespmem:$0x16000] =	vst v63  }
0x188: {  	_ =	swait.ge [sflag:s18], $0x1900  }
0x189: {  	[sflag:s18] =	ssyncset.done $0x0  }
0x18a: {  	s13 =	rddreg [dreg:$0x15];
	[sflag:s18] =	ssyncadd.s32 $0xFFFFE700  }
0x18b: {  	[hbm4b:s13+s1] =	stream.linear.scatter [tilespmem:s28], [sflag:$0xF], $0x1900, $0x38;
	[tilespmem:$0x16000] =	vst v63  }
0x18c: {  	_ =	swait.ge [sflag:s20], $0x1900  }
0x18d: {  	[sflag:s20] =	ssyncset.done $0x0  }
0x18e: {  	s5 =	simm.s32 $0x680;
	[sflag:s20] =	ssyncadd.s32 $0xFFFFE700  }
0x18f: {  	[tilespmem:s25], [sflag:$0x6] =	stream.indirect.gather [hbm4b:s2+s14], $0x80, s5, s14, $0xb8;
	[tilespmem:$0x16000] =	vst v63  }
0x190: {  	_ =	swait.ge [sflag:s24], $0x1900  }
0x191: {  	[sflag:s24] =	ssyncset.done $0x0  }
0x192: {  	s13 =	rddreg [dreg:$0x16];
	[sflag:s24] =	ssyncadd.s32 $0xFFFFE700  }
0x193: {  	[hbm4b:s13+s1] =	stream.linear.scatter [tilespmem:s31], [sflag:$0x10], $0x1900, $0x38;
	[tilespmem:$0x16000] =	vst v63  }
0x194: {  	_ =	swait.ge [sflag:s30], $0x1900  }
0x195: {  	[sflag:s30] =	ssyncset.done $0x0  }
0x196: {  	s5 =	simm.s32 $0x700;
	[sflag:s30] =	ssyncadd.s32 $0xFFFFE700  }
0x197: {  	[tilespmem:s28], [sflag:$0x7] =	stream.indirect.gather [hbm4b:s2+s14], $0x80, s5, s14, $0xb8;
	[tilespmem:$0x16000] =	vst v63  }
0x198: {  	_ =	swait.ge [sflag:s29], $0x1900  }
0x199: {  	s4 =	sld [smem:$0x7F6]  }
0x19a: {  	[sflag:s29] =	ssyncset.done $0x0  }
0x19b: {  	[sflag:s29] =	ssyncadd.s32 $0xFFFFE700  }
0x19c: {  	[hbm4b:s4+s3] =	stream.linear.scatter [tilespmem:s15], [sflag:$0x9], $0x1900, $0x38;
	[tilespmem:$0x16000] =	vst v63  }
0x19d: {  	_ =	swait.ge [sflag:s22], $0x1900  }
0x19e: {  	[sflag:s22] =	ssyncset.done $0x0  }
0x19f: {  	s13 =	simm.s32 $0x780;
	[sflag:s22] =	ssyncadd.s32 $0xFFFFE700  }
0x1a0: {  	[tilespmem:s31], [sflag:$0x8] =	stream.indirect.gather [hbm4b:s2+s14], $0x80, s13, s14, $0xb8;
	[tilespmem:$0x16000] =	vst v63  }
0x1a1: {  	_ =	swait.ge [sflag:s0], $0x1900  }
0x1a2: {  	[sflag:s0] =	ssyncset.done $0x0  }
0x1a3: {  	s5 =	sadd.s32 $0x380, s4;
	[sflag:s0] =	ssyncadd.s32 $0xFFFFE700  }
0x1a4: {  	[hbm4b:s5+s3] =	stream.linear.scatter [tilespmem:s17], [sflag:$0xA], $0x1900, $0x38;
	[tilespmem:$0x16000] =	vst v63  }
0x1a5: {  	_ =	swait.ge [sflag:s16], $0x1900  }
0x1a6: {  	[sflag:s16] =	ssyncset.done $0x0  }
0x1a7: {  	s13 =	simm.s32 $0x800;
	[sflag:s16] =	ssyncadd.s32 $0xFFFFE700  }
0x1a8: {  	[tilespmem:s15], [sflag:$0x1] =	stream.indirect.gather [hbm4b:s2+s14], $0x80, s13, s14, $0xb8;
	[tilespmem:$0x16000] =	vst v63  }
0x1a9: {  	_ =	swait.ge [sflag:s6], $0x1900  }
0x1aa: {  	[sflag:s6] =	ssyncset.done $0x0  }
0x1ab: {  	s5 =	sadd.s32 $0x700, s4;
	[sflag:s6] =	ssyncadd.s32 $0xFFFFE700  }
0x1ac: {  	[hbm4b:s5+s3] =	stream.linear.scatter [tilespmem:s19], [sflag:$0xB], $0x1900, $0x38;
	[tilespmem:$0x16000] =	vst v63  }
0x1ad: {  	_ =	swait.ge [sflag:s7], $0x1900  }
0x1ae: {  	[sflag:s7] =	ssyncset.done $0x0  }
0x1af: {  	s13 =	simm.s32 $0x880;
	[sflag:s7] =	ssyncadd.s32 $0xFFFFE700  }
0x1b0: {  	[tilespmem:s17], [sflag:$0x2] =	stream.indirect.gather [hbm4b:s2+s14], $0x80, s13, s14, $0xb8;
	[tilespmem:$0x16000] =	vst v63  }
0x1b1: {  	_ =	swait.ge [sflag:s8], $0x1900  }
0x1b2: {  	[sflag:s8] =	ssyncset.done $0x0  }
0x1b3: {  	s5 =	sadd.s32 $0xA80, s4;
	[sflag:s8] =	ssyncadd.s32 $0xFFFFE700  }
0x1b4: {  	[hbm4b:s5+s3] =	stream.linear.scatter [tilespmem:s21], [sflag:$0xC], $0x1900, $0x38;
	[tilespmem:$0x16000] =	vst v63  }
0x1b5: {  	_ =	swait.ge [sflag:s9], $0x1900  }
0x1b6: {  	[sflag:s9] =	ssyncset.done $0x0  }
0x1b7: {  	s13 =	simm.s32 $0x900;
	[sflag:s9] =	ssyncadd.s32 $0xFFFFE700  }
0x1b8: {  	[tilespmem:s19], [sflag:$0x3] =	stream.indirect.gather [hbm4b:s2+s14], $0x80, s13, s14, $0xb8;
	[tilespmem:$0x16000] =	vst v63  }
0x1b9: {  	_ =	swait.ge [sflag:s10], $0x1900  }
0x1ba: {  	[sflag:s10] =	ssyncset.done $0x0  }
0x1bb: {  	s5 =	sadd.s32 $0xE00, s4;
	[sflag:s10] =	ssyncadd.s32 $0xFFFFE700  }
0x1bc: {  	[hbm4b:s5+s3] =	stream.linear.scatter [tilespmem:s23], [sflag:$0xD], $0x1900, $0x38;
	[tilespmem:$0x16000] =	vst v63  }
0x1bd: {  	_ =	swait.ge [sflag:s11], $0x1900  }
0x1be: {  	[sflag:s11] =	ssyncset.done $0x0  }
0x1bf: {  	s13 =	simm.s32 $0x980;
	[sflag:s11] =	ssyncadd.s32 $0xFFFFE700  }
0x1c0: {  	[tilespmem:s21], [sflag:$0x4] =	stream.indirect.gather [hbm4b:s2+s14], $0x80, s13, s14, $0xb8;
	[tilespmem:$0x16000] =	vst v63  }
0x1c1: {  	_ =	swait.ge [sflag:s12], $0x1900  }
0x1c2: {  	[sflag:s12] =	ssyncset.done $0x0  }
0x1c3: {  	s5 =	sadd.s32 $0x1180, s4;
	[sflag:s12] =	ssyncadd.s32 $0xFFFFE700  }
0x1c4: {  	[hbm4b:s5+s3] =	stream.linear.scatter [tilespmem:s25], [sflag:$0xE], $0x1900, $0x38;
	[tilespmem:$0x16000] =	vst v63  }
0x1c5: {  	_ =	swait.ge [sflag:s26], $0x1900  }
0x1c6: {  	[sflag:s26] =	ssyncset.done $0x0  }
0x1c7: {  	s13 =	simm.s32 $0xA00;
	[sflag:s26] =	ssyncadd.s32 $0xFFFFE700  }
0x1c8: {  	[tilespmem:s23], [sflag:$0x5] =	stream.indirect.gather [hbm4b:s2+s14], $0x80, s13, s14, $0xb8;
	[tilespmem:$0x16000] =	vst v63  }
0x1c9: {  	_ =	swait.ge [sflag:s18], $0x1900  }
0x1ca: {  	[sflag:s18] =	ssyncset.done $0x0  }
0x1cb: {  	s5 =	sadd.s32 $0x1500, s4;
	[sflag:s18] =	ssyncadd.s32 $0xFFFFE700  }
0x1cc: {  	[hbm4b:s5+s3] =	stream.linear.scatter [tilespmem:s28], [sflag:$0xF], $0x1900, $0x38;
	[tilespmem:$0x16000] =	vst v63  }
0x1cd: {  	_ =	swait.ge [sflag:s20], $0x1900  }
0x1ce: {  	[sflag:s20] =	ssyncset.done $0x0  }
0x1cf: {  	s13 =	simm.s32 $0xA80;
	[sflag:s20] =	ssyncadd.s32 $0xFFFFE700  }
0x1d0: {  	[tilespmem:s25], [sflag:$0x6] =	stream.indirect.gather [hbm4b:s2+s14], $0x80, s13, s14, $0xb8;
	[tilespmem:$0x16000] =	vst v63  }
0x1d1: {  	_ =	swait.ge [sflag:s24], $0x1900  }
0x1d2: {  	s1 =	sadd.s32 $0x1880, s4;
	[sflag:s24] =	ssyncset.done $0x0  }
0x1d3: {  	s5 =	sadd.s32 $0x1C00, s4;
	s13 =	simm.s32 $0x1000;
	[sflag:s24] =	ssyncadd.s32 $0xFFFFE700  }
.LBB2_4:
0x1d4: {  	[hbm4b:s1+s3] =	stream.linear.scatter [tilespmem:s31], [sflag:$0x10], $0x1900, $0x38;
	[tilespmem:$0x16000] =	vst v63  }
0x1d5: {  	s1 =	smov.u32 s13  }
0x1d6: {  	p0 =	sne.s32 s13, $0x1D000;
	s13 =	sadd.s32 $0x1000, s13;
	_ =	swait.ge [sflag:s30], $0x1900  }
0x1d7: {  	s1 =	sshra.s32 s1, $0x2;
	[sflag:s30] =	ssyncset.done $0x0  }
0x1d8: {  	s4 =	sadd.s32 $0x700, s1;
	[sflag:s30] =	ssyncadd.s32 $0xFFFFE700  }
0x1d9: {  	[tilespmem:s28], [sflag:$0x7] =	stream.indirect.gather [hbm4b:s2+s14], $0x80, s4, s14, $0xb8;
	[tilespmem:$0x16000] =	vst v63  }
0x1da: {  	_ =	swait.ge [sflag:s29], $0x1900  }
0x1db: {  	[sflag:s29] =	ssyncset.done $0x0  }
0x1dc: {  	[sflag:s29] =	ssyncadd.s32 $0xFFFFE700  }
0x1dd: {  	[hbm4b:s5+s3] =	stream.linear.scatter [tilespmem:s15], [sflag:$0x9], $0x1900, $0x38;
	[tilespmem:$0x16000] =	vst v63  }
0x1de: {  	_ =	swait.ge [sflag:s22], $0x1900  }
0x1df: {  	[sflag:s22] =	ssyncset.done $0x0  }
0x1e0: {  	s4 =	sadd.s32 $0x780, s1;
	[sflag:s22] =	ssyncadd.s32 $0xFFFFE700  }
0x1e1: {  	[tilespmem:s31], [sflag:$0x8] =	stream.indirect.gather [hbm4b:s2+s14], $0x80, s4, s14, $0xb8;
	[tilespmem:$0x16000] =	vst v63  }
0x1e2: {  	_ =	swait.ge [sflag:s0], $0x1900  }
0x1e3: {  	[sflag:s0] =	ssyncset.done $0x0  }
0x1e4: {  	s4 =	sadd.s32 $0x380, s5;
	[sflag:s0] =	ssyncadd.s32 $0xFFFFE700  }
0x1e5: {  	[hbm4b:s4+s3] =	stream.linear.scatter [tilespmem:s17], [sflag:$0xA], $0x1900, $0x38;
	[tilespmem:$0x16000] =	vst v63  }
0x1e6: {  	_ =	swait.ge [sflag:s16], $0x1900  }
0x1e7: {  	[sflag:s16] =	ssyncset.done $0x0  }
0x1e8: {  	s4 =	sadd.s32 $0x800, s1;
	[sflag:s16] =	ssyncadd.s32 $0xFFFFE700  }
0x1e9: {  	[tilespmem:s15], [sflag:$0x1] =	stream.indirect.gather [hbm4b:s2+s14], $0x80, s4, s14, $0xb8;
	[tilespmem:$0x16000] =	vst v63  }
0x1ea: {  	_ =	swait.ge [sflag:s6], $0x1900  }
0x1eb: {  	[sflag:s6] =	ssyncset.done $0x0  }
0x1ec: {  	s4 =	sadd.s32 $0x700, s5;
	[sflag:s6] =	ssyncadd.s32 $0xFFFFE700  }
0x1ed: {  	[hbm4b:s4+s3] =	stream.linear.scatter [tilespmem:s19], [sflag:$0xB], $0x1900, $0x38;
	[tilespmem:$0x16000] =	vst v63  }
0x1ee: {  	_ =	swait.ge [sflag:s7], $0x1900  }
0x1ef: {  	[sflag:s7] =	ssyncset.done $0x0  }
0x1f0: {  	s4 =	sadd.s32 $0x880, s1;
	[sflag:s7] =	ssyncadd.s32 $0xFFFFE700  }
0x1f1: {  	[tilespmem:s17], [sflag:$0x2] =	stream.indirect.gather [hbm4b:s2+s14], $0x80, s4, s14, $0xb8;
	[tilespmem:$0x16000] =	vst v63  }
0x1f2: {  	_ =	swait.ge [sflag:s8], $0x1900  }
0x1f3: {  	[sflag:s8] =	ssyncset.done $0x0  }
0x1f4: {  	s4 =	sadd.s32 $0xA80, s5;
	[sflag:s8] =	ssyncadd.s32 $0xFFFFE700  }
0x1f5: {  	[hbm4b:s4+s3] =	stream.linear.scatter [tilespmem:s21], [sflag:$0xC], $0x1900, $0x38;
	[tilespmem:$0x16000] =	vst v63  }
0x1f6: {  	_ =	swait.ge [sflag:s9], $0x1900  }
0x1f7: {  	[sflag:s9] =	ssyncset.done $0x0  }
0x1f8: {  	s4 =	sadd.s32 $0x900, s1;
	[sflag:s9] =	ssyncadd.s32 $0xFFFFE700  }
0x1f9: {  	[tilespmem:s19], [sflag:$0x3] =	stream.indirect.gather [hbm4b:s2+s14], $0x80, s4, s14, $0xb8;
	[tilespmem:$0x16000] =	vst v63  }
0x1fa: {  	_ =	swait.ge [sflag:s10], $0x1900  }
0x1fb: {  	[sflag:s10] =	ssyncset.done $0x0  }
0x1fc: {  	s4 =	sadd.s32 $0xE00, s5;
	[sflag:s10] =	ssyncadd.s32 $0xFFFFE700  }
0x1fd: {  	[hbm4b:s4+s3] =	stream.linear.scatter [tilespmem:s23], [sflag:$0xD], $0x1900, $0x38;
	[tilespmem:$0x16000] =	vst v63  }
0x1fe: {  	_ =	swait.ge [sflag:s11], $0x1900  }
0x1ff: {  	[sflag:s11] =	ssyncset.done $0x0  }
0x200: {  	s4 =	sadd.s32 $0x980, s1;
	[sflag:s11] =	ssyncadd.s32 $0xFFFFE700  }
0x201: {  	[tilespmem:s21], [sflag:$0x4] =	stream.indirect.gather [hbm4b:s2+s14], $0x80, s4, s14, $0xb8;
	[tilespmem:$0x16000] =	vst v63  }
0x202: {  	_ =	swait.ge [sflag:s12], $0x1900  }
0x203: {  	[sflag:s12] =	ssyncset.done $0x0  }
0x204: {  	s4 =	sadd.s32 $0x1180, s5;
	[sflag:s12] =	ssyncadd.s32 $0xFFFFE700  }
0x205: {  	[hbm4b:s4+s3] =	stream.linear.scatter [tilespmem:s25], [sflag:$0xE], $0x1900, $0x38;
	[tilespmem:$0x16000] =	vst v63  }
0x206: {  	_ =	swait.ge [sflag:s26], $0x1900  }
0x207: {  	[sflag:s26] =	ssyncset.done $0x0  }
0x208: {  	s4 =	sadd.s32 $0xA00, s1;
	[sflag:s26] =	ssyncadd.s32 $0xFFFFE700  }
0x209: {  	[tilespmem:s23], [sflag:$0x5] =	stream.indirect.gather [hbm4b:s2+s14], $0x80, s4, s14, $0xb8;
	[tilespmem:$0x16000] =	vst v63  }
0x20a: {  	_ =	swait.ge [sflag:s18], $0x1900  }
0x20b: {  	[sflag:s18] =	ssyncset.done $0x0  }
0x20c: {  	s4 =	sadd.s32 $0x1500, s5;
	[sflag:s18] =	ssyncadd.s32 $0xFFFFE700  }
0x20d: {  	[hbm4b:s4+s3] =	stream.linear.scatter [tilespmem:s28], [sflag:$0xF], $0x1900, $0x38;
	[tilespmem:$0x16000] =	vst v63  }
0x20e: {  	_ =	swait.ge [sflag:s20], $0x1900  }
0x20f: {  	[sflag:s20] =	ssyncset.done $0x0  }
.Ltmp1:
0x210: {  	s1 =	sadd.s32 $0xA80, s1;
	[sflag:s20] =	ssyncadd.s32 $0xFFFFE700;
	(pc) =	sbr.rel @p0 .LBB2_4-.Ltmp1, $4  }
0x211: {  	[tilespmem:s25], [sflag:$0x6] =	stream.indirect.gather [hbm4b:s2+s14], $0x80, s1, s14, $0xb8;
	[tilespmem:$0x16000] =	vst v63  }
0x212: {  	_ =	swait.ge [sflag:s24], $0x1900  }
0x213: {  	[sflag:s24] =	ssyncset.done $0x0  }
0x214: {  	s1 =	sadd.s32 $0x1880, s5;
	s5 =	sadd.s32 $0x1C00, s5;
	[sflag:s24] =	ssyncadd.s32 $0xFFFFE700  }
0x215: {  	[hbm4b:s1+s3] =	stream.linear.scatter [tilespmem:s31], [sflag:$0x10], $0x1900, $0x38;
	[tilespmem:$0x16000] =	vst v63  }
0x216: {  	_ =	swait.ge [sflag:s30], $0x1900  }
0x217: {  	[sflag:s30] =	ssyncset.done $0x0  }
0x218: {  	s5 =	simm.s32 $0x7F00;
	[sflag:s30] =	ssyncadd.s32 $0xFFFFE700  }
0x219: {  	[tilespmem:s28], [sflag:$0x7] =	stream.indirect.gather [hbm4b:s2+s14], $0x80, s5, s14, $0xb8;
	[tilespmem:$0x16000] =	vst v63  }
0x21a: {  	_ =	swait.ge [sflag:s29], $0x1900  }
0x21b: {  	[sflag:s29] =	ssyncset.done $0x0  }
0x21c: {  	s13 =	rddreg [dreg:$0x17];
	[sflag:s29] =	ssyncadd.s32 $0xFFFFE700  }
0x21d: {  	[hbm4b:s13+s3] =	stream.linear.scatter [tilespmem:s15], [sflag:$0x9], $0x1900, $0x38;
	[tilespmem:$0x16000] =	vst v63  }
0x21e: {  	_ =	swait.ge [sflag:s22], $0x1900  }
0x21f: {  	[sflag:s22] =	ssyncset.done $0x0  }
0x220: {  	s4 =	simm.s32 $0x7F80;
	[sflag:s22] =	ssyncadd.s32 $0xFFFFE700  }
0x221: {  	[tilespmem:s31], [sflag:$0x8] =	stream.indirect.gather [hbm4b:s2+s14], $0x80, s4, s14, $0xb8;
	[tilespmem:$0x16000] =	vst v63  }
0x222: {  	_ =	swait.ge [sflag:s0], $0x1900  }
0x223: {  	[sflag:s0] =	ssyncset.done $0x0  }
0x224: {  	s5 =	rddreg [dreg:$0x18];
	[sflag:s0] =	ssyncadd.s32 $0xFFFFE700  }
0x225: {  	[hbm4b:s5+s3] =	stream.linear.scatter [tilespmem:s17], [sflag:$0xA], $0x1900, $0x38;
	[tilespmem:$0x16000] =	vst v63  }
0x226: {  	_ =	swait.ge [sflag:s6], $0x1900  }
0x227: {  	[sflag:s6] =	ssyncset.done $0x0  }
0x228: {  	s13 =	rddreg [dreg:$0x19];
	[sflag:s6] =	ssyncadd.s32 $0xFFFFE700  }
0x229: {  	[hbm4b:s13+s3] =	stream.linear.scatter [tilespmem:s19], [sflag:$0xB], $0x1900, $0x38;
	[tilespmem:$0x16000] =	vst v63  }
0x22a: {  	_ =	swait.ge [sflag:s8], $0x1900  }
0x22b: {  	[sflag:s8] =	ssyncset.done $0x0  }
0x22c: {  	s4 =	rddreg [dreg:$0x1a];
	[sflag:s8] =	ssyncadd.s32 $0xFFFFE700  }
0x22d: {  	[hbm4b:s4+s3] =	stream.linear.scatter [tilespmem:s21], [sflag:$0xC], $0x1900, $0x38;
	[tilespmem:$0x16000] =	vst v63  }
0x22e: {  	_ =	swait.ge [sflag:s10], $0x1900  }
0x22f: {  	[sflag:s10] =	ssyncset.done $0x0  }
0x230: {  	s5 =	rddreg [dreg:$0x1b];
	[sflag:s10] =	ssyncadd.s32 $0xFFFFE700  }
0x231: {  	[hbm4b:s5+s3] =	stream.linear.scatter [tilespmem:s23], [sflag:$0xD], $0x1900, $0x38;
	[tilespmem:$0x16000] =	vst v63  }
0x232: {  	_ =	swait.ge [sflag:s12], $0x1900  }
0x233: {  	[sflag:s12] =	ssyncset.done $0x0  }
0x234: {  	s13 =	rddreg [dreg:$0x1c];
	[sflag:s12] =	ssyncadd.s32 $0xFFFFE700  }
0x235: {  	[hbm4b:s13+s3] =	stream.linear.scatter [tilespmem:s25], [sflag:$0xE], $0x1900, $0x38;
	[tilespmem:$0x16000] =	vst v63  }
0x236: {  	_ =	swait.ge [sflag:s18], $0x1900  }
0x237: {  	[sflag:s18] =	ssyncset.done $0x0  }
0x238: {  	s4 =	rddreg [dreg:$0x1d];
	[sflag:s18] =	ssyncadd.s32 $0xFFFFE700  }
0x239: {  	[hbm4b:s4+s3] =	stream.linear.scatter [tilespmem:s28], [sflag:$0xF], $0x1900, $0x38;
	[tilespmem:$0x16000] =	vst v63  }
0x23a: {  	_ =	swait.ge [sflag:s24], $0x1900  }
0x23b: {  	[sflag:s24] =	ssyncset.done $0x0  }
0x23c: {  	s5 =	rddreg [dreg:$0x1e];
	[sflag:s24] =	ssyncadd.s32 $0xFFFFE700  }
0x23d: {  	[hbm4b:s5+s3] =	stream.linear.scatter [tilespmem:s31], [sflag:$0x10], $0x1900, $0x38;
	[tilespmem:$0x16000] =	vst v63  }
0x23e: {  	_ =	swait.ge [sflag:s16], $0x1900  }
0x23f: {  	[sflag:s16] =	ssyncset.done $0x0  }
0x240: {  	[sflag:s16] =	ssyncadd.s32 $0xFFFFE700  }
0x241: {  	_ =	swait.ge [sflag:s7], $0x1900  }
0x242: {  	[sflag:s7] =	ssyncset.done $0x0  }
0x243: {  	[sflag:s7] =	ssyncadd.s32 $0xFFFFE700  }
0x244: {  	_ =	swait.ge [sflag:s9], $0x1900  }
0x245: {  	[sflag:s9] =	ssyncset.done $0x0  }
0x246: {  	[sflag:s9] =	ssyncadd.s32 $0xFFFFE700  }
0x247: {  	_ =	swait.ge [sflag:s11], $0x1900  }
0x248: {  	[sflag:s11] =	ssyncset.done $0x0  }
0x249: {  	[sflag:s11] =	ssyncadd.s32 $0xFFFFE700  }
0x24a: {  	_ =	swait.ge [sflag:s26], $0x1900  }
0x24b: {  	[sflag:s26] =	ssyncset.done $0x0  }
0x24c: {  	[sflag:s26] =	ssyncadd.s32 $0xFFFFE700  }
0x24d: {  	_ =	swait.ge [sflag:s20], $0x1900  }
0x24e: {  	[sflag:s20] =	ssyncset.done $0x0  }
0x24f: {  	[sflag:s20] =	ssyncadd.s32 $0xFFFFE700  }
0x250: {  	_ =	swait.ge [sflag:s30], $0x1900  }
0x251: {  	[sflag:s30] =	ssyncset.done $0x0  }
0x252: {  	[sflag:s30] =	ssyncadd.s32 $0xFFFFE700  }
0x253: {  	_ =	swait.ge [sflag:s22], $0x1900  }
0x254: {  	s4 =	sld [smem:$0x7F4];
	_ =	sdelay $0x2  }
0x255: {  	s13 =	rddreg [dreg:$0x1f];
	s4 =	sadd.s32 $0x1, s4  }
0x256: {  	p0 =	sne.s32 s4, s13  }
.Ltmp2:
0x257: {  	_ = 	snop;
	(pc) =	sbr.rel @p0 .LBB2_1-.Ltmp2, $3  }
0x258: {  	_ =	sdelay $0x1  }
0x259: {  	[sflag:s22] =	ssyncset.done $0x0  }
0x25a: {  	[sflag:s22] =	ssyncadd.s32 $0xFFFFE700  }
0x25b: {  	_ =	sfence.sel $0x180000  }
0x25c: {  	[bflag:$0x0] =	sbarrier.arrive $0xFFFF  }
0x25d: {  	_ =	strace $0x90000047  }
0x25e: {  	s0 =	stileid.u32;
	[bflag:$0x2] =	sbarrier.arrive $0xFFFF  }
0x25f: {  	p0 =	sne.s32 s0, $0x0;
	s0 =	rddreg [dreg:$0x3]  }
0x260: {  	s0 =	sadd.s32 @!p0 $0x100000, s0  }
0x261: {  	[sflag:s0] =	ssyncadd.tile.s32 @!p0 $0x1;
	_ =	shalt  }
.Lfunc_end2:
_tile_overlayer_lowered:
.L_overlay_start_2:
0x262: {  	(tag) =	ssettag $0x2  }
0x263: {  	s0 =	rddreg [dreg:$0x0];
	s2 =	stileid.u32  }
0x264: {  	s1 =	rddreg [dreg:$0x1];
	p0 =	sne.s32 s2, $0x0  }
0x265: {  	s3 =	rddreg [dreg:$0x2];
	[bflag:$0x3] =	sbarrier.arrive $0xFFFF;
	s2 =	simm.s32 @!p0 $0x1C11  }
0x266: {  	[timem:s3], [sflag:s2] =	dma.local @!p0 [hbm:s0], s1  }
0x267: {  	s0 =	simm.s32 @!p0 $0x11  }
0x268: {  	_ =	swait.ge @!p0 [sflag:s0], s1  }
0x269: {  	s1 =	ssub.s32 @!p0 $0x0, s1;
	[sflag:s0] =	ssyncset.done @!p0 $0x0  }
0x26a: {  	[sflag:s0] =	ssyncadd.s32 @!p0 s1  }
0x26b: {  	[bflag:$0x3] =	sbarrier.arrive $0xFFFF  }
0x26c: {  	_ =	shalt  }

</sc_bundles>
